<compile_context>
chip_gen: v7x
topology: tpu7x:2x2x1
jax: 0.10.2.dev20260603
libtpu: 0.0.44.dev20260713+nightly
codegen_flags: <defaults>
</compile_context>

<pallas_src>
import dataclasses
import functools

import jax
import jax.numpy as jnp
from jax import lax
from jax.experimental import pallas as pl
from jax.experimental.pallas import tpu as pltpu
from jax.experimental.pallas import tpu_sc as plsc

N_NODES = 10000
D_IN = 256
D_OUT = 256
HALF = 128
LANES = 16

NC = 2
NS = 16

CHUNK = 16
N_CHUNKS = 640
GROUP = 8
E_PAD = NS * N_CHUNKS * CHUNK
N_DGROUPS = E_PAD // CHUNK
DUMMY_ROW = N_NODES
SLICE = 632
ACC_ROWS = NS * SLICE
HIST_CB = 128

ROW_BLOCK = 1000


def _sc_aggregate(x_stack, packed_idx):
    mesh = plsc.VectorSubcoreMesh(core_axis_name="c", subcore_axis_name="s")
    cp = pltpu.CompilerParams()
    if "needs_layout_passes" in pltpu.CompilerParams.__dataclass_fields__:
        cp = dataclasses.replace(cp, needs_layout_passes=False)

    @functools.partial(
        pl.kernel,
        mesh=mesh,
        compiler_params=cp,
        out_type=jax.ShapeDtypeStruct((2 * ACC_ROWS, HALF), jnp.float32),
        scratch_types=(
            [pltpu.VMEM((2, CHUNK), jnp.int32)] * 4 +
            [pltpu.VMEM((CHUNK, HALF), jnp.float32)] * 4 +
            [pltpu.VMEM((2, GROUP * CHUNK), jnp.int32)] +
            [pltpu.VMEM_SHARED((ACC_ROWS, HALF), jnp.float32)] +
            [pltpu.SemaphoreType.DMA] * 10
        ),
    )
    def k(x_hbm, pk_hbm, out_hbm,
          sd0, sd1, sd2, sd3, rows0, rows1, rows2, rows3, pbuf, acc_s,
          sg0, sg1, sg2, sg3, ss0, ss1, ss2, ss3, si0, si1):
        sd = (sd0, sd1, sd2, sd3)
        rows = (rows0, rows1, rows2, rows3)
        sg = (sg0, sg1, sg2, sg3)
        ss = (ss0, ss1, ss2, ss3)
        si = (si0, si1)
        c = lax.axis_index("c")
        s = lax.axis_index("s")
        base = pl.multiple_of(s * SLICE, 8)
        obase = pl.multiple_of(c * ACC_ROWS + base, 8)
        per_w = N_CHUNKS * CHUNK
        pk_base = s * per_w
        core_off = c * N_NODES

        GC = GROUP * CHUNK

        def pk_issue(q, off_dyn):
            pltpu.async_copy(pk_hbm.at[pl.ds(pk_base + off_dyn, GC)],
                             pbuf.at[q], si[q])

        def pk_wait(q):
            pltpu.make_async_copy(pk_hbm.at[pl.ds(pk_base, GC)],
                                  pbuf.at[q], si[q]).wait()

        def unpack(q, ku, slot):
            val = pbuf[q, pl.ds(ku * CHUNK, CHUNK)]
            sd[slot][0, pl.ds(0, CHUNK)] = (
                jnp.bitwise_and(val, 0xFFFF) + core_off)
            sd[slot][1, pl.ds(0, CHUNK)] = jax.lax.shift_right_logical(val, 16)

        def gather_issue(slot):
            pltpu.async_copy(x_hbm.at[pl.ds(0, CHUNK)], rows[slot], sg[slot])

        def gather_wait(slot):
            pltpu.make_async_copy(x_hbm.at[pl.ds(0, CHUNK)], rows[slot],
                                  sg[slot]).wait()

        def scatter_issue(slot):
            pltpu.async_copy(rows[slot], acc_s.at[pl.ds(base, CHUNK)],
                             ss[slot])

        def scatter_wait(slot):
            pltpu.make_async_copy(rows[slot], acc_s.at[pl.ds(base, CHUNK)],
                                  ss[slot]).wait()

        zero16 = jnp.zeros((LANES,), jnp.float32)

        @pl.loop(0, CHUNK)
        def _(i):
            @pl.loop(0, HALF, step=LANES)
            def _(j):
                rows0[i, pl.ds(j, LANES)] = zero16

        for t in range(SLICE // CHUNK):
            pltpu.sync_copy(rows0, acc_s.at[pl.ds(base + t * CHUNK, CHUNK)])
        rem = SLICE % CHUNK
        if rem:
            pltpu.sync_copy(rows0.at[pl.ds(0, rem)],
                            acc_s.at[pl.ds(base + SLICE - rem, rem)])

        plsc.subcore_barrier()

        pk_issue(0, 0)
        pk_wait(0)
        unpack(0, 0, 0)
        gather_issue(0)
        unpack(0, 1, 1)
        gather_issue(1)

        @pl.loop(0, N_CHUNKS // 16)
        def _(it):
            t0 = it * 16
            for j in range(16):
                slot = j % 4
                ku = j % 8
                q = (j // 8) % 2
                t_dyn = t0 + j
                gather_wait(slot)
                scatter_issue(slot)

                if j == 0:

                    @pl.when(t_dyn + 8 < N_CHUNKS)
                    def _(t_dyn=t_dyn):
                        pk_issue(1, (t_dyn + 8) * CHUNK)

                if j == 8:

                    @pl.when(t_dyn + 8 < N_CHUNKS)
                    def _(t_dyn=t_dyn):
                        pk_issue(0, (t_dyn + 8) * CHUNK)

                @pl.when(t_dyn + 2 < N_CHUNKS)
                def _(j=j, slot=slot, t_dyn=t_dyn):
                    @pl.when(t_dyn >= 2)
                    def _():
                        scatter_wait((slot + 2) % 4)

                    if j == 6:
                        pk_wait(1)
                    if j == 14:
                        pk_wait(0)
                    unpack(((j + 2) // 8) % 2, (j + 2) % 8, (slot + 2) % 4)
                    gather_issue((slot + 2) % 4)

        scatter_wait(0)
        scatter_wait(1)
        scatter_wait(2)
        scatter_wait(3)

        plsc.subcore_barrier()

        pltpu.sync_copy(acc_s.at[pl.ds(base, SLICE)],
                        out_hbm.at[pl.ds(obase, SLICE)])

    return k(x_stack, packed_idx)


def _hist_body(dst_ref, o_ref):
    @pl.when(pl.program_id(0) == 0)
    def _():
        o_ref[...] = jnp.zeros((HALF, HALF), jnp.float32)

    blk = dst_ref[...]
    lane = jax.lax.broadcasted_iota(jnp.int32, (1, HALF), 1)
    acc = jnp.zeros((HALF, HALF), jnp.float32)
    for b in range(HIST_CB):
        col = blk[:, b:b + 1]
        ohl = (jnp.bitwise_and(col, HALF - 1) == lane).astype(jnp.float32)
        ohh = (jax.lax.shift_right_logical(col, 7) == lane).astype(jnp.float32)
        acc += jax.lax.dot_general(ohh, ohl, (((0,), (0,)), ((), ())),
                                   preferred_element_type=jnp.float32)
    o_ref[...] += acc


def _tc_hist(dst_t):
    grid = (E_PAD // HALF // HIST_CB,)
    return pl.pallas_call(
        _hist_body,
        grid=grid,
        in_specs=[pl.BlockSpec((HALF, HIST_CB), lambda i: (0, i))],
        out_specs=pl.BlockSpec((HALF, HALF), lambda i: (0, 0)),
        out_shape=jax.ShapeDtypeStruct((HALF, HALF), jnp.float32),
    )(dst_t)


def _tc_body(slo_ref, shi_ref, cnt_ref, x_ref, wlo_ref, whi_ref, wr_ref,
             b_ref, o_ref):
    cnt = jnp.maximum(cnt_ref[...], 1.0)
    a_lo = slo_ref[...] / cnt
    a_hi = shi_ref[...] / cnt
    acc = jnp.dot(a_lo, wlo_ref[...], preferred_element_type=jnp.float32)
    acc += jnp.dot(a_hi, whi_ref[...], preferred_element_type=jnp.float32)
    acc += jnp.dot(x_ref[...], wr_ref[...], preferred_element_type=jnp.float32)
    acc += b_ref[...]
    o_ref[...] = jnp.maximum(acc, 0.0)


def _tc_combine(sums_lo, sums_hi, cnt16, x, wlo_t, whi_t, wr_t, b2d):
    grid = (N_NODES // ROW_BLOCK,)
    return pl.pallas_call(
        _tc_body,
        grid=grid,
        in_specs=[
            pl.BlockSpec((ROW_BLOCK, HALF), lambda i: (i, 0)),
            pl.BlockSpec((ROW_BLOCK, HALF), lambda i: (i, 0)),
            pl.BlockSpec((ROW_BLOCK, 1), lambda i: (i, 0)),
            pl.BlockSpec((ROW_BLOCK, D_IN), lambda i: (i, 0)),
            pl.BlockSpec((HALF, D_OUT), lambda i: (0, 0)),
            pl.BlockSpec((HALF, D_OUT), lambda i: (0, 0)),
            pl.BlockSpec((D_IN, D_OUT), lambda i: (0, 0)),
            pl.BlockSpec((1, D_OUT), lambda i: (0, 0)),
        ],
        out_specs=pl.BlockSpec((ROW_BLOCK, D_OUT), lambda i: (i, 0)),
        out_shape=jax.ShapeDtypeStruct((N_NODES, D_OUT), jnp.float32),
    )(sums_lo, sums_hi, cnt16, x, wlo_t, whi_t, wr_t, b2d)


def kernel(x, edge_index, W_l, b_l, W_r):
    n_edges = edge_index.shape[1]
    pad = E_PAD - n_edges
    src = edge_index[0].astype(jnp.int32)
    dst = edge_index[1].astype(jnp.int32)
    src_pad = jnp.concatenate([src, jnp.zeros((pad,), jnp.int32)])
    dst_pad = jnp.concatenate([dst, jnp.full((pad,), DUMMY_ROW, jnp.int32)])
    packed_idx = jnp.bitwise_or(src_pad,
                                jax.lax.shift_left(dst_pad, 16))
    x_stack = jnp.concatenate([x[:, :HALF], x[:, HALF:]], axis=0)

    dst_t = dst_pad.reshape(E_PAD // HALF, HALF).T
    cnt2d = _tc_hist(dst_t)
    cnt_col = cnt2d.reshape(-1)[:N_NODES].reshape(N_NODES, 1)
    out_stack = _sc_aggregate(x_stack, packed_idx)
    sums_lo = out_stack[:N_NODES]
    sums_hi = out_stack[ACC_ROWS:ACC_ROWS + N_NODES]

    wlo_t = W_l[:, :HALF].T
    whi_t = W_l[:, HALF:].T
    wr_t = W_r.T
    b2d = b_l.reshape(1, D_OUT)
    return _tc_combine(sums_lo, sums_hi, cnt_col, x, wlo_t, whi_t, wr_t, b2d)

# --- scband reference (transcript-rebuilt; emitter-appended) ---
"""Pipeline reference for scband-sagelayer-57071525429587 (READ-ONLY COPY).

The authoritative reference and input builder live on the scoring server;
editing this copy changes nothing except your own understanding.
"""

import jax, jax.numpy as jnp
import numpy as np

N_NODES = 10000
N_EDGES = 160000
D_IN = 256
D_OUT = 256


def setup_inputs(seed: int = 0) -> dict:
    key = jax.random.key(seed)
    k1, k2, k3, k4, k5 = jax.random.split(key, 5)
    x = jax.random.normal(k1, (N_NODES, D_IN), dtype=jnp.float32)
    edge_index = jax.random.randint(k2, (2, N_EDGES), 0, N_NODES, dtype=jnp.int64)
    # SAGEConv params (PyG): lin_l (neighbor agg, with bias), lin_r (root, no bias)
    scale = 1.0 / np.sqrt(D_IN)
    W_l = jax.random.uniform(k3, (D_OUT, D_IN), dtype=jnp.float32, minval=-scale, maxval=scale)
    b_l = jnp.zeros((D_OUT,), dtype=jnp.float32)
    W_r = jax.random.uniform(k4, (D_OUT, D_IN), dtype=jnp.float32, minval=-scale, maxval=scale)
    return {"x": x, "edge_index": edge_index, "W_l": W_l, "b_l": b_l, "W_r": W_r}


def reference(x, edge_index, W_l, b_l, W_r):
    src = edge_index[0]
    dst = edge_index[1]
    # mean aggregation of source features at destination nodes
    msgs = jnp.take(x, src, axis=0)                      # gather: [E, D_IN]
    sums = jax.ops.segment_sum(msgs, dst, num_segments=N_NODES)
    cnts = jax.ops.segment_sum(jnp.ones((edge_index.shape[1],), dtype=x.dtype), dst, num_segments=N_NODES)
    agg = sums / jnp.clip(cnts, 1.0, None)[:, None]
    # SAGEConv: out = lin_l(agg) + lin_r(x)
    out = agg @ W_l.T + b_l + x @ W_r.T
    # _SAGELayer forward: relu then dropout (eval mode -> identity)
    out = jax.nn.relu(out)
    return out

if __name__ == "__main__":
    import jax
    _d = setup_inputs()
    print(jax.jit(kernel)(*tuple(_d.values())))

</pallas_src>

<mosaic_0001>
#map = affine_map<(d0, d1) -> (0, 0)>
#map1 = affine_map<(d0, d1) -> (0)>
module attributes {stable_mosaic.version = 14 : i64} {
  func.func @k(%arg0: i32, %arg1: i32, %arg2: memref<20000x128xf32, #tpu.memory_space<hbm>>, %arg3: memref<163840xi32, #tpu.memory_space<hbm>>, %arg4: memref<20224x128xf32, #tpu.memory_space<hbm>>, %arg5: memref<2x16xi32, #tpu.memory_space<vmem>>, %arg6: memref<2x16xi32, #tpu.memory_space<vmem>>, %arg7: memref<2x16xi32, #tpu.memory_space<vmem>>, %arg8: memref<2x16xi32, #tpu.memory_space<vmem>>, %arg9: memref<16x128xf32, #tpu.memory_space<vmem>>, %arg10: memref<16x128xf32, #tpu.memory_space<vmem>>, %arg11: memref<16x128xf32, #tpu.memory_space<vmem>>, %arg12: memref<16x128xf32, #tpu.memory_space<vmem>>, %arg13: memref<2x128xi32, #tpu.memory_space<vmem>>, %arg14: memref<10112x128xf32, #tpu.memory_space<vmem_shared>>, %arg15: memref<!tpu.dma_semaphore, #tpu.memory_space<semaphore_mem>>, %arg16: memref<!tpu.dma_semaphore, #tpu.memory_space<semaphore_mem>>, %arg17: memref<!tpu.dma_semaphore, #tpu.memory_space<semaphore_mem>>, %arg18: memref<!tpu.dma_semaphore, #tpu.memory_space<semaphore_mem>>, %arg19: memref<!tpu.dma_semaphore, #tpu.memory_space<semaphore_mem>>, %arg20: memref<!tpu.dma_semaphore, #tpu.memory_space<semaphore_mem>>, %arg21: memref<!tpu.dma_semaphore, #tpu.memory_space<semaphore_mem>>, %arg22: memref<!tpu.dma_semaphore, #tpu.memory_space<semaphore_mem>>, %arg23: memref<!tpu.dma_semaphore, #tpu.memory_space<semaphore_mem>>, %arg24: memref<!tpu.dma_semaphore, #tpu.memory_space<semaphore_mem>>) attributes {dimension_semantics = [#tpu.dimension_semantics<core_parallel>, #tpu.dimension_semantics<subcore_parallel>], iteration_bounds = array<i64: 2, 16>, scalar_prefetch = 0 : i64, scratch_operands = 20 : i64, tpu.core_type = #tpu.core_type<sc_vector_subcore>, window_params = [{transform_indices = #map}, {transform_indices = #map1}, {transform_indices = #map}]} {
    %mul3A = arith.constant 632 : i32
    %mul3A_0 = arith.muli %arg1, %mul3A : i32
    %multiple_of3A = tpu.assume_multiple %mul3A_0, 8 : i32
    %mul3A_1 = arith.constant 10112 : i32
    %mul3A_2 = arith.muli %arg0, %mul3A_1 : i32
    %add3A = arith.addi %mul3A_2, %multiple_of3A : i32
    %multiple_of3A_3 = tpu.assume_multiple %add3A, 8 : i32
    %mul3A_4 = arith.constant 10240 : i32
    %mul3A_5 = arith.muli %arg1, %mul3A_4 : i32
    %mul3A_6 = arith.constant 10000 : i32
    %mul3A_7 = arith.muli %arg0, %mul3A_6 : i32
    %broadcast_in_dim3A = arith.constant 0.000000e+00 : f32
    %broadcast_in_dim3A_8 = vector.broadcast %broadcast_in_dim3A : f32 to vector<16xf32>
    %scan3A = arith.constant 0 : i32
    %scan3A_9 = arith.constant 16 : i32
    %scan3A_10 = arith.addi %scan3A, %scan3A_9 : i32
    %scan3A_11 = arith.constant 1 : i32
    scf.for %scan3A_182 = %scan3A to %scan3A_10 step %scan3A_11  : i32 {
      %mul3A_183 = arith.constant 1 : i32
      %mul3A_184 = arith.muli %scan3A_182, %mul3A_183 : i32
      %add3A_185 = arith.constant 0 : i32
      %add3A_186 = arith.addi %add3A_185, %mul3A_184 : i32
      %scan3A_187 = arith.constant 0 : i32
      %scan3A_188 = arith.constant 8 : i32
      %scan3A_189 = arith.addi %scan3A_187, %scan3A_188 : i32
      %scan3A_190 = arith.constant 1 : i32
      scf.for %scan3A_192 = %scan3A_187 to %scan3A_189 step %scan3A_190  : i32 {
        %mul3A_193 = arith.constant 16 : i32
        %mul3A_194 = arith.muli %scan3A_192, %mul3A_193 : i32
        %add3A_195 = arith.constant 0 : i32
        %add3A_196 = arith.addi %add3A_195, %mul3A_194 : i32
        %swap3A_197 = arith.index_cast %add3A_186 : i32 to index
        %swap3A_198 = arith.index_cast %add3A_196 : i32 to index
        %swap3A_199 = tpu.vector_load %arg9[%swap3A_197, %swap3A_198] {strides = array<i32>} : memref<16x128xf32, #tpu.memory_space<vmem>>, vector<16xf32>,
        tpu.vector_store %arg9[%swap3A_197, %swap3A_198], %broadcast_in_dim3A_8 {strides = array<i32>} : memref<16x128xf32, #tpu.memory_space<vmem>>, vector<16xf32>,
      }
      %scan3A_191 = arith.constant 8 : i32
    }
    %scan3A_12 = arith.constant 16 : i32
    %add3A_13 = arith.constant 0 : i32
    %add3A_14 = arith.addi %multiple_of3A, %add3A_13 : i32
    "tpu.region"() ({
      %run_scoped3A = tpu.sem_alloc : memref<!tpu.dma_semaphore, #tpu.memory_space<semaphore_mem>>
      %dma_start3A_182 = arith.constant 0 : i32
      %dma_start3A_183 = tpu.memref_slice %arg14[%add3A_14, %dma_start3A_182] : memref<10112x128xf32, #tpu.memory_space<vmem_shared>> -> memref<16x128xf32, #tpu.memory_space<vmem_shared>>
      %dma_start3A_184 = arith.constant 0 : i32
      %dma_start3A_185 = tpu.memref_slice %arg14[%add3A_14, %dma_start3A_184] : memref<10112x128xf32, #tpu.memory_space<vmem_shared>> -> memref<16x128xf32, #tpu.memory_space<vmem_shared>>
      tpu.enqueue_dma source(%arg9 : memref<16x128xf32, #tpu.memory_space<vmem>>) target(%dma_start3A_185 : memref<16x128xf32, #tpu.memory_space<vmem_shared>>) target_semaphore(%run_scoped3A : memref<!tpu.dma_semaphore, #tpu.memory_space<semaphore_mem>>)
      %dma_wait3A_186 = arith.constant 0 : i32
      %dma_wait3A_187 = tpu.memref_slice %arg14[%add3A_14, %dma_wait3A_186] : memref<10112x128xf32, #tpu.memory_space<vmem_shared>> -> memref<16x128xf32, #tpu.memory_space<vmem_shared>>
      %dma_wait3A_188 = arith.constant 0 : i32
      %dma_wait3A_189 = tpu.memref_slice %arg14[%add3A_14, %dma_wait3A_188] : memref<10112x128xf32, #tpu.memory_space<vmem_shared>> -> memref<16x128xf32, #tpu.memory_space<vmem_shared>>
      tpu.wait_dma2 semaphore(%run_scoped3A : memref<!tpu.dma_semaphore, #tpu.memory_space<semaphore_mem>>) src(%arg9 : memref<16x128xf32, #tpu.memory_space<vmem>>) dst(%dma_wait3A_189 : memref<16x128xf32, #tpu.memory_space<vmem_shared>>)
      tpu.yield
    }) : () -> ()
    %add3A_15 = arith.constant 16 : i32
    %add3A_16 = arith.addi %multiple_of3A, %add3A_15 : i32
    "tpu.region"() ({
      %run_scoped3A = tpu.sem_alloc : memref<!tpu.dma_semaphore, #tpu.memory_space<semaphore_mem>>
      %dma_start3A_182 = arith.constant 0 : i32
      %dma_start3A_183 = tpu.memref_slice %arg14[%add3A_16, %dma_start3A_182] : memref<10112x128xf32, #tpu.memory_space<vmem_shared>> -> memref<16x128xf32, #tpu.memory_space<vmem_shared>>
      %dma_start3A_184 = arith.constant 0 : i32
      %dma_start3A_185 = tpu.memref_slice %arg14[%add3A_16, %dma_start3A_184] : memref<10112x128xf32, #tpu.memory_space<vmem_shared>> -> memref<16x128xf32, #tpu.memory_space<vmem_shared>>
      tpu.enqueue_dma source(%arg9 : memref<16x128xf32, #tpu.memory_space<vmem>>) target(%dma_start3A_185 : memref<16x128xf32, #tpu.memory_space<vmem_shared>>) target_semaphore(%run_scoped3A : memref<!tpu.dma_semaphore, #tpu.memory_space<semaphore_mem>>)
      %dma_wait3A_186 = arith.constant 0 : i32
      %dma_wait3A_187 = tpu.memref_slice %arg14[%add3A_16, %dma_wait3A_186] : memref<10112x128xf32, #tpu.memory_space<vmem_shared>> -> memref<16x128xf32, #tpu.memory_space<vmem_shared>>
      %dma_wait3A_188 = arith.constant 0 : i32
      %dma_wait3A_189 = tpu.memref_slice %arg14[%add3A_16, %dma_wait3A_188] : memref<10112x128xf32, #tpu.memory_space<vmem_shared>> -> memref<16x128xf32, #tpu.memory_space<vmem_shared>>
      tpu.wait_dma2 semaphore(%run_scoped3A : memref<!tpu.dma_semaphore, #tpu.memory_space<semaphore_mem>>) src(%arg9 : memref<16x128xf32, #tpu.memory_space<vmem>>) dst(%dma_wait3A_189 : memref<16x128xf32, #tpu.memory_space<vmem_shared>>)
      tpu.yield
    }) : () -> ()
    %add3A_17 = arith.constant 32 : i32
    %add3A_18 = arith.addi %multiple_of3A, %add3A_17 : i32
    "tpu.region"() ({
      %run_scoped3A = tpu.sem_alloc : memref<!tpu.dma_semaphore, #tpu.memory_space<semaphore_mem>>
      %dma_start3A_182 = arith.constant 0 : i32
      %dma_start3A_183 = tpu.memref_slice %arg14[%add3A_18, %dma_start3A_182] : memref<10112x128xf32, #tpu.memory_space<vmem_shared>> -> memref<16x128xf32, #tpu.memory_space<vmem_shared>>
      %dma_start3A_184 = arith.constant 0 : i32
      %dma_start3A_185 = tpu.memref_slice %arg14[%add3A_18, %dma_start3A_184] : memref<10112x128xf32, #tpu.memory_space<vmem_shared>> -> memref<16x128xf32, #tpu.memory_space<vmem_shared>>
      tpu.enqueue_dma source(%arg9 : memref<16x128xf32, #tpu.memory_space<vmem>>) target(%dma_start3A_185 : memref<16x128xf32, #tpu.memory_space<vmem_shared>>) target_semaphore(%run_scoped3A : memref<!tpu.dma_semaphore, #tpu.memory_space<semaphore_mem>>)
      %dma_wait3A_186 = arith.constant 0 : i32
      %dma_wait3A_187 = tpu.memref_slice %arg14[%add3A_18, %dma_wait3A_186] : memref<10112x128xf32, #tpu.memory_space<vmem_shared>> -> memref<16x128xf32, #tpu.memory_space<vmem_shared>>
      %dma_wait3A_188 = arith.constant 0 : i32
      %dma_wait3A_189 = tpu.memref_slice %arg14[%add3A_18, %dma_wait3A_188] : memref<10112x128xf32, #tpu.memory_space<vmem_shared>> -> memref<16x128xf32, #tpu.memory_space<vmem_shared>>
      tpu.wait_dma2 semaphore(%run_scoped3A : memref<!tpu.dma_semaphore, #tpu.memory_space<semaphore_mem>>) src(%arg9 : memref<16x128xf32, #tpu.memory_space<vmem>>) dst(%dma_wait3A_189 : memref<16x128xf32, #tpu.memory_space<vmem_shared>>)
      tpu.yield
    }) : () -> ()
    %add3A_19 = arith.constant 48 : i32
    %add3A_20 = arith.addi %multiple_of3A, %add3A_19 : i32
    "tpu.region"() ({
      %run_scoped3A = tpu.sem_alloc : memref<!tpu.dma_semaphore, #tpu.memory_space<semaphore_mem>>
      %dma_start3A_182 = arith.constant 0 : i32
      %dma_start3A_183 = tpu.memref_slice %arg14[%add3A_20, %dma_start3A_182] : memref<10112x128xf32, #tpu.memory_space<vmem_shared>> -> memref<16x128xf32, #tpu.memory_space<vmem_shared>>
      %dma_start3A_184 = arith.constant 0 : i32
      %dma_start3A_185 = tpu.memref_slice %arg14[%add3A_20, %dma_start3A_184] : memref<10112x128xf32, #tpu.memory_space<vmem_shared>> -> memref<16x128xf32, #tpu.memory_space<vmem_shared>>
      tpu.enqueue_dma source(%arg9 : memref<16x128xf32, #tpu.memory_space<vmem>>) target(%dma_start3A_185 : memref<16x128xf32, #tpu.memory_space<vmem_shared>>) target_semaphore(%run_scoped3A : memref<!tpu.dma_semaphore, #tpu.memory_space<semaphore_mem>>)
      %dma_wait3A_186 = arith.constant 0 : i32
      %dma_wait3A_187 = tpu.memref_slice %arg14[%add3A_20, %dma_wait3A_186] : memref<10112x128xf32, #tpu.memory_space<vmem_shared>> -> memref<16x128xf32, #tpu.memory_space<vmem_shared>>
      %dma_wait3A_188 = arith.constant 0 : i32
      %dma_wait3A_189 = tpu.memref_slice %arg14[%add3A_20, %dma_wait3A_188] : memref<10112x128xf32, #tpu.memory_space<vmem_shared>> -> memref<16x128xf32, #tpu.memory_space<vmem_shared>>
      tpu.wait_dma2 semaphore(%run_scoped3A : memref<!tpu.dma_semaphore, #tpu.memory_space<semaphore_mem>>) src(%arg9 : memref<16x128xf32, #tpu.memory_space<vmem>>) dst(%dma_wait3A_189 : memref<16x128xf32, #tpu.memory_space<vmem_shared>>)
      tpu.yield
    }) : () -> ()
    %add3A_21 = arith.constant 64 : i32
    %add3A_22 = arith.addi %multiple_of3A, %add3A_21 : i32
    "tpu.region"() ({
      %run_scoped3A = tpu.sem_alloc : memref<!tpu.dma_semaphore, #tpu.memory_space<semaphore_mem>>
      %dma_start3A_182 = arith.constant 0 : i32
      %dma_start3A_183 = tpu.memref_slice %arg14[%add3A_22, %dma_start3A_182] : memref<10112x128xf32, #tpu.memory_space<vmem_shared>> -> memref<16x128xf32, #tpu.memory_space<vmem_shared>>
      %dma_start3A_184 = arith.constant 0 : i32
      %dma_start3A_185 = tpu.memref_slice %arg14[%add3A_22, %dma_start3A_184] : memref<10112x128xf32, #tpu.memory_space<vmem_shared>> -> memref<16x128xf32, #tpu.memory_space<vmem_shared>>
      tpu.enqueue_dma source(%arg9 : memref<16x128xf32, #tpu.memory_space<vmem>>) target(%dma_start3A_185 : memref<16x128xf32, #tpu.memory_space<vmem_shared>>) target_semaphore(%run_scoped3A : memref<!tpu.dma_semaphore, #tpu.memory_space<semaphore_mem>>)
      %dma_wait3A_186 = arith.constant 0 : i32
      %dma_wait3A_187 = tpu.memref_slice %arg14[%add3A_22, %dma_wait3A_186] : memref<10112x128xf32, #tpu.memory_space<vmem_shared>> -> memref<16x128xf32, #tpu.memory_space<vmem_shared>>
      %dma_wait3A_188 = arith.constant 0 : i32
      %dma_wait3A_189 = tpu.memref_slice %arg14[%add3A_22, %dma_wait3A_188] : memref<10112x128xf32, #tpu.memory_space<vmem_shared>> -> memref<16x128xf32, #tpu.memory_space<vmem_shared>>
      tpu.wait_dma2 semaphore(%run_scoped3A : memref<!tpu.dma_semaphore, #tpu.memory_space<semaphore_mem>>) src(%arg9 : memref<16x128xf32, #tpu.memory_space<vmem>>) dst(%dma_wait3A_189 : memref<16x128xf32, #tpu.memory_space<vmem_shared>>)
      tpu.yield
    }) : () -> ()
    %add3A_23 = arith.constant 80 : i32
    %add3A_24 = arith.addi %multiple_of3A, %add3A_23 : i32
    "tpu.region"() ({
      %run_scoped3A = tpu.sem_alloc : memref<!tpu.dma_semaphore, #tpu.memory_space<semaphore_mem>>
      %dma_start3A_182 = arith.constant 0 : i32
      %dma_start3A_183 = tpu.memref_slice %arg14[%add3A_24, %dma_start3A_182] : memref<10112x128xf32, #tpu.memory_space<vmem_shared>> -> memref<16x128xf32, #tpu.memory_space<vmem_shared>>
      %dma_start3A_184 = arith.constant 0 : i32
      %dma_start3A_185 = tpu.memref_slice %arg14[%add3A_24, %dma_start3A_184] : memref<10112x128xf32, #tpu.memory_space<vmem_shared>> -> memref<16x128xf32, #tpu.memory_space<vmem_shared>>
      tpu.enqueue_dma source(%arg9 : memref<16x128xf32, #tpu.memory_space<vmem>>) target(%dma_start3A_185 : memref<16x128xf32, #tpu.memory_space<vmem_shared>>) target_semaphore(%run_scoped3A : memref<!tpu.dma_semaphore, #tpu.memory_space<semaphore_mem>>)
      %dma_wait3A_186 = arith.constant 0 : i32
      %dma_wait3A_187 = tpu.memref_slice %arg14[%add3A_24, %dma_wait3A_186] : memref<10112x128xf32, #tpu.memory_space<vmem_shared>> -> memref<16x128xf32, #tpu.memory_space<vmem_shared>>
      %dma_wait3A_188 = arith.constant 0 : i32
      %dma_wait3A_189 = tpu.memref_slice %arg14[%add3A_24, %dma_wait3A_188] : memref<10112x128xf32, #tpu.memory_space<vmem_shared>> -> memref<16x128xf32, #tpu.memory_space<vmem_shared>>
      tpu.wait_dma2 semaphore(%run_scoped3A : memref<!tpu.dma_semaphore, #tpu.memory_space<semaphore_mem>>) src(%arg9 : memref<16x128xf32, #tpu.memory_space<vmem>>) dst(%dma_wait3A_189 : memref<16x128xf32, #tpu.memory_space<vmem_shared>>)
      tpu.yield
    }) : () -> ()
    %add3A_25 = arith.constant 96 : i32
    %add3A_26 = arith.addi %multiple_of3A, %add3A_25 : i32
    "tpu.region"() ({
      %run_scoped3A = tpu.sem_alloc : memref<!tpu.dma_semaphore, #tpu.memory_space<semaphore_mem>>
      %dma_start3A_182 = arith.constant 0 : i32
      %dma_start3A_183 = tpu.memref_slice %arg14[%add3A_26, %dma_start3A_182] : memref<10112x128xf32, #tpu.memory_space<vmem_shared>> -> memref<16x128xf32, #tpu.memory_space<vmem_shared>>
      %dma_start3A_184 = arith.constant 0 : i32
      %dma_start3A_185 = tpu.memref_slice %arg14[%add3A_26, %dma_start3A_184] : memref<10112x128xf32, #tpu.memory_space<vmem_shared>> -> memref<16x128xf32, #tpu.memory_space<vmem_shared>>
      tpu.enqueue_dma source(%arg9 : memref<16x128xf32, #tpu.memory_space<vmem>>) target(%dma_start3A_185 : memref<16x128xf32, #tpu.memory_space<vmem_shared>>) target_semaphore(%run_scoped3A : memref<!tpu.dma_semaphore, #tpu.memory_space<semaphore_mem>>)
      %dma_wait3A_186 = arith.constant 0 : i32
      %dma_wait3A_187 = tpu.memref_slice %arg14[%add3A_26, %dma_wait3A_186] : memref<10112x128xf32, #tpu.memory_space<vmem_shared>> -> memref<16x128xf32, #tpu.memory_space<vmem_shared>>
      %dma_wait3A_188 = arith.constant 0 : i32
      %dma_wait3A_189 = tpu.memref_slice %arg14[%add3A_26, %dma_wait3A_188] : memref<10112x128xf32, #tpu.memory_space<vmem_shared>> -> memref<16x128xf32, #tpu.memory_space<vmem_shared>>
      tpu.wait_dma2 semaphore(%run_scoped3A : memref<!tpu.dma_semaphore, #tpu.memory_space<semaphore_mem>>) src(%arg9 : memref<16x128xf32, #tpu.memory_space<vmem>>) dst(%dma_wait3A_189 : memref<16x128xf32, #tpu.memory_space<vmem_shared>>)
      tpu.yield
    }) : () -> ()
    %add3A_27 = arith.constant 112 : i32
    %add3A_28 = arith.addi %multiple_of3A, %add3A_27 : i32
    "tpu.region"() ({
      %run_scoped3A = tpu.sem_alloc : memref<!tpu.dma_semaphore, #tpu.memory_space<semaphore_mem>>
      %dma_start3A_182 = arith.constant 0 : i32
      %dma_start3A_183 = tpu.memref_slice %arg14[%add3A_28, %dma_start3A_182] : memref<10112x128xf32, #tpu.memory_space<vmem_shared>> -> memref<16x128xf32, #tpu.memory_space<vmem_shared>>
      %dma_start3A_184 = arith.constant 0 : i32
      %dma_start3A_185 = tpu.memref_slice %arg14[%add3A_28, %dma_start3A_184] : memref<10112x128xf32, #tpu.memory_space<vmem_shared>> -> memref<16x128xf32, #tpu.memory_space<vmem_shared>>
      tpu.enqueue_dma source(%arg9 : memref<16x128xf32, #tpu.memory_space<vmem>>) target(%dma_start3A_185 : memref<16x128xf32, #tpu.memory_space<vmem_shared>>) target_semaphore(%run_scoped3A : memref<!tpu.dma_semaphore, #tpu.memory_space<semaphore_mem>>)
      %dma_wait3A_186 = arith.constant 0 : i32
      %dma_wait3A_187 = tpu.memref_slice %arg14[%add3A_28, %dma_wait3A_186] : memref<10112x128xf32, #tpu.memory_space<vmem_shared>> -> memref<16x128xf32, #tpu.memory_space<vmem_shared>>
      %dma_wait3A_188 = arith.constant 0 : i32
      %dma_wait3A_189 = tpu.memref_slice %arg14[%add3A_28, %dma_wait3A_188] : memref<10112x128xf32, #tpu.memory_space<vmem_shared>> -> memref<16x128xf32, #tpu.memory_space<vmem_shared>>
      tpu.wait_dma2 semaphore(%run_scoped3A : memref<!tpu.dma_semaphore, #tpu.memory_space<semaphore_mem>>) src(%arg9 : memref<16x128xf32, #tpu.memory_space<vmem>>) dst(%dma_wait3A_189 : memref<16x128xf32, #tpu.memory_space<vmem_shared>>)
      tpu.yield
    }) : () -> ()
    %add3A_29 = arith.constant 128 : i32
    %add3A_30 = arith.addi %multiple_of3A, %add3A_29 : i32
    "tpu.region"() ({
      %run_scoped3A = tpu.sem_alloc : memref<!tpu.dma_semaphore, #tpu.memory_space<semaphore_mem>>
      %dma_start3A_182 = arith.constant 0 : i32
      %dma_start3A_183 = tpu.memref_slice %arg14[%add3A_30, %dma_start3A_182] : memref<10112x128xf32, #tpu.memory_space<vmem_shared>> -> memref<16x128xf32, #tpu.memory_space<vmem_shared>>
      %dma_start3A_184 = arith.constant 0 : i32
      %dma_start3A_185 = tpu.memref_slice %arg14[%add3A_30, %dma_start3A_184] : memref<10112x128xf32, #tpu.memory_space<vmem_shared>> -> memref<16x128xf32, #tpu.memory_space<vmem_shared>>
      tpu.enqueue_dma source(%arg9 : memref<16x128xf32, #tpu.memory_space<vmem>>) target(%dma_start3A_185 : memref<16x128xf32, #tpu.memory_space<vmem_shared>>) target_semaphore(%run_scoped3A : memref<!tpu.dma_semaphore, #tpu.memory_space<semaphore_mem>>)
      %dma_wait3A_186 = arith.constant 0 : i32
      %dma_wait3A_187 = tpu.memref_slice %arg14[%add3A_30, %dma_wait3A_186] : memref<10112x128xf32, #tpu.memory_space<vmem_shared>> -> memref<16x128xf32, #tpu.memory_space<vmem_shared>>
      %dma_wait3A_188 = arith.constant 0 : i32
      %dma_wait3A_189 = tpu.memref_slice %arg14[%add3A_30, %dma_wait3A_188] : memref<10112x128xf32, #tpu.memory_space<vmem_shared>> -> memref<16x128xf32, #tpu.memory_space<vmem_shared>>
      tpu.wait_dma2 semaphore(%run_scoped3A : memref<!tpu.dma_semaphore, #tpu.memory_space<semaphore_mem>>) src(%arg9 : memref<16x128xf32, #tpu.memory_space<vmem>>) dst(%dma_wait3A_189 : memref<16x128xf32, #tpu.memory_space<vmem_shared>>)
      tpu.yield
    }) : () -> ()
    %add3A_31 = arith.constant 144 : i32
    %add3A_32 = arith.addi %multiple_of3A, %add3A_31 : i32
    "tpu.region"() ({
      %run_scoped3A = tpu.sem_alloc : memref<!tpu.dma_semaphore, #tpu.memory_space<semaphore_mem>>
      %dma_start3A_182 = arith.constant 0 : i32
      %dma_start3A_183 = tpu.memref_slice %arg14[%add3A_32, %dma_start3A_182] : memref<10112x128xf32, #tpu.memory_space<vmem_shared>> -> memref<16x128xf32, #tpu.memory_space<vmem_shared>>
      %dma_start3A_184 = arith.constant 0 : i32
      %dma_start3A_185 = tpu.memref_slice %arg14[%add3A_32, %dma_start3A_184] : memref<10112x128xf32, #tpu.memory_space<vmem_shared>> -> memref<16x128xf32, #tpu.memory_space<vmem_shared>>
      tpu.enqueue_dma source(%arg9 : memref<16x128xf32, #tpu.memory_space<vmem>>) target(%dma_start3A_185 : memref<16x128xf32, #tpu.memory_space<vmem_shared>>) target_semaphore(%run_scoped3A : memref<!tpu.dma_semaphore, #tpu.memory_space<semaphore_mem>>)
      %dma_wait3A_186 = arith.constant 0 : i32
      %dma_wait3A_187 = tpu.memref_slice %arg14[%add3A_32, %dma_wait3A_186] : memref<10112x128xf32, #tpu.memory_space<vmem_shared>> -> memref<16x128xf32, #tpu.memory_space<vmem_shared>>
      %dma_wait3A_188 = arith.constant 0 : i32
      %dma_wait3A_189 = tpu.memref_slice %arg14[%add3A_32, %dma_wait3A_188] : memref<10112x128xf32, #tpu.memory_space<vmem_shared>> -> memref<16x128xf32, #tpu.memory_space<vmem_shared>>
      tpu.wait_dma2 semaphore(%run_scoped3A : memref<!tpu.dma_semaphore, #tpu.memory_space<semaphore_mem>>) src(%arg9 : memref<16x128xf32, #tpu.memory_space<vmem>>) dst(%dma_wait3A_189 : memref<16x128xf32, #tpu.memory_space<vmem_shared>>)
      tpu.yield
    }) : () -> ()
    %add3A_33 = arith.constant 160 : i32
    %add3A_34 = arith.addi %multiple_of3A, %add3A_33 : i32
    "tpu.region"() ({
      %run_scoped3A = tpu.sem_alloc : memref<!tpu.dma_semaphore, #tpu.memory_space<semaphore_mem>>
      %dma_start3A_182 = arith.constant 0 : i32
      %dma_start3A_183 = tpu.memref_slice %arg14[%add3A_34, %dma_start3A_182] : memref<10112x128xf32, #tpu.memory_space<vmem_shared>> -> memref<16x128xf32, #tpu.memory_space<vmem_shared>>
      %dma_start3A_184 = arith.constant 0 : i32
      %dma_start3A_185 = tpu.memref_slice %arg14[%add3A_34, %dma_start3A_184] : memref<10112x128xf32, #tpu.memory_space<vmem_shared>> -> memref<16x128xf32, #tpu.memory_space<vmem_shared>>
      tpu.enqueue_dma source(%arg9 : memref<16x128xf32, #tpu.memory_space<vmem>>) target(%dma_start3A_185 : memref<16x128xf32, #tpu.memory_space<vmem_shared>>) target_semaphore(%run_scoped3A : memref<!tpu.dma_semaphore, #tpu.memory_space<semaphore_mem>>)
      %dma_wait3A_186 = arith.constant 0 : i32
      %dma_wait3A_187 = tpu.memref_slice %arg14[%add3A_34, %dma_wait3A_186] : memref<10112x128xf32, #tpu.memory_space<vmem_shared>> -> memref<16x128xf32, #tpu.memory_space<vmem_shared>>
      %dma_wait3A_188 = arith.constant 0 : i32
      %dma_wait3A_189 = tpu.memref_slice %arg14[%add3A_34, %dma_wait3A_188] : memref<10112x128xf32, #tpu.memory_space<vmem_shared>> -> memref<16x128xf32, #tpu.memory_space<vmem_shared>>
      tpu.wait_dma2 semaphore(%run_scoped3A : memref<!tpu.dma_semaphore, #tpu.memory_space<semaphore_mem>>) src(%arg9 : memref<16x128xf32, #tpu.memory_space<vmem>>) dst(%dma_wait3A_189 : memref<16x128xf32, #tpu.memory_space<vmem_shared>>)
      tpu.yield
    }) : () -> ()
    %add3A_35 = arith.constant 176 : i32
    %add3A_36 = arith.addi %multiple_of3A, %add3A_35 : i32
    "tpu.region"() ({
      %run_scoped3A = tpu.sem_alloc : memref<!tpu.dma_semaphore, #tpu.memory_space<semaphore_mem>>
      %dma_start3A_182 = arith.constant 0 : i32
      %dma_start3A_183 = tpu.memref_slice %arg14[%add3A_36, %dma_start3A_182] : memref<10112x128xf32, #tpu.memory_space<vmem_shared>> -> memref<16x128xf32, #tpu.memory_space<vmem_shared>>
      %dma_start3A_184 = arith.constant 0 : i32
      %dma_start3A_185 = tpu.memref_slice %arg14[%add3A_36, %dma_start3A_184] : memref<10112x128xf32, #tpu.memory_space<vmem_shared>> -> memref<16x128xf32, #tpu.memory_space<vmem_shared>>
      tpu.enqueue_dma source(%arg9 : memref<16x128xf32, #tpu.memory_space<vmem>>) target(%dma_start3A_185 : memref<16x128xf32, #tpu.memory_space<vmem_shared>>) target_semaphore(%run_scoped3A : memref<!tpu.dma_semaphore, #tpu.memory_space<semaphore_mem>>)
      %dma_wait3A_186 = arith.constant 0 : i32
      %dma_wait3A_187 = tpu.memref_slice %arg14[%add3A_36, %dma_wait3A_186] : memref<10112x128xf32, #tpu.memory_space<vmem_shared>> -> memref<16x128xf32, #tpu.memory_space<vmem_shared>>
      %dma_wait3A_188 = arith.constant 0 : i32
      %dma_wait3A_189 = tpu.memref_slice %arg14[%add3A_36, %dma_wait3A_188] : memref<10112x128xf32, #tpu.memory_space<vmem_shared>> -> memref<16x128xf32, #tpu.memory_space<vmem_shared>>
      tpu.wait_dma2 semaphore(%run_scoped3A : memref<!tpu.dma_semaphore, #tpu.memory_space<semaphore_mem>>) src(%arg9 : memref<16x128xf32, #tpu.memory_space<vmem>>) dst(%dma_wait3A_189 : memref<16x128xf32, #tpu.memory_space<vmem_shared>>)
      tpu.yield
    }) : () -> ()
    %add3A_37 = arith.constant 192 : i32
    %add3A_38 = arith.addi %multiple_of3A, %add3A_37 : i32
    "tpu.region"() ({
      %run_scoped3A = tpu.sem_alloc : memref<!tpu.dma_semaphore, #tpu.memory_space<semaphore_mem>>
      %dma_start3A_182 = arith.constant 0 : i32
      %dma_start3A_183 = tpu.memref_slice %arg14[%add3A_38, %dma_start3A_182] : memref<10112x128xf32, #tpu.memory_space<vmem_shared>> -> memref<16x128xf32, #tpu.memory_space<vmem_shared>>
      %dma_start3A_184 = arith.constant 0 : i32
      %dma_start3A_185 = tpu.memref_slice %arg14[%add3A_38, %dma_start3A_184] : memref<10112x128xf32, #tpu.memory_space<vmem_shared>> -> memref<16x128xf32, #tpu.memory_space<vmem_shared>>
      tpu.enqueue_dma source(%arg9 : memref<16x128xf32, #tpu.memory_space<vmem>>) target(%dma_start3A_185 : memref<16x128xf32, #tpu.memory_space<vmem_shared>>) target_semaphore(%run_scoped3A : memref<!tpu.dma_semaphore, #tpu.memory_space<semaphore_mem>>)
      %dma_wait3A_186 = arith.constant 0 : i32
      %dma_wait3A_187 = tpu.memref_slice %arg14[%add3A_38, %dma_wait3A_186] : memref<10112x128xf32, #tpu.memory_space<vmem_shared>> -> memref<16x128xf32, #tpu.memory_space<vmem_shared>>
      %dma_wait3A_188 = arith.constant 0 : i32
      %dma_wait3A_189 = tpu.memref_slice %arg14[%add3A_38, %dma_wait3A_188] : memref<10112x128xf32, #tpu.memory_space<vmem_shared>> -> memref<16x128xf32, #tpu.memory_space<vmem_shared>>
      tpu.wait_dma2 semaphore(%run_scoped3A : memref<!tpu.dma_semaphore, #tpu.memory_space<semaphore_mem>>) src(%arg9 : memref<16x128xf32, #tpu.memory_space<vmem>>) dst(%dma_wait3A_189 : memref<16x128xf32, #tpu.memory_space<vmem_shared>>)
      tpu.yield
    }) : () -> ()
    %add3A_39 = arith.constant 208 : i32
    %add3A_40 = arith.addi %multiple_of3A, %add3A_39 : i32
    "tpu.region"() ({
      %run_scoped3A = tpu.sem_alloc : memref<!tpu.dma_semaphore, #tpu.memory_space<semaphore_mem>>
      %dma_start3A_182 = arith.constant 0 : i32
      %dma_start3A_183 = tpu.memref_slice %arg14[%add3A_40, %dma_start3A_182] : memref<10112x128xf32, #tpu.memory_space<vmem_shared>> -> memref<16x128xf32, #tpu.memory_space<vmem_shared>>
      %dma_start3A_184 = arith.constant 0 : i32
      %dma_start3A_185 = tpu.memref_slice %arg14[%add3A_40, %dma_start3A_184] : memref<10112x128xf32, #tpu.memory_space<vmem_shared>> -> memref<16x128xf32, #tpu.memory_space<vmem_shared>>
      tpu.enqueue_dma source(%arg9 : memref<16x128xf32, #tpu.memory_space<vmem>>) target(%dma_start3A_185 : memref<16x128xf32, #tpu.memory_space<vmem_shared>>) target_semaphore(%run_scoped3A : memref<!tpu.dma_semaphore, #tpu.memory_space<semaphore_mem>>)
      %dma_wait3A_186 = arith.constant 0 : i32
      %dma_wait3A_187 = tpu.memref_slice %arg14[%add3A_40, %dma_wait3A_186] : memref<10112x128xf32, #tpu.memory_space<vmem_shared>> -> memref<16x128xf32, #tpu.memory_space<vmem_shared>>
      %dma_wait3A_188 = arith.constant 0 : i32
      %dma_wait3A_189 = tpu.memref_slice %arg14[%add3A_40, %dma_wait3A_188] : memref<10112x128xf32, #tpu.memory_space<vmem_shared>> -> memref<16x128xf32, #tpu.memory_space<vmem_shared>>
      tpu.wait_dma2 semaphore(%run_scoped3A : memref<!tpu.dma_semaphore, #tpu.memory_space<semaphore_mem>>) src(%arg9 : memref<16x128xf32, #tpu.memory_space<vmem>>) dst(%dma_wait3A_189 : memref<16x128xf32, #tpu.memory_space<vmem_shared>>)
      tpu.yield
    }) : () -> ()
    %add3A_41 = arith.constant 224 : i32
    %add3A_42 = arith.addi %multiple_of3A, %add3A_41 : i32
    "tpu.region"() ({
      %run_scoped3A = tpu.sem_alloc : memref<!tpu.dma_semaphore, #tpu.memory_space<semaphore_mem>>
      %dma_start3A_182 = arith.constant 0 : i32
      %dma_start3A_183 = tpu.memref_slice %arg14[%add3A_42, %dma_start3A_182] : memref<10112x128xf32, #tpu.memory_space<vmem_shared>> -> memref<16x128xf32, #tpu.memory_space<vmem_shared>>
      %dma_start3A_184 = arith.constant 0 : i32
      %dma_start3A_185 = tpu.memref_slice %arg14[%add3A_42, %dma_start3A_184] : memref<10112x128xf32, #tpu.memory_space<vmem_shared>> -> memref<16x128xf32, #tpu.memory_space<vmem_shared>>
      tpu.enqueue_dma source(%arg9 : memref<16x128xf32, #tpu.memory_space<vmem>>) target(%dma_start3A_185 : memref<16x128xf32, #tpu.memory_space<vmem_shared>>) target_semaphore(%run_scoped3A : memref<!tpu.dma_semaphore, #tpu.memory_space<semaphore_mem>>)
      %dma_wait3A_186 = arith.constant 0 : i32
      %dma_wait3A_187 = tpu.memref_slice %arg14[%add3A_42, %dma_wait3A_186] : memref<10112x128xf32, #tpu.memory_space<vmem_shared>> -> memref<16x128xf32, #tpu.memory_space<vmem_shared>>
      %dma_wait3A_188 = arith.constant 0 : i32
      %dma_wait3A_189 = tpu.memref_slice %arg14[%add3A_42, %dma_wait3A_188] : memref<10112x128xf32, #tpu.memory_space<vmem_shared>> -> memref<16x128xf32, #tpu.memory_space<vmem_shared>>
      tpu.wait_dma2 semaphore(%run_scoped3A : memref<!tpu.dma_semaphore, #tpu.memory_space<semaphore_mem>>) src(%arg9 : memref<16x128xf32, #tpu.memory_space<vmem>>) dst(%dma_wait3A_189 : memref<16x128xf32, #tpu.memory_space<vmem_shared>>)
      tpu.yield
    }) : () -> ()
    %add3A_43 = arith.constant 240 : i32
    %add3A_44 = arith.addi %multiple_of3A, %add3A_43 : i32
    "tpu.region"() ({
      %run_scoped3A = tpu.sem_alloc : memref<!tpu.dma_semaphore, #tpu.memory_space<semaphore_mem>>
      %dma_start3A_182 = arith.constant 0 : i32
      %dma_start3A_183 = tpu.memref_slice %arg14[%add3A_44, %dma_start3A_182] : memref<10112x128xf32, #tpu.memory_space<vmem_shared>> -> memref<16x128xf32, #tpu.memory_space<vmem_shared>>
      %dma_start3A_184 = arith.constant 0 : i32
      %dma_start3A_185 = tpu.memref_slice %arg14[%add3A_44, %dma_start3A_184] : memref<10112x128xf32, #tpu.memory_space<vmem_shared>> -> memref<16x128xf32, #tpu.memory_space<vmem_shared>>
      tpu.enqueue_dma source(%arg9 : memref<16x128xf32, #tpu.memory_space<vmem>>) target(%dma_start3A_185 : memref<16x128xf32, #tpu.memory_space<vmem_shared>>) target_semaphore(%run_scoped3A : memref<!tpu.dma_semaphore, #tpu.memory_space<semaphore_mem>>)
      %dma_wait3A_186 = arith.constant 0 : i32
      %dma_wait3A_187 = tpu.memref_slice %arg14[%add3A_44, %dma_wait3A_186] : memref<10112x128xf32, #tpu.memory_space<vmem_shared>> -> memref<16x128xf32, #tpu.memory_space<vmem_shared>>
      %dma_wait3A_188 = arith.constant 0 : i32
      %dma_wait3A_189 = tpu.memref_slice %arg14[%add3A_44, %dma_wait3A_188] : memref<10112x128xf32, #tpu.memory_space<vmem_shared>> -> memref<16x128xf32, #tpu.memory_space<vmem_shared>>
      tpu.wait_dma2 semaphore(%run_scoped3A : memref<!tpu.dma_semaphore, #tpu.memory_space<semaphore_mem>>) src(%arg9 : memref<16x128xf32, #tpu.memory_space<vmem>>) dst(%dma_wait3A_189 : memref<16x128xf32, #tpu.memory_space<vmem_shared>>)
      tpu.yield
    }) : () -> ()
    %add3A_45 = arith.constant 256 : i32
    %add3A_46 = arith.addi %multiple_of3A, %add3A_45 : i32
    "tpu.region"() ({
      %run_scoped3A = tpu.sem_alloc : memref<!tpu.dma_semaphore, #tpu.memory_space<semaphore_mem>>
      %dma_start3A_182 = arith.constant 0 : i32
      %dma_start3A_183 = tpu.memref_slice %arg14[%add3A_46, %dma_start3A_182] : memref<10112x128xf32, #tpu.memory_space<vmem_shared>> -> memref<16x128xf32, #tpu.memory_space<vmem_shared>>
      %dma_start3A_184 = arith.constant 0 : i32
      %dma_start3A_185 = tpu.memref_slice %arg14[%add3A_46, %dma_start3A_184] : memref<10112x128xf32, #tpu.memory_space<vmem_shared>> -> memref<16x128xf32, #tpu.memory_space<vmem_shared>>
      tpu.enqueue_dma source(%arg9 : memref<16x128xf32, #tpu.memory_space<vmem>>) target(%dma_start3A_185 : memref<16x128xf32, #tpu.memory_space<vmem_shared>>) target_semaphore(%run_scoped3A : memref<!tpu.dma_semaphore, #tpu.memory_space<semaphore_mem>>)
      %dma_wait3A_186 = arith.constant 0 : i32
      %dma_wait3A_187 = tpu.memref_slice %arg14[%add3A_46, %dma_wait3A_186] : memref<10112x128xf32, #tpu.memory_space<vmem_shared>> -> memref<16x128xf32, #tpu.memory_space<vmem_shared>>
      %dma_wait3A_188 = arith.constant 0 : i32
      %dma_wait3A_189 = tpu.memref_slice %arg14[%add3A_46, %dma_wait3A_188] : memref<10112x128xf32, #tpu.memory_space<vmem_shared>> -> memref<16x128xf32, #tpu.memory_space<vmem_shared>>
      tpu.wait_dma2 semaphore(%run_scoped3A : memref<!tpu.dma_semaphore, #tpu.memory_space<semaphore_mem>>) src(%arg9 : memref<16x128xf32, #tpu.memory_space<vmem>>) dst(%dma_wait3A_189 : memref<16x128xf32, #tpu.memory_space<vmem_shared>>)
      tpu.yield
    }) : () -> ()
    %add3A_47 = arith.constant 272 : i32
    %add3A_48 = arith.addi %multiple_of3A, %add3A_47 : i32
    "tpu.region"() ({
      %run_scoped3A = tpu.sem_alloc : memref<!tpu.dma_semaphore, #tpu.memory_space<semaphore_mem>>
      %dma_start3A_182 = arith.constant 0 : i32
      %dma_start3A_183 = tpu.memref_slice %arg14[%add3A_48, %dma_start3A_182] : memref<10112x128xf32, #tpu.memory_space<vmem_shared>> -> memref<16x128xf32, #tpu.memory_space<vmem_shared>>
      %dma_start3A_184 = arith.constant 0 : i32
      %dma_start3A_185 = tpu.memref_slice %arg14[%add3A_48, %dma_start3A_184] : memref<10112x128xf32, #tpu.memory_space<vmem_shared>> -> memref<16x128xf32, #tpu.memory_space<vmem_shared>>
      tpu.enqueue_dma source(%arg9 : memref<16x128xf32, #tpu.memory_space<vmem>>) target(%dma_start3A_185 : memref<16x128xf32, #tpu.memory_space<vmem_shared>>) target_semaphore(%run_scoped3A : memref<!tpu.dma_semaphore, #tpu.memory_space<semaphore_mem>>)
      %dma_wait3A_186 = arith.constant 0 : i32
      %dma_wait3A_187 = tpu.memref_slice %arg14[%add3A_48, %dma_wait3A_186] : memref<10112x128xf32, #tpu.memory_space<vmem_shared>> -> memref<16x128xf32, #tpu.memory_space<vmem_shared>>
      %dma_wait3A_188 = arith.constant 0 : i32
      %dma_wait3A_189 = tpu.memref_slice %arg14[%add3A_48, %dma_wait3A_188] : memref<10112x128xf32, #tpu.memory_space<vmem_shared>> -> memref<16x128xf32, #tpu.memory_space<vmem_shared>>
      tpu.wait_dma2 semaphore(%run_scoped3A : memref<!tpu.dma_semaphore, #tpu.memory_space<semaphore_mem>>) src(%arg9 : memref<16x128xf32, #tpu.memory_space<vmem>>) dst(%dma_wait3A_189 : memref<16x128xf32, #tpu.memory_space<vmem_shared>>)
      tpu.yield
    }) : () -> ()
    %add3A_49 = arith.constant 288 : i32
    %add3A_50 = arith.addi %multiple_of3A, %add3A_49 : i32
    "tpu.region"() ({
      %run_scoped3A = tpu.sem_alloc : memref<!tpu.dma_semaphore, #tpu.memory_space<semaphore_mem>>
      %dma_start3A_182 = arith.constant 0 : i32
      %dma_start3A_183 = tpu.memref_slice %arg14[%add3A_50, %dma_start3A_182] : memref<10112x128xf32, #tpu.memory_space<vmem_shared>> -> memref<16x128xf32, #tpu.memory_space<vmem_shared>>
      %dma_start3A_184 = arith.constant 0 : i32
      %dma_start3A_185 = tpu.memref_slice %arg14[%add3A_50, %dma_start3A_184] : memref<10112x128xf32, #tpu.memory_space<vmem_shared>> -> memref<16x128xf32, #tpu.memory_space<vmem_shared>>
      tpu.enqueue_dma source(%arg9 : memref<16x128xf32, #tpu.memory_space<vmem>>) target(%dma_start3A_185 : memref<16x128xf32, #tpu.memory_space<vmem_shared>>) target_semaphore(%run_scoped3A : memref<!tpu.dma_semaphore, #tpu.memory_space<semaphore_mem>>)
      %dma_wait3A_186 = arith.constant 0 : i32
      %dma_wait3A_187 = tpu.memref_slice %arg14[%add3A_50, %dma_wait3A_186] : memref<10112x128xf32, #tpu.memory_space<vmem_shared>> -> memref<16x128xf32, #tpu.memory_space<vmem_shared>>
      %dma_wait3A_188 = arith.constant 0 : i32
      %dma_wait3A_189 = tpu.memref_slice %arg14[%add3A_50, %dma_wait3A_188] : memref<10112x128xf32, #tpu.memory_space<vmem_shared>> -> memref<16x128xf32, #tpu.memory_space<vmem_shared>>
      tpu.wait_dma2 semaphore(%run_scoped3A : memref<!tpu.dma_semaphore, #tpu.memory_space<semaphore_mem>>) src(%arg9 : memref<16x128xf32, #tpu.memory_space<vmem>>) dst(%dma_wait3A_189 : memref<16x128xf32, #tpu.memory_space<vmem_shared>>)
      tpu.yield
    }) : () -> ()
    %add3A_51 = arith.constant 304 : i32
    %add3A_52 = arith.addi %multiple_of3A, %add3A_51 : i32
    "tpu.region"() ({
      %run_scoped3A = tpu.sem_alloc : memref<!tpu.dma_semaphore, #tpu.memory_space<semaphore_mem>>
      %dma_start3A_182 = arith.constant 0 : i32
      %dma_start3A_183 = tpu.memref_slice %arg14[%add3A_52, %dma_start3A_182] : memref<10112x128xf32, #tpu.memory_space<vmem_shared>> -> memref<16x128xf32, #tpu.memory_space<vmem_shared>>
      %dma_start3A_184 = arith.constant 0 : i32
      %dma_start3A_185 = tpu.memref_slice %arg14[%add3A_52, %dma_start3A_184] : memref<10112x128xf32, #tpu.memory_space<vmem_shared>> -> memref<16x128xf32, #tpu.memory_space<vmem_shared>>
      tpu.enqueue_dma source(%arg9 : memref<16x128xf32, #tpu.memory_space<vmem>>) target(%dma_start3A_185 : memref<16x128xf32, #tpu.memory_space<vmem_shared>>) target_semaphore(%run_scoped3A : memref<!tpu.dma_semaphore, #tpu.memory_space<semaphore_mem>>)
      %dma_wait3A_186 = arith.constant 0 : i32
      %dma_wait3A_187 = tpu.memref_slice %arg14[%add3A_52, %dma_wait3A_186] : memref<10112x128xf32, #tpu.memory_space<vmem_shared>> -> memref<16x128xf32, #tpu.memory_space<vmem_shared>>
      %dma_wait3A_188 = arith.constant 0 : i32
      %dma_wait3A_189 = tpu.memref_slice %arg14[%add3A_52, %dma_wait3A_188] : memref<10112x128xf32, #tpu.memory_space<vmem_shared>> -> memref<16x128xf32, #tpu.memory_space<vmem_shared>>
      tpu.wait_dma2 semaphore(%run_scoped3A : memref<!tpu.dma_semaphore, #tpu.memory_space<semaphore_mem>>) src(%arg9 : memref<16x128xf32, #tpu.memory_space<vmem>>) dst(%dma_wait3A_189 : memref<16x128xf32, #tpu.memory_space<vmem_shared>>)
      tpu.yield
    }) : () -> ()
    %add3A_53 = arith.constant 320 : i32
    %add3A_54 = arith.addi %multiple_of3A, %add3A_53 : i32
    "tpu.region"() ({
      %run_scoped3A = tpu.sem_alloc : memref<!tpu.dma_semaphore, #tpu.memory_space<semaphore_mem>>
      %dma_start3A_182 = arith.constant 0 : i32
      %dma_start3A_183 = tpu.memref_slice %arg14[%add3A_54, %dma_start3A_182] : memref<10112x128xf32, #tpu.memory_space<vmem_shared>> -> memref<16x128xf32, #tpu.memory_space<vmem_shared>>
      %dma_start3A_184 = arith.constant 0 : i32
      %dma_start3A_185 = tpu.memref_slice %arg14[%add3A_54, %dma_start3A_184] : memref<10112x128xf32, #tpu.memory_space<vmem_shared>> -> memref<16x128xf32, #tpu.memory_space<vmem_shared>>
      tpu.enqueue_dma source(%arg9 : memref<16x128xf32, #tpu.memory_space<vmem>>) target(%dma_start3A_185 : memref<16x128xf32, #tpu.memory_space<vmem_shared>>) target_semaphore(%run_scoped3A : memref<!tpu.dma_semaphore, #tpu.memory_space<semaphore_mem>>)
      %dma_wait3A_186 = arith.constant 0 : i32
      %dma_wait3A_187 = tpu.memref_slice %arg14[%add3A_54, %dma_wait3A_186] : memref<10112x128xf32, #tpu.memory_space<vmem_shared>> -> memref<16x128xf32, #tpu.memory_space<vmem_shared>>
      %dma_wait3A_188 = arith.constant 0 : i32
      %dma_wait3A_189 = tpu.memref_slice %arg14[%add3A_54, %dma_wait3A_188] : memref<10112x128xf32, #tpu.memory_space<vmem_shared>> -> memref<16x128xf32, #tpu.memory_space<vmem_shared>>
      tpu.wait_dma2 semaphore(%run_scoped3A : memref<!tpu.dma_semaphore, #tpu.memory_space<semaphore_mem>>) src(%arg9 : memref<16x128xf32, #tpu.memory_space<vmem>>) dst(%dma_wait3A_189 : memref<16x128xf32, #tpu.memory_space<vmem_shared>>)
      tpu.yield
    }) : () -> ()
    %add3A_55 = arith.constant 336 : i32
    %add3A_56 = arith.addi %multiple_of3A, %add3A_55 : i32
    "tpu.region"() ({
      %run_scoped3A = tpu.sem_alloc : memref<!tpu.dma_semaphore, #tpu.memory_space<semaphore_mem>>
      %dma_start3A_182 = arith.constant 0 : i32
      %dma_start3A_183 = tpu.memref_slice %arg14[%add3A_56, %dma_start3A_182] : memref<10112x128xf32, #tpu.memory_space<vmem_shared>> -> memref<16x128xf32, #tpu.memory_space<vmem_shared>>
      %dma_start3A_184 = arith.constant 0 : i32
      %dma_start3A_185 = tpu.memref_slice %arg14[%add3A_56, %dma_start3A_184] : memref<10112x128xf32, #tpu.memory_space<vmem_shared>> -> memref<16x128xf32, #tpu.memory_space<vmem_shared>>
      tpu.enqueue_dma source(%arg9 : memref<16x128xf32, #tpu.memory_space<vmem>>) target(%dma_start3A_185 : memref<16x128xf32, #tpu.memory_space<vmem_shared>>) target_semaphore(%run_scoped3A : memref<!tpu.dma_semaphore, #tpu.memory_space<semaphore_mem>>)
      %dma_wait3A_186 = arith.constant 0 : i32
      %dma_wait3A_187 = tpu.memref_slice %arg14[%add3A_56, %dma_wait3A_186] : memref<10112x128xf32, #tpu.memory_space<vmem_shared>> -> memref<16x128xf32, #tpu.memory_space<vmem_shared>>
      %dma_wait3A_188 = arith.constant 0 : i32
      %dma_wait3A_189 = tpu.memref_slice %arg14[%add3A_56, %dma_wait3A_188] : memref<10112x128xf32, #tpu.memory_space<vmem_shared>> -> memref<16x128xf32, #tpu.memory_space<vmem_shared>>
      tpu.wait_dma2 semaphore(%run_scoped3A : memref<!tpu.dma_semaphore, #tpu.memory_space<semaphore_mem>>) src(%arg9 : memref<16x128xf32, #tpu.memory_space<vmem>>) dst(%dma_wait3A_189 : memref<16x128xf32, #tpu.memory_space<vmem_shared>>)
      tpu.yield
    }) : () -> ()
    %add3A_57 = arith.constant 352 : i32
    %add3A_58 = arith.addi %multiple_of3A, %add3A_57 : i32
    "tpu.region"() ({
      %run_scoped3A = tpu.sem_alloc : memref<!tpu.dma_semaphore, #tpu.memory_space<semaphore_mem>>
      %dma_start3A_182 = arith.constant 0 : i32
      %dma_start3A_183 = tpu.memref_slice %arg14[%add3A_58, %dma_start3A_182] : memref<10112x128xf32, #tpu.memory_space<vmem_shared>> -> memref<16x128xf32, #tpu.memory_space<vmem_shared>>
      %dma_start3A_184 = arith.constant 0 : i32
      %dma_start3A_185 = tpu.memref_slice %arg14[%add3A_58, %dma_start3A_184] : memref<10112x128xf32, #tpu.memory_space<vmem_shared>> -> memref<16x128xf32, #tpu.memory_space<vmem_shared>>
      tpu.enqueue_dma source(%arg9 : memref<16x128xf32, #tpu.memory_space<vmem>>) target(%dma_start3A_185 : memref<16x128xf32, #tpu.memory_space<vmem_shared>>) target_semaphore(%run_scoped3A : memref<!tpu.dma_semaphore, #tpu.memory_space<semaphore_mem>>)
      %dma_wait3A_186 = arith.constant 0 : i32
      %dma_wait3A_187 = tpu.memref_slice %arg14[%add3A_58, %dma_wait3A_186] : memref<10112x128xf32, #tpu.memory_space<vmem_shared>> -> memref<16x128xf32, #tpu.memory_space<vmem_shared>>
      %dma_wait3A_188 = arith.constant 0 : i32
      %dma_wait3A_189 = tpu.memref_slice %arg14[%add3A_58, %dma_wait3A_188] : memref<10112x128xf32, #tpu.memory_space<vmem_shared>> -> memref<16x128xf32, #tpu.memory_space<vmem_shared>>
      tpu.wait_dma2 semaphore(%run_scoped3A : memref<!tpu.dma_semaphore, #tpu.memory_space<semaphore_mem>>) src(%arg9 : memref<16x128xf32, #tpu.memory_space<vmem>>) dst(%dma_wait3A_189 : memref<16x128xf32, #tpu.memory_space<vmem_shared>>)
      tpu.yield
    }) : () -> ()
    %add3A_59 = arith.constant 368 : i32
    %add3A_60 = arith.addi %multiple_of3A, %add3A_59 : i32
    "tpu.region"() ({
      %run_scoped3A = tpu.sem_alloc : memref<!tpu.dma_semaphore, #tpu.memory_space<semaphore_mem>>
      %dma_start3A_182 = arith.constant 0 : i32
      %dma_start3A_183 = tpu.memref_slice %arg14[%add3A_60, %dma_start3A_182] : memref<10112x128xf32, #tpu.memory_space<vmem_shared>> -> memref<16x128xf32, #tpu.memory_space<vmem_shared>>
      %dma_start3A_184 = arith.constant 0 : i32
      %dma_start3A_185 = tpu.memref_slice %arg14[%add3A_60, %dma_start3A_184] : memref<10112x128xf32, #tpu.memory_space<vmem_shared>> -> memref<16x128xf32, #tpu.memory_space<vmem_shared>>
      tpu.enqueue_dma source(%arg9 : memref<16x128xf32, #tpu.memory_space<vmem>>) target(%dma_start3A_185 : memref<16x128xf32, #tpu.memory_space<vmem_shared>>) target_semaphore(%run_scoped3A : memref<!tpu.dma_semaphore, #tpu.memory_space<semaphore_mem>>)
      %dma_wait3A_186 = arith.constant 0 : i32
      %dma_wait3A_187 = tpu.memref_slice %arg14[%add3A_60, %dma_wait3A_186] : memref<10112x128xf32, #tpu.memory_space<vmem_shared>> -> memref<16x128xf32, #tpu.memory_space<vmem_shared>>
      %dma_wait3A_188 = arith.constant 0 : i32
      %dma_wait3A_189 = tpu.memref_slice %arg14[%add3A_60, %dma_wait3A_188] : memref<10112x128xf32, #tpu.memory_space<vmem_shared>> -> memref<16x128xf32, #tpu.memory_space<vmem_shared>>
      tpu.wait_dma2 semaphore(%run_scoped3A : memref<!tpu.dma_semaphore, #tpu.memory_space<semaphore_mem>>) src(%arg9 : memref<16x128xf32, #tpu.memory_space<vmem>>) dst(%dma_wait3A_189 : memref<16x128xf32, #tpu.memory_space<vmem_shared>>)
      tpu.yield
    }) : () -> ()
    %add3A_61 = arith.constant 384 : i32
    %add3A_62 = arith.addi %multiple_of3A, %add3A_61 : i32
    "tpu.region"() ({
      %run_scoped3A = tpu.sem_alloc : memref<!tpu.dma_semaphore, #tpu.memory_space<semaphore_mem>>
      %dma_start3A_182 = arith.constant 0 : i32
      %dma_start3A_183 = tpu.memref_slice %arg14[%add3A_62, %dma_start3A_182] : memref<10112x128xf32, #tpu.memory_space<vmem_shared>> -> memref<16x128xf32, #tpu.memory_space<vmem_shared>>
      %dma_start3A_184 = arith.constant 0 : i32
      %dma_start3A_185 = tpu.memref_slice %arg14[%add3A_62, %dma_start3A_184] : memref<10112x128xf32, #tpu.memory_space<vmem_shared>> -> memref<16x128xf32, #tpu.memory_space<vmem_shared>>
      tpu.enqueue_dma source(%arg9 : memref<16x128xf32, #tpu.memory_space<vmem>>) target(%dma_start3A_185 : memref<16x128xf32, #tpu.memory_space<vmem_shared>>) target_semaphore(%run_scoped3A : memref<!tpu.dma_semaphore, #tpu.memory_space<semaphore_mem>>)
      %dma_wait3A_186 = arith.constant 0 : i32
      %dma_wait3A_187 = tpu.memref_slice %arg14[%add3A_62, %dma_wait3A_186] : memref<10112x128xf32, #tpu.memory_space<vmem_shared>> -> memref<16x128xf32, #tpu.memory_space<vmem_shared>>
      %dma_wait3A_188 = arith.constant 0 : i32
      %dma_wait3A_189 = tpu.memref_slice %arg14[%add3A_62, %dma_wait3A_188] : memref<10112x128xf32, #tpu.memory_space<vmem_shared>> -> memref<16x128xf32, #tpu.memory_space<vmem_shared>>
      tpu.wait_dma2 semaphore(%run_scoped3A : memref<!tpu.dma_semaphore, #tpu.memory_space<semaphore_mem>>) src(%arg9 : memref<16x128xf32, #tpu.memory_space<vmem>>) dst(%dma_wait3A_189 : memref<16x128xf32, #tpu.memory_space<vmem_shared>>)
      tpu.yield
    }) : () -> ()
    %add3A_63 = arith.constant 400 : i32
    %add3A_64 = arith.addi %multiple_of3A, %add3A_63 : i32
    "tpu.region"() ({
      %run_scoped3A = tpu.sem_alloc : memref<!tpu.dma_semaphore, #tpu.memory_space<semaphore_mem>>
      %dma_start3A_182 = arith.constant 0 : i32
      %dma_start3A_183 = tpu.memref_slice %arg14[%add3A_64, %dma_start3A_182] : memref<10112x128xf32, #tpu.memory_space<vmem_shared>> -> memref<16x128xf32, #tpu.memory_space<vmem_shared>>
      %dma_start3A_184 = arith.constant 0 : i32
      %dma_start3A_185 = tpu.memref_slice %arg14[%add3A_64, %dma_start3A_184] : memref<10112x128xf32, #tpu.memory_space<vmem_shared>> -> memref<16x128xf32, #tpu.memory_space<vmem_shared>>
      tpu.enqueue_dma source(%arg9 : memref<16x128xf32, #tpu.memory_space<vmem>>) target(%dma_start3A_185 : memref<16x128xf32, #tpu.memory_space<vmem_shared>>) target_semaphore(%run_scoped3A : memref<!tpu.dma_semaphore, #tpu.memory_space<semaphore_mem>>)
      %dma_wait3A_186 = arith.constant 0 : i32
      %dma_wait3A_187 = tpu.memref_slice %arg14[%add3A_64, %dma_wait3A_186] : memref<10112x128xf32, #tpu.memory_space<vmem_shared>> -> memref<16x128xf32, #tpu.memory_space<vmem_shared>>
      %dma_wait3A_188 = arith.constant 0 : i32
      %dma_wait3A_189 = tpu.memref_slice %arg14[%add3A_64, %dma_wait3A_188] : memref<10112x128xf32, #tpu.memory_space<vmem_shared>> -> memref<16x128xf32, #tpu.memory_space<vmem_shared>>
      tpu.wait_dma2 semaphore(%run_scoped3A : memref<!tpu.dma_semaphore, #tpu.memory_space<semaphore_mem>>) src(%arg9 : memref<16x128xf32, #tpu.memory_space<vmem>>) dst(%dma_wait3A_189 : memref<16x128xf32, #tpu.memory_space<vmem_shared>>)
      tpu.yield
    }) : () -> ()
    %add3A_65 = arith.constant 416 : i32
    %add3A_66 = arith.addi %multiple_of3A, %add3A_65 : i32
    "tpu.region"() ({
      %run_scoped3A = tpu.sem_alloc : memref<!tpu.dma_semaphore, #tpu.memory_space<semaphore_mem>>
      %dma_start3A_182 = arith.constant 0 : i32
      %dma_start3A_183 = tpu.memref_slice %arg14[%add3A_66, %dma_start3A_182] : memref<10112x128xf32, #tpu.memory_space<vmem_shared>> -> memref<16x128xf32, #tpu.memory_space<vmem_shared>>
      %dma_start3A_184 = arith.constant 0 : i32
      %dma_start3A_185 = tpu.memref_slice %arg14[%add3A_66, %dma_start3A_184] : memref<10112x128xf32, #tpu.memory_space<vmem_shared>> -> memref<16x128xf32, #tpu.memory_space<vmem_shared>>
      tpu.enqueue_dma source(%arg9 : memref<16x128xf32, #tpu.memory_space<vmem>>) target(%dma_start3A_185 : memref<16x128xf32, #tpu.memory_space<vmem_shared>>) target_semaphore(%run_scoped3A : memref<!tpu.dma_semaphore, #tpu.memory_space<semaphore_mem>>)
      %dma_wait3A_186 = arith.constant 0 : i32
      %dma_wait3A_187 = tpu.memref_slice %arg14[%add3A_66, %dma_wait3A_186] : memref<10112x128xf32, #tpu.memory_space<vmem_shared>> -> memref<16x128xf32, #tpu.memory_space<vmem_shared>>
      %dma_wait3A_188 = arith.constant 0 : i32
      %dma_wait3A_189 = tpu.memref_slice %arg14[%add3A_66, %dma_wait3A_188] : memref<10112x128xf32, #tpu.memory_space<vmem_shared>> -> memref<16x128xf32, #tpu.memory_space<vmem_shared>>
      tpu.wait_dma2 semaphore(%run_scoped3A : memref<!tpu.dma_semaphore, #tpu.memory_space<semaphore_mem>>) src(%arg9 : memref<16x128xf32, #tpu.memory_space<vmem>>) dst(%dma_wait3A_189 : memref<16x128xf32, #tpu.memory_space<vmem_shared>>)
      tpu.yield
    }) : () -> ()
    %add3A_67 = arith.constant 432 : i32
    %add3A_68 = arith.addi %multiple_of3A, %add3A_67 : i32
    "tpu.region"() ({
      %run_scoped3A = tpu.sem_alloc : memref<!tpu.dma_semaphore, #tpu.memory_space<semaphore_mem>>
      %dma_start3A_182 = arith.constant 0 : i32
      %dma_start3A_183 = tpu.memref_slice %arg14[%add3A_68, %dma_start3A_182] : memref<10112x128xf32, #tpu.memory_space<vmem_shared>> -> memref<16x128xf32, #tpu.memory_space<vmem_shared>>
      %dma_start3A_184 = arith.constant 0 : i32
      %dma_start3A_185 = tpu.memref_slice %arg14[%add3A_68, %dma_start3A_184] : memref<10112x128xf32, #tpu.memory_space<vmem_shared>> -> memref<16x128xf32, #tpu.memory_space<vmem_shared>>
      tpu.enqueue_dma source(%arg9 : memref<16x128xf32, #tpu.memory_space<vmem>>) target(%dma_start3A_185 : memref<16x128xf32, #tpu.memory_space<vmem_shared>>) target_semaphore(%run_scoped3A : memref<!tpu.dma_semaphore, #tpu.memory_space<semaphore_mem>>)
      %dma_wait3A_186 = arith.constant 0 : i32
      %dma_wait3A_187 = tpu.memref_slice %arg14[%add3A_68, %dma_wait3A_186] : memref<10112x128xf32, #tpu.memory_space<vmem_shared>> -> memref<16x128xf32, #tpu.memory_space<vmem_shared>>
      %dma_wait3A_188 = arith.constant 0 : i32
      %dma_wait3A_189 = tpu.memref_slice %arg14[%add3A_68, %dma_wait3A_188] : memref<10112x128xf32, #tpu.memory_space<vmem_shared>> -> memref<16x128xf32, #tpu.memory_space<vmem_shared>>
      tpu.wait_dma2 semaphore(%run_scoped3A : memref<!tpu.dma_semaphore, #tpu.memory_space<semaphore_mem>>) src(%arg9 : memref<16x128xf32, #tpu.memory_space<vmem>>) dst(%dma_wait3A_189 : memref<16x128xf32, #tpu.memory_space<vmem_shared>>)
      tpu.yield
    }) : () -> ()
    %add3A_69 = arith.constant 448 : i32
    %add3A_70 = arith.addi %multiple_of3A, %add3A_69 : i32
    "tpu.region"() ({
      %run_scoped3A = tpu.sem_alloc : memref<!tpu.dma_semaphore, #tpu.memory_space<semaphore_mem>>
      %dma_start3A_182 = arith.constant 0 : i32
      %dma_start3A_183 = tpu.memref_slice %arg14[%add3A_70, %dma_start3A_182] : memref<10112x128xf32, #tpu.memory_space<vmem_shared>> -> memref<16x128xf32, #tpu.memory_space<vmem_shared>>
      %dma_start3A_184 = arith.constant 0 : i32
      %dma_start3A_185 = tpu.memref_slice %arg14[%add3A_70, %dma_start3A_184] : memref<10112x128xf32, #tpu.memory_space<vmem_shared>> -> memref<16x128xf32, #tpu.memory_space<vmem_shared>>
      tpu.enqueue_dma source(%arg9 : memref<16x128xf32, #tpu.memory_space<vmem>>) target(%dma_start3A_185 : memref<16x128xf32, #tpu.memory_space<vmem_shared>>) target_semaphore(%run_scoped3A : memref<!tpu.dma_semaphore, #tpu.memory_space<semaphore_mem>>)
      %dma_wait3A_186 = arith.constant 0 : i32
      %dma_wait3A_187 = tpu.memref_slice %arg14[%add3A_70, %dma_wait3A_186] : memref<10112x128xf32, #tpu.memory_space<vmem_shared>> -> memref<16x128xf32, #tpu.memory_space<vmem_shared>>
      %dma_wait3A_188 = arith.constant 0 : i32
      %dma_wait3A_189 = tpu.memref_slice %arg14[%add3A_70, %dma_wait3A_188] : memref<10112x128xf32, #tpu.memory_space<vmem_shared>> -> memref<16x128xf32, #tpu.memory_space<vmem_shared>>
      tpu.wait_dma2 semaphore(%run_scoped3A : memref<!tpu.dma_semaphore, #tpu.memory_space<semaphore_mem>>) src(%arg9 : memref<16x128xf32, #tpu.memory_space<vmem>>) dst(%dma_wait3A_189 : memref<16x128xf32, #tpu.memory_space<vmem_shared>>)
      tpu.yield
    }) : () -> ()
    %add3A_71 = arith.constant 464 : i32
    %add3A_72 = arith.addi %multiple_of3A, %add3A_71 : i32
    "tpu.region"() ({
      %run_scoped3A = tpu.sem_alloc : memref<!tpu.dma_semaphore, #tpu.memory_space<semaphore_mem>>
      %dma_start3A_182 = arith.constant 0 : i32
      %dma_start3A_183 = tpu.memref_slice %arg14[%add3A_72, %dma_start3A_182] : memref<10112x128xf32, #tpu.memory_space<vmem_shared>> -> memref<16x128xf32, #tpu.memory_space<vmem_shared>>
      %dma_start3A_184 = arith.constant 0 : i32
      %dma_start3A_185 = tpu.memref_slice %arg14[%add3A_72, %dma_start3A_184] : memref<10112x128xf32, #tpu.memory_space<vmem_shared>> -> memref<16x128xf32, #tpu.memory_space<vmem_shared>>
      tpu.enqueue_dma source(%arg9 : memref<16x128xf32, #tpu.memory_space<vmem>>) target(%dma_start3A_185 : memref<16x128xf32, #tpu.memory_space<vmem_shared>>) target_semaphore(%run_scoped3A : memref<!tpu.dma_semaphore, #tpu.memory_space<semaphore_mem>>)
      %dma_wait3A_186 = arith.constant 0 : i32
      %dma_wait3A_187 = tpu.memref_slice %arg14[%add3A_72, %dma_wait3A_186] : memref<10112x128xf32, #tpu.memory_space<vmem_shared>> -> memref<16x128xf32, #tpu.memory_space<vmem_shared>>
      %dma_wait3A_188 = arith.constant 0 : i32
      %dma_wait3A_189 = tpu.memref_slice %arg14[%add3A_72, %dma_wait3A_188] : memref<10112x128xf32, #tpu.memory_space<vmem_shared>> -> memref<16x128xf32, #tpu.memory_space<vmem_shared>>
      tpu.wait_dma2 semaphore(%run_scoped3A : memref<!tpu.dma_semaphore, #tpu.memory_space<semaphore_mem>>) src(%arg9 : memref<16x128xf32, #tpu.memory_space<vmem>>) dst(%dma_wait3A_189 : memref<16x128xf32, #tpu.memory_space<vmem_shared>>)
      tpu.yield
    }) : () -> ()
    %add3A_73 = arith.constant 480 : i32
    %add3A_74 = arith.addi %multiple_of3A, %add3A_73 : i32
    "tpu.region"() ({
      %run_scoped3A = tpu.sem_alloc : memref<!tpu.dma_semaphore, #tpu.memory_space<semaphore_mem>>
      %dma_start3A_182 = arith.constant 0 : i32
      %dma_start3A_183 = tpu.memref_slice %arg14[%add3A_74, %dma_start3A_182] : memref<10112x128xf32, #tpu.memory_space<vmem_shared>> -> memref<16x128xf32, #tpu.memory_space<vmem_shared>>
      %dma_start3A_184 = arith.constant 0 : i32
      %dma_start3A_185 = tpu.memref_slice %arg14[%add3A_74, %dma_start3A_184] : memref<10112x128xf32, #tpu.memory_space<vmem_shared>> -> memref<16x128xf32, #tpu.memory_space<vmem_shared>>
      tpu.enqueue_dma source(%arg9 : memref<16x128xf32, #tpu.memory_space<vmem>>) target(%dma_start3A_185 : memref<16x128xf32, #tpu.memory_space<vmem_shared>>) target_semaphore(%run_scoped3A : memref<!tpu.dma_semaphore, #tpu.memory_space<semaphore_mem>>)
      %dma_wait3A_186 = arith.constant 0 : i32
      %dma_wait3A_187 = tpu.memref_slice %arg14[%add3A_74, %dma_wait3A_186] : memref<10112x128xf32, #tpu.memory_space<vmem_shared>> -> memref<16x128xf32, #tpu.memory_space<vmem_shared>>
      %dma_wait3A_188 = arith.constant 0 : i32
      %dma_wait3A_189 = tpu.memref_slice %arg14[%add3A_74, %dma_wait3A_188] : memref<10112x128xf32, #tpu.memory_space<vmem_shared>> -> memref<16x128xf32, #tpu.memory_space<vmem_shared>>
      tpu.wait_dma2 semaphore(%run_scoped3A : memref<!tpu.dma_semaphore, #tpu.memory_space<semaphore_mem>>) src(%arg9 : memref<16x128xf32, #tpu.memory_space<vmem>>) dst(%dma_wait3A_189 : memref<16x128xf32, #tpu.memory_space<vmem_shared>>)
      tpu.yield
    }) : () -> ()
    %add3A_75 = arith.constant 496 : i32
    %add3A_76 = arith.addi %multiple_of3A, %add3A_75 : i32
    "tpu.region"() ({
      %run_scoped3A = tpu.sem_alloc : memref<!tpu.dma_semaphore, #tpu.memory_space<semaphore_mem>>
      %dma_start3A_182 = arith.constant 0 : i32
      %dma_start3A_183 = tpu.memref_slice %arg14[%add3A_76, %dma_start3A_182] : memref<10112x128xf32, #tpu.memory_space<vmem_shared>> -> memref<16x128xf32, #tpu.memory_space<vmem_shared>>
      %dma_start3A_184 = arith.constant 0 : i32
      %dma_start3A_185 = tpu.memref_slice %arg14[%add3A_76, %dma_start3A_184] : memref<10112x128xf32, #tpu.memory_space<vmem_shared>> -> memref<16x128xf32, #tpu.memory_space<vmem_shared>>
      tpu.enqueue_dma source(%arg9 : memref<16x128xf32, #tpu.memory_space<vmem>>) target(%dma_start3A_185 : memref<16x128xf32, #tpu.memory_space<vmem_shared>>) target_semaphore(%run_scoped3A : memref<!tpu.dma_semaphore, #tpu.memory_space<semaphore_mem>>)
      %dma_wait3A_186 = arith.constant 0 : i32
      %dma_wait3A_187 = tpu.memref_slice %arg14[%add3A_76, %dma_wait3A_186] : memref<10112x128xf32, #tpu.memory_space<vmem_shared>> -> memref<16x128xf32, #tpu.memory_space<vmem_shared>>
      %dma_wait3A_188 = arith.constant 0 : i32
      %dma_wait3A_189 = tpu.memref_slice %arg14[%add3A_76, %dma_wait3A_188] : memref<10112x128xf32, #tpu.memory_space<vmem_shared>> -> memref<16x128xf32, #tpu.memory_space<vmem_shared>>
      tpu.wait_dma2 semaphore(%run_scoped3A : memref<!tpu.dma_semaphore, #tpu.memory_space<semaphore_mem>>) src(%arg9 : memref<16x128xf32, #tpu.memory_space<vmem>>) dst(%dma_wait3A_189 : memref<16x128xf32, #tpu.memory_space<vmem_shared>>)
      tpu.yield
    }) : () -> ()
    %add3A_77 = arith.constant 512 : i32
    %add3A_78 = arith.addi %multiple_of3A, %add3A_77 : i32
    "tpu.region"() ({
      %run_scoped3A = tpu.sem_alloc : memref<!tpu.dma_semaphore, #tpu.memory_space<semaphore_mem>>
      %dma_start3A_182 = arith.constant 0 : i32
      %dma_start3A_183 = tpu.memref_slice %arg14[%add3A_78, %dma_start3A_182] : memref<10112x128xf32, #tpu.memory_space<vmem_shared>> -> memref<16x128xf32, #tpu.memory_space<vmem_shared>>
      %dma_start3A_184 = arith.constant 0 : i32
      %dma_start3A_185 = tpu.memref_slice %arg14[%add3A_78, %dma_start3A_184] : memref<10112x128xf32, #tpu.memory_space<vmem_shared>> -> memref<16x128xf32, #tpu.memory_space<vmem_shared>>
      tpu.enqueue_dma source(%arg9 : memref<16x128xf32, #tpu.memory_space<vmem>>) target(%dma_start3A_185 : memref<16x128xf32, #tpu.memory_space<vmem_shared>>) target_semaphore(%run_scoped3A : memref<!tpu.dma_semaphore, #tpu.memory_space<semaphore_mem>>)
      %dma_wait3A_186 = arith.constant 0 : i32
      %dma_wait3A_187 = tpu.memref_slice %arg14[%add3A_78, %dma_wait3A_186] : memref<10112x128xf32, #tpu.memory_space<vmem_shared>> -> memref<16x128xf32, #tpu.memory_space<vmem_shared>>
      %dma_wait3A_188 = arith.constant 0 : i32
      %dma_wait3A_189 = tpu.memref_slice %arg14[%add3A_78, %dma_wait3A_188] : memref<10112x128xf32, #tpu.memory_space<vmem_shared>> -> memref<16x128xf32, #tpu.memory_space<vmem_shared>>
      tpu.wait_dma2 semaphore(%run_scoped3A : memref<!tpu.dma_semaphore, #tpu.memory_space<semaphore_mem>>) src(%arg9 : memref<16x128xf32, #tpu.memory_space<vmem>>) dst(%dma_wait3A_189 : memref<16x128xf32, #tpu.memory_space<vmem_shared>>)
      tpu.yield
    }) : () -> ()
    %add3A_79 = arith.constant 528 : i32
    %add3A_80 = arith.addi %multiple_of3A, %add3A_79 : i32
    "tpu.region"() ({
      %run_scoped3A = tpu.sem_alloc : memref<!tpu.dma_semaphore, #tpu.memory_space<semaphore_mem>>
      %dma_start3A_182 = arith.constant 0 : i32
      %dma_start3A_183 = tpu.memref_slice %arg14[%add3A_80, %dma_start3A_182] : memref<10112x128xf32, #tpu.memory_space<vmem_shared>> -> memref<16x128xf32, #tpu.memory_space<vmem_shared>>
      %dma_start3A_184 = arith.constant 0 : i32
      %dma_start3A_185 = tpu.memref_slice %arg14[%add3A_80, %dma_start3A_184] : memref<10112x128xf32, #tpu.memory_space<vmem_shared>> -> memref<16x128xf32, #tpu.memory_space<vmem_shared>>
      tpu.enqueue_dma source(%arg9 : memref<16x128xf32, #tpu.memory_space<vmem>>) target(%dma_start3A_185 : memref<16x128xf32, #tpu.memory_space<vmem_shared>>) target_semaphore(%run_scoped3A : memref<!tpu.dma_semaphore, #tpu.memory_space<semaphore_mem>>)
      %dma_wait3A_186 = arith.constant 0 : i32
      %dma_wait3A_187 = tpu.memref_slice %arg14[%add3A_80, %dma_wait3A_186] : memref<10112x128xf32, #tpu.memory_space<vmem_shared>> -> memref<16x128xf32, #tpu.memory_space<vmem_shared>>
      %dma_wait3A_188 = arith.constant 0 : i32
      %dma_wait3A_189 = tpu.memref_slice %arg14[%add3A_80, %dma_wait3A_188] : memref<10112x128xf32, #tpu.memory_space<vmem_shared>> -> memref<16x128xf32, #tpu.memory_space<vmem_shared>>
      tpu.wait_dma2 semaphore(%run_scoped3A : memref<!tpu.dma_semaphore, #tpu.memory_space<semaphore_mem>>) src(%arg9 : memref<16x128xf32, #tpu.memory_space<vmem>>) dst(%dma_wait3A_189 : memref<16x128xf32, #tpu.memory_space<vmem_shared>>)
      tpu.yield
    }) : () -> ()
    %add3A_81 = arith.constant 544 : i32
    %add3A_82 = arith.addi %multiple_of3A, %add3A_81 : i32
    "tpu.region"() ({
      %run_scoped3A = tpu.sem_alloc : memref<!tpu.dma_semaphore, #tpu.memory_space<semaphore_mem>>
      %dma_start3A_182 = arith.constant 0 : i32
      %dma_start3A_183 = tpu.memref_slice %arg14[%add3A_82, %dma_start3A_182] : memref<10112x128xf32, #tpu.memory_space<vmem_shared>> -> memref<16x128xf32, #tpu.memory_space<vmem_shared>>
      %dma_start3A_184 = arith.constant 0 : i32
      %dma_start3A_185 = tpu.memref_slice %arg14[%add3A_82, %dma_start3A_184] : memref<10112x128xf32, #tpu.memory_space<vmem_shared>> -> memref<16x128xf32, #tpu.memory_space<vmem_shared>>
      tpu.enqueue_dma source(%arg9 : memref<16x128xf32, #tpu.memory_space<vmem>>) target(%dma_start3A_185 : memref<16x128xf32, #tpu.memory_space<vmem_shared>>) target_semaphore(%run_scoped3A : memref<!tpu.dma_semaphore, #tpu.memory_space<semaphore_mem>>)
      %dma_wait3A_186 = arith.constant 0 : i32
      %dma_wait3A_187 = tpu.memref_slice %arg14[%add3A_82, %dma_wait3A_186] : memref<10112x128xf32, #tpu.memory_space<vmem_shared>> -> memref<16x128xf32, #tpu.memory_space<vmem_shared>>
      %dma_wait3A_188 = arith.constant 0 : i32
      %dma_wait3A_189 = tpu.memref_slice %arg14[%add3A_82, %dma_wait3A_188] : memref<10112x128xf32, #tpu.memory_space<vmem_shared>> -> memref<16x128xf32, #tpu.memory_space<vmem_shared>>
      tpu.wait_dma2 semaphore(%run_scoped3A : memref<!tpu.dma_semaphore, #tpu.memory_space<semaphore_mem>>) src(%arg9 : memref<16x128xf32, #tpu.memory_space<vmem>>) dst(%dma_wait3A_189 : memref<16x128xf32, #tpu.memory_space<vmem_shared>>)
      tpu.yield
    }) : () -> ()
    %add3A_83 = arith.constant 560 : i32
    %add3A_84 = arith.addi %multiple_of3A, %add3A_83 : i32
    "tpu.region"() ({
      %run_scoped3A = tpu.sem_alloc : memref<!tpu.dma_semaphore, #tpu.memory_space<semaphore_mem>>
      %dma_start3A_182 = arith.constant 0 : i32
      %dma_start3A_183 = tpu.memref_slice %arg14[%add3A_84, %dma_start3A_182] : memref<10112x128xf32, #tpu.memory_space<vmem_shared>> -> memref<16x128xf32, #tpu.memory_space<vmem_shared>>
      %dma_start3A_184 = arith.constant 0 : i32
      %dma_start3A_185 = tpu.memref_slice %arg14[%add3A_84, %dma_start3A_184] : memref<10112x128xf32, #tpu.memory_space<vmem_shared>> -> memref<16x128xf32, #tpu.memory_space<vmem_shared>>
      tpu.enqueue_dma source(%arg9 : memref<16x128xf32, #tpu.memory_space<vmem>>) target(%dma_start3A_185 : memref<16x128xf32, #tpu.memory_space<vmem_shared>>) target_semaphore(%run_scoped3A : memref<!tpu.dma_semaphore, #tpu.memory_space<semaphore_mem>>)
      %dma_wait3A_186 = arith.constant 0 : i32
      %dma_wait3A_187 = tpu.memref_slice %arg14[%add3A_84, %dma_wait3A_186] : memref<10112x128xf32, #tpu.memory_space<vmem_shared>> -> memref<16x128xf32, #tpu.memory_space<vmem_shared>>
      %dma_wait3A_188 = arith.constant 0 : i32
      %dma_wait3A_189 = tpu.memref_slice %arg14[%add3A_84, %dma_wait3A_188] : memref<10112x128xf32, #tpu.memory_space<vmem_shared>> -> memref<16x128xf32, #tpu.memory_space<vmem_shared>>
      tpu.wait_dma2 semaphore(%run_scoped3A : memref<!tpu.dma_semaphore, #tpu.memory_space<semaphore_mem>>) src(%arg9 : memref<16x128xf32, #tpu.memory_space<vmem>>) dst(%dma_wait3A_189 : memref<16x128xf32, #tpu.memory_space<vmem_shared>>)
      tpu.yield
    }) : () -> ()
    %add3A_85 = arith.constant 576 : i32
    %add3A_86 = arith.addi %multiple_of3A, %add3A_85 : i32
    "tpu.region"() ({
      %run_scoped3A = tpu.sem_alloc : memref<!tpu.dma_semaphore, #tpu.memory_space<semaphore_mem>>
      %dma_start3A_182 = arith.constant 0 : i32
      %dma_start3A_183 = tpu.memref_slice %arg14[%add3A_86, %dma_start3A_182] : memref<10112x128xf32, #tpu.memory_space<vmem_shared>> -> memref<16x128xf32, #tpu.memory_space<vmem_shared>>
      %dma_start3A_184 = arith.constant 0 : i32
      %dma_start3A_185 = tpu.memref_slice %arg14[%add3A_86, %dma_start3A_184] : memref<10112x128xf32, #tpu.memory_space<vmem_shared>> -> memref<16x128xf32, #tpu.memory_space<vmem_shared>>
      tpu.enqueue_dma source(%arg9 : memref<16x128xf32, #tpu.memory_space<vmem>>) target(%dma_start3A_185 : memref<16x128xf32, #tpu.memory_space<vmem_shared>>) target_semaphore(%run_scoped3A : memref<!tpu.dma_semaphore, #tpu.memory_space<semaphore_mem>>)
      %dma_wait3A_186 = arith.constant 0 : i32
      %dma_wait3A_187 = tpu.memref_slice %arg14[%add3A_86, %dma_wait3A_186] : memref<10112x128xf32, #tpu.memory_space<vmem_shared>> -> memref<16x128xf32, #tpu.memory_space<vmem_shared>>
      %dma_wait3A_188 = arith.constant 0 : i32
      %dma_wait3A_189 = tpu.memref_slice %arg14[%add3A_86, %dma_wait3A_188] : memref<10112x128xf32, #tpu.memory_space<vmem_shared>> -> memref<16x128xf32, #tpu.memory_space<vmem_shared>>
      tpu.wait_dma2 semaphore(%run_scoped3A : memref<!tpu.dma_semaphore, #tpu.memory_space<semaphore_mem>>) src(%arg9 : memref<16x128xf32, #tpu.memory_space<vmem>>) dst(%dma_wait3A_189 : memref<16x128xf32, #tpu.memory_space<vmem_shared>>)
      tpu.yield
    }) : () -> ()
    %add3A_87 = arith.constant 592 : i32
    %add3A_88 = arith.addi %multiple_of3A, %add3A_87 : i32
    "tpu.region"() ({
      %run_scoped3A = tpu.sem_alloc : memref<!tpu.dma_semaphore, #tpu.memory_space<semaphore_mem>>
      %dma_start3A_182 = arith.constant 0 : i32
      %dma_start3A_183 = tpu.memref_slice %arg14[%add3A_88, %dma_start3A_182] : memref<10112x128xf32, #tpu.memory_space<vmem_shared>> -> memref<16x128xf32, #tpu.memory_space<vmem_shared>>
      %dma_start3A_184 = arith.constant 0 : i32
      %dma_start3A_185 = tpu.memref_slice %arg14[%add3A_88, %dma_start3A_184] : memref<10112x128xf32, #tpu.memory_space<vmem_shared>> -> memref<16x128xf32, #tpu.memory_space<vmem_shared>>
      tpu.enqueue_dma source(%arg9 : memref<16x128xf32, #tpu.memory_space<vmem>>) target(%dma_start3A_185 : memref<16x128xf32, #tpu.memory_space<vmem_shared>>) target_semaphore(%run_scoped3A : memref<!tpu.dma_semaphore, #tpu.memory_space<semaphore_mem>>)
      %dma_wait3A_186 = arith.constant 0 : i32
      %dma_wait3A_187 = tpu.memref_slice %arg14[%add3A_88, %dma_wait3A_186] : memref<10112x128xf32, #tpu.memory_space<vmem_shared>> -> memref<16x128xf32, #tpu.memory_space<vmem_shared>>
      %dma_wait3A_188 = arith.constant 0 : i32
      %dma_wait3A_189 = tpu.memref_slice %arg14[%add3A_88, %dma_wait3A_188] : memref<10112x128xf32, #tpu.memory_space<vmem_shared>> -> memref<16x128xf32, #tpu.memory_space<vmem_shared>>
      tpu.wait_dma2 semaphore(%run_scoped3A : memref<!tpu.dma_semaphore, #tpu.memory_space<semaphore_mem>>) src(%arg9 : memref<16x128xf32, #tpu.memory_space<vmem>>) dst(%dma_wait3A_189 : memref<16x128xf32, #tpu.memory_space<vmem_shared>>)
      tpu.yield
    }) : () -> ()
    %add3A_89 = arith.constant 608 : i32
    %add3A_90 = arith.addi %multiple_of3A, %add3A_89 : i32
    "tpu.region"() ({
      %run_scoped3A = tpu.sem_alloc : memref<!tpu.dma_semaphore, #tpu.memory_space<semaphore_mem>>
      %dma_start3A_182 = arith.constant 0 : i32
      %dma_start3A_183 = tpu.memref_slice %arg14[%add3A_90, %dma_start3A_182] : memref<10112x128xf32, #tpu.memory_space<vmem_shared>> -> memref<16x128xf32, #tpu.memory_space<vmem_shared>>
      %dma_start3A_184 = arith.constant 0 : i32
      %dma_start3A_185 = tpu.memref_slice %arg14[%add3A_90, %dma_start3A_184] : memref<10112x128xf32, #tpu.memory_space<vmem_shared>> -> memref<16x128xf32, #tpu.memory_space<vmem_shared>>
      tpu.enqueue_dma source(%arg9 : memref<16x128xf32, #tpu.memory_space<vmem>>) target(%dma_start3A_185 : memref<16x128xf32, #tpu.memory_space<vmem_shared>>) target_semaphore(%run_scoped3A : memref<!tpu.dma_semaphore, #tpu.memory_space<semaphore_mem>>)
      %dma_wait3A_186 = arith.constant 0 : i32
      %dma_wait3A_187 = tpu.memref_slice %arg14[%add3A_90, %dma_wait3A_186] : memref<10112x128xf32, #tpu.memory_space<vmem_shared>> -> memref<16x128xf32, #tpu.memory_space<vmem_shared>>
      %dma_wait3A_188 = arith.constant 0 : i32
      %dma_wait3A_189 = tpu.memref_slice %arg14[%add3A_90, %dma_wait3A_188] : memref<10112x128xf32, #tpu.memory_space<vmem_shared>> -> memref<16x128xf32, #tpu.memory_space<vmem_shared>>
      tpu.wait_dma2 semaphore(%run_scoped3A : memref<!tpu.dma_semaphore, #tpu.memory_space<semaphore_mem>>) src(%arg9 : memref<16x128xf32, #tpu.memory_space<vmem>>) dst(%dma_wait3A_189 : memref<16x128xf32, #tpu.memory_space<vmem_shared>>)
      tpu.yield
    }) : () -> ()
    %add3A_91 = arith.constant 632 : i32
    %add3A_92 = arith.addi %multiple_of3A, %add3A_91 : i32
    %sub3A = arith.constant 8 : i32
    %sub3A_93 = arith.subi %add3A_92, %sub3A : i32
    "tpu.region"() ({
      %run_scoped3A = tpu.sem_alloc : memref<!tpu.dma_semaphore, #tpu.memory_space<semaphore_mem>>
      %dma_start3A_182 = arith.constant 0 : i32
      %dma_start3A_183 = arith.constant 0 : i32
      %dma_start3A_184 = tpu.memref_slice %arg9[%dma_start3A_182, %dma_start3A_183] : memref<16x128xf32, #tpu.memory_space<vmem>> -> memref<8x128xf32, #tpu.memory_space<vmem>>
      %dma_start3A_185 = arith.constant 0 : i32
      %dma_start3A_186 = tpu.memref_slice %arg14[%sub3A_93, %dma_start3A_185] : memref<10112x128xf32, #tpu.memory_space<vmem_shared>> -> memref<8x128xf32, #tpu.memory_space<vmem_shared>>
      %dma_start3A_187 = arith.constant 0 : i32
      %dma_start3A_188 = tpu.memref_slice %arg14[%sub3A_93, %dma_start3A_187] : memref<10112x128xf32, #tpu.memory_space<vmem_shared>> -> memref<8x128xf32, #tpu.memory_space<vmem_shared>>
      %dma_start3A_189 = arith.constant 0 : i32
      %dma_start3A_190 = arith.constant 0 : i32
      %dma_start3A_191 = tpu.memref_slice %arg9[%dma_start3A_189, %dma_start3A_190] : memref<16x128xf32, #tpu.memory_space<vmem>> -> memref<8x128xf32, #tpu.memory_space<vmem>>
      tpu.enqueue_dma source(%dma_start3A_191 : memref<8x128xf32, #tpu.memory_space<vmem>>) target(%dma_start3A_188 : memref<8x128xf32, #tpu.memory_space<vmem_shared>>) target_semaphore(%run_scoped3A : memref<!tpu.dma_semaphore, #tpu.memory_space<semaphore_mem>>)
      %dma_wait3A_192 = arith.constant 0 : i32
      %dma_wait3A_193 = arith.constant 0 : i32
      %dma_wait3A_194 = tpu.memref_slice %arg9[%dma_wait3A_192, %dma_wait3A_193] : memref<16x128xf32, #tpu.memory_space<vmem>> -> memref<8x128xf32, #tpu.memory_space<vmem>>
      %dma_wait3A_195 = arith.constant 0 : i32
      %dma_wait3A_196 = tpu.memref_slice %arg14[%sub3A_93, %dma_wait3A_195] : memref<10112x128xf32, #tpu.memory_space<vmem_shared>> -> memref<8x128xf32, #tpu.memory_space<vmem_shared>>
      %dma_wait3A_197 = arith.constant 0 : i32
      %dma_wait3A_198 = tpu.memref_slice %arg14[%sub3A_93, %dma_wait3A_197] : memref<10112x128xf32, #tpu.memory_space<vmem_shared>> -> memref<8x128xf32, #tpu.memory_space<vmem_shared>>
      %dma_wait3A_199 = arith.constant 0 : i32
      %dma_wait3A_200 = arith.constant 0 : i32
      %dma_wait3A_201 = tpu.memref_slice %arg9[%dma_wait3A_199, %dma_wait3A_200] : memref<16x128xf32, #tpu.memory_space<vmem>> -> memref<8x128xf32, #tpu.memory_space<vmem>>
      tpu.wait_dma2 semaphore(%run_scoped3A : memref<!tpu.dma_semaphore, #tpu.memory_space<semaphore_mem>>) src(%dma_wait3A_201 : memref<8x128xf32, #tpu.memory_space<vmem>>) dst(%dma_wait3A_198 : memref<8x128xf32, #tpu.memory_space<vmem_shared>>)
      tpu.yield
    }) : () -> ()
    %barrier3A = arith.constant 0 : index
    tpu.barrier barrier_id(%barrier3A)
    %add3A_94 = arith.constant 0 : i32
    %add3A_95 = arith.addi %mul3A_5, %add3A_94 : i32
    %dma_start3A = arith.constant 0 : i32
    %dma_start3A_96 = arith.constant 0 : i32
    %dma_start3A_97 = tpu.memref_slice %arg13[%dma_start3A, %dma_start3A_96] : memref<2x128xi32, #tpu.memory_space<vmem>> -> memref<1x128xi32, #tpu.memory_space<vmem>>
    %dma_start3A_98 = tpu.memref_squeeze %dma_start3A_97 : memref<1x128xi32, #tpu.memory_space<vmem>> -> memref<128xi32, #tpu.memory_space<vmem>>
    %dma_start3A_99 = tpu.memref_slice %arg3[%add3A_95] : memref<163840xi32, #tpu.memory_space<hbm>> -> memref<128xi32, #tpu.memory_space<hbm>>
    %dma_start3A_100 = arith.constant 0 : i32
    %dma_start3A_101 = tpu.memref_slice %arg13[%dma_start3A, %dma_start3A_100] : memref<2x128xi32, #tpu.memory_space<vmem>> -> memref<1x128xi32, #tpu.memory_space<vmem>>
    %dma_start3A_102 = tpu.memref_squeeze %dma_start3A_101 : memref<1x128xi32, #tpu.memory_space<vmem>> -> memref<128xi32, #tpu.memory_space<vmem>>
    %dma_start3A_103 = tpu.memref_slice %arg3[%add3A_95] : memref<163840xi32, #tpu.memory_space<hbm>> -> memref<128xi32, #tpu.memory_space<hbm>>
    tpu.enqueue_dma source(%dma_start3A_103 : memref<128xi32, #tpu.memory_space<hbm>>) target(%dma_start3A_102 : memref<128xi32, #tpu.memory_space<vmem>>) target_semaphore(%arg23 : memref<!tpu.dma_semaphore, #tpu.memory_space<semaphore_mem>>)
    %dma_wait3A = arith.constant 0 : i32
    %dma_wait3A_104 = arith.constant 0 : i32
    %dma_wait3A_105 = tpu.memref_slice %arg13[%dma_wait3A, %dma_wait3A_104] : memref<2x128xi32, #tpu.memory_space<vmem>> -> memref<1x128xi32, #tpu.memory_space<vmem>>
    %dma_wait3A_106 = tpu.memref_squeeze %dma_wait3A_105 : memref<1x128xi32, #tpu.memory_space<vmem>> -> memref<128xi32, #tpu.memory_space<vmem>>
    %dma_wait3A_107 = tpu.memref_slice %arg3[%mul3A_5] : memref<163840xi32, #tpu.memory_space<hbm>> -> memref<128xi32, #tpu.memory_space<hbm>>
    %dma_wait3A_108 = arith.constant 0 : i32
    %dma_wait3A_109 = tpu.memref_slice %arg13[%dma_wait3A, %dma_wait3A_108] : memref<2x128xi32, #tpu.memory_space<vmem>> -> memref<1x128xi32, #tpu.memory_space<vmem>>
    %dma_wait3A_110 = tpu.memref_squeeze %dma_wait3A_109 : memref<1x128xi32, #tpu.memory_space<vmem>> -> memref<128xi32, #tpu.memory_space<vmem>>
    %dma_wait3A_111 = tpu.memref_slice %arg3[%mul3A_5] : memref<163840xi32, #tpu.memory_space<hbm>> -> memref<128xi32, #tpu.memory_space<hbm>>
    tpu.wait_dma2 semaphore(%arg23 : memref<!tpu.dma_semaphore, #tpu.memory_space<semaphore_mem>>) src(%dma_wait3A_111 : memref<128xi32, #tpu.memory_space<hbm>>) dst(%dma_wait3A_110 : memref<128xi32, #tpu.memory_space<vmem>>)
    %get3A = arith.constant 0 : i32
    %get3A_112 = arith.index_cast %get3A : i32 to index
    %get3A_113 = arith.constant 0 : index
    %get3A_114 = tpu.vector_load %arg13[%get3A_112, %get3A_113] {strides = array<i32>} : memref<2x128xi32, #tpu.memory_space<vmem>>, vector<16xi32>,
    %and3A = arith.constant 65535 : i32
    %and3A_115 = vector.broadcast %and3A : i32 to vector<16xi32>
    %and3A_116 = arith.andi %get3A_114, %and3A_115 : vector<16xi32>
    %add3A_117 = vector.broadcast %mul3A_7 : i32 to vector<16xi32>
    %add3A_118 = arith.addi %and3A_116, %add3A_117 : vector<16xi32>
    %swap3A = arith.constant 0 : i32
    %swap3A_119 = arith.index_cast %swap3A : i32 to index
    %swap3A_120 = arith.constant 0 : index
    %swap3A_121 = tpu.vector_load %arg5[%swap3A_119, %swap3A_120] {strides = array<i32>} : memref<2x16xi32, #tpu.memory_space<vmem>>, vector<16xi32>,
    tpu.vector_store %arg5[%swap3A_119, %swap3A_120], %add3A_118 {strides = array<i32>} : memref<2x16xi32, #tpu.memory_space<vmem>>, vector<16xi32>,
    %shift_right_logical3A = arith.constant 16 : i32
    %shift_right_logical3A_122 = vector.broadcast %shift_right_logical3A : i32 to vector<16xi32>
    %shift_right_logical3A_123 = arith.shrui %get3A_114, %shift_right_logical3A_122 : vector<16xi32>
    %swap3A_124 = arith.constant 1 : i32
    %swap3A_125 = arith.index_cast %swap3A_124 : i32 to index
    %swap3A_126 = arith.constant 0 : index
    %swap3A_127 = tpu.vector_load %arg5[%swap3A_125, %swap3A_126] {strides = array<i32>} : memref<2x16xi32, #tpu.memory_space<vmem>>, vector<16xi32>,
    tpu.vector_store %arg5[%swap3A_125, %swap3A_126], %shift_right_logical3A_123 {strides = array<i32>} : memref<2x16xi32, #tpu.memory_space<vmem>>, vector<16xi32>,
    %dma_start3A_128 = arith.constant 0 : i32
    %dma_start3A_129 = arith.constant 0 : i32
    %dma_start3A_130 = tpu.memref_slice %arg2[%dma_start3A_128, %dma_start3A_129] : memref<20000x128xf32, #tpu.memory_space<hbm>> -> memref<16x128xf32, #tpu.memory_space<hbm>>
    %dma_start3A_131 = arith.constant 0 : i32
    %dma_start3A_132 = arith.constant 0 : i32
    %dma_start3A_133 = tpu.memref_slice %arg2[%dma_start3A_131, %dma_start3A_132] : memref<20000x128xf32, #tpu.memory_space<hbm>> -> memref<16x128xf32, #tpu.memory_space<hbm>>
    tpu.enqueue_dma source(%dma_start3A_133 : memref<16x128xf32, #tpu.memory_space<hbm>>) target(%arg9 : memref<16x128xf32, #tpu.memory_space<vmem>>) target_semaphore(%arg15 : memref<!tpu.dma_semaphore, #tpu.memory_space<semaphore_mem>>)
    %get3A_134 = arith.constant 0 : i32
    %get3A_135 = arith.index_cast %get3A_134 : i32 to index
    %get3A_136 = arith.constant 16 : index
    %get3A_137 = tpu.vector_load %arg13[%get3A_135, %get3A_136] {strides = array<i32>} : memref<2x128xi32, #tpu.memory_space<vmem>>, vector<16xi32>,
    %and3A_138 = arith.constant 65535 : i32
    %and3A_139 = vector.broadcast %and3A_138 : i32 to vector<16xi32>
    %and3A_140 = arith.andi %get3A_137, %and3A_139 : vector<16xi32>
    %add3A_141 = vector.broadcast %mul3A_7 : i32 to vector<16xi32>
    %add3A_142 = arith.addi %and3A_140, %add3A_141 : vector<16xi32>
    %swap3A_143 = arith.constant 0 : i32
    %swap3A_144 = arith.index_cast %swap3A_143 : i32 to index
    %swap3A_145 = arith.constant 0 : index
    %swap3A_146 = tpu.vector_load %arg6[%swap3A_144, %swap3A_145] {strides = array<i32>} : memref<2x16xi32, #tpu.memory_space<vmem>>, vector<16xi32>,
    tpu.vector_store %arg6[%swap3A_144, %swap3A_145], %add3A_142 {strides = array<i32>} : memref<2x16xi32, #tpu.memory_space<vmem>>, vector<16xi32>,
    %shift_right_logical3A_147 = arith.constant 16 : i32
    %shift_right_logical3A_148 = vector.broadcast %shift_right_logical3A_147 : i32 to vector<16xi32>
    %shift_right_logical3A_149 = arith.shrui %get3A_137, %shift_right_logical3A_148 : vector<16xi32>
    %swap3A_150 = arith.constant 1 : i32
    %swap3A_151 = arith.index_cast %swap3A_150 : i32 to index
    %swap3A_152 = arith.constant 0 : index
    %swap3A_153 = tpu.vector_load %arg6[%swap3A_151, %swap3A_152] {strides = array<i32>} : memref<2x16xi32, #tpu.memory_space<vmem>>, vector<16xi32>,
    tpu.vector_store %arg6[%swap3A_151, %swap3A_152], %shift_right_logical3A_149 {strides = array<i32>} : memref<2x16xi32, #tpu.memory_space<vmem>>, vector<16xi32>,
    %dma_start3A_154 = arith.constant 0 : i32
    %dma_start3A_155 = arith.constant 0 : i32
    %dma_start3A_156 = tpu.memref_slice %arg2[%dma_start3A_154, %dma_start3A_155] : memref<20000x128xf32, #tpu.memory_space<hbm>> -> memref<16x128xf32, #tpu.memory_space<hbm>>
    %dma_start3A_157 = arith.constant 0 : i32
    %dma_start3A_158 = arith.constant 0 : i32
    %dma_start3A_159 = tpu.memref_slice %arg2[%dma_start3A_157, %dma_start3A_158] : memref<20000x128xf32, #tpu.memory_space<hbm>> -> memref<16x128xf32, #tpu.memory_space<hbm>>
    tpu.enqueue_dma source(%dma_start3A_159 : memref<16x128xf32, #tpu.memory_space<hbm>>) target(%arg10 : memref<16x128xf32, #tpu.memory_space<vmem>>) target_semaphore(%arg16 : memref<!tpu.dma_semaphore, #tpu.memory_space<semaphore_mem>>)
    %scan3A_160 = arith.constant 0 : i32
    %scan3A_161 = arith.constant 40 : i32
    %scan3A_162 = arith.addi %scan3A_160, %scan3A_161 : i32
    %scan3A_163 = arith.constant 1 : i32
    scf.for %scan3A_182 = %scan3A_160 to %scan3A_162 step %scan3A_163  : i32 {
      %mul3A_183 = arith.constant 1 : i32
      %mul3A_184 = arith.muli %scan3A_182, %mul3A_183 : i32
      %add3A_185 = arith.constant 0 : i32
      %add3A_186 = arith.addi %add3A_185, %mul3A_184 : i32
      %mul3A_187 = arith.constant 16 : i32
      %mul3A_188 = arith.muli %add3A_186, %mul3A_187 : i32
      %add3A_189 = arith.constant 0 : i32
      %add3A_190 = arith.addi %mul3A_188, %add3A_189 : i32
      %dma_wait3A_191 = arith.constant 0 : i32
      %dma_wait3A_192 = arith.constant 0 : i32
      %dma_wait3A_193 = tpu.memref_slice %arg2[%dma_wait3A_191, %dma_wait3A_192] : memref<20000x128xf32, #tpu.memory_space<hbm>> -> memref<16x128xf32, #tpu.memory_space<hbm>>
      %dma_wait3A_194 = arith.constant 0 : i32
      %dma_wait3A_195 = arith.constant 0 : i32
      %dma_wait3A_196 = tpu.memref_slice %arg2[%dma_wait3A_194, %dma_wait3A_195] : memref<20000x128xf32, #tpu.memory_space<hbm>> -> memref<16x128xf32, #tpu.memory_space<hbm>>
      tpu.wait_dma2 semaphore(%arg15 : memref<!tpu.dma_semaphore, #tpu.memory_space<semaphore_mem>>) src(%dma_wait3A_196 : memref<16x128xf32, #tpu.memory_space<hbm>>) dst(%arg9 : memref<16x128xf32, #tpu.memory_space<vmem>>)
      %dma_start3A_197 = arith.constant 0 : i32
      %dma_start3A_198 = tpu.memref_slice %arg14[%multiple_of3A, %dma_start3A_197] : memref<10112x128xf32, #tpu.memory_space<vmem_shared>> -> memref<16x128xf32, #tpu.memory_space<vmem_shared>>
      %dma_start3A_199 = arith.constant 0 : i32
      %dma_start3A_200 = tpu.memref_slice %arg14[%multiple_of3A, %dma_start3A_199] : memref<10112x128xf32, #tpu.memory_space<vmem_shared>> -> memref<16x128xf32, #tpu.memory_space<vmem_shared>>
      tpu.enqueue_dma source(%arg9 : memref<16x128xf32, #tpu.memory_space<vmem>>) target(%dma_start3A_200 : memref<16x128xf32, #tpu.memory_space<vmem_shared>>) target_semaphore(%arg19 : memref<!tpu.dma_semaphore, #tpu.memory_space<semaphore_mem>>)
      %add3A_201 = arith.constant 8 : i32
      %add3A_202 = arith.addi %add3A_190, %add3A_201 : i32
      %lt3A = arith.constant 640 : i32
      %lt3A_203 = arith.cmpi slt, %add3A_202, %lt3A : i32
      %convert_element_type3A = arith.extui %lt3A_203 : i1 to i32
      %cond3A = arith.constant 0 : i32
      %cond3A_204 = arith.cmpi ne, %convert_element_type3A, %cond3A : i32
      scf.if %cond3A_204 {
        %add3A_504 = arith.constant 8 : i32
        %add3A_505 = arith.addi %add3A_190, %add3A_504 : i32
        %mul3A_506 = arith.constant 16 : i32
        %mul3A_507 = arith.muli %add3A_505, %mul3A_506 : i32
        %add3A_508 = arith.addi %mul3A_5, %mul3A_507 : i32
        %dma_start3A_509 = arith.constant 1 : i32
        %dma_start3A_510 = arith.constant 0 : i32
        %dma_start3A_511 = tpu.memref_slice %arg13[%dma_start3A_509, %dma_start3A_510] : memref<2x128xi32, #tpu.memory_space<vmem>> -> memref<1x128xi32, #tpu.memory_space<vmem>>
        %dma_start3A_512 = tpu.memref_squeeze %dma_start3A_511 : memref<1x128xi32, #tpu.memory_space<vmem>> -> memref<128xi32, #tpu.memory_space<vmem>>
        %dma_start3A_513 = tpu.memref_slice %arg3[%add3A_508] : memref<163840xi32, #tpu.memory_space<hbm>> -> memref<128xi32, #tpu.memory_space<hbm>>
        %dma_start3A_514 = arith.constant 0 : i32
        %dma_start3A_515 = tpu.memref_slice %arg13[%dma_start3A_509, %dma_start3A_514] : memref<2x128xi32, #tpu.memory_space<vmem>> -> memref<1x128xi32, #tpu.memory_space<vmem>>
        %dma_start3A_516 = tpu.memref_squeeze %dma_start3A_515 : memref<1x128xi32, #tpu.memory_space<vmem>> -> memref<128xi32, #tpu.memory_space<vmem>>
        %dma_start3A_517 = tpu.memref_slice %arg3[%add3A_508] : memref<163840xi32, #tpu.memory_space<hbm>> -> memref<128xi32, #tpu.memory_space<hbm>>
        tpu.enqueue_dma source(%dma_start3A_517 : memref<128xi32, #tpu.memory_space<hbm>>) target(%dma_start3A_516 : memref<128xi32, #tpu.memory_space<vmem>>) target_semaphore(%arg24 : memref<!tpu.dma_semaphore, #tpu.memory_space<semaphore_mem>>)
      } else {
      }
      %add3A_205 = arith.constant 2 : i32
      %add3A_206 = arith.addi %add3A_190, %add3A_205 : i32
      %lt3A_207 = arith.constant 640 : i32
      %lt3A_208 = arith.cmpi slt, %add3A_206, %lt3A_207 : i32
      %convert_element_type3A_209 = arith.extui %lt3A_208 : i1 to i32
      %cond3A_210 = arith.constant 0 : i32
      %cond3A_211 = arith.cmpi ne, %convert_element_type3A_209, %cond3A_210 : i32
      scf.if %cond3A_211 {
        %ge3A = arith.constant 2 : i32
        %ge3A_504 = arith.cmpi sge, %add3A_190, %ge3A : i32
        %convert_element_type3A_505 = arith.extui %ge3A_504 : i1 to i32
        %cond3A_506 = arith.constant 0 : i32
        %cond3A_507 = arith.cmpi ne, %convert_element_type3A_505, %cond3A_506 : i32
        scf.if %cond3A_507 {
          %dma_wait3A_534 = arith.constant 0 : i32
          %dma_wait3A_535 = tpu.memref_slice %arg14[%multiple_of3A, %dma_wait3A_534] : memref<10112x128xf32, #tpu.memory_space<vmem_shared>> -> memref<16x128xf32, #tpu.memory_space<vmem_shared>>
          %dma_wait3A_536 = arith.constant 0 : i32
          %dma_wait3A_537 = tpu.memref_slice %arg14[%multiple_of3A, %dma_wait3A_536] : memref<10112x128xf32, #tpu.memory_space<vmem_shared>> -> memref<16x128xf32, #tpu.memory_space<vmem_shared>>
          tpu.wait_dma2 semaphore(%arg21 : memref<!tpu.dma_semaphore, #tpu.memory_space<semaphore_mem>>) src(%arg11 : memref<16x128xf32, #tpu.memory_space<vmem>>) dst(%dma_wait3A_537 : memref<16x128xf32, #tpu.memory_space<vmem_shared>>)
        } else {
        }
        %get3A_508 = arith.constant 0 : i32
        %get3A_509 = arith.index_cast %get3A_508 : i32 to index
        %get3A_510 = arith.constant 32 : index
        %get3A_511 = tpu.vector_load %arg13[%get3A_509, %get3A_510] {strides = array<i32>} : memref<2x128xi32, #tpu.memory_space<vmem>>, vector<16xi32>,
        %and3A_512 = arith.constant 65535 : i32
        %and3A_513 = vector.broadcast %and3A_512 : i32 to vector<16xi32>
        %and3A_514 = arith.andi %get3A_511, %and3A_513 : vector<16xi32>
        %add3A_515 = vector.broadcast %mul3A_7 : i32 to vector<16xi32>
        %add3A_516 = arith.addi %and3A_514, %add3A_515 : vector<16xi32>
        %swap3A_517 = arith.constant 0 : i32
        %swap3A_518 = arith.index_cast %swap3A_517 : i32 to index
        %swap3A_519 = arith.constant 0 : index
        %swap3A_520 = tpu.vector_load %arg7[%swap3A_518, %swap3A_519] {strides = array<i32>} : memref<2x16xi32, #tpu.memory_space<vmem>>, vector<16xi32>,
        tpu.vector_store %arg7[%swap3A_518, %swap3A_519], %add3A_516 {strides = array<i32>} : memref<2x16xi32, #tpu.memory_space<vmem>>, vector<16xi32>,
        %shift_right_logical3A_521 = arith.constant 16 : i32
        %shift_right_logical3A_522 = vector.broadcast %shift_right_logical3A_521 : i32 to vector<16xi32>
        %shift_right_logical3A_523 = arith.shrui %get3A_511, %shift_right_logical3A_522 : vector<16xi32>
        %swap3A_524 = arith.constant 1 : i32
        %swap3A_525 = arith.index_cast %swap3A_524 : i32 to index
        %swap3A_526 = arith.constant 0 : index
        %swap3A_527 = tpu.vector_load %arg7[%swap3A_525, %swap3A_526] {strides = array<i32>} : memref<2x16xi32, #tpu.memory_space<vmem>>, vector<16xi32>,
        tpu.vector_store %arg7[%swap3A_525, %swap3A_526], %shift_right_logical3A_523 {strides = array<i32>} : memref<2x16xi32, #tpu.memory_space<vmem>>, vector<16xi32>,
        %dma_start3A_528 = arith.constant 0 : i32
        %dma_start3A_529 = arith.constant 0 : i32
        %dma_start3A_530 = tpu.memref_slice %arg2[%dma_start3A_528, %dma_start3A_529] : memref<20000x128xf32, #tpu.memory_space<hbm>> -> memref<16x128xf32, #tpu.memory_space<hbm>>
        %dma_start3A_531 = arith.constant 0 : i32
        %dma_start3A_532 = arith.constant 0 : i32
        %dma_start3A_533 = tpu.memref_slice %arg2[%dma_start3A_531, %dma_start3A_532] : memref<20000x128xf32, #tpu.memory_space<hbm>> -> memref<16x128xf32, #tpu.memory_space<hbm>>
        tpu.enqueue_dma source(%dma_start3A_533 : memref<16x128xf32, #tpu.memory_space<hbm>>) target(%arg11 : memref<16x128xf32, #tpu.memory_space<vmem>>) target_semaphore(%arg17 : memref<!tpu.dma_semaphore, #tpu.memory_space<semaphore_mem>>)
      } else {
      }
      %add3A_212 = arith.constant 1 : i32
      %add3A_213 = arith.addi %mul3A_188, %add3A_212 : i32
      %dma_wait3A_214 = arith.constant 0 : i32
      %dma_wait3A_215 = arith.constant 0 : i32
      %dma_wait3A_216 = tpu.memref_slice %arg2[%dma_wait3A_214, %dma_wait3A_215] : memref<20000x128xf32, #tpu.memory_space<hbm>> -> memref<16x128xf32, #tpu.memory_space<hbm>>
      %dma_wait3A_217 = arith.constant 0 : i32
      %dma_wait3A_218 = arith.constant 0 : i32
      %dma_wait3A_219 = tpu.memref_slice %arg2[%dma_wait3A_217, %dma_wait3A_218] : memref<20000x128xf32, #tpu.memory_space<hbm>> -> memref<16x128xf32, #tpu.memory_space<hbm>>
      tpu.wait_dma2 semaphore(%arg16 : memref<!tpu.dma_semaphore, #tpu.memory_space<semaphore_mem>>) src(%dma_wait3A_219 : memref<16x128xf32, #tpu.memory_space<hbm>>) dst(%arg10 : memref<16x128xf32, #tpu.memory_space<vmem>>)
      %dma_start3A_220 = arith.constant 0 : i32
      %dma_start3A_221 = tpu.memref_slice %arg14[%multiple_of3A, %dma_start3A_220] : memref<10112x128xf32, #tpu.memory_space<vmem_shared>> -> memref<16x128xf32, #tpu.memory_space<vmem_shared>>
      %dma_start3A_222 = arith.constant 0 : i32
      %dma_start3A_223 = tpu.memref_slice %arg14[%multiple_of3A, %dma_start3A_222] : memref<10112x128xf32, #tpu.memory_space<vmem_shared>> -> memref<16x128xf32, #tpu.memory_space<vmem_shared>>
      tpu.enqueue_dma source(%arg10 : memref<16x128xf32, #tpu.memory_space<vmem>>) target(%dma_start3A_223 : memref<16x128xf32, #tpu.memory_space<vmem_shared>>) target_semaphore(%arg20 : memref<!tpu.dma_semaphore, #tpu.memory_space<semaphore_mem>>)
      %add3A_224 = arith.constant 2 : i32
      %add3A_225 = arith.addi %add3A_213, %add3A_224 : i32
      %lt3A_226 = arith.constant 640 : i32
      %lt3A_227 = arith.cmpi slt, %add3A_225, %lt3A_226 : i32
      %convert_element_type3A_228 = arith.extui %lt3A_227 : i1 to i32
      %cond3A_229 = arith.constant 0 : i32
      %cond3A_230 = arith.cmpi ne, %convert_element_type3A_228, %cond3A_229 : i32
      scf.if %cond3A_230 {
        %ge3A = arith.constant 2 : i32
        %ge3A_504 = arith.cmpi sge, %add3A_213, %ge3A : i32
        %convert_element_type3A_505 = arith.extui %ge3A_504 : i1 to i32
        %cond3A_506 = arith.constant 0 : i32
        %cond3A_507 = arith.cmpi ne, %convert_element_type3A_505, %cond3A_506 : i32
        scf.if %cond3A_507 {
          %dma_wait3A_534 = arith.constant 0 : i32
          %dma_wait3A_535 = tpu.memref_slice %arg14[%multiple_of3A, %dma_wait3A_534] : memref<10112x128xf32, #tpu.memory_space<vmem_shared>> -> memref<16x128xf32, #tpu.memory_space<vmem_shared>>
          %dma_wait3A_536 = arith.constant 0 : i32
          %dma_wait3A_537 = tpu.memref_slice %arg14[%multiple_of3A, %dma_wait3A_536] : memref<10112x128xf32, #tpu.memory_space<vmem_shared>> -> memref<16x128xf32, #tpu.memory_space<vmem_shared>>
          tpu.wait_dma2 semaphore(%arg22 : memref<!tpu.dma_semaphore, #tpu.memory_space<semaphore_mem>>) src(%arg12 : memref<16x128xf32, #tpu.memory_space<vmem>>) dst(%dma_wait3A_537 : memref<16x128xf32, #tpu.memory_space<vmem_shared>>)
        } else {
        }
        %get3A_508 = arith.constant 0 : i32
        %get3A_509 = arith.index_cast %get3A_508 : i32 to index
        %get3A_510 = arith.constant 48 : index
        %get3A_511 = tpu.vector_load %arg13[%get3A_509, %get3A_510] {strides = array<i32>} : memref<2x128xi32, #tpu.memory_space<vmem>>, vector<16xi32>,
        %and3A_512 = arith.constant 65535 : i32
        %and3A_513 = vector.broadcast %and3A_512 : i32 to vector<16xi32>
        %and3A_514 = arith.andi %get3A_511, %and3A_513 : vector<16xi32>
        %add3A_515 = vector.broadcast %mul3A_7 : i32 to vector<16xi32>
        %add3A_516 = arith.addi %and3A_514, %add3A_515 : vector<16xi32>
        %swap3A_517 = arith.constant 0 : i32
        %swap3A_518 = arith.index_cast %swap3A_517 : i32 to index
        %swap3A_519 = arith.constant 0 : index
        %swap3A_520 = tpu.vector_load %arg8[%swap3A_518, %swap3A_519] {strides = array<i32>} : memref<2x16xi32, #tpu.memory_space<vmem>>, vector<16xi32>,
        tpu.vector_store %arg8[%swap3A_518, %swap3A_519], %add3A_516 {strides = array<i32>} : memref<2x16xi32, #tpu.memory_space<vmem>>, vector<16xi32>,
        %shift_right_logical3A_521 = arith.constant 16 : i32
        %shift_right_logical3A_522 = vector.broadcast %shift_right_logical3A_521 : i32 to vector<16xi32>
        %shift_right_logical3A_523 = arith.shrui %get3A_511, %shift_right_logical3A_522 : vector<16xi32>
        %swap3A_524 = arith.constant 1 : i32
        %swap3A_525 = arith.index_cast %swap3A_524 : i32 to index
        %swap3A_526 = arith.constant 0 : index
        %swap3A_527 = tpu.vector_load %arg8[%swap3A_525, %swap3A_526] {strides = array<i32>} : memref<2x16xi32, #tpu.memory_space<vmem>>, vector<16xi32>,
        tpu.vector_store %arg8[%swap3A_525, %swap3A_526], %shift_right_logical3A_523 {strides = array<i32>} : memref<2x16xi32, #tpu.memory_space<vmem>>, vector<16xi32>,
        %dma_start3A_528 = arith.constant 0 : i32
        %dma_start3A_529 = arith.constant 0 : i32
        %dma_start3A_530 = tpu.memref_slice %arg2[%dma_start3A_528, %dma_start3A_529] : memref<20000x128xf32, #tpu.memory_space<hbm>> -> memref<16x128xf32, #tpu.memory_space<hbm>>
        %dma_start3A_531 = arith.constant 0 : i32
        %dma_start3A_532 = arith.constant 0 : i32
        %dma_start3A_533 = tpu.memref_slice %arg2[%dma_start3A_531, %dma_start3A_532] : memref<20000x128xf32, #tpu.memory_space<hbm>> -> memref<16x128xf32, #tpu.memory_space<hbm>>
        tpu.enqueue_dma source(%dma_start3A_533 : memref<16x128xf32, #tpu.memory_space<hbm>>) target(%arg12 : memref<16x128xf32, #tpu.memory_space<vmem>>) target_semaphore(%arg18 : memref<!tpu.dma_semaphore, #tpu.memory_space<semaphore_mem>>)
      } else {
      }
      %add3A_231 = arith.constant 2 : i32
      %add3A_232 = arith.addi %mul3A_188, %add3A_231 : i32
      %dma_wait3A_233 = arith.constant 0 : i32
      %dma_wait3A_234 = arith.constant 0 : i32
      %dma_wait3A_235 = tpu.memref_slice %arg2[%dma_wait3A_233, %dma_wait3A_234] : memref<20000x128xf32, #tpu.memory_space<hbm>> -> memref<16x128xf32, #tpu.memory_space<hbm>>
      %dma_wait3A_236 = arith.constant 0 : i32
      %dma_wait3A_237 = arith.constant 0 : i32
      %dma_wait3A_238 = tpu.memref_slice %arg2[%dma_wait3A_236, %dma_wait3A_237] : memref<20000x128xf32, #tpu.memory_space<hbm>> -> memref<16x128xf32, #tpu.memory_space<hbm>>
      tpu.wait_dma2 semaphore(%arg17 : memref<!tpu.dma_semaphore, #tpu.memory_space<semaphore_mem>>) src(%dma_wait3A_238 : memref<16x128xf32, #tpu.memory_space<hbm>>) dst(%arg11 : memref<16x128xf32, #tpu.memory_space<vmem>>)
      %dma_start3A_239 = arith.constant 0 : i32
      %dma_start3A_240 = tpu.memref_slice %arg14[%multiple_of3A, %dma_start3A_239] : memref<10112x128xf32, #tpu.memory_space<vmem_shared>> -> memref<16x128xf32, #tpu.memory_space<vmem_shared>>
      %dma_start3A_241 = arith.constant 0 : i32
      %dma_start3A_242 = tpu.memref_slice %arg14[%multiple_of3A, %dma_start3A_241] : memref<10112x128xf32, #tpu.memory_space<vmem_shared>> -> memref<16x128xf32, #tpu.memory_space<vmem_shared>>
      tpu.enqueue_dma source(%arg11 : memref<16x128xf32, #tpu.memory_space<vmem>>) target(%dma_start3A_242 : memref<16x128xf32, #tpu.memory_space<vmem_shared>>) target_semaphore(%arg21 : memref<!tpu.dma_semaphore, #tpu.memory_space<semaphore_mem>>)
      %add3A_243 = arith.constant 2 : i32
      %add3A_244 = arith.addi %add3A_232, %add3A_243 : i32
      %lt3A_245 = arith.constant 640 : i32
      %lt3A_246 = arith.cmpi slt, %add3A_244, %lt3A_245 : i32
      %convert_element_type3A_247 = arith.extui %lt3A_246 : i1 to i32
      %cond3A_248 = arith.constant 0 : i32
      %cond3A_249 = arith.cmpi ne, %convert_element_type3A_247, %cond3A_248 : i32
      scf.if %cond3A_249 {
        %ge3A = arith.constant 2 : i32
        %ge3A_504 = arith.cmpi sge, %add3A_232, %ge3A : i32
        %convert_element_type3A_505 = arith.extui %ge3A_504 : i1 to i32
        %cond3A_506 = arith.constant 0 : i32
        %cond3A_507 = arith.cmpi ne, %convert_element_type3A_505, %cond3A_506 : i32
        scf.if %cond3A_507 {
          %dma_wait3A_534 = arith.constant 0 : i32
          %dma_wait3A_535 = tpu.memref_slice %arg14[%multiple_of3A, %dma_wait3A_534] : memref<10112x128xf32, #tpu.memory_space<vmem_shared>> -> memref<16x128xf32, #tpu.memory_space<vmem_shared>>
          %dma_wait3A_536 = arith.constant 0 : i32
          %dma_wait3A_537 = tpu.memref_slice %arg14[%multiple_of3A, %dma_wait3A_536] : memref<10112x128xf32, #tpu.memory_space<vmem_shared>> -> memref<16x128xf32, #tpu.memory_space<vmem_shared>>
          tpu.wait_dma2 semaphore(%arg19 : memref<!tpu.dma_semaphore, #tpu.memory_space<semaphore_mem>>) src(%arg9 : memref<16x128xf32, #tpu.memory_space<vmem>>) dst(%dma_wait3A_537 : memref<16x128xf32, #tpu.memory_space<vmem_shared>>)
        } else {
        }
        %get3A_508 = arith.constant 0 : i32
        %get3A_509 = arith.index_cast %get3A_508 : i32 to index
        %get3A_510 = arith.constant 64 : index
        %get3A_511 = tpu.vector_load %arg13[%get3A_509, %get3A_510] {strides = array<i32>} : memref<2x128xi32, #tpu.memory_space<vmem>>, vector<16xi32>,
        %and3A_512 = arith.constant 65535 : i32
        %and3A_513 = vector.broadcast %and3A_512 : i32 to vector<16xi32>
        %and3A_514 = arith.andi %get3A_511, %and3A_513 : vector<16xi32>
        %add3A_515 = vector.broadcast %mul3A_7 : i32 to vector<16xi32>
        %add3A_516 = arith.addi %and3A_514, %add3A_515 : vector<16xi32>
        %swap3A_517 = arith.constant 0 : i32
        %swap3A_518 = arith.index_cast %swap3A_517 : i32 to index
        %swap3A_519 = arith.constant 0 : index
        %swap3A_520 = tpu.vector_load %arg5[%swap3A_518, %swap3A_519] {strides = array<i32>} : memref<2x16xi32, #tpu.memory_space<vmem>>, vector<16xi32>,
        tpu.vector_store %arg5[%swap3A_518, %swap3A_519], %add3A_516 {strides = array<i32>} : memref<2x16xi32, #tpu.memory_space<vmem>>, vector<16xi32>,
        %shift_right_logical3A_521 = arith.constant 16 : i32
        %shift_right_logical3A_522 = vector.broadcast %shift_right_logical3A_521 : i32 to vector<16xi32>
        %shift_right_logical3A_523 = arith.shrui %get3A_511, %shift_right_logical3A_522 : vector<16xi32>
        %swap3A_524 = arith.constant 1 : i32
        %swap3A_525 = arith.index_cast %swap3A_524 : i32 to index
        %swap3A_526 = arith.constant 0 : index
        %swap3A_527 = tpu.vector_load %arg5[%swap3A_525, %swap3A_526] {strides = array<i32>} : memref<2x16xi32, #tpu.memory_space<vmem>>, vector<16xi32>,
        tpu.vector_store %arg5[%swap3A_525, %swap3A_526], %shift_right_logical3A_523 {strides = array<i32>} : memref<2x16xi32, #tpu.memory_space<vmem>>, vector<16xi32>,
        %dma_start3A_528 = arith.constant 0 : i32
        %dma_start3A_529 = arith.constant 0 : i32
        %dma_start3A_530 = tpu.memref_slice %arg2[%dma_start3A_528, %dma_start3A_529] : memref<20000x128xf32, #tpu.memory_space<hbm>> -> memref<16x128xf32, #tpu.memory_space<hbm>>
        %dma_start3A_531 = arith.constant 0 : i32
        %dma_start3A_532 = arith.constant 0 : i32
        %dma_start3A_533 = tpu.memref_slice %arg2[%dma_start3A_531, %dma_start3A_532] : memref<20000x128xf32, #tpu.memory_space<hbm>> -> memref<16x128xf32, #tpu.memory_space<hbm>>
        tpu.enqueue_dma source(%dma_start3A_533 : memref<16x128xf32, #tpu.memory_space<hbm>>) target(%arg9 : memref<16x128xf32, #tpu.memory_space<vmem>>) target_semaphore(%arg15 : memref<!tpu.dma_semaphore, #tpu.memory_space<semaphore_mem>>)
      } else {
      }
      %add3A_250 = arith.constant 3 : i32
      %add3A_251 = arith.addi %mul3A_188, %add3A_250 : i32
      %dma_wait3A_252 = arith.constant 0 : i32
      %dma_wait3A_253 = arith.constant 0 : i32
      %dma_wait3A_254 = tpu.memref_slice %arg2[%dma_wait3A_252, %dma_wait3A_253] : memref<20000x128xf32, #tpu.memory_space<hbm>> -> memref<16x128xf32, #tpu.memory_space<hbm>>
      %dma_wait3A_255 = arith.constant 0 : i32
      %dma_wait3A_256 = arith.constant 0 : i32
      %dma_wait3A_257 = tpu.memref_slice %arg2[%dma_wait3A_255, %dma_wait3A_256] : memref<20000x128xf32, #tpu.memory_space<hbm>> -> memref<16x128xf32, #tpu.memory_space<hbm>>
      tpu.wait_dma2 semaphore(%arg18 : memref<!tpu.dma_semaphore, #tpu.memory_space<semaphore_mem>>) src(%dma_wait3A_257 : memref<16x128xf32, #tpu.memory_space<hbm>>) dst(%arg12 : memref<16x128xf32, #tpu.memory_space<vmem>>)
      %dma_start3A_258 = arith.constant 0 : i32
      %dma_start3A_259 = tpu.memref_slice %arg14[%multiple_of3A, %dma_start3A_258] : memref<10112x128xf32, #tpu.memory_space<vmem_shared>> -> memref<16x128xf32, #tpu.memory_space<vmem_shared>>
      %dma_start3A_260 = arith.constant 0 : i32
      %dma_start3A_261 = tpu.memref_slice %arg14[%multiple_of3A, %dma_start3A_260] : memref<10112x128xf32, #tpu.memory_space<vmem_shared>> -> memref<16x128xf32, #tpu.memory_space<vmem_shared>>
      tpu.enqueue_dma source(%arg12 : memref<16x128xf32, #tpu.memory_space<vmem>>) target(%dma_start3A_261 : memref<16x128xf32, #tpu.memory_space<vmem_shared>>) target_semaphore(%arg22 : memref<!tpu.dma_semaphore, #tpu.memory_space<semaphore_mem>>)
      %add3A_262 = arith.constant 2 : i32
      %add3A_263 = arith.addi %add3A_251, %add3A_262 : i32
      %lt3A_264 = arith.constant 640 : i32
      %lt3A_265 = arith.cmpi slt, %add3A_263, %lt3A_264 : i32
      %convert_element_type3A_266 = arith.extui %lt3A_265 : i1 to i32
      %cond3A_267 = arith.constant 0 : i32
      %cond3A_268 = arith.cmpi ne, %convert_element_type3A_266, %cond3A_267 : i32
      scf.if %cond3A_268 {
        %ge3A = arith.constant 2 : i32
        %ge3A_504 = arith.cmpi sge, %add3A_251, %ge3A : i32
        %convert_element_type3A_505 = arith.extui %ge3A_504 : i1 to i32
        %cond3A_506 = arith.constant 0 : i32
        %cond3A_507 = arith.cmpi ne, %convert_element_type3A_505, %cond3A_506 : i32
        scf.if %cond3A_507 {
          %dma_wait3A_534 = arith.constant 0 : i32
          %dma_wait3A_535 = tpu.memref_slice %arg14[%multiple_of3A, %dma_wait3A_534] : memref<10112x128xf32, #tpu.memory_space<vmem_shared>> -> memref<16x128xf32, #tpu.memory_space<vmem_shared>>
          %dma_wait3A_536 = arith.constant 0 : i32
          %dma_wait3A_537 = tpu.memref_slice %arg14[%multiple_of3A, %dma_wait3A_536] : memref<10112x128xf32, #tpu.memory_space<vmem_shared>> -> memref<16x128xf32, #tpu.memory_space<vmem_shared>>
          tpu.wait_dma2 semaphore(%arg20 : memref<!tpu.dma_semaphore, #tpu.memory_space<semaphore_mem>>) src(%arg10 : memref<16x128xf32, #tpu.memory_space<vmem>>) dst(%dma_wait3A_537 : memref<16x128xf32, #tpu.memory_space<vmem_shared>>)
        } else {
        }
        %get3A_508 = arith.constant 0 : i32
        %get3A_509 = arith.index_cast %get3A_508 : i32 to index
        %get3A_510 = arith.constant 80 : index
        %get3A_511 = tpu.vector_load %arg13[%get3A_509, %get3A_510] {strides = array<i32>} : memref<2x128xi32, #tpu.memory_space<vmem>>, vector<16xi32>,
        %and3A_512 = arith.constant 65535 : i32
        %and3A_513 = vector.broadcast %and3A_512 : i32 to vector<16xi32>
        %and3A_514 = arith.andi %get3A_511, %and3A_513 : vector<16xi32>
        %add3A_515 = vector.broadcast %mul3A_7 : i32 to vector<16xi32>
        %add3A_516 = arith.addi %and3A_514, %add3A_515 : vector<16xi32>
        %swap3A_517 = arith.constant 0 : i32
        %swap3A_518 = arith.index_cast %swap3A_517 : i32 to index
        %swap3A_519 = arith.constant 0 : index
        %swap3A_520 = tpu.vector_load %arg6[%swap3A_518, %swap3A_519] {strides = array<i32>} : memref<2x16xi32, #tpu.memory_space<vmem>>, vector<16xi32>,
        tpu.vector_store %arg6[%swap3A_518, %swap3A_519], %add3A_516 {strides = array<i32>} : memref<2x16xi32, #tpu.memory_space<vmem>>, vector<16xi32>,
        %shift_right_logical3A_521 = arith.constant 16 : i32
        %shift_right_logical3A_522 = vector.broadcast %shift_right_logical3A_521 : i32 to vector<16xi32>
        %shift_right_logical3A_523 = arith.shrui %get3A_511, %shift_right_logical3A_522 : vector<16xi32>
        %swap3A_524 = arith.constant 1 : i32
        %swap3A_525 = arith.index_cast %swap3A_524 : i32 to index
        %swap3A_526 = arith.constant 0 : index
        %swap3A_527 = tpu.vector_load %arg6[%swap3A_525, %swap3A_526] {strides = array<i32>} : memref<2x16xi32, #tpu.memory_space<vmem>>, vector<16xi32>,
        tpu.vector_store %arg6[%swap3A_525, %swap3A_526], %shift_right_logical3A_523 {strides = array<i32>} : memref<2x16xi32, #tpu.memory_space<vmem>>, vector<16xi32>,
        %dma_start3A_528 = arith.constant 0 : i32
        %dma_start3A_529 = arith.constant 0 : i32
        %dma_start3A_530 = tpu.memref_slice %arg2[%dma_start3A_528, %dma_start3A_529] : memref<20000x128xf32, #tpu.memory_space<hbm>> -> memref<16x128xf32, #tpu.memory_space<hbm>>
        %dma_start3A_531 = arith.constant 0 : i32
        %dma_start3A_532 = arith.constant 0 : i32
        %dma_start3A_533 = tpu.memref_slice %arg2[%dma_start3A_531, %dma_start3A_532] : memref<20000x128xf32, #tpu.memory_space<hbm>> -> memref<16x128xf32, #tpu.memory_space<hbm>>
        tpu.enqueue_dma source(%dma_start3A_533 : memref<16x128xf32, #tpu.memory_space<hbm>>) target(%arg10 : memref<16x128xf32, #tpu.memory_space<vmem>>) target_semaphore(%arg16 : memref<!tpu.dma_semaphore, #tpu.memory_space<semaphore_mem>>)
      } else {
      }
      %add3A_269 = arith.constant 4 : i32
      %add3A_270 = arith.addi %mul3A_188, %add3A_269 : i32
      %dma_wait3A_271 = arith.constant 0 : i32
      %dma_wait3A_272 = arith.constant 0 : i32
      %dma_wait3A_273 = tpu.memref_slice %arg2[%dma_wait3A_271, %dma_wait3A_272] : memref<20000x128xf32, #tpu.memory_space<hbm>> -> memref<16x128xf32, #tpu.memory_space<hbm>>
      %dma_wait3A_274 = arith.constant 0 : i32
      %dma_wait3A_275 = arith.constant 0 : i32
      %dma_wait3A_276 = tpu.memref_slice %arg2[%dma_wait3A_274, %dma_wait3A_275] : memref<20000x128xf32, #tpu.memory_space<hbm>> -> memref<16x128xf32, #tpu.memory_space<hbm>>
      tpu.wait_dma2 semaphore(%arg15 : memref<!tpu.dma_semaphore, #tpu.memory_space<semaphore_mem>>) src(%dma_wait3A_276 : memref<16x128xf32, #tpu.memory_space<hbm>>) dst(%arg9 : memref<16x128xf32, #tpu.memory_space<vmem>>)
      %dma_start3A_277 = arith.constant 0 : i32
      %dma_start3A_278 = tpu.memref_slice %arg14[%multiple_of3A, %dma_start3A_277] : memref<10112x128xf32, #tpu.memory_space<vmem_shared>> -> memref<16x128xf32, #tpu.memory_space<vmem_shared>>
      %dma_start3A_279 = arith.constant 0 : i32
      %dma_start3A_280 = tpu.memref_slice %arg14[%multiple_of3A, %dma_start3A_279] : memref<10112x128xf32, #tpu.memory_space<vmem_shared>> -> memref<16x128xf32, #tpu.memory_space<vmem_shared>>
      tpu.enqueue_dma source(%arg9 : memref<16x128xf32, #tpu.memory_space<vmem>>) target(%dma_start3A_280 : memref<16x128xf32, #tpu.memory_space<vmem_shared>>) target_semaphore(%arg19 : memref<!tpu.dma_semaphore, #tpu.memory_space<semaphore_mem>>)
      %add3A_281 = arith.constant 2 : i32
      %add3A_282 = arith.addi %add3A_270, %add3A_281 : i32
      %lt3A_283 = arith.constant 640 : i32
      %lt3A_284 = arith.cmpi slt, %add3A_282, %lt3A_283 : i32
      %convert_element_type3A_285 = arith.extui %lt3A_284 : i1 to i32
      %cond3A_286 = arith.constant 0 : i32
      %cond3A_287 = arith.cmpi ne, %convert_element_type3A_285, %cond3A_286 : i32
      scf.if %cond3A_287 {
        %ge3A = arith.constant 2 : i32
        %ge3A_504 = arith.cmpi sge, %add3A_270, %ge3A : i32
        %convert_element_type3A_505 = arith.extui %ge3A_504 : i1 to i32
        %cond3A_506 = arith.constant 0 : i32
        %cond3A_507 = arith.cmpi ne, %convert_element_type3A_505, %cond3A_506 : i32
        scf.if %cond3A_507 {
          %dma_wait3A_534 = arith.constant 0 : i32
          %dma_wait3A_535 = tpu.memref_slice %arg14[%multiple_of3A, %dma_wait3A_534] : memref<10112x128xf32, #tpu.memory_space<vmem_shared>> -> memref<16x128xf32, #tpu.memory_space<vmem_shared>>
          %dma_wait3A_536 = arith.constant 0 : i32
          %dma_wait3A_537 = tpu.memref_slice %arg14[%multiple_of3A, %dma_wait3A_536] : memref<10112x128xf32, #tpu.memory_space<vmem_shared>> -> memref<16x128xf32, #tpu.memory_space<vmem_shared>>
          tpu.wait_dma2 semaphore(%arg21 : memref<!tpu.dma_semaphore, #tpu.memory_space<semaphore_mem>>) src(%arg11 : memref<16x128xf32, #tpu.memory_space<vmem>>) dst(%dma_wait3A_537 : memref<16x128xf32, #tpu.memory_space<vmem_shared>>)
        } else {
        }
        %get3A_508 = arith.constant 0 : i32
        %get3A_509 = arith.index_cast %get3A_508 : i32 to index
        %get3A_510 = arith.constant 96 : index
        %get3A_511 = tpu.vector_load %arg13[%get3A_509, %get3A_510] {strides = array<i32>} : memref<2x128xi32, #tpu.memory_space<vmem>>, vector<16xi32>,
        %and3A_512 = arith.constant 65535 : i32
        %and3A_513 = vector.broadcast %and3A_512 : i32 to vector<16xi32>
        %and3A_514 = arith.andi %get3A_511, %and3A_513 : vector<16xi32>
        %add3A_515 = vector.broadcast %mul3A_7 : i32 to vector<16xi32>
        %add3A_516 = arith.addi %and3A_514, %add3A_515 : vector<16xi32>
        %swap3A_517 = arith.constant 0 : i32
        %swap3A_518 = arith.index_cast %swap3A_517 : i32 to index
        %swap3A_519 = arith.constant 0 : index
        %swap3A_520 = tpu.vector_load %arg7[%swap3A_518, %swap3A_519] {strides = array<i32>} : memref<2x16xi32, #tpu.memory_space<vmem>>, vector<16xi32>,
        tpu.vector_store %arg7[%swap3A_518, %swap3A_519], %add3A_516 {strides = array<i32>} : memref<2x16xi32, #tpu.memory_space<vmem>>, vector<16xi32>,
        %shift_right_logical3A_521 = arith.constant 16 : i32
        %shift_right_logical3A_522 = vector.broadcast %shift_right_logical3A_521 : i32 to vector<16xi32>
        %shift_right_logical3A_523 = arith.shrui %get3A_511, %shift_right_logical3A_522 : vector<16xi32>
        %swap3A_524 = arith.constant 1 : i32
        %swap3A_525 = arith.index_cast %swap3A_524 : i32 to index
        %swap3A_526 = arith.constant 0 : index
        %swap3A_527 = tpu.vector_load %arg7[%swap3A_525, %swap3A_526] {strides = array<i32>} : memref<2x16xi32, #tpu.memory_space<vmem>>, vector<16xi32>,
        tpu.vector_store %arg7[%swap3A_525, %swap3A_526], %shift_right_logical3A_523 {strides = array<i32>} : memref<2x16xi32, #tpu.memory_space<vmem>>, vector<16xi32>,
        %dma_start3A_528 = arith.constant 0 : i32
        %dma_start3A_529 = arith.constant 0 : i32
        %dma_start3A_530 = tpu.memref_slice %arg2[%dma_start3A_528, %dma_start3A_529] : memref<20000x128xf32, #tpu.memory_space<hbm>> -> memref<16x128xf32, #tpu.memory_space<hbm>>
        %dma_start3A_531 = arith.constant 0 : i32
        %dma_start3A_532 = arith.constant 0 : i32
        %dma_start3A_533 = tpu.memref_slice %arg2[%dma_start3A_531, %dma_start3A_532] : memref<20000x128xf32, #tpu.memory_space<hbm>> -> memref<16x128xf32, #tpu.memory_space<hbm>>
        tpu.enqueue_dma source(%dma_start3A_533 : memref<16x128xf32, #tpu.memory_space<hbm>>) target(%arg11 : memref<16x128xf32, #tpu.memory_space<vmem>>) target_semaphore(%arg17 : memref<!tpu.dma_semaphore, #tpu.memory_space<semaphore_mem>>)
      } else {
      }
      %add3A_288 = arith.constant 5 : i32
      %add3A_289 = arith.addi %mul3A_188, %add3A_288 : i32
      %dma_wait3A_290 = arith.constant 0 : i32
      %dma_wait3A_291 = arith.constant 0 : i32
      %dma_wait3A_292 = tpu.memref_slice %arg2[%dma_wait3A_290, %dma_wait3A_291] : memref<20000x128xf32, #tpu.memory_space<hbm>> -> memref<16x128xf32, #tpu.memory_space<hbm>>
      %dma_wait3A_293 = arith.constant 0 : i32
      %dma_wait3A_294 = arith.constant 0 : i32
      %dma_wait3A_295 = tpu.memref_slice %arg2[%dma_wait3A_293, %dma_wait3A_294] : memref<20000x128xf32, #tpu.memory_space<hbm>> -> memref<16x128xf32, #tpu.memory_space<hbm>>
      tpu.wait_dma2 semaphore(%arg16 : memref<!tpu.dma_semaphore, #tpu.memory_space<semaphore_mem>>) src(%dma_wait3A_295 : memref<16x128xf32, #tpu.memory_space<hbm>>) dst(%arg10 : memref<16x128xf32, #tpu.memory_space<vmem>>)
      %dma_start3A_296 = arith.constant 0 : i32
      %dma_start3A_297 = tpu.memref_slice %arg14[%multiple_of3A, %dma_start3A_296] : memref<10112x128xf32, #tpu.memory_space<vmem_shared>> -> memref<16x128xf32, #tpu.memory_space<vmem_shared>>
      %dma_start3A_298 = arith.constant 0 : i32
      %dma_start3A_299 = tpu.memref_slice %arg14[%multiple_of3A, %dma_start3A_298] : memref<10112x128xf32, #tpu.memory_space<vmem_shared>> -> memref<16x128xf32, #tpu.memory_space<vmem_shared>>
      tpu.enqueue_dma source(%arg10 : memref<16x128xf32, #tpu.memory_space<vmem>>) target(%dma_start3A_299 : memref<16x128xf32, #tpu.memory_space<vmem_shared>>) target_semaphore(%arg20 : memref<!tpu.dma_semaphore, #tpu.memory_space<semaphore_mem>>)
      %add3A_300 = arith.constant 2 : i32
      %add3A_301 = arith.addi %add3A_289, %add3A_300 : i32
      %lt3A_302 = arith.constant 640 : i32
      %lt3A_303 = arith.cmpi slt, %add3A_301, %lt3A_302 : i32
      %convert_element_type3A_304 = arith.extui %lt3A_303 : i1 to i32
      %cond3A_305 = arith.constant 0 : i32
      %cond3A_306 = arith.cmpi ne, %convert_element_type3A_304, %cond3A_305 : i32
      scf.if %cond3A_306 {
        %ge3A = arith.constant 2 : i32
        %ge3A_504 = arith.cmpi sge, %add3A_289, %ge3A : i32
        %convert_element_type3A_505 = arith.extui %ge3A_504 : i1 to i32
        %cond3A_506 = arith.constant 0 : i32
        %cond3A_507 = arith.cmpi ne, %convert_element_type3A_505, %cond3A_506 : i32
        scf.if %cond3A_507 {
          %dma_wait3A_534 = arith.constant 0 : i32
          %dma_wait3A_535 = tpu.memref_slice %arg14[%multiple_of3A, %dma_wait3A_534] : memref<10112x128xf32, #tpu.memory_space<vmem_shared>> -> memref<16x128xf32, #tpu.memory_space<vmem_shared>>
          %dma_wait3A_536 = arith.constant 0 : i32
          %dma_wait3A_537 = tpu.memref_slice %arg14[%multiple_of3A, %dma_wait3A_536] : memref<10112x128xf32, #tpu.memory_space<vmem_shared>> -> memref<16x128xf32, #tpu.memory_space<vmem_shared>>
          tpu.wait_dma2 semaphore(%arg22 : memref<!tpu.dma_semaphore, #tpu.memory_space<semaphore_mem>>) src(%arg12 : memref<16x128xf32, #tpu.memory_space<vmem>>) dst(%dma_wait3A_537 : memref<16x128xf32, #tpu.memory_space<vmem_shared>>)
        } else {
        }
        %get3A_508 = arith.constant 0 : i32
        %get3A_509 = arith.index_cast %get3A_508 : i32 to index
        %get3A_510 = arith.constant 112 : index
        %get3A_511 = tpu.vector_load %arg13[%get3A_509, %get3A_510] {strides = array<i32>} : memref<2x128xi32, #tpu.memory_space<vmem>>, vector<16xi32>,
        %and3A_512 = arith.constant 65535 : i32
        %and3A_513 = vector.broadcast %and3A_512 : i32 to vector<16xi32>
        %and3A_514 = arith.andi %get3A_511, %and3A_513 : vector<16xi32>
        %add3A_515 = vector.broadcast %mul3A_7 : i32 to vector<16xi32>
        %add3A_516 = arith.addi %and3A_514, %add3A_515 : vector<16xi32>
        %swap3A_517 = arith.constant 0 : i32
        %swap3A_518 = arith.index_cast %swap3A_517 : i32 to index
        %swap3A_519 = arith.constant 0 : index
        %swap3A_520 = tpu.vector_load %arg8[%swap3A_518, %swap3A_519] {strides = array<i32>} : memref<2x16xi32, #tpu.memory_space<vmem>>, vector<16xi32>,
        tpu.vector_store %arg8[%swap3A_518, %swap3A_519], %add3A_516 {strides = array<i32>} : memref<2x16xi32, #tpu.memory_space<vmem>>, vector<16xi32>,
        %shift_right_logical3A_521 = arith.constant 16 : i32
        %shift_right_logical3A_522 = vector.broadcast %shift_right_logical3A_521 : i32 to vector<16xi32>
        %shift_right_logical3A_523 = arith.shrui %get3A_511, %shift_right_logical3A_522 : vector<16xi32>
        %swap3A_524 = arith.constant 1 : i32
        %swap3A_525 = arith.index_cast %swap3A_524 : i32 to index
        %swap3A_526 = arith.constant 0 : index
        %swap3A_527 = tpu.vector_load %arg8[%swap3A_525, %swap3A_526] {strides = array<i32>} : memref<2x16xi32, #tpu.memory_space<vmem>>, vector<16xi32>,
        tpu.vector_store %arg8[%swap3A_525, %swap3A_526], %shift_right_logical3A_523 {strides = array<i32>} : memref<2x16xi32, #tpu.memory_space<vmem>>, vector<16xi32>,
        %dma_start3A_528 = arith.constant 0 : i32
        %dma_start3A_529 = arith.constant 0 : i32
        %dma_start3A_530 = tpu.memref_slice %arg2[%dma_start3A_528, %dma_start3A_529] : memref<20000x128xf32, #tpu.memory_space<hbm>> -> memref<16x128xf32, #tpu.memory_space<hbm>>
        %dma_start3A_531 = arith.constant 0 : i32
        %dma_start3A_532 = arith.constant 0 : i32
        %dma_start3A_533 = tpu.memref_slice %arg2[%dma_start3A_531, %dma_start3A_532] : memref<20000x128xf32, #tpu.memory_space<hbm>> -> memref<16x128xf32, #tpu.memory_space<hbm>>
        tpu.enqueue_dma source(%dma_start3A_533 : memref<16x128xf32, #tpu.memory_space<hbm>>) target(%arg12 : memref<16x128xf32, #tpu.memory_space<vmem>>) target_semaphore(%arg18 : memref<!tpu.dma_semaphore, #tpu.memory_space<semaphore_mem>>)
      } else {
      }
      %add3A_307 = arith.constant 6 : i32
      %add3A_308 = arith.addi %mul3A_188, %add3A_307 : i32
      %dma_wait3A_309 = arith.constant 0 : i32
      %dma_wait3A_310 = arith.constant 0 : i32
      %dma_wait3A_311 = tpu.memref_slice %arg2[%dma_wait3A_309, %dma_wait3A_310] : memref<20000x128xf32, #tpu.memory_space<hbm>> -> memref<16x128xf32, #tpu.memory_space<hbm>>
      %dma_wait3A_312 = arith.constant 0 : i32
      %dma_wait3A_313 = arith.constant 0 : i32
      %dma_wait3A_314 = tpu.memref_slice %arg2[%dma_wait3A_312, %dma_wait3A_313] : memref<20000x128xf32, #tpu.memory_space<hbm>> -> memref<16x128xf32, #tpu.memory_space<hbm>>
      tpu.wait_dma2 semaphore(%arg17 : memref<!tpu.dma_semaphore, #tpu.memory_space<semaphore_mem>>) src(%dma_wait3A_314 : memref<16x128xf32, #tpu.memory_space<hbm>>) dst(%arg11 : memref<16x128xf32, #tpu.memory_space<vmem>>)
      %dma_start3A_315 = arith.constant 0 : i32
      %dma_start3A_316 = tpu.memref_slice %arg14[%multiple_of3A, %dma_start3A_315] : memref<10112x128xf32, #tpu.memory_space<vmem_shared>> -> memref<16x128xf32, #tpu.memory_space<vmem_shared>>
      %dma_start3A_317 = arith.constant 0 : i32
      %dma_start3A_318 = tpu.memref_slice %arg14[%multiple_of3A, %dma_start3A_317] : memref<10112x128xf32, #tpu.memory_space<vmem_shared>> -> memref<16x128xf32, #tpu.memory_space<vmem_shared>>
      tpu.enqueue_dma source(%arg11 : memref<16x128xf32, #tpu.memory_space<vmem>>) target(%dma_start3A_318 : memref<16x128xf32, #tpu.memory_space<vmem_shared>>) target_semaphore(%arg21 : memref<!tpu.dma_semaphore, #tpu.memory_space<semaphore_mem>>)
      %add3A_319 = arith.constant 2 : i32
      %add3A_320 = arith.addi %add3A_308, %add3A_319 : i32
      %lt3A_321 = arith.constant 640 : i32
      %lt3A_322 = arith.cmpi slt, %add3A_320, %lt3A_321 : i32
      %convert_element_type3A_323 = arith.extui %lt3A_322 : i1 to i32
      %cond3A_324 = arith.constant 0 : i32
      %cond3A_325 = arith.cmpi ne, %convert_element_type3A_323, %cond3A_324 : i32
      scf.if %cond3A_325 {
        %ge3A = arith.constant 2 : i32
        %ge3A_504 = arith.cmpi sge, %add3A_308, %ge3A : i32
        %convert_element_type3A_505 = arith.extui %ge3A_504 : i1 to i32
        %cond3A_506 = arith.constant 0 : i32
        %cond3A_507 = arith.cmpi ne, %convert_element_type3A_505, %cond3A_506 : i32
        scf.if %cond3A_507 {
          %dma_wait3A_543 = arith.constant 0 : i32
          %dma_wait3A_544 = tpu.memref_slice %arg14[%multiple_of3A, %dma_wait3A_543] : memref<10112x128xf32, #tpu.memory_space<vmem_shared>> -> memref<16x128xf32, #tpu.memory_space<vmem_shared>>
          %dma_wait3A_545 = arith.constant 0 : i32
          %dma_wait3A_546 = tpu.memref_slice %arg14[%multiple_of3A, %dma_wait3A_545] : memref<10112x128xf32, #tpu.memory_space<vmem_shared>> -> memref<16x128xf32, #tpu.memory_space<vmem_shared>>
          tpu.wait_dma2 semaphore(%arg19 : memref<!tpu.dma_semaphore, #tpu.memory_space<semaphore_mem>>) src(%arg9 : memref<16x128xf32, #tpu.memory_space<vmem>>) dst(%dma_wait3A_546 : memref<16x128xf32, #tpu.memory_space<vmem_shared>>)
        } else {
        }
        %dma_wait3A_508 = arith.constant 1 : i32
        %dma_wait3A_509 = arith.constant 0 : i32
        %dma_wait3A_510 = tpu.memref_slice %arg13[%dma_wait3A_508, %dma_wait3A_509] : memref<2x128xi32, #tpu.memory_space<vmem>> -> memref<1x128xi32, #tpu.memory_space<vmem>>
        %dma_wait3A_511 = tpu.memref_squeeze %dma_wait3A_510 : memref<1x128xi32, #tpu.memory_space<vmem>> -> memref<128xi32, #tpu.memory_space<vmem>>
        %dma_wait3A_512 = tpu.memref_slice %arg3[%mul3A_5] : memref<163840xi32, #tpu.memory_space<hbm>> -> memref<128xi32, #tpu.memory_space<hbm>>
        %dma_wait3A_513 = arith.constant 0 : i32
        %dma_wait3A_514 = tpu.memref_slice %arg13[%dma_wait3A_508, %dma_wait3A_513] : memref<2x128xi32, #tpu.memory_space<vmem>> -> memref<1x128xi32, #tpu.memory_space<vmem>>
        %dma_wait3A_515 = tpu.memref_squeeze %dma_wait3A_514 : memref<1x128xi32, #tpu.memory_space<vmem>> -> memref<128xi32, #tpu.memory_space<vmem>>
        %dma_wait3A_516 = tpu.memref_slice %arg3[%mul3A_5] : memref<163840xi32, #tpu.memory_space<hbm>> -> memref<128xi32, #tpu.memory_space<hbm>>
        tpu.wait_dma2 semaphore(%arg24 : memref<!tpu.dma_semaphore, #tpu.memory_space<semaphore_mem>>) src(%dma_wait3A_516 : memref<128xi32, #tpu.memory_space<hbm>>) dst(%dma_wait3A_515 : memref<128xi32, #tpu.memory_space<vmem>>)
        %get3A_517 = arith.constant 1 : i32
        %get3A_518 = arith.index_cast %get3A_517 : i32 to index
        %get3A_519 = arith.constant 0 : index
        %get3A_520 = tpu.vector_load %arg13[%get3A_518, %get3A_519] {strides = array<i32>} : memref<2x128xi32, #tpu.memory_space<vmem>>, vector<16xi32>,
        %and3A_521 = arith.constant 65535 : i32
        %and3A_522 = vector.broadcast %and3A_521 : i32 to vector<16xi32>
        %and3A_523 = arith.andi %get3A_520, %and3A_522 : vector<16xi32>
        %add3A_524 = vector.broadcast %mul3A_7 : i32 to vector<16xi32>
        %add3A_525 = arith.addi %and3A_523, %add3A_524 : vector<16xi32>
        %swap3A_526 = arith.constant 0 : i32
        %swap3A_527 = arith.index_cast %swap3A_526 : i32 to index
        %swap3A_528 = arith.constant 0 : index
        %swap3A_529 = tpu.vector_load %arg5[%swap3A_527, %swap3A_528] {strides = array<i32>} : memref<2x16xi32, #tpu.memory_space<vmem>>, vector<16xi32>,
        tpu.vector_store %arg5[%swap3A_527, %swap3A_528], %add3A_525 {strides = array<i32>} : memref<2x16xi32, #tpu.memory_space<vmem>>, vector<16xi32>,
        %shift_right_logical3A_530 = arith.constant 16 : i32
        %shift_right_logical3A_531 = vector.broadcast %shift_right_logical3A_530 : i32 to vector<16xi32>
        %shift_right_logical3A_532 = arith.shrui %get3A_520, %shift_right_logical3A_531 : vector<16xi32>
        %swap3A_533 = arith.constant 1 : i32
        %swap3A_534 = arith.index_cast %swap3A_533 : i32 to index
        %swap3A_535 = arith.constant 0 : index
        %swap3A_536 = tpu.vector_load %arg5[%swap3A_534, %swap3A_535] {strides = array<i32>} : memref<2x16xi32, #tpu.memory_space<vmem>>, vector<16xi32>,
        tpu.vector_store %arg5[%swap3A_534, %swap3A_535], %shift_right_logical3A_532 {strides = array<i32>} : memref<2x16xi32, #tpu.memory_space<vmem>>, vector<16xi32>,
        %dma_start3A_537 = arith.constant 0 : i32
        %dma_start3A_538 = arith.constant 0 : i32
        %dma_start3A_539 = tpu.memref_slice %arg2[%dma_start3A_537, %dma_start3A_538] : memref<20000x128xf32, #tpu.memory_space<hbm>> -> memref<16x128xf32, #tpu.memory_space<hbm>>
        %dma_start3A_540 = arith.constant 0 : i32
        %dma_start3A_541 = arith.constant 0 : i32
        %dma_start3A_542 = tpu.memref_slice %arg2[%dma_start3A_540, %dma_start3A_541] : memref<20000x128xf32, #tpu.memory_space<hbm>> -> memref<16x128xf32, #tpu.memory_space<hbm>>
        tpu.enqueue_dma source(%dma_start3A_542 : memref<16x128xf32, #tpu.memory_space<hbm>>) target(%arg9 : memref<16x128xf32, #tpu.memory_space<vmem>>) target_semaphore(%arg15 : memref<!tpu.dma_semaphore, #tpu.memory_space<semaphore_mem>>)
      } else {
      }
      %add3A_326 = arith.constant 7 : i32
      %add3A_327 = arith.addi %mul3A_188, %add3A_326 : i32
      %dma_wait3A_328 = arith.constant 0 : i32
      %dma_wait3A_329 = arith.constant 0 : i32
      %dma_wait3A_330 = tpu.memref_slice %arg2[%dma_wait3A_328, %dma_wait3A_329] : memref<20000x128xf32, #tpu.memory_space<hbm>> -> memref<16x128xf32, #tpu.memory_space<hbm>>
      %dma_wait3A_331 = arith.constant 0 : i32
      %dma_wait3A_332 = arith.constant 0 : i32
      %dma_wait3A_333 = tpu.memref_slice %arg2[%dma_wait3A_331, %dma_wait3A_332] : memref<20000x128xf32, #tpu.memory_space<hbm>> -> memref<16x128xf32, #tpu.memory_space<hbm>>
      tpu.wait_dma2 semaphore(%arg18 : memref<!tpu.dma_semaphore, #tpu.memory_space<semaphore_mem>>) src(%dma_wait3A_333 : memref<16x128xf32, #tpu.memory_space<hbm>>) dst(%arg12 : memref<16x128xf32, #tpu.memory_space<vmem>>)
      %dma_start3A_334 = arith.constant 0 : i32
      %dma_start3A_335 = tpu.memref_slice %arg14[%multiple_of3A, %dma_start3A_334] : memref<10112x128xf32, #tpu.memory_space<vmem_shared>> -> memref<16x128xf32, #tpu.memory_space<vmem_shared>>
      %dma_start3A_336 = arith.constant 0 : i32
      %dma_start3A_337 = tpu.memref_slice %arg14[%multiple_of3A, %dma_start3A_336] : memref<10112x128xf32, #tpu.memory_space<vmem_shared>> -> memref<16x128xf32, #tpu.memory_space<vmem_shared>>
      tpu.enqueue_dma source(%arg12 : memref<16x128xf32, #tpu.memory_space<vmem>>) target(%dma_start3A_337 : memref<16x128xf32, #tpu.memory_space<vmem_shared>>) target_semaphore(%arg22 : memref<!tpu.dma_semaphore, #tpu.memory_space<semaphore_mem>>)
      %add3A_338 = arith.constant 2 : i32
      %add3A_339 = arith.addi %add3A_327, %add3A_338 : i32
      %lt3A_340 = arith.constant 640 : i32
      %lt3A_341 = arith.cmpi slt, %add3A_339, %lt3A_340 : i32
      %convert_element_type3A_342 = arith.extui %lt3A_341 : i1 to i32
      %cond3A_343 = arith.constant 0 : i32
      %cond3A_344 = arith.cmpi ne, %convert_element_type3A_342, %cond3A_343 : i32
      scf.if %cond3A_344 {
        %ge3A = arith.constant 2 : i32
        %ge3A_504 = arith.cmpi sge, %add3A_327, %ge3A : i32
        %convert_element_type3A_505 = arith.extui %ge3A_504 : i1 to i32
        %cond3A_506 = arith.constant 0 : i32
        %cond3A_507 = arith.cmpi ne, %convert_element_type3A_505, %cond3A_506 : i32
        scf.if %cond3A_507 {
          %dma_wait3A_534 = arith.constant 0 : i32
          %dma_wait3A_535 = tpu.memref_slice %arg14[%multiple_of3A, %dma_wait3A_534] : memref<10112x128xf32, #tpu.memory_space<vmem_shared>> -> memref<16x128xf32, #tpu.memory_space<vmem_shared>>
          %dma_wait3A_536 = arith.constant 0 : i32
          %dma_wait3A_537 = tpu.memref_slice %arg14[%multiple_of3A, %dma_wait3A_536] : memref<10112x128xf32, #tpu.memory_space<vmem_shared>> -> memref<16x128xf32, #tpu.memory_space<vmem_shared>>
          tpu.wait_dma2 semaphore(%arg20 : memref<!tpu.dma_semaphore, #tpu.memory_space<semaphore_mem>>) src(%arg10 : memref<16x128xf32, #tpu.memory_space<vmem>>) dst(%dma_wait3A_537 : memref<16x128xf32, #tpu.memory_space<vmem_shared>>)
        } else {
        }
        %get3A_508 = arith.constant 1 : i32
        %get3A_509 = arith.index_cast %get3A_508 : i32 to index
        %get3A_510 = arith.constant 16 : index
        %get3A_511 = tpu.vector_load %arg13[%get3A_509, %get3A_510] {strides = array<i32>} : memref<2x128xi32, #tpu.memory_space<vmem>>, vector<16xi32>,
        %and3A_512 = arith.constant 65535 : i32
        %and3A_513 = vector.broadcast %and3A_512 : i32 to vector<16xi32>
        %and3A_514 = arith.andi %get3A_511, %and3A_513 : vector<16xi32>
        %add3A_515 = vector.broadcast %mul3A_7 : i32 to vector<16xi32>
        %add3A_516 = arith.addi %and3A_514, %add3A_515 : vector<16xi32>
        %swap3A_517 = arith.constant 0 : i32
        %swap3A_518 = arith.index_cast %swap3A_517 : i32 to index
        %swap3A_519 = arith.constant 0 : index
        %swap3A_520 = tpu.vector_load %arg6[%swap3A_518, %swap3A_519] {strides = array<i32>} : memref<2x16xi32, #tpu.memory_space<vmem>>, vector<16xi32>,
        tpu.vector_store %arg6[%swap3A_518, %swap3A_519], %add3A_516 {strides = array<i32>} : memref<2x16xi32, #tpu.memory_space<vmem>>, vector<16xi32>,
        %shift_right_logical3A_521 = arith.constant 16 : i32
        %shift_right_logical3A_522 = vector.broadcast %shift_right_logical3A_521 : i32 to vector<16xi32>
        %shift_right_logical3A_523 = arith.shrui %get3A_511, %shift_right_logical3A_522 : vector<16xi32>
        %swap3A_524 = arith.constant 1 : i32
        %swap3A_525 = arith.index_cast %swap3A_524 : i32 to index
        %swap3A_526 = arith.constant 0 : index
        %swap3A_527 = tpu.vector_load %arg6[%swap3A_525, %swap3A_526] {strides = array<i32>} : memref<2x16xi32, #tpu.memory_space<vmem>>, vector<16xi32>,
        tpu.vector_store %arg6[%swap3A_525, %swap3A_526], %shift_right_logical3A_523 {strides = array<i32>} : memref<2x16xi32, #tpu.memory_space<vmem>>, vector<16xi32>,
        %dma_start3A_528 = arith.constant 0 : i32
        %dma_start3A_529 = arith.constant 0 : i32
        %dma_start3A_530 = tpu.memref_slice %arg2[%dma_start3A_528, %dma_start3A_529] : memref<20000x128xf32, #tpu.memory_space<hbm>> -> memref<16x128xf32, #tpu.memory_space<hbm>>
        %dma_start3A_531 = arith.constant 0 : i32
        %dma_start3A_532 = arith.constant 0 : i32
        %dma_start3A_533 = tpu.memref_slice %arg2[%dma_start3A_531, %dma_start3A_532] : memref<20000x128xf32, #tpu.memory_space<hbm>> -> memref<16x128xf32, #tpu.memory_space<hbm>>
        tpu.enqueue_dma source(%dma_start3A_533 : memref<16x128xf32, #tpu.memory_space<hbm>>) target(%arg10 : memref<16x128xf32, #tpu.memory_space<vmem>>) target_semaphore(%arg16 : memref<!tpu.dma_semaphore, #tpu.memory_space<semaphore_mem>>)
      } else {
      }
      %add3A_345 = arith.constant 8 : i32
      %add3A_346 = arith.addi %mul3A_188, %add3A_345 : i32
      %dma_wait3A_347 = arith.constant 0 : i32
      %dma_wait3A_348 = arith.constant 0 : i32
      %dma_wait3A_349 = tpu.memref_slice %arg2[%dma_wait3A_347, %dma_wait3A_348] : memref<20000x128xf32, #tpu.memory_space<hbm>> -> memref<16x128xf32, #tpu.memory_space<hbm>>
      %dma_wait3A_350 = arith.constant 0 : i32
      %dma_wait3A_351 = arith.constant 0 : i32
      %dma_wait3A_352 = tpu.memref_slice %arg2[%dma_wait3A_350, %dma_wait3A_351] : memref<20000x128xf32, #tpu.memory_space<hbm>> -> memref<16x128xf32, #tpu.memory_space<hbm>>
      tpu.wait_dma2 semaphore(%arg15 : memref<!tpu.dma_semaphore, #tpu.memory_space<semaphore_mem>>) src(%dma_wait3A_352 : memref<16x128xf32, #tpu.memory_space<hbm>>) dst(%arg9 : memref<16x128xf32, #tpu.memory_space<vmem>>)
      %dma_start3A_353 = arith.constant 0 : i32
      %dma_start3A_354 = tpu.memref_slice %arg14[%multiple_of3A, %dma_start3A_353] : memref<10112x128xf32, #tpu.memory_space<vmem_shared>> -> memref<16x128xf32, #tpu.memory_space<vmem_shared>>
      %dma_start3A_355 = arith.constant 0 : i32
      %dma_start3A_356 = tpu.memref_slice %arg14[%multiple_of3A, %dma_start3A_355] : memref<10112x128xf32, #tpu.memory_space<vmem_shared>> -> memref<16x128xf32, #tpu.memory_space<vmem_shared>>
      tpu.enqueue_dma source(%arg9 : memref<16x128xf32, #tpu.memory_space<vmem>>) target(%dma_start3A_356 : memref<16x128xf32, #tpu.memory_space<vmem_shared>>) target_semaphore(%arg19 : memref<!tpu.dma_semaphore, #tpu.memory_space<semaphore_mem>>)
      %add3A_357 = arith.constant 8 : i32
      %add3A_358 = arith.addi %add3A_346, %add3A_357 : i32
      %lt3A_359 = arith.constant 640 : i32
      %lt3A_360 = arith.cmpi slt, %add3A_358, %lt3A_359 : i32
      %convert_element_type3A_361 = arith.extui %lt3A_360 : i1 to i32
      %cond3A_362 = arith.constant 0 : i32
      %cond3A_363 = arith.cmpi ne, %convert_element_type3A_361, %cond3A_362 : i32
      scf.if %cond3A_363 {
        %add3A_504 = arith.constant 8 : i32
        %add3A_505 = arith.addi %add3A_346, %add3A_504 : i32
        %mul3A_506 = arith.constant 16 : i32
        %mul3A_507 = arith.muli %add3A_505, %mul3A_506 : i32
        %add3A_508 = arith.addi %mul3A_5, %mul3A_507 : i32
        %dma_start3A_509 = arith.constant 0 : i32
        %dma_start3A_510 = arith.constant 0 : i32
        %dma_start3A_511 = tpu.memref_slice %arg13[%dma_start3A_509, %dma_start3A_510] : memref<2x128xi32, #tpu.memory_space<vmem>> -> memref<1x128xi32, #tpu.memory_space<vmem>>
        %dma_start3A_512 = tpu.memref_squeeze %dma_start3A_511 : memref<1x128xi32, #tpu.memory_space<vmem>> -> memref<128xi32, #tpu.memory_space<vmem>>
        %dma_start3A_513 = tpu.memref_slice %arg3[%add3A_508] : memref<163840xi32, #tpu.memory_space<hbm>> -> memref<128xi32, #tpu.memory_space<hbm>>
        %dma_start3A_514 = arith.constant 0 : i32
        %dma_start3A_515 = tpu.memref_slice %arg13[%dma_start3A_509, %dma_start3A_514] : memref<2x128xi32, #tpu.memory_space<vmem>> -> memref<1x128xi32, #tpu.memory_space<vmem>>
        %dma_start3A_516 = tpu.memref_squeeze %dma_start3A_515 : memref<1x128xi32, #tpu.memory_space<vmem>> -> memref<128xi32, #tpu.memory_space<vmem>>
        %dma_start3A_517 = tpu.memref_slice %arg3[%add3A_508] : memref<163840xi32, #tpu.memory_space<hbm>> -> memref<128xi32, #tpu.memory_space<hbm>>
        tpu.enqueue_dma source(%dma_start3A_517 : memref<128xi32, #tpu.memory_space<hbm>>) target(%dma_start3A_516 : memref<128xi32, #tpu.memory_space<vmem>>) target_semaphore(%arg23 : memref<!tpu.dma_semaphore, #tpu.memory_space<semaphore_mem>>)
      } else {
      }
      %add3A_364 = arith.constant 2 : i32
      %add3A_365 = arith.addi %add3A_346, %add3A_364 : i32
      %lt3A_366 = arith.constant 640 : i32
      %lt3A_367 = arith.cmpi slt, %add3A_365, %lt3A_366 : i32
      %convert_element_type3A_368 = arith.extui %lt3A_367 : i1 to i32
      %cond3A_369 = arith.constant 0 : i32
      %cond3A_370 = arith.cmpi ne, %convert_element_type3A_368, %cond3A_369 : i32
      scf.if %cond3A_370 {
        %ge3A = arith.constant 2 : i32
        %ge3A_504 = arith.cmpi sge, %add3A_346, %ge3A : i32
        %convert_element_type3A_505 = arith.extui %ge3A_504 : i1 to i32
        %cond3A_506 = arith.constant 0 : i32
        %cond3A_507 = arith.cmpi ne, %convert_element_type3A_505, %cond3A_506 : i32
        scf.if %cond3A_507 {
          %dma_wait3A_534 = arith.constant 0 : i32
          %dma_wait3A_535 = tpu.memref_slice %arg14[%multiple_of3A, %dma_wait3A_534] : memref<10112x128xf32, #tpu.memory_space<vmem_shared>> -> memref<16x128xf32, #tpu.memory_space<vmem_shared>>
          %dma_wait3A_536 = arith.constant 0 : i32
          %dma_wait3A_537 = tpu.memref_slice %arg14[%multiple_of3A, %dma_wait3A_536] : memref<10112x128xf32, #tpu.memory_space<vmem_shared>> -> memref<16x128xf32, #tpu.memory_space<vmem_shared>>
          tpu.wait_dma2 semaphore(%arg21 : memref<!tpu.dma_semaphore, #tpu.memory_space<semaphore_mem>>) src(%arg11 : memref<16x128xf32, #tpu.memory_space<vmem>>) dst(%dma_wait3A_537 : memref<16x128xf32, #tpu.memory_space<vmem_shared>>)
        } else {
        }
        %get3A_508 = arith.constant 1 : i32
        %get3A_509 = arith.index_cast %get3A_508 : i32 to index
        %get3A_510 = arith.constant 32 : index
        %get3A_511 = tpu.vector_load %arg13[%get3A_509, %get3A_510] {strides = array<i32>} : memref<2x128xi32, #tpu.memory_space<vmem>>, vector<16xi32>,
        %and3A_512 = arith.constant 65535 : i32
        %and3A_513 = vector.broadcast %and3A_512 : i32 to vector<16xi32>
        %and3A_514 = arith.andi %get3A_511, %and3A_513 : vector<16xi32>
        %add3A_515 = vector.broadcast %mul3A_7 : i32 to vector<16xi32>
        %add3A_516 = arith.addi %and3A_514, %add3A_515 : vector<16xi32>
        %swap3A_517 = arith.constant 0 : i32
        %swap3A_518 = arith.index_cast %swap3A_517 : i32 to index
        %swap3A_519 = arith.constant 0 : index
        %swap3A_520 = tpu.vector_load %arg7[%swap3A_518, %swap3A_519] {strides = array<i32>} : memref<2x16xi32, #tpu.memory_space<vmem>>, vector<16xi32>,
        tpu.vector_store %arg7[%swap3A_518, %swap3A_519], %add3A_516 {strides = array<i32>} : memref<2x16xi32, #tpu.memory_space<vmem>>, vector<16xi32>,
        %shift_right_logical3A_521 = arith.constant 16 : i32
        %shift_right_logical3A_522 = vector.broadcast %shift_right_logical3A_521 : i32 to vector<16xi32>
        %shift_right_logical3A_523 = arith.shrui %get3A_511, %shift_right_logical3A_522 : vector<16xi32>
        %swap3A_524 = arith.constant 1 : i32
        %swap3A_525 = arith.index_cast %swap3A_524 : i32 to index
        %swap3A_526 = arith.constant 0 : index
        %swap3A_527 = tpu.vector_load %arg7[%swap3A_525, %swap3A_526] {strides = array<i32>} : memref<2x16xi32, #tpu.memory_space<vmem>>, vector<16xi32>,
        tpu.vector_store %arg7[%swap3A_525, %swap3A_526], %shift_right_logical3A_523 {strides = array<i32>} : memref<2x16xi32, #tpu.memory_space<vmem>>, vector<16xi32>,
        %dma_start3A_528 = arith.constant 0 : i32
        %dma_start3A_529 = arith.constant 0 : i32
        %dma_start3A_530 = tpu.memref_slice %arg2[%dma_start3A_528, %dma_start3A_529] : memref<20000x128xf32, #tpu.memory_space<hbm>> -> memref<16x128xf32, #tpu.memory_space<hbm>>
        %dma_start3A_531 = arith.constant 0 : i32
        %dma_start3A_532 = arith.constant 0 : i32
        %dma_start3A_533 = tpu.memref_slice %arg2[%dma_start3A_531, %dma_start3A_532] : memref<20000x128xf32, #tpu.memory_space<hbm>> -> memref<16x128xf32, #tpu.memory_space<hbm>>
        tpu.enqueue_dma source(%dma_start3A_533 : memref<16x128xf32, #tpu.memory_space<hbm>>) target(%arg11 : memref<16x128xf32, #tpu.memory_space<vmem>>) target_semaphore(%arg17 : memref<!tpu.dma_semaphore, #tpu.memory_space<semaphore_mem>>)
      } else {
      }
      %add3A_371 = arith.constant 9 : i32
      %add3A_372 = arith.addi %mul3A_188, %add3A_371 : i32
      %dma_wait3A_373 = arith.constant 0 : i32
      %dma_wait3A_374 = arith.constant 0 : i32
      %dma_wait3A_375 = tpu.memref_slice %arg2[%dma_wait3A_373, %dma_wait3A_374] : memref<20000x128xf32, #tpu.memory_space<hbm>> -> memref<16x128xf32, #tpu.memory_space<hbm>>
      %dma_wait3A_376 = arith.constant 0 : i32
      %dma_wait3A_377 = arith.constant 0 : i32
      %dma_wait3A_378 = tpu.memref_slice %arg2[%dma_wait3A_376, %dma_wait3A_377] : memref<20000x128xf32, #tpu.memory_space<hbm>> -> memref<16x128xf32, #tpu.memory_space<hbm>>
      tpu.wait_dma2 semaphore(%arg16 : memref<!tpu.dma_semaphore, #tpu.memory_space<semaphore_mem>>) src(%dma_wait3A_378 : memref<16x128xf32, #tpu.memory_space<hbm>>) dst(%arg10 : memref<16x128xf32, #tpu.memory_space<vmem>>)
      %dma_start3A_379 = arith.constant 0 : i32
      %dma_start3A_380 = tpu.memref_slice %arg14[%multiple_of3A, %dma_start3A_379] : memref<10112x128xf32, #tpu.memory_space<vmem_shared>> -> memref<16x128xf32, #tpu.memory_space<vmem_shared>>
      %dma_start3A_381 = arith.constant 0 : i32
      %dma_start3A_382 = tpu.memref_slice %arg14[%multiple_of3A, %dma_start3A_381] : memref<10112x128xf32, #tpu.memory_space<vmem_shared>> -> memref<16x128xf32, #tpu.memory_space<vmem_shared>>
      tpu.enqueue_dma source(%arg10 : memref<16x128xf32, #tpu.memory_space<vmem>>) target(%dma_start3A_382 : memref<16x128xf32, #tpu.memory_space<vmem_shared>>) target_semaphore(%arg20 : memref<!tpu.dma_semaphore, #tpu.memory_space<semaphore_mem>>)
      %add3A_383 = arith.constant 2 : i32
      %add3A_384 = arith.addi %add3A_372, %add3A_383 : i32
      %lt3A_385 = arith.constant 640 : i32
      %lt3A_386 = arith.cmpi slt, %add3A_384, %lt3A_385 : i32
      %convert_element_type3A_387 = arith.extui %lt3A_386 : i1 to i32
      %cond3A_388 = arith.constant 0 : i32
      %cond3A_389 = arith.cmpi ne, %convert_element_type3A_387, %cond3A_388 : i32
      scf.if %cond3A_389 {
        %ge3A = arith.constant 2 : i32
        %ge3A_504 = arith.cmpi sge, %add3A_372, %ge3A : i32
        %convert_element_type3A_505 = arith.extui %ge3A_504 : i1 to i32
        %cond3A_506 = arith.constant 0 : i32
        %cond3A_507 = arith.cmpi ne, %convert_element_type3A_505, %cond3A_506 : i32
        scf.if %cond3A_507 {
          %dma_wait3A_534 = arith.constant 0 : i32
          %dma_wait3A_535 = tpu.memref_slice %arg14[%multiple_of3A, %dma_wait3A_534] : memref<10112x128xf32, #tpu.memory_space<vmem_shared>> -> memref<16x128xf32, #tpu.memory_space<vmem_shared>>
          %dma_wait3A_536 = arith.constant 0 : i32
          %dma_wait3A_537 = tpu.memref_slice %arg14[%multiple_of3A, %dma_wait3A_536] : memref<10112x128xf32, #tpu.memory_space<vmem_shared>> -> memref<16x128xf32, #tpu.memory_space<vmem_shared>>
          tpu.wait_dma2 semaphore(%arg22 : memref<!tpu.dma_semaphore, #tpu.memory_space<semaphore_mem>>) src(%arg12 : memref<16x128xf32, #tpu.memory_space<vmem>>) dst(%dma_wait3A_537 : memref<16x128xf32, #tpu.memory_space<vmem_shared>>)
        } else {
        }
        %get3A_508 = arith.constant 1 : i32
        %get3A_509 = arith.index_cast %get3A_508 : i32 to index
        %get3A_510 = arith.constant 48 : index
        %get3A_511 = tpu.vector_load %arg13[%get3A_509, %get3A_510] {strides = array<i32>} : memref<2x128xi32, #tpu.memory_space<vmem>>, vector<16xi32>,
        %and3A_512 = arith.constant 65535 : i32
        %and3A_513 = vector.broadcast %and3A_512 : i32 to vector<16xi32>
        %and3A_514 = arith.andi %get3A_511, %and3A_513 : vector<16xi32>
        %add3A_515 = vector.broadcast %mul3A_7 : i32 to vector<16xi32>
        %add3A_516 = arith.addi %and3A_514, %add3A_515 : vector<16xi32>
        %swap3A_517 = arith.constant 0 : i32
        %swap3A_518 = arith.index_cast %swap3A_517 : i32 to index
        %swap3A_519 = arith.constant 0 : index
        %swap3A_520 = tpu.vector_load %arg8[%swap3A_518, %swap3A_519] {strides = array<i32>} : memref<2x16xi32, #tpu.memory_space<vmem>>, vector<16xi32>,
        tpu.vector_store %arg8[%swap3A_518, %swap3A_519], %add3A_516 {strides = array<i32>} : memref<2x16xi32, #tpu.memory_space<vmem>>, vector<16xi32>,
        %shift_right_logical3A_521 = arith.constant 16 : i32
        %shift_right_logical3A_522 = vector.broadcast %shift_right_logical3A_521 : i32 to vector<16xi32>
        %shift_right_logical3A_523 = arith.shrui %get3A_511, %shift_right_logical3A_522 : vector<16xi32>
        %swap3A_524 = arith.constant 1 : i32
        %swap3A_525 = arith.index_cast %swap3A_524 : i32 to index
        %swap3A_526 = arith.constant 0 : index
        %swap3A_527 = tpu.vector_load %arg8[%swap3A_525, %swap3A_526] {strides = array<i32>} : memref<2x16xi32, #tpu.memory_space<vmem>>, vector<16xi32>,
        tpu.vector_store %arg8[%swap3A_525, %swap3A_526], %shift_right_logical3A_523 {strides = array<i32>} : memref<2x16xi32, #tpu.memory_space<vmem>>, vector<16xi32>,
        %dma_start3A_528 = arith.constant 0 : i32
        %dma_start3A_529 = arith.constant 0 : i32
        %dma_start3A_530 = tpu.memref_slice %arg2[%dma_start3A_528, %dma_start3A_529] : memref<20000x128xf32, #tpu.memory_space<hbm>> -> memref<16x128xf32, #tpu.memory_space<hbm>>
        %dma_start3A_531 = arith.constant 0 : i32
        %dma_start3A_532 = arith.constant 0 : i32
        %dma_start3A_533 = tpu.memref_slice %arg2[%dma_start3A_531, %dma_start3A_532] : memref<20000x128xf32, #tpu.memory_space<hbm>> -> memref<16x128xf32, #tpu.memory_space<hbm>>
        tpu.enqueue_dma source(%dma_start3A_533 : memref<16x128xf32, #tpu.memory_space<hbm>>) target(%arg12 : memref<16x128xf32, #tpu.memory_space<vmem>>) target_semaphore(%arg18 : memref<!tpu.dma_semaphore, #tpu.memory_space<semaphore_mem>>)
      } else {
      }
      %add3A_390 = arith.constant 10 : i32
      %add3A_391 = arith.addi %mul3A_188, %add3A_390 : i32
      %dma_wait3A_392 = arith.constant 0 : i32
      %dma_wait3A_393 = arith.constant 0 : i32
      %dma_wait3A_394 = tpu.memref_slice %arg2[%dma_wait3A_392, %dma_wait3A_393] : memref<20000x128xf32, #tpu.memory_space<hbm>> -> memref<16x128xf32, #tpu.memory_space<hbm>>
      %dma_wait3A_395 = arith.constant 0 : i32
      %dma_wait3A_396 = arith.constant 0 : i32
      %dma_wait3A_397 = tpu.memref_slice %arg2[%dma_wait3A_395, %dma_wait3A_396] : memref<20000x128xf32, #tpu.memory_space<hbm>> -> memref<16x128xf32, #tpu.memory_space<hbm>>
      tpu.wait_dma2 semaphore(%arg17 : memref<!tpu.dma_semaphore, #tpu.memory_space<semaphore_mem>>) src(%dma_wait3A_397 : memref<16x128xf32, #tpu.memory_space<hbm>>) dst(%arg11 : memref<16x128xf32, #tpu.memory_space<vmem>>)
      %dma_start3A_398 = arith.constant 0 : i32
      %dma_start3A_399 = tpu.memref_slice %arg14[%multiple_of3A, %dma_start3A_398] : memref<10112x128xf32, #tpu.memory_space<vmem_shared>> -> memref<16x128xf32, #tpu.memory_space<vmem_shared>>
      %dma_start3A_400 = arith.constant 0 : i32
      %dma_start3A_401 = tpu.memref_slice %arg14[%multiple_of3A, %dma_start3A_400] : memref<10112x128xf32, #tpu.memory_space<vmem_shared>> -> memref<16x128xf32, #tpu.memory_space<vmem_shared>>
      tpu.enqueue_dma source(%arg11 : memref<16x128xf32, #tpu.memory_space<vmem>>) target(%dma_start3A_401 : memref<16x128xf32, #tpu.memory_space<vmem_shared>>) target_semaphore(%arg21 : memref<!tpu.dma_semaphore, #tpu.memory_space<semaphore_mem>>)
      %add3A_402 = arith.constant 2 : i32
      %add3A_403 = arith.addi %add3A_391, %add3A_402 : i32
      %lt3A_404 = arith.constant 640 : i32
      %lt3A_405 = arith.cmpi slt, %add3A_403, %lt3A_404 : i32
      %convert_element_type3A_406 = arith.extui %lt3A_405 : i1 to i32
      %cond3A_407 = arith.constant 0 : i32
      %cond3A_408 = arith.cmpi ne, %convert_element_type3A_406, %cond3A_407 : i32
      scf.if %cond3A_408 {
        %ge3A = arith.constant 2 : i32
        %ge3A_504 = arith.cmpi sge, %add3A_391, %ge3A : i32
        %convert_element_type3A_505 = arith.extui %ge3A_504 : i1 to i32
        %cond3A_506 = arith.constant 0 : i32
        %cond3A_507 = arith.cmpi ne, %convert_element_type3A_505, %cond3A_506 : i32
        scf.if %cond3A_507 {
          %dma_wait3A_534 = arith.constant 0 : i32
          %dma_wait3A_535 = tpu.memref_slice %arg14[%multiple_of3A, %dma_wait3A_534] : memref<10112x128xf32, #tpu.memory_space<vmem_shared>> -> memref<16x128xf32, #tpu.memory_space<vmem_shared>>
          %dma_wait3A_536 = arith.constant 0 : i32
          %dma_wait3A_537 = tpu.memref_slice %arg14[%multiple_of3A, %dma_wait3A_536] : memref<10112x128xf32, #tpu.memory_space<vmem_shared>> -> memref<16x128xf32, #tpu.memory_space<vmem_shared>>
          tpu.wait_dma2 semaphore(%arg19 : memref<!tpu.dma_semaphore, #tpu.memory_space<semaphore_mem>>) src(%arg9 : memref<16x128xf32, #tpu.memory_space<vmem>>) dst(%dma_wait3A_537 : memref<16x128xf32, #tpu.memory_space<vmem_shared>>)
        } else {
        }
        %get3A_508 = arith.constant 1 : i32
        %get3A_509 = arith.index_cast %get3A_508 : i32 to index
        %get3A_510 = arith.constant 64 : index
        %get3A_511 = tpu.vector_load %arg13[%get3A_509, %get3A_510] {strides = array<i32>} : memref<2x128xi32, #tpu.memory_space<vmem>>, vector<16xi32>,
        %and3A_512 = arith.constant 65535 : i32
        %and3A_513 = vector.broadcast %and3A_512 : i32 to vector<16xi32>
        %and3A_514 = arith.andi %get3A_511, %and3A_513 : vector<16xi32>
        %add3A_515 = vector.broadcast %mul3A_7 : i32 to vector<16xi32>
        %add3A_516 = arith.addi %and3A_514, %add3A_515 : vector<16xi32>
        %swap3A_517 = arith.constant 0 : i32
        %swap3A_518 = arith.index_cast %swap3A_517 : i32 to index
        %swap3A_519 = arith.constant 0 : index
        %swap3A_520 = tpu.vector_load %arg5[%swap3A_518, %swap3A_519] {strides = array<i32>} : memref<2x16xi32, #tpu.memory_space<vmem>>, vector<16xi32>,
        tpu.vector_store %arg5[%swap3A_518, %swap3A_519], %add3A_516 {strides = array<i32>} : memref<2x16xi32, #tpu.memory_space<vmem>>, vector<16xi32>,
        %shift_right_logical3A_521 = arith.constant 16 : i32
        %shift_right_logical3A_522 = vector.broadcast %shift_right_logical3A_521 : i32 to vector<16xi32>
        %shift_right_logical3A_523 = arith.shrui %get3A_511, %shift_right_logical3A_522 : vector<16xi32>
        %swap3A_524 = arith.constant 1 : i32
        %swap3A_525 = arith.index_cast %swap3A_524 : i32 to index
        %swap3A_526 = arith.constant 0 : index
        %swap3A_527 = tpu.vector_load %arg5[%swap3A_525, %swap3A_526] {strides = array<i32>} : memref<2x16xi32, #tpu.memory_space<vmem>>, vector<16xi32>,
        tpu.vector_store %arg5[%swap3A_525, %swap3A_526], %shift_right_logical3A_523 {strides = array<i32>} : memref<2x16xi32, #tpu.memory_space<vmem>>, vector<16xi32>,
        %dma_start3A_528 = arith.constant 0 : i32
        %dma_start3A_529 = arith.constant 0 : i32
        %dma_start3A_530 = tpu.memref_slice %arg2[%dma_start3A_528, %dma_start3A_529] : memref<20000x128xf32, #tpu.memory_space<hbm>> -> memref<16x128xf32, #tpu.memory_space<hbm>>
        %dma_start3A_531 = arith.constant 0 : i32
        %dma_start3A_532 = arith.constant 0 : i32
        %dma_start3A_533 = tpu.memref_slice %arg2[%dma_start3A_531, %dma_start3A_532] : memref<20000x128xf32, #tpu.memory_space<hbm>> -> memref<16x128xf32, #tpu.memory_space<hbm>>
        tpu.enqueue_dma source(%dma_start3A_533 : memref<16x128xf32, #tpu.memory_space<hbm>>) target(%arg9 : memref<16x128xf32, #tpu.memory_space<vmem>>) target_semaphore(%arg15 : memref<!tpu.dma_semaphore, #tpu.memory_space<semaphore_mem>>)
      } else {
      }
      %add3A_409 = arith.constant 11 : i32
      %add3A_410 = arith.addi %mul3A_188, %add3A_409 : i32
      %dma_wait3A_411 = arith.constant 0 : i32
      %dma_wait3A_412 = arith.constant 0 : i32
      %dma_wait3A_413 = tpu.memref_slice %arg2[%dma_wait3A_411, %dma_wait3A_412] : memref<20000x128xf32, #tpu.memory_space<hbm>> -> memref<16x128xf32, #tpu.memory_space<hbm>>
      %dma_wait3A_414 = arith.constant 0 : i32
      %dma_wait3A_415 = arith.constant 0 : i32
      %dma_wait3A_416 = tpu.memref_slice %arg2[%dma_wait3A_414, %dma_wait3A_415] : memref<20000x128xf32, #tpu.memory_space<hbm>> -> memref<16x128xf32, #tpu.memory_space<hbm>>
      tpu.wait_dma2 semaphore(%arg18 : memref<!tpu.dma_semaphore, #tpu.memory_space<semaphore_mem>>) src(%dma_wait3A_416 : memref<16x128xf32, #tpu.memory_space<hbm>>) dst(%arg12 : memref<16x128xf32, #tpu.memory_space<vmem>>)
      %dma_start3A_417 = arith.constant 0 : i32
      %dma_start3A_418 = tpu.memref_slice %arg14[%multiple_of3A, %dma_start3A_417] : memref<10112x128xf32, #tpu.memory_space<vmem_shared>> -> memref<16x128xf32, #tpu.memory_space<vmem_shared>>
      %dma_start3A_419 = arith.constant 0 : i32
      %dma_start3A_420 = tpu.memref_slice %arg14[%multiple_of3A, %dma_start3A_419] : memref<10112x128xf32, #tpu.memory_space<vmem_shared>> -> memref<16x128xf32, #tpu.memory_space<vmem_shared>>
      tpu.enqueue_dma source(%arg12 : memref<16x128xf32, #tpu.memory_space<vmem>>) target(%dma_start3A_420 : memref<16x128xf32, #tpu.memory_space<vmem_shared>>) target_semaphore(%arg22 : memref<!tpu.dma_semaphore, #tpu.memory_space<semaphore_mem>>)
      %add3A_421 = arith.constant 2 : i32
      %add3A_422 = arith.addi %add3A_410, %add3A_421 : i32
      %lt3A_423 = arith.constant 640 : i32
      %lt3A_424 = arith.cmpi slt, %add3A_422, %lt3A_423 : i32
      %convert_element_type3A_425 = arith.extui %lt3A_424 : i1 to i32
      %cond3A_426 = arith.constant 0 : i32
      %cond3A_427 = arith.cmpi ne, %convert_element_type3A_425, %cond3A_426 : i32
      scf.if %cond3A_427 {
        %ge3A = arith.constant 2 : i32
        %ge3A_504 = arith.cmpi sge, %add3A_410, %ge3A : i32
        %convert_element_type3A_505 = arith.extui %ge3A_504 : i1 to i32
        %cond3A_506 = arith.constant 0 : i32
        %cond3A_507 = arith.cmpi ne, %convert_element_type3A_505, %cond3A_506 : i32
        scf.if %cond3A_507 {
          %dma_wait3A_534 = arith.constant 0 : i32
          %dma_wait3A_535 = tpu.memref_slice %arg14[%multiple_of3A, %dma_wait3A_534] : memref<10112x128xf32, #tpu.memory_space<vmem_shared>> -> memref<16x128xf32, #tpu.memory_space<vmem_shared>>
          %dma_wait3A_536 = arith.constant 0 : i32
          %dma_wait3A_537 = tpu.memref_slice %arg14[%multiple_of3A, %dma_wait3A_536] : memref<10112x128xf32, #tpu.memory_space<vmem_shared>> -> memref<16x128xf32, #tpu.memory_space<vmem_shared>>
          tpu.wait_dma2 semaphore(%arg20 : memref<!tpu.dma_semaphore, #tpu.memory_space<semaphore_mem>>) src(%arg10 : memref<16x128xf32, #tpu.memory_space<vmem>>) dst(%dma_wait3A_537 : memref<16x128xf32, #tpu.memory_space<vmem_shared>>)
        } else {
        }
        %get3A_508 = arith.constant 1 : i32
        %get3A_509 = arith.index_cast %get3A_508 : i32 to index
        %get3A_510 = arith.constant 80 : index
        %get3A_511 = tpu.vector_load %arg13[%get3A_509, %get3A_510] {strides = array<i32>} : memref<2x128xi32, #tpu.memory_space<vmem>>, vector<16xi32>,
        %and3A_512 = arith.constant 65535 : i32
        %and3A_513 = vector.broadcast %and3A_512 : i32 to vector<16xi32>
        %and3A_514 = arith.andi %get3A_511, %and3A_513 : vector<16xi32>
        %add3A_515 = vector.broadcast %mul3A_7 : i32 to vector<16xi32>
        %add3A_516 = arith.addi %and3A_514, %add3A_515 : vector<16xi32>
        %swap3A_517 = arith.constant 0 : i32
        %swap3A_518 = arith.index_cast %swap3A_517 : i32 to index
        %swap3A_519 = arith.constant 0 : index
        %swap3A_520 = tpu.vector_load %arg6[%swap3A_518, %swap3A_519] {strides = array<i32>} : memref<2x16xi32, #tpu.memory_space<vmem>>, vector<16xi32>,
        tpu.vector_store %arg6[%swap3A_518, %swap3A_519], %add3A_516 {strides = array<i32>} : memref<2x16xi32, #tpu.memory_space<vmem>>, vector<16xi32>,
        %shift_right_logical3A_521 = arith.constant 16 : i32
        %shift_right_logical3A_522 = vector.broadcast %shift_right_logical3A_521 : i32 to vector<16xi32>
        %shift_right_logical3A_523 = arith.shrui %get3A_511, %shift_right_logical3A_522 : vector<16xi32>
        %swap3A_524 = arith.constant 1 : i32
        %swap3A_525 = arith.index_cast %swap3A_524 : i32 to index
        %swap3A_526 = arith.constant 0 : index
        %swap3A_527 = tpu.vector_load %arg6[%swap3A_525, %swap3A_526] {strides = array<i32>} : memref<2x16xi32, #tpu.memory_space<vmem>>, vector<16xi32>,
        tpu.vector_store %arg6[%swap3A_525, %swap3A_526], %shift_right_logical3A_523 {strides = array<i32>} : memref<2x16xi32, #tpu.memory_space<vmem>>, vector<16xi32>,
        %dma_start3A_528 = arith.constant 0 : i32
        %dma_start3A_529 = arith.constant 0 : i32
        %dma_start3A_530 = tpu.memref_slice %arg2[%dma_start3A_528, %dma_start3A_529] : memref<20000x128xf32, #tpu.memory_space<hbm>> -> memref<16x128xf32, #tpu.memory_space<hbm>>
        %dma_start3A_531 = arith.constant 0 : i32
        %dma_start3A_532 = arith.constant 0 : i32
        %dma_start3A_533 = tpu.memref_slice %arg2[%dma_start3A_531, %dma_start3A_532] : memref<20000x128xf32, #tpu.memory_space<hbm>> -> memref<16x128xf32, #tpu.memory_space<hbm>>
        tpu.enqueue_dma source(%dma_start3A_533 : memref<16x128xf32, #tpu.memory_space<hbm>>) target(%arg10 : memref<16x128xf32, #tpu.memory_space<vmem>>) target_semaphore(%arg16 : memref<!tpu.dma_semaphore, #tpu.memory_space<semaphore_mem>>)
      } else {
      }
      %add3A_428 = arith.constant 12 : i32
      %add3A_429 = arith.addi %mul3A_188, %add3A_428 : i32
      %dma_wait3A_430 = arith.constant 0 : i32
      %dma_wait3A_431 = arith.constant 0 : i32
      %dma_wait3A_432 = tpu.memref_slice %arg2[%dma_wait3A_430, %dma_wait3A_431] : memref<20000x128xf32, #tpu.memory_space<hbm>> -> memref<16x128xf32, #tpu.memory_space<hbm>>
      %dma_wait3A_433 = arith.constant 0 : i32
      %dma_wait3A_434 = arith.constant 0 : i32
      %dma_wait3A_435 = tpu.memref_slice %arg2[%dma_wait3A_433, %dma_wait3A_434] : memref<20000x128xf32, #tpu.memory_space<hbm>> -> memref<16x128xf32, #tpu.memory_space<hbm>>
      tpu.wait_dma2 semaphore(%arg15 : memref<!tpu.dma_semaphore, #tpu.memory_space<semaphore_mem>>) src(%dma_wait3A_435 : memref<16x128xf32, #tpu.memory_space<hbm>>) dst(%arg9 : memref<16x128xf32, #tpu.memory_space<vmem>>)
      %dma_start3A_436 = arith.constant 0 : i32
      %dma_start3A_437 = tpu.memref_slice %arg14[%multiple_of3A, %dma_start3A_436] : memref<10112x128xf32, #tpu.memory_space<vmem_shared>> -> memref<16x128xf32, #tpu.memory_space<vmem_shared>>
      %dma_start3A_438 = arith.constant 0 : i32
      %dma_start3A_439 = tpu.memref_slice %arg14[%multiple_of3A, %dma_start3A_438] : memref<10112x128xf32, #tpu.memory_space<vmem_shared>> -> memref<16x128xf32, #tpu.memory_space<vmem_shared>>
      tpu.enqueue_dma source(%arg9 : memref<16x128xf32, #tpu.memory_space<vmem>>) target(%dma_start3A_439 : memref<16x128xf32, #tpu.memory_space<vmem_shared>>) target_semaphore(%arg19 : memref<!tpu.dma_semaphore, #tpu.memory_space<semaphore_mem>>)
      %add3A_440 = arith.constant 2 : i32
      %add3A_441 = arith.addi %add3A_429, %add3A_440 : i32
      %lt3A_442 = arith.constant 640 : i32
      %lt3A_443 = arith.cmpi slt, %add3A_441, %lt3A_442 : i32
      %convert_element_type3A_444 = arith.extui %lt3A_443 : i1 to i32
      %cond3A_445 = arith.constant 0 : i32
      %cond3A_446 = arith.cmpi ne, %convert_element_type3A_444, %cond3A_445 : i32
      scf.if %cond3A_446 {
        %ge3A = arith.constant 2 : i32
        %ge3A_504 = arith.cmpi sge, %add3A_429, %ge3A : i32
        %convert_element_type3A_505 = arith.extui %ge3A_504 : i1 to i32
        %cond3A_506 = arith.constant 0 : i32
        %cond3A_507 = arith.cmpi ne, %convert_element_type3A_505, %cond3A_506 : i32
        scf.if %cond3A_507 {
          %dma_wait3A_534 = arith.constant 0 : i32
          %dma_wait3A_535 = tpu.memref_slice %arg14[%multiple_of3A, %dma_wait3A_534] : memref<10112x128xf32, #tpu.memory_space<vmem_shared>> -> memref<16x128xf32, #tpu.memory_space<vmem_shared>>
          %dma_wait3A_536 = arith.constant 0 : i32
          %dma_wait3A_537 = tpu.memref_slice %arg14[%multiple_of3A, %dma_wait3A_536] : memref<10112x128xf32, #tpu.memory_space<vmem_shared>> -> memref<16x128xf32, #tpu.memory_space<vmem_shared>>
          tpu.wait_dma2 semaphore(%arg21 : memref<!tpu.dma_semaphore, #tpu.memory_space<semaphore_mem>>) src(%arg11 : memref<16x128xf32, #tpu.memory_space<vmem>>) dst(%dma_wait3A_537 : memref<16x128xf32, #tpu.memory_space<vmem_shared>>)
        } else {
        }
        %get3A_508 = arith.constant 1 : i32
        %get3A_509 = arith.index_cast %get3A_508 : i32 to index
        %get3A_510 = arith.constant 96 : index
        %get3A_511 = tpu.vector_load %arg13[%get3A_509, %get3A_510] {strides = array<i32>} : memref<2x128xi32, #tpu.memory_space<vmem>>, vector<16xi32>,
        %and3A_512 = arith.constant 65535 : i32
        %and3A_513 = vector.broadcast %and3A_512 : i32 to vector<16xi32>
        %and3A_514 = arith.andi %get3A_511, %and3A_513 : vector<16xi32>
        %add3A_515 = vector.broadcast %mul3A_7 : i32 to vector<16xi32>
        %add3A_516 = arith.addi %and3A_514, %add3A_515 : vector<16xi32>
        %swap3A_517 = arith.constant 0 : i32
        %swap3A_518 = arith.index_cast %swap3A_517 : i32 to index
        %swap3A_519 = arith.constant 0 : index
        %swap3A_520 = tpu.vector_load %arg7[%swap3A_518, %swap3A_519] {strides = array<i32>} : memref<2x16xi32, #tpu.memory_space<vmem>>, vector<16xi32>,
        tpu.vector_store %arg7[%swap3A_518, %swap3A_519], %add3A_516 {strides = array<i32>} : memref<2x16xi32, #tpu.memory_space<vmem>>, vector<16xi32>,
        %shift_right_logical3A_521 = arith.constant 16 : i32
        %shift_right_logical3A_522 = vector.broadcast %shift_right_logical3A_521 : i32 to vector<16xi32>
        %shift_right_logical3A_523 = arith.shrui %get3A_511, %shift_right_logical3A_522 : vector<16xi32>
        %swap3A_524 = arith.constant 1 : i32
        %swap3A_525 = arith.index_cast %swap3A_524 : i32 to index
        %swap3A_526 = arith.constant 0 : index
        %swap3A_527 = tpu.vector_load %arg7[%swap3A_525, %swap3A_526] {strides = array<i32>} : memref<2x16xi32, #tpu.memory_space<vmem>>, vector<16xi32>,
        tpu.vector_store %arg7[%swap3A_525, %swap3A_526], %shift_right_logical3A_523 {strides = array<i32>} : memref<2x16xi32, #tpu.memory_space<vmem>>, vector<16xi32>,
        %dma_start3A_528 = arith.constant 0 : i32
        %dma_start3A_529 = arith.constant 0 : i32
        %dma_start3A_530 = tpu.memref_slice %arg2[%dma_start3A_528, %dma_start3A_529] : memref<20000x128xf32, #tpu.memory_space<hbm>> -> memref<16x128xf32, #tpu.memory_space<hbm>>
        %dma_start3A_531 = arith.constant 0 : i32
        %dma_start3A_532 = arith.constant 0 : i32
        %dma_start3A_533 = tpu.memref_slice %arg2[%dma_start3A_531, %dma_start3A_532] : memref<20000x128xf32, #tpu.memory_space<hbm>> -> memref<16x128xf32, #tpu.memory_space<hbm>>
        tpu.enqueue_dma source(%dma_start3A_533 : memref<16x128xf32, #tpu.memory_space<hbm>>) target(%arg11 : memref<16x128xf32, #tpu.memory_space<vmem>>) target_semaphore(%arg17 : memref<!tpu.dma_semaphore, #tpu.memory_space<semaphore_mem>>)
      } else {
      }
      %add3A_447 = arith.constant 13 : i32
      %add3A_448 = arith.addi %mul3A_188, %add3A_447 : i32
      %dma_wait3A_449 = arith.constant 0 : i32
      %dma_wait3A_450 = arith.constant 0 : i32
      %dma_wait3A_451 = tpu.memref_slice %arg2[%dma_wait3A_449, %dma_wait3A_450] : memref<20000x128xf32, #tpu.memory_space<hbm>> -> memref<16x128xf32, #tpu.memory_space<hbm>>
      %dma_wait3A_452 = arith.constant 0 : i32
      %dma_wait3A_453 = arith.constant 0 : i32
      %dma_wait3A_454 = tpu.memref_slice %arg2[%dma_wait3A_452, %dma_wait3A_453] : memref<20000x128xf32, #tpu.memory_space<hbm>> -> memref<16x128xf32, #tpu.memory_space<hbm>>
      tpu.wait_dma2 semaphore(%arg16 : memref<!tpu.dma_semaphore, #tpu.memory_space<semaphore_mem>>) src(%dma_wait3A_454 : memref<16x128xf32, #tpu.memory_space<hbm>>) dst(%arg10 : memref<16x128xf32, #tpu.memory_space<vmem>>)
      %dma_start3A_455 = arith.constant 0 : i32
      %dma_start3A_456 = tpu.memref_slice %arg14[%multiple_of3A, %dma_start3A_455] : memref<10112x128xf32, #tpu.memory_space<vmem_shared>> -> memref<16x128xf32, #tpu.memory_space<vmem_shared>>
      %dma_start3A_457 = arith.constant 0 : i32
      %dma_start3A_458 = tpu.memref_slice %arg14[%multiple_of3A, %dma_start3A_457] : memref<10112x128xf32, #tpu.memory_space<vmem_shared>> -> memref<16x128xf32, #tpu.memory_space<vmem_shared>>
      tpu.enqueue_dma source(%arg10 : memref<16x128xf32, #tpu.memory_space<vmem>>) target(%dma_start3A_458 : memref<16x128xf32, #tpu.memory_space<vmem_shared>>) target_semaphore(%arg20 : memref<!tpu.dma_semaphore, #tpu.memory_space<semaphore_mem>>)
      %add3A_459 = arith.constant 2 : i32
      %add3A_460 = arith.addi %add3A_448, %add3A_459 : i32
      %lt3A_461 = arith.constant 640 : i32
      %lt3A_462 = arith.cmpi slt, %add3A_460, %lt3A_461 : i32
      %convert_element_type3A_463 = arith.extui %lt3A_462 : i1 to i32
      %cond3A_464 = arith.constant 0 : i32
      %cond3A_465 = arith.cmpi ne, %convert_element_type3A_463, %cond3A_464 : i32
      scf.if %cond3A_465 {
        %ge3A = arith.constant 2 : i32
        %ge3A_504 = arith.cmpi sge, %add3A_448, %ge3A : i32
        %convert_element_type3A_505 = arith.extui %ge3A_504 : i1 to i32
        %cond3A_506 = arith.constant 0 : i32
        %cond3A_507 = arith.cmpi ne, %convert_element_type3A_505, %cond3A_506 : i32
        scf.if %cond3A_507 {
          %dma_wait3A_534 = arith.constant 0 : i32
          %dma_wait3A_535 = tpu.memref_slice %arg14[%multiple_of3A, %dma_wait3A_534] : memref<10112x128xf32, #tpu.memory_space<vmem_shared>> -> memref<16x128xf32, #tpu.memory_space<vmem_shared>>
          %dma_wait3A_536 = arith.constant 0 : i32
          %dma_wait3A_537 = tpu.memref_slice %arg14[%multiple_of3A, %dma_wait3A_536] : memref<10112x128xf32, #tpu.memory_space<vmem_shared>> -> memref<16x128xf32, #tpu.memory_space<vmem_shared>>
          tpu.wait_dma2 semaphore(%arg22 : memref<!tpu.dma_semaphore, #tpu.memory_space<semaphore_mem>>) src(%arg12 : memref<16x128xf32, #tpu.memory_space<vmem>>) dst(%dma_wait3A_537 : memref<16x128xf32, #tpu.memory_space<vmem_shared>>)
        } else {
        }
        %get3A_508 = arith.constant 1 : i32
        %get3A_509 = arith.index_cast %get3A_508 : i32 to index
        %get3A_510 = arith.constant 112 : index
        %get3A_511 = tpu.vector_load %arg13[%get3A_509, %get3A_510] {strides = array<i32>} : memref<2x128xi32, #tpu.memory_space<vmem>>, vector<16xi32>,
        %and3A_512 = arith.constant 65535 : i32
        %and3A_513 = vector.broadcast %and3A_512 : i32 to vector<16xi32>
        %and3A_514 = arith.andi %get3A_511, %and3A_513 : vector<16xi32>
        %add3A_515 = vector.broadcast %mul3A_7 : i32 to vector<16xi32>
        %add3A_516 = arith.addi %and3A_514, %add3A_515 : vector<16xi32>
        %swap3A_517 = arith.constant 0 : i32
        %swap3A_518 = arith.index_cast %swap3A_517 : i32 to index
        %swap3A_519 = arith.constant 0 : index
        %swap3A_520 = tpu.vector_load %arg8[%swap3A_518, %swap3A_519] {strides = array<i32>} : memref<2x16xi32, #tpu.memory_space<vmem>>, vector<16xi32>,
        tpu.vector_store %arg8[%swap3A_518, %swap3A_519], %add3A_516 {strides = array<i32>} : memref<2x16xi32, #tpu.memory_space<vmem>>, vector<16xi32>,
        %shift_right_logical3A_521 = arith.constant 16 : i32
        %shift_right_logical3A_522 = vector.broadcast %shift_right_logical3A_521 : i32 to vector<16xi32>
        %shift_right_logical3A_523 = arith.shrui %get3A_511, %shift_right_logical3A_522 : vector<16xi32>
        %swap3A_524 = arith.constant 1 : i32
        %swap3A_525 = arith.index_cast %swap3A_524 : i32 to index
        %swap3A_526 = arith.constant 0 : index
        %swap3A_527 = tpu.vector_load %arg8[%swap3A_525, %swap3A_526] {strides = array<i32>} : memref<2x16xi32, #tpu.memory_space<vmem>>, vector<16xi32>,
        tpu.vector_store %arg8[%swap3A_525, %swap3A_526], %shift_right_logical3A_523 {strides = array<i32>} : memref<2x16xi32, #tpu.memory_space<vmem>>, vector<16xi32>,
        %dma_start3A_528 = arith.constant 0 : i32
        %dma_start3A_529 = arith.constant 0 : i32
        %dma_start3A_530 = tpu.memref_slice %arg2[%dma_start3A_528, %dma_start3A_529] : memref<20000x128xf32, #tpu.memory_space<hbm>> -> memref<16x128xf32, #tpu.memory_space<hbm>>
        %dma_start3A_531 = arith.constant 0 : i32
        %dma_start3A_532 = arith.constant 0 : i32
        %dma_start3A_533 = tpu.memref_slice %arg2[%dma_start3A_531, %dma_start3A_532] : memref<20000x128xf32, #tpu.memory_space<hbm>> -> memref<16x128xf32, #tpu.memory_space<hbm>>
        tpu.enqueue_dma source(%dma_start3A_533 : memref<16x128xf32, #tpu.memory_space<hbm>>) target(%arg12 : memref<16x128xf32, #tpu.memory_space<vmem>>) target_semaphore(%arg18 : memref<!tpu.dma_semaphore, #tpu.memory_space<semaphore_mem>>)
      } else {
      }
      %add3A_466 = arith.constant 14 : i32
      %add3A_467 = arith.addi %mul3A_188, %add3A_466 : i32
      %dma_wait3A_468 = arith.constant 0 : i32
      %dma_wait3A_469 = arith.constant 0 : i32
      %dma_wait3A_470 = tpu.memref_slice %arg2[%dma_wait3A_468, %dma_wait3A_469] : memref<20000x128xf32, #tpu.memory_space<hbm>> -> memref<16x128xf32, #tpu.memory_space<hbm>>
      %dma_wait3A_471 = arith.constant 0 : i32
      %dma_wait3A_472 = arith.constant 0 : i32
      %dma_wait3A_473 = tpu.memref_slice %arg2[%dma_wait3A_471, %dma_wait3A_472] : memref<20000x128xf32, #tpu.memory_space<hbm>> -> memref<16x128xf32, #tpu.memory_space<hbm>>
      tpu.wait_dma2 semaphore(%arg17 : memref<!tpu.dma_semaphore, #tpu.memory_space<semaphore_mem>>) src(%dma_wait3A_473 : memref<16x128xf32, #tpu.memory_space<hbm>>) dst(%arg11 : memref<16x128xf32, #tpu.memory_space<vmem>>)
      %dma_start3A_474 = arith.constant 0 : i32
      %dma_start3A_475 = tpu.memref_slice %arg14[%multiple_of3A, %dma_start3A_474] : memref<10112x128xf32, #tpu.memory_space<vmem_shared>> -> memref<16x128xf32, #tpu.memory_space<vmem_shared>>
      %dma_start3A_476 = arith.constant 0 : i32
      %dma_start3A_477 = tpu.memref_slice %arg14[%multiple_of3A, %dma_start3A_476] : memref<10112x128xf32, #tpu.memory_space<vmem_shared>> -> memref<16x128xf32, #tpu.memory_space<vmem_shared>>
      tpu.enqueue_dma source(%arg11 : memref<16x128xf32, #tpu.memory_space<vmem>>) target(%dma_start3A_477 : memref<16x128xf32, #tpu.memory_space<vmem_shared>>) target_semaphore(%arg21 : memref<!tpu.dma_semaphore, #tpu.memory_space<semaphore_mem>>)
      %add3A_478 = arith.constant 2 : i32
      %add3A_479 = arith.addi %add3A_467, %add3A_478 : i32
      %lt3A_480 = arith.constant 640 : i32
      %lt3A_481 = arith.cmpi slt, %add3A_479, %lt3A_480 : i32
      %convert_element_type3A_482 = arith.extui %lt3A_481 : i1 to i32
      %cond3A_483 = arith.constant 0 : i32
      %cond3A_484 = arith.cmpi ne, %convert_element_type3A_482, %cond3A_483 : i32
      scf.if %cond3A_484 {
        %ge3A = arith.constant 2 : i32
        %ge3A_504 = arith.cmpi sge, %add3A_467, %ge3A : i32
        %convert_element_type3A_505 = arith.extui %ge3A_504 : i1 to i32
        %cond3A_506 = arith.constant 0 : i32
        %cond3A_507 = arith.cmpi ne, %convert_element_type3A_505, %cond3A_506 : i32
        scf.if %cond3A_507 {
          %dma_wait3A_543 = arith.constant 0 : i32
          %dma_wait3A_544 = tpu.memref_slice %arg14[%multiple_of3A, %dma_wait3A_543] : memref<10112x128xf32, #tpu.memory_space<vmem_shared>> -> memref<16x128xf32, #tpu.memory_space<vmem_shared>>
          %dma_wait3A_545 = arith.constant 0 : i32
          %dma_wait3A_546 = tpu.memref_slice %arg14[%multiple_of3A, %dma_wait3A_545] : memref<10112x128xf32, #tpu.memory_space<vmem_shared>> -> memref<16x128xf32, #tpu.memory_space<vmem_shared>>
          tpu.wait_dma2 semaphore(%arg19 : memref<!tpu.dma_semaphore, #tpu.memory_space<semaphore_mem>>) src(%arg9 : memref<16x128xf32, #tpu.memory_space<vmem>>) dst(%dma_wait3A_546 : memref<16x128xf32, #tpu.memory_space<vmem_shared>>)
        } else {
        }
        %dma_wait3A_508 = arith.constant 0 : i32
        %dma_wait3A_509 = arith.constant 0 : i32
        %dma_wait3A_510 = tpu.memref_slice %arg13[%dma_wait3A_508, %dma_wait3A_509] : memref<2x128xi32, #tpu.memory_space<vmem>> -> memref<1x128xi32, #tpu.memory_space<vmem>>
        %dma_wait3A_511 = tpu.memref_squeeze %dma_wait3A_510 : memref<1x128xi32, #tpu.memory_space<vmem>> -> memref<128xi32, #tpu.memory_space<vmem>>
        %dma_wait3A_512 = tpu.memref_slice %arg3[%mul3A_5] : memref<163840xi32, #tpu.memory_space<hbm>> -> memref<128xi32, #tpu.memory_space<hbm>>
        %dma_wait3A_513 = arith.constant 0 : i32
        %dma_wait3A_514 = tpu.memref_slice %arg13[%dma_wait3A_508, %dma_wait3A_513] : memref<2x128xi32, #tpu.memory_space<vmem>> -> memref<1x128xi32, #tpu.memory_space<vmem>>
        %dma_wait3A_515 = tpu.memref_squeeze %dma_wait3A_514 : memref<1x128xi32, #tpu.memory_space<vmem>> -> memref<128xi32, #tpu.memory_space<vmem>>
        %dma_wait3A_516 = tpu.memref_slice %arg3[%mul3A_5] : memref<163840xi32, #tpu.memory_space<hbm>> -> memref<128xi32, #tpu.memory_space<hbm>>
        tpu.wait_dma2 semaphore(%arg23 : memref<!tpu.dma_semaphore, #tpu.memory_space<semaphore_mem>>) src(%dma_wait3A_516 : memref<128xi32, #tpu.memory_space<hbm>>) dst(%dma_wait3A_515 : memref<128xi32, #tpu.memory_space<vmem>>)
        %get3A_517 = arith.constant 0 : i32
        %get3A_518 = arith.index_cast %get3A_517 : i32 to index
        %get3A_519 = arith.constant 0 : index
        %get3A_520 = tpu.vector_load %arg13[%get3A_518, %get3A_519] {strides = array<i32>} : memref<2x128xi32, #tpu.memory_space<vmem>>, vector<16xi32>,
        %and3A_521 = arith.constant 65535 : i32
        %and3A_522 = vector.broadcast %and3A_521 : i32 to vector<16xi32>
        %and3A_523 = arith.andi %get3A_520, %and3A_522 : vector<16xi32>
        %add3A_524 = vector.broadcast %mul3A_7 : i32 to vector<16xi32>
        %add3A_525 = arith.addi %and3A_523, %add3A_524 : vector<16xi32>
        %swap3A_526 = arith.constant 0 : i32
        %swap3A_527 = arith.index_cast %swap3A_526 : i32 to index
        %swap3A_528 = arith.constant 0 : index
        %swap3A_529 = tpu.vector_load %arg5[%swap3A_527, %swap3A_528] {strides = array<i32>} : memref<2x16xi32, #tpu.memory_space<vmem>>, vector<16xi32>,
        tpu.vector_store %arg5[%swap3A_527, %swap3A_528], %add3A_525 {strides = array<i32>} : memref<2x16xi32, #tpu.memory_space<vmem>>, vector<16xi32>,
        %shift_right_logical3A_530 = arith.constant 16 : i32
        %shift_right_logical3A_531 = vector.broadcast %shift_right_logical3A_530 : i32 to vector<16xi32>
        %shift_right_logical3A_532 = arith.shrui %get3A_520, %shift_right_logical3A_531 : vector<16xi32>
        %swap3A_533 = arith.constant 1 : i32
        %swap3A_534 = arith.index_cast %swap3A_533 : i32 to index
        %swap3A_535 = arith.constant 0 : index
        %swap3A_536 = tpu.vector_load %arg5[%swap3A_534, %swap3A_535] {strides = array<i32>} : memref<2x16xi32, #tpu.memory_space<vmem>>, vector<16xi32>,
        tpu.vector_store %arg5[%swap3A_534, %swap3A_535], %shift_right_logical3A_532 {strides = array<i32>} : memref<2x16xi32, #tpu.memory_space<vmem>>, vector<16xi32>,
        %dma_start3A_537 = arith.constant 0 : i32
        %dma_start3A_538 = arith.constant 0 : i32
        %dma_start3A_539 = tpu.memref_slice %arg2[%dma_start3A_537, %dma_start3A_538] : memref<20000x128xf32, #tpu.memory_space<hbm>> -> memref<16x128xf32, #tpu.memory_space<hbm>>
        %dma_start3A_540 = arith.constant 0 : i32
        %dma_start3A_541 = arith.constant 0 : i32
        %dma_start3A_542 = tpu.memref_slice %arg2[%dma_start3A_540, %dma_start3A_541] : memref<20000x128xf32, #tpu.memory_space<hbm>> -> memref<16x128xf32, #tpu.memory_space<hbm>>
        tpu.enqueue_dma source(%dma_start3A_542 : memref<16x128xf32, #tpu.memory_space<hbm>>) target(%arg9 : memref<16x128xf32, #tpu.memory_space<vmem>>) target_semaphore(%arg15 : memref<!tpu.dma_semaphore, #tpu.memory_space<semaphore_mem>>)
      } else {
      }
      %add3A_485 = arith.constant 15 : i32
      %add3A_486 = arith.addi %mul3A_188, %add3A_485 : i32
      %dma_wait3A_487 = arith.constant 0 : i32
      %dma_wait3A_488 = arith.constant 0 : i32
      %dma_wait3A_489 = tpu.memref_slice %arg2[%dma_wait3A_487, %dma_wait3A_488] : memref<20000x128xf32, #tpu.memory_space<hbm>> -> memref<16x128xf32, #tpu.memory_space<hbm>>
      %dma_wait3A_490 = arith.constant 0 : i32
      %dma_wait3A_491 = arith.constant 0 : i32
      %dma_wait3A_492 = tpu.memref_slice %arg2[%dma_wait3A_490, %dma_wait3A_491] : memref<20000x128xf32, #tpu.memory_space<hbm>> -> memref<16x128xf32, #tpu.memory_space<hbm>>
      tpu.wait_dma2 semaphore(%arg18 : memref<!tpu.dma_semaphore, #tpu.memory_space<semaphore_mem>>) src(%dma_wait3A_492 : memref<16x128xf32, #tpu.memory_space<hbm>>) dst(%arg12 : memref<16x128xf32, #tpu.memory_space<vmem>>)
      %dma_start3A_493 = arith.constant 0 : i32
      %dma_start3A_494 = tpu.memref_slice %arg14[%multiple_of3A, %dma_start3A_493] : memref<10112x128xf32, #tpu.memory_space<vmem_shared>> -> memref<16x128xf32, #tpu.memory_space<vmem_shared>>
      %dma_start3A_495 = arith.constant 0 : i32
      %dma_start3A_496 = tpu.memref_slice %arg14[%multiple_of3A, %dma_start3A_495] : memref<10112x128xf32, #tpu.memory_space<vmem_shared>> -> memref<16x128xf32, #tpu.memory_space<vmem_shared>>
      tpu.enqueue_dma source(%arg12 : memref<16x128xf32, #tpu.memory_space<vmem>>) target(%dma_start3A_496 : memref<16x128xf32, #tpu.memory_space<vmem_shared>>) target_semaphore(%arg22 : memref<!tpu.dma_semaphore, #tpu.memory_space<semaphore_mem>>)
      %add3A_497 = arith.constant 2 : i32
      %add3A_498 = arith.addi %add3A_486, %add3A_497 : i32
      %lt3A_499 = arith.constant 640 : i32
      %lt3A_500 = arith.cmpi slt, %add3A_498, %lt3A_499 : i32
      %convert_element_type3A_501 = arith.extui %lt3A_500 : i1 to i32
      %cond3A_502 = arith.constant 0 : i32
      %cond3A_503 = arith.cmpi ne, %convert_element_type3A_501, %cond3A_502 : i32
      scf.if %cond3A_503 {
        %ge3A = arith.constant 2 : i32
        %ge3A_504 = arith.cmpi sge, %add3A_486, %ge3A : i32
        %convert_element_type3A_505 = arith.extui %ge3A_504 : i1 to i32
        %cond3A_506 = arith.constant 0 : i32
        %cond3A_507 = arith.cmpi ne, %convert_element_type3A_505, %cond3A_506 : i32
        scf.if %cond3A_507 {
          %dma_wait3A_534 = arith.constant 0 : i32
          %dma_wait3A_535 = tpu.memref_slice %arg14[%multiple_of3A, %dma_wait3A_534] : memref<10112x128xf32, #tpu.memory_space<vmem_shared>> -> memref<16x128xf32, #tpu.memory_space<vmem_shared>>
          %dma_wait3A_536 = arith.constant 0 : i32
          %dma_wait3A_537 = tpu.memref_slice %arg14[%multiple_of3A, %dma_wait3A_536] : memref<10112x128xf32, #tpu.memory_space<vmem_shared>> -> memref<16x128xf32, #tpu.memory_space<vmem_shared>>
          tpu.wait_dma2 semaphore(%arg20 : memref<!tpu.dma_semaphore, #tpu.memory_space<semaphore_mem>>) src(%arg10 : memref<16x128xf32, #tpu.memory_space<vmem>>) dst(%dma_wait3A_537 : memref<16x128xf32, #tpu.memory_space<vmem_shared>>)
        } else {
        }
        %get3A_508 = arith.constant 0 : i32
        %get3A_509 = arith.index_cast %get3A_508 : i32 to index
        %get3A_510 = arith.constant 16 : index
        %get3A_511 = tpu.vector_load %arg13[%get3A_509, %get3A_510] {strides = array<i32>} : memref<2x128xi32, #tpu.memory_space<vmem>>, vector<16xi32>,
        %and3A_512 = arith.constant 65535 : i32
        %and3A_513 = vector.broadcast %and3A_512 : i32 to vector<16xi32>
        %and3A_514 = arith.andi %get3A_511, %and3A_513 : vector<16xi32>
        %add3A_515 = vector.broadcast %mul3A_7 : i32 to vector<16xi32>
        %add3A_516 = arith.addi %and3A_514, %add3A_515 : vector<16xi32>
        %swap3A_517 = arith.constant 0 : i32
        %swap3A_518 = arith.index_cast %swap3A_517 : i32 to index
        %swap3A_519 = arith.constant 0 : index
        %swap3A_520 = tpu.vector_load %arg6[%swap3A_518, %swap3A_519] {strides = array<i32>} : memref<2x16xi32, #tpu.memory_space<vmem>>, vector<16xi32>,
        tpu.vector_store %arg6[%swap3A_518, %swap3A_519], %add3A_516 {strides = array<i32>} : memref<2x16xi32, #tpu.memory_space<vmem>>, vector<16xi32>,
        %shift_right_logical3A_521 = arith.constant 16 : i32
        %shift_right_logical3A_522 = vector.broadcast %shift_right_logical3A_521 : i32 to vector<16xi32>
        %shift_right_logical3A_523 = arith.shrui %get3A_511, %shift_right_logical3A_522 : vector<16xi32>
        %swap3A_524 = arith.constant 1 : i32
        %swap3A_525 = arith.index_cast %swap3A_524 : i32 to index
        %swap3A_526 = arith.constant 0 : index
        %swap3A_527 = tpu.vector_load %arg6[%swap3A_525, %swap3A_526] {strides = array<i32>} : memref<2x16xi32, #tpu.memory_space<vmem>>, vector<16xi32>,
        tpu.vector_store %arg6[%swap3A_525, %swap3A_526], %shift_right_logical3A_523 {strides = array<i32>} : memref<2x16xi32, #tpu.memory_space<vmem>>, vector<16xi32>,
        %dma_start3A_528 = arith.constant 0 : i32
        %dma_start3A_529 = arith.constant 0 : i32
        %dma_start3A_530 = tpu.memref_slice %arg2[%dma_start3A_528, %dma_start3A_529] : memref<20000x128xf32, #tpu.memory_space<hbm>> -> memref<16x128xf32, #tpu.memory_space<hbm>>
        %dma_start3A_531 = arith.constant 0 : i32
        %dma_start3A_532 = arith.constant 0 : i32
        %dma_start3A_533 = tpu.memref_slice %arg2[%dma_start3A_531, %dma_start3A_532] : memref<20000x128xf32, #tpu.memory_space<hbm>> -> memref<16x128xf32, #tpu.memory_space<hbm>>
        tpu.enqueue_dma source(%dma_start3A_533 : memref<16x128xf32, #tpu.memory_space<hbm>>) target(%arg10 : memref<16x128xf32, #tpu.memory_space<vmem>>) target_semaphore(%arg16 : memref<!tpu.dma_semaphore, #tpu.memory_space<semaphore_mem>>)
      } else {
      }
    }
    %scan3A_164 = arith.constant 40 : i32
    %dma_wait3A_165 = arith.constant 0 : i32
    %dma_wait3A_166 = tpu.memref_slice %arg14[%multiple_of3A, %dma_wait3A_165] : memref<10112x128xf32, #tpu.memory_space<vmem_shared>> -> memref<16x128xf32, #tpu.memory_space<vmem_shared>>
    %dma_wait3A_167 = arith.constant 0 : i32
    %dma_wait3A_168 = tpu.memref_slice %arg14[%multiple_of3A, %dma_wait3A_167] : memref<10112x128xf32, #tpu.memory_space<vmem_shared>> -> memref<16x128xf32, #tpu.memory_space<vmem_shared>>
    tpu.wait_dma2 semaphore(%arg19 : memref<!tpu.dma_semaphore, #tpu.memory_space<semaphore_mem>>) src(%arg9 : memref<16x128xf32, #tpu.memory_space<vmem>>) dst(%dma_wait3A_168 : memref<16x128xf32, #tpu.memory_space<vmem_shared>>)
    %dma_wait3A_169 = arith.constant 0 : i32
    %dma_wait3A_170 = tpu.memref_slice %arg14[%multiple_of3A, %dma_wait3A_169] : memref<10112x128xf32, #tpu.memory_space<vmem_shared>> -> memref<16x128xf32, #tpu.memory_space<vmem_shared>>
    %dma_wait3A_171 = arith.constant 0 : i32
    %dma_wait3A_172 = tpu.memref_slice %arg14[%multiple_of3A, %dma_wait3A_171] : memref<10112x128xf32, #tpu.memory_space<vmem_shared>> -> memref<16x128xf32, #tpu.memory_space<vmem_shared>>
    tpu.wait_dma2 semaphore(%arg20 : memref<!tpu.dma_semaphore, #tpu.memory_space<semaphore_mem>>) src(%arg10 : memref<16x128xf32, #tpu.memory_space<vmem>>) dst(%dma_wait3A_172 : memref<16x128xf32, #tpu.memory_space<vmem_shared>>)
    %dma_wait3A_173 = arith.constant 0 : i32
    %dma_wait3A_174 = tpu.memref_slice %arg14[%multiple_of3A, %dma_wait3A_173] : memref<10112x128xf32, #tpu.memory_space<vmem_shared>> -> memref<16x128xf32, #tpu.memory_space<vmem_shared>>
    %dma_wait3A_175 = arith.constant 0 : i32
    %dma_wait3A_176 = tpu.memref_slice %arg14[%multiple_of3A, %dma_wait3A_175] : memref<10112x128xf32, #tpu.memory_space<vmem_shared>> -> memref<16x128xf32, #tpu.memory_space<vmem_shared>>
    tpu.wait_dma2 semaphore(%arg21 : memref<!tpu.dma_semaphore, #tpu.memory_space<semaphore_mem>>) src(%arg11 : memref<16x128xf32, #tpu.memory_space<vmem>>) dst(%dma_wait3A_176 : memref<16x128xf32, #tpu.memory_space<vmem_shared>>)
    %dma_wait3A_177 = arith.constant 0 : i32
    %dma_wait3A_178 = tpu.memref_slice %arg14[%multiple_of3A, %dma_wait3A_177] : memref<10112x128xf32, #tpu.memory_space<vmem_shared>> -> memref<16x128xf32, #tpu.memory_space<vmem_shared>>
    %dma_wait3A_179 = arith.constant 0 : i32
    %dma_wait3A_180 = tpu.memref_slice %arg14[%multiple_of3A, %dma_wait3A_179] : memref<10112x128xf32, #tpu.memory_space<vmem_shared>> -> memref<16x128xf32, #tpu.memory_space<vmem_shared>>
    tpu.wait_dma2 semaphore(%arg22 : memref<!tpu.dma_semaphore, #tpu.memory_space<semaphore_mem>>) src(%arg12 : memref<16x128xf32, #tpu.memory_space<vmem>>) dst(%dma_wait3A_180 : memref<16x128xf32, #tpu.memory_space<vmem_shared>>)
    %barrier3A_181 = arith.constant 0 : index
    tpu.barrier barrier_id(%barrier3A_181)
    "tpu.region"() ({
      %run_scoped3A = tpu.sem_alloc : memref<!tpu.dma_semaphore, #tpu.memory_space<semaphore_mem>>
      %dma_start3A_182 = arith.constant 0 : i32
      %dma_start3A_183 = tpu.memref_slice %arg4[%multiple_of3A_3, %dma_start3A_182] : memref<20224x128xf32, #tpu.memory_space<hbm>> -> memref<632x128xf32, #tpu.memory_space<hbm>>
      %dma_start3A_184 = arith.constant 0 : i32
      %dma_start3A_185 = tpu.memref_slice %arg14[%multiple_of3A, %dma_start3A_184] : memref<10112x128xf32, #tpu.memory_space<vmem_shared>> -> memref<632x128xf32, #tpu.memory_space<vmem_shared>>
      tpu.enqueue_dma source(%dma_start3A_185 : memref<632x128xf32, #tpu.memory_space<vmem_shared>>) target(%dma_start3A_183 : memref<632x128xf32, #tpu.memory_space<hbm>>) target_semaphore(%run_scoped3A : memref<!tpu.dma_semaphore, #tpu.memory_space<semaphore_mem>>)
      %dma_wait3A_186 = arith.constant 0 : i32
      %dma_wait3A_187 = tpu.memref_slice %arg4[%multiple_of3A_3, %dma_wait3A_186] : memref<20224x128xf32, #tpu.memory_space<hbm>> -> memref<632x128xf32, #tpu.memory_space<hbm>>
      %dma_wait3A_188 = arith.constant 0 : i32
      %dma_wait3A_189 = tpu.memref_slice %arg14[%multiple_of3A, %dma_wait3A_188] : memref<10112x128xf32, #tpu.memory_space<vmem_shared>> -> memref<632x128xf32, #tpu.memory_space<vmem_shared>>
      tpu.wait_dma2 semaphore(%run_scoped3A : memref<!tpu.dma_semaphore, #tpu.memory_space<semaphore_mem>>) src(%dma_wait3A_189 : memref<632x128xf32, #tpu.memory_space<vmem_shared>>) dst(%dma_wait3A_187 : memref<632x128xf32, #tpu.memory_space<hbm>>)
      tpu.yield
    }) : () -> ()
    return
  }
}

module attributes {stable_mosaic.version = 14 : i64} {
  func.func @_hist_body(%arg0: i32, %arg1: memref<128x128xi32, #tpu.memory_space<vmem>>, %arg2: memref<128x128xf32, #tpu.memory_space<vmem>>) attributes {dimension_semantics = [#tpu.dimension_semantics<arbitrary>], iteration_bounds = array<i64: 10>, scalar_prefetch = 0 : i64, scratch_operands = 0 : i64, tpu.core_type = #tpu.core_type<tc>, window_params = [{transform_indices = @transform_0, window_bounds = array<i64: 128, 128>}, {pipeline_mode = #tpu.pipeline_mode<synchronous>, transform_indices = @transform_1, window_bounds = array<i64: 128, 128>}]} {
    %eq3A = arith.constant 0 : i32
    %eq3A_0 = arith.cmpi eq, %arg0, %eq3A : i32
    %convert_element_type3A = arith.extui %eq3A_0 : i1 to i32
    %cond3A = arith.constant 0 : i32
    %cond3A_1 = arith.cmpi ne, %convert_element_type3A, %cond3A : i32
    scf.if %cond3A_1 {
      %broadcast_in_dim3A_2566 = arith.constant 0.000000e+00 : f32
      %broadcast_in_dim3A_2567 = vector.broadcast %broadcast_in_dim3A_2566 : f32 to vector<128x128xf32>
      %swap3A_2568 = arith.constant 0 : index
      %swap3A_2569 = arith.constant 0 : index
      %swap3A_2570 = vector.load %arg2[%swap3A_2568, %swap3A_2569] : memref<128x128xf32, #tpu.memory_space<vmem>>, vector<128x128xf32>
      tpu.vector_store %arg2[%swap3A_2568, %swap3A_2569], %broadcast_in_dim3A_2567 {strides = array<i32>} : memref<128x128xf32, #tpu.memory_space<vmem>>, vector<128x128xf32>,
    } else {
    }
    %get3A = arith.constant 0 : index
    %get3A_2 = arith.constant 0 : index
    %get3A_3 = vector.load %arg1[%get3A, %get3A_2] : memref<128x128xi32, #tpu.memory_space<vmem>>, vector<128x128xi32>
    %iota3A = tpu.iota {dimensions = array<i32: 1>} : vector<1x128xi32>
    %broadcast_in_dim3A = arith.constant 0.000000e+00 : f32
    %broadcast_in_dim3A_4 = vector.broadcast %broadcast_in_dim3A : f32 to vector<128x128xf32>
    %slice3A = vector.extract_strided_slice %get3A_3 {offsets = [0, 0], sizes = [128, 1], strides = [1, 1]} : vector<128x128xi32> to vector<128x1xi32>
    %and3A = arith.constant 127 : i32
    %and3A_5 = vector.broadcast %and3A : i32 to vector<128x1xi32>
    %and3A_6 = arith.andi %slice3A, %and3A_5 : vector<128x1xi32>
    %eq3A_7 = vector.broadcast %and3A_6 : vector<128x1xi32> to vector<128x128xi32>
    %eq3A_8 = vector.broadcast %iota3A : vector<1x128xi32> to vector<128x128xi32>
    %eq3A_9 = arith.cmpi eq, %eq3A_7, %eq3A_8 : vector<128x128xi32>
    %convert_element_type3A_10 = arith.extui %eq3A_9 : vector<128x128xi1> to vector<128x128xi32>
    %convert_element_type3A_11 = arith.sitofp %convert_element_type3A_10 : vector<128x128xi32> to vector<128x128xf32>
    %shift_right_logical3A = arith.constant 7 : i32
    %shift_right_logical3A_12 = vector.broadcast %shift_right_logical3A : i32 to vector<128x1xi32>
    %shift_right_logical3A_13 = arith.shrui %slice3A, %shift_right_logical3A_12 : vector<128x1xi32>
    %eq3A_14 = vector.broadcast %shift_right_logical3A_13 : vector<128x1xi32> to vector<128x128xi32>
    %eq3A_15 = vector.broadcast %iota3A : vector<1x128xi32> to vector<128x128xi32>
    %eq3A_16 = arith.cmpi eq, %eq3A_14, %eq3A_15 : vector<128x128xi32>
    %convert_element_type3A_17 = arith.extui %eq3A_16 : vector<128x128xi1> to vector<128x128xi32>
    %convert_element_type3A_18 = arith.sitofp %convert_element_type3A_17 : vector<128x128xi32> to vector<128x128xf32>
    %dot_general3A = arith.constant dense<0.000000e+00> : vector<128x128xf32>
    %dot_general3A_19 = tpu.matmul %convert_element_type3A_18, %convert_element_type3A_11, %dot_general3A {dimension_numbers = #tpu.dot_dimension_numbers<[0], [0], [1], [1], [0, 1, 1, 1], [], []>, transpose_lhs_hint = false} : vector<128x128xf32>, vector<128x128xf32>, vector<128x128xf32> -> vector<128x128xf32>
    %add3A = arith.addf %broadcast_in_dim3A_4, %dot_general3A_19 : vector<128x128xf32>
    %slice3A_20 = vector.extract_strided_slice %get3A_3 {offsets = [0, 1], sizes = [128, 1], strides = [1, 1]} : vector<128x128xi32> to vector<128x1xi32>
    %and3A_21 = arith.constant 127 : i32
    %and3A_22 = vector.broadcast %and3A_21 : i32 to vector<128x1xi32>
    %and3A_23 = arith.andi %slice3A_20, %and3A_22 : vector<128x1xi32>
    %eq3A_24 = vector.broadcast %and3A_23 : vector<128x1xi32> to vector<128x128xi32>
    %eq3A_25 = vector.broadcast %iota3A : vector<1x128xi32> to vector<128x128xi32>
    %eq3A_26 = arith.cmpi eq, %eq3A_24, %eq3A_25 : vector<128x128xi32>
    %convert_element_type3A_27 = arith.extui %eq3A_26 : vector<128x128xi1> to vector<128x128xi32>
    %convert_element_type3A_28 = arith.sitofp %convert_element_type3A_27 : vector<128x128xi32> to vector<128x128xf32>
    %shift_right_logical3A_29 = arith.constant 7 : i32
    %shift_right_logical3A_30 = vector.broadcast %shift_right_logical3A_29 : i32 to vector<128x1xi32>
    %shift_right_logical3A_31 = arith.shrui %slice3A_20, %shift_right_logical3A_30 : vector<128x1xi32>
    %eq3A_32 = vector.broadcast %shift_right_logical3A_31 : vector<128x1xi32> to vector<128x128xi32>
    %eq3A_33 = vector.broadcast %iota3A : vector<1x128xi32> to vector<128x128xi32>
    %eq3A_34 = arith.cmpi eq, %eq3A_32, %eq3A_33 : vector<128x128xi32>
    %convert_element_type3A_35 = arith.extui %eq3A_34 : vector<128x128xi1> to vector<128x128xi32>
    %convert_element_type3A_36 = arith.sitofp %convert_element_type3A_35 : vector<128x128xi32> to vector<128x128xf32>
    %dot_general3A_37 = arith.constant dense<0.000000e+00> : vector<128x128xf32>
    %dot_general3A_38 = tpu.matmul %convert_element_type3A_36, %convert_element_type3A_28, %dot_general3A_37 {dimension_numbers = #tpu.dot_dimension_numbers<[0], [0], [1], [1], [0, 1, 1, 1], [], []>, transpose_lhs_hint = false} : vector<128x128xf32>, vector<128x128xf32>, vector<128x128xf32> -> vector<128x128xf32>
    %add3A_39 = arith.addf %add3A, %dot_general3A_38 : vector<128x128xf32>
    %slice3A_40 = vector.extract_strided_slice %get3A_3 {offsets = [0, 2], sizes = [128, 1], strides = [1, 1]} : vector<128x128xi32> to vector<128x1xi32>
    %and3A_41 = arith.constant 127 : i32
    %and3A_42 = vector.broadcast %and3A_41 : i32 to vector<128x1xi32>
    %and3A_43 = arith.andi %slice3A_40, %and3A_42 : vector<128x1xi32>
    %eq3A_44 = vector.broadcast %and3A_43 : vector<128x1xi32> to vector<128x128xi32>
    %eq3A_45 = vector.broadcast %iota3A : vector<1x128xi32> to vector<128x128xi32>
    %eq3A_46 = arith.cmpi eq, %eq3A_44, %eq3A_45 : vector<128x128xi32>
    %convert_element_type3A_47 = arith.extui %eq3A_46 : vector<128x128xi1> to vector<128x128xi32>
    %convert_element_type3A_48 = arith.sitofp %convert_element_type3A_47 : vector<128x128xi32> to vector<128x128xf32>
    %shift_right_logical3A_49 = arith.constant 7 : i32
    %shift_right_logical3A_50 = vector.broadcast %shift_right_logical3A_49 : i32 to vector<128x1xi32>
    %shift_right_logical3A_51 = arith.shrui %slice3A_40, %shift_right_logical3A_50 : vector<128x1xi32>
    %eq3A_52 = vector.broadcast %shift_right_logical3A_51 : vector<128x1xi32> to vector<128x128xi32>
    %eq3A_53 = vector.broadcast %iota3A : vector<1x128xi32> to vector<128x128xi32>
    %eq3A_54 = arith.cmpi eq, %eq3A_52, %eq3A_53 : vector<128x128xi32>
    %convert_element_type3A_55 = arith.extui %eq3A_54 : vector<128x128xi1> to vector<128x128xi32>
    %convert_element_type3A_56 = arith.sitofp %convert_element_type3A_55 : vector<128x128xi32> to vector<128x128xf32>
    %dot_general3A_57 = arith.constant dense<0.000000e+00> : vector<128x128xf32>
    %dot_general3A_58 = tpu.matmul %convert_element_type3A_56, %convert_element_type3A_48, %dot_general3A_57 {dimension_numbers = #tpu.dot_dimension_numbers<[0], [0], [1], [1], [0, 1, 1, 1], [], []>, transpose_lhs_hint = false} : vector<128x128xf32>, vector<128x128xf32>, vector<128x128xf32> -> vector<128x128xf32>
    %add3A_59 = arith.addf %add3A_39, %dot_general3A_58 : vector<128x128xf32>
    %slice3A_60 = vector.extract_strided_slice %get3A_3 {offsets = [0, 3], sizes = [128, 1], strides = [1, 1]} : vector<128x128xi32> to vector<128x1xi32>
    %and3A_61 = arith.constant 127 : i32
    %and3A_62 = vector.broadcast %and3A_61 : i32 to vector<128x1xi32>
    %and3A_63 = arith.andi %slice3A_60, %and3A_62 : vector<128x1xi32>
    %eq3A_64 = vector.broadcast %and3A_63 : vector<128x1xi32> to vector<128x128xi32>
    %eq3A_65 = vector.broadcast %iota3A : vector<1x128xi32> to vector<128x128xi32>
    %eq3A_66 = arith.cmpi eq, %eq3A_64, %eq3A_65 : vector<128x128xi32>
    %convert_element_type3A_67 = arith.extui %eq3A_66 : vector<128x128xi1> to vector<128x128xi32>
    %convert_element_type3A_68 = arith.sitofp %convert_element_type3A_67 : vector<128x128xi32> to vector<128x128xf32>
    %shift_right_logical3A_69 = arith.constant 7 : i32
    %shift_right_logical3A_70 = vector.broadcast %shift_right_logical3A_69 : i32 to vector<128x1xi32>
    %shift_right_logical3A_71 = arith.shrui %slice3A_60, %shift_right_logical3A_70 : vector<128x1xi32>
    %eq3A_72 = vector.broadcast %shift_right_logical3A_71 : vector<128x1xi32> to vector<128x128xi32>
    %eq3A_73 = vector.broadcast %iota3A : vector<1x128xi32> to vector<128x128xi32>
    %eq3A_74 = arith.cmpi eq, %eq3A_72, %eq3A_73 : vector<128x128xi32>
    %convert_element_type3A_75 = arith.extui %eq3A_74 : vector<128x128xi1> to vector<128x128xi32>
    %convert_element_type3A_76 = arith.sitofp %convert_element_type3A_75 : vector<128x128xi32> to vector<128x128xf32>
    %dot_general3A_77 = arith.constant dense<0.000000e+00> : vector<128x128xf32>
    %dot_general3A_78 = tpu.matmul %convert_element_type3A_76, %convert_element_type3A_68, %dot_general3A_77 {dimension_numbers = #tpu.dot_dimension_numbers<[0], [0], [1], [1], [0, 1, 1, 1], [], []>, transpose_lhs_hint = false} : vector<128x128xf32>, vector<128x128xf32>, vector<128x128xf32> -> vector<128x128xf32>
    %add3A_79 = arith.addf %add3A_59, %dot_general3A_78 : vector<128x128xf32>
    %slice3A_80 = vector.extract_strided_slice %get3A_3 {offsets = [0, 4], sizes = [128, 1], strides = [1, 1]} : vector<128x128xi32> to vector<128x1xi32>
    %and3A_81 = arith.constant 127 : i32
    %and3A_82 = vector.broadcast %and3A_81 : i32 to vector<128x1xi32>
    %and3A_83 = arith.andi %slice3A_80, %and3A_82 : vector<128x1xi32>
    %eq3A_84 = vector.broadcast %and3A_83 : vector<128x1xi32> to vector<128x128xi32>
    %eq3A_85 = vector.broadcast %iota3A : vector<1x128xi32> to vector<128x128xi32>
    %eq3A_86 = arith.cmpi eq, %eq3A_84, %eq3A_85 : vector<128x128xi32>
    %convert_element_type3A_87 = arith.extui %eq3A_86 : vector<128x128xi1> to vector<128x128xi32>
    %convert_element_type3A_88 = arith.sitofp %convert_element_type3A_87 : vector<128x128xi32> to vector<128x128xf32>
    %shift_right_logical3A_89 = arith.constant 7 : i32
    %shift_right_logical3A_90 = vector.broadcast %shift_right_logical3A_89 : i32 to vector<128x1xi32>
    %shift_right_logical3A_91 = arith.shrui %slice3A_80, %shift_right_logical3A_90 : vector<128x1xi32>
    %eq3A_92 = vector.broadcast %shift_right_logical3A_91 : vector<128x1xi32> to vector<128x128xi32>
    %eq3A_93 = vector.broadcast %iota3A : vector<1x128xi32> to vector<128x128xi32>
    %eq3A_94 = arith.cmpi eq, %eq3A_92, %eq3A_93 : vector<128x128xi32>
    %convert_element_type3A_95 = arith.extui %eq3A_94 : vector<128x128xi1> to vector<128x128xi32>
    %convert_element_type3A_96 = arith.sitofp %convert_element_type3A_95 : vector<128x128xi32> to vector<128x128xf32>
    %dot_general3A_97 = arith.constant dense<0.000000e+00> : vector<128x128xf32>
    %dot_general3A_98 = tpu.matmul %convert_element_type3A_96, %convert_element_type3A_88, %dot_general3A_97 {dimension_numbers = #tpu.dot_dimension_numbers<[0], [0], [1], [1], [0, 1, 1, 1], [], []>, transpose_lhs_hint = false} : vector<128x128xf32>, vector<128x128xf32>, vector<128x128xf32> -> vector<128x128xf32>
    %add3A_99 = arith.addf %add3A_79, %dot_general3A_98 : vector<128x128xf32>
    %slice3A_100 = vector.extract_strided_slice %get3A_3 {offsets = [0, 5], sizes = [128, 1], strides = [1, 1]} : vector<128x128xi32> to vector<128x1xi32>
    %and3A_101 = arith.constant 127 : i32
    %and3A_102 = vector.broadcast %and3A_101 : i32 to vector<128x1xi32>
    %and3A_103 = arith.andi %slice3A_100, %and3A_102 : vector<128x1xi32>
    %eq3A_104 = vector.broadcast %and3A_103 : vector<128x1xi32> to vector<128x128xi32>
    %eq3A_105 = vector.broadcast %iota3A : vector<1x128xi32> to vector<128x128xi32>
    %eq3A_106 = arith.cmpi eq, %eq3A_104, %eq3A_105 : vector<128x128xi32>
    %convert_element_type3A_107 = arith.extui %eq3A_106 : vector<128x128xi1> to vector<128x128xi32>
    %convert_element_type3A_108 = arith.sitofp %convert_element_type3A_107 : vector<128x128xi32> to vector<128x128xf32>
    %shift_right_logical3A_109 = arith.constant 7 : i32
    %shift_right_logical3A_110 = vector.broadcast %shift_right_logical3A_109 : i32 to vector<128x1xi32>
    %shift_right_logical3A_111 = arith.shrui %slice3A_100, %shift_right_logical3A_110 : vector<128x1xi32>
    %eq3A_112 = vector.broadcast %shift_right_logical3A_111 : vector<128x1xi32> to vector<128x128xi32>
    %eq3A_113 = vector.broadcast %iota3A : vector<1x128xi32> to vector<128x128xi32>
    %eq3A_114 = arith.cmpi eq, %eq3A_112, %eq3A_113 : vector<128x128xi32>
    %convert_element_type3A_115 = arith.extui %eq3A_114 : vector<128x128xi1> to vector<128x128xi32>
    %convert_element_type3A_116 = arith.sitofp %convert_element_type3A_115 : vector<128x128xi32> to vector<128x128xf32>
    %dot_general3A_117 = arith.constant dense<0.000000e+00> : vector<128x128xf32>
    %dot_general3A_118 = tpu.matmul %convert_element_type3A_116, %convert_element_type3A_108, %dot_general3A_117 {dimension_numbers = #tpu.dot_dimension_numbers<[0], [0], [1], [1], [0, 1, 1, 1], [], []>, transpose_lhs_hint = false} : vector<128x128xf32>, vector<128x128xf32>, vector<128x128xf32> -> vector<128x128xf32>
    %add3A_119 = arith.addf %add3A_99, %dot_general3A_118 : vector<128x128xf32>
    %slice3A_120 = vector.extract_strided_slice %get3A_3 {offsets = [0, 6], sizes = [128, 1], strides = [1, 1]} : vector<128x128xi32> to vector<128x1xi32>
    %and3A_121 = arith.constant 127 : i32
    %and3A_122 = vector.broadcast %and3A_121 : i32 to vector<128x1xi32>
    %and3A_123 = arith.andi %slice3A_120, %and3A_122 : vector<128x1xi32>
    %eq3A_124 = vector.broadcast %and3A_123 : vector<128x1xi32> to vector<128x128xi32>
    %eq3A_125 = vector.broadcast %iota3A : vector<1x128xi32> to vector<128x128xi32>
    %eq3A_126 = arith.cmpi eq, %eq3A_124, %eq3A_125 : vector<128x128xi32>
    %convert_element_type3A_127 = arith.extui %eq3A_126 : vector<128x128xi1> to vector<128x128xi32>
    %convert_element_type3A_128 = arith.sitofp %convert_element_type3A_127 : vector<128x128xi32> to vector<128x128xf32>
    %shift_right_logical3A_129 = arith.constant 7 : i32
    %shift_right_logical3A_130 = vector.broadcast %shift_right_logical3A_129 : i32 to vector<128x1xi32>
    %shift_right_logical3A_131 = arith.shrui %slice3A_120, %shift_right_logical3A_130 : vector<128x1xi32>
    %eq3A_132 = vector.broadcast %shift_right_logical3A_131 : vector<128x1xi32> to vector<128x128xi32>
    %eq3A_133 = vector.broadcast %iota3A : vector<1x128xi32> to vector<128x128xi32>
    %eq3A_134 = arith.cmpi eq, %eq3A_132, %eq3A_133 : vector<128x128xi32>
    %convert_element_type3A_135 = arith.extui %eq3A_134 : vector<128x128xi1> to vector<128x128xi32>
    %convert_element_type3A_136 = arith.sitofp %convert_element_type3A_135 : vector<128x128xi32> to vector<128x128xf32>
    %dot_general3A_137 = arith.constant dense<0.000000e+00> : vector<128x128xf32>
    %dot_general3A_138 = tpu.matmul %convert_element_type3A_136, %convert_element_type3A_128, %dot_general3A_137 {dimension_numbers = #tpu.dot_dimension_numbers<[0], [0], [1], [1], [0, 1, 1, 1], [], []>, transpose_lhs_hint = false} : vector<128x128xf32>, vector<128x128xf32>, vector<128x128xf32> -> vector<128x128xf32>
    %add3A_139 = arith.addf %add3A_119, %dot_general3A_138 : vector<128x128xf32>
    %slice3A_140 = vector.extract_strided_slice %get3A_3 {offsets = [0, 7], sizes = [128, 1], strides = [1, 1]} : vector<128x128xi32> to vector<128x1xi32>
    %and3A_141 = arith.constant 127 : i32
    %and3A_142 = vector.broadcast %and3A_141 : i32 to vector<128x1xi32>
    %and3A_143 = arith.andi %slice3A_140, %and3A_142 : vector<128x1xi32>
    %eq3A_144 = vector.broadcast %and3A_143 : vector<128x1xi32> to vector<128x128xi32>
    %eq3A_145 = vector.broadcast %iota3A : vector<1x128xi32> to vector<128x128xi32>
    %eq3A_146 = arith.cmpi eq, %eq3A_144, %eq3A_145 : vector<128x128xi32>
    %convert_element_type3A_147 = arith.extui %eq3A_146 : vector<128x128xi1> to vector<128x128xi32>
    %convert_element_type3A_148 = arith.sitofp %convert_element_type3A_147 : vector<128x128xi32> to vector<128x128xf32>
    %shift_right_logical3A_149 = arith.constant 7 : i32
    %shift_right_logical3A_150 = vector.broadcast %shift_right_logical3A_149 : i32 to vector<128x1xi32>
    %shift_right_logical3A_151 = arith.shrui %slice3A_140, %shift_right_logical3A_150 : vector<128x1xi32>
    %eq3A_152 = vector.broadcast %shift_right_logical3A_151 : vector<128x1xi32> to vector<128x128xi32>
    %eq3A_153 = vector.broadcast %iota3A : vector<1x128xi32> to vector<128x128xi32>
    %eq3A_154 = arith.cmpi eq, %eq3A_152, %eq3A_153 : vector<128x128xi32>
    %convert_element_type3A_155 = arith.extui %eq3A_154 : vector<128x128xi1> to vector<128x128xi32>
    %convert_element_type3A_156 = arith.sitofp %convert_element_type3A_155 : vector<128x128xi32> to vector<128x128xf32>
    %dot_general3A_157 = arith.constant dense<0.000000e+00> : vector<128x128xf32>
    %dot_general3A_158 = tpu.matmul %convert_element_type3A_156, %convert_element_type3A_148, %dot_general3A_157 {dimension_numbers = #tpu.dot_dimension_numbers<[0], [0], [1], [1], [0, 1, 1, 1], [], []>, transpose_lhs_hint = false} : vector<128x128xf32>, vector<128x128xf32>, vector<128x128xf32> -> vector<128x128xf32>
    %add3A_159 = arith.addf %add3A_139, %dot_general3A_158 : vector<128x128xf32>
    %slice3A_160 = vector.extract_strided_slice %get3A_3 {offsets = [0, 8], sizes = [128, 1], strides = [1, 1]} : vector<128x128xi32> to vector<128x1xi32>
    %and3A_161 = arith.constant 127 : i32
    %and3A_162 = vector.broadcast %and3A_161 : i32 to vector<128x1xi32>
    %and3A_163 = arith.andi %slice3A_160, %and3A_162 : vector<128x1xi32>
    %eq3A_164 = vector.broadcast %and3A_163 : vector<128x1xi32> to vector<128x128xi32>
    %eq3A_165 = vector.broadcast %iota3A : vector<1x128xi32> to vector<128x128xi32>
    %eq3A_166 = arith.cmpi eq, %eq3A_164, %eq3A_165 : vector<128x128xi32>
    %convert_element_type3A_167 = arith.extui %eq3A_166 : vector<128x128xi1> to vector<128x128xi32>
    %convert_element_type3A_168 = arith.sitofp %convert_element_type3A_167 : vector<128x128xi32> to vector<128x128xf32>
    %shift_right_logical3A_169 = arith.constant 7 : i32
    %shift_right_logical3A_170 = vector.broadcast %shift_right_logical3A_169 : i32 to vector<128x1xi32>
    %shift_right_logical3A_171 = arith.shrui %slice3A_160, %shift_right_logical3A_170 : vector<128x1xi32>
    %eq3A_172 = vector.broadcast %shift_right_logical3A_171 : vector<128x1xi32> to vector<128x128xi32>
    %eq3A_173 = vector.broadcast %iota3A : vector<1x128xi32> to vector<128x128xi32>
    %eq3A_174 = arith.cmpi eq, %eq3A_172, %eq3A_173 : vector<128x128xi32>
    %convert_element_type3A_175 = arith.extui %eq3A_174 : vector<128x128xi1> to vector<128x128xi32>
    %convert_element_type3A_176 = arith.sitofp %convert_element_type3A_175 : vector<128x128xi32> to vector<128x128xf32>
    %dot_general3A_177 = arith.constant dense<0.000000e+00> : vector<128x128xf32>
    %dot_general3A_178 = tpu.matmul %convert_element_type3A_176, %convert_element_type3A_168, %dot_general3A_177 {dimension_numbers = #tpu.dot_dimension_numbers<[0], [0], [1], [1], [0, 1, 1, 1], [], []>, transpose_lhs_hint = false} : vector<128x128xf32>, vector<128x128xf32>, vector<128x128xf32> -> vector<128x128xf32>
    %add3A_179 = arith.addf %add3A_159, %dot_general3A_178 : vector<128x128xf32>
    %slice3A_180 = vector.extract_strided_slice %get3A_3 {offsets = [0, 9], sizes = [128, 1], strides = [1, 1]} : vector<128x128xi32> to vector<128x1xi32>
    %and3A_181 = arith.constant 127 : i32
    %and3A_182 = vector.broadcast %and3A_181 : i32 to vector<128x1xi32>
    %and3A_183 = arith.andi %slice3A_180, %and3A_182 : vector<128x1xi32>
    %eq3A_184 = vector.broadcast %and3A_183 : vector<128x1xi32> to vector<128x128xi32>
    %eq3A_185 = vector.broadcast %iota3A : vector<1x128xi32> to vector<128x128xi32>
    %eq3A_186 = arith.cmpi eq, %eq3A_184, %eq3A_185 : vector<128x128xi32>
    %convert_element_type3A_187 = arith.extui %eq3A_186 : vector<128x128xi1> to vector<128x128xi32>
    %convert_element_type3A_188 = arith.sitofp %convert_element_type3A_187 : vector<128x128xi32> to vector<128x128xf32>
    %shift_right_logical3A_189 = arith.constant 7 : i32
    %shift_right_logical3A_190 = vector.broadcast %shift_right_logical3A_189 : i32 to vector<128x1xi32>
    %shift_right_logical3A_191 = arith.shrui %slice3A_180, %shift_right_logical3A_190 : vector<128x1xi32>
    %eq3A_192 = vector.broadcast %shift_right_logical3A_191 : vector<128x1xi32> to vector<128x128xi32>
    %eq3A_193 = vector.broadcast %iota3A : vector<1x128xi32> to vector<128x128xi32>
    %eq3A_194 = arith.cmpi eq, %eq3A_192, %eq3A_193 : vector<128x128xi32>
    %convert_element_type3A_195 = arith.extui %eq3A_194 : vector<128x128xi1> to vector<128x128xi32>
    %convert_element_type3A_196 = arith.sitofp %convert_element_type3A_195 : vector<128x128xi32> to vector<128x128xf32>
    %dot_general3A_197 = arith.constant dense<0.000000e+00> : vector<128x128xf32>
    %dot_general3A_198 = tpu.matmul %convert_element_type3A_196, %convert_element_type3A_188, %dot_general3A_197 {dimension_numbers = #tpu.dot_dimension_numbers<[0], [0], [1], [1], [0, 1, 1, 1], [], []>, transpose_lhs_hint = false} : vector<128x128xf32>, vector<128x128xf32>, vector<128x128xf32> -> vector<128x128xf32>
    %add3A_199 = arith.addf %add3A_179, %dot_general3A_198 : vector<128x128xf32>
    %slice3A_200 = vector.extract_strided_slice %get3A_3 {offsets = [0, 10], sizes = [128, 1], strides = [1, 1]} : vector<128x128xi32> to vector<128x1xi32>
    %and3A_201 = arith.constant 127 : i32
    %and3A_202 = vector.broadcast %and3A_201 : i32 to vector<128x1xi32>
    %and3A_203 = arith.andi %slice3A_200, %and3A_202 : vector<128x1xi32>
    %eq3A_204 = vector.broadcast %and3A_203 : vector<128x1xi32> to vector<128x128xi32>
    %eq3A_205 = vector.broadcast %iota3A : vector<1x128xi32> to vector<128x128xi32>
    %eq3A_206 = arith.cmpi eq, %eq3A_204, %eq3A_205 : vector<128x128xi32>
    %convert_element_type3A_207 = arith.extui %eq3A_206 : vector<128x128xi1> to vector<128x128xi32>
    %convert_element_type3A_208 = arith.sitofp %convert_element_type3A_207 : vector<128x128xi32> to vector<128x128xf32>
    %shift_right_logical3A_209 = arith.constant 7 : i32
    %shift_right_logical3A_210 = vector.broadcast %shift_right_logical3A_209 : i32 to vector<128x1xi32>
    %shift_right_logical3A_211 = arith.shrui %slice3A_200, %shift_right_logical3A_210 : vector<128x1xi32>
    %eq3A_212 = vector.broadcast %shift_right_logical3A_211 : vector<128x1xi32> to vector<128x128xi32>
    %eq3A_213 = vector.broadcast %iota3A : vector<1x128xi32> to vector<128x128xi32>
    %eq3A_214 = arith.cmpi eq, %eq3A_212, %eq3A_213 : vector<128x128xi32>
    %convert_element_type3A_215 = arith.extui %eq3A_214 : vector<128x128xi1> to vector<128x128xi32>
    %convert_element_type3A_216 = arith.sitofp %convert_element_type3A_215 : vector<128x128xi32> to vector<128x128xf32>
    %dot_general3A_217 = arith.constant dense<0.000000e+00> : vector<128x128xf32>
    %dot_general3A_218 = tpu.matmul %convert_element_type3A_216, %convert_element_type3A_208, %dot_general3A_217 {dimension_numbers = #tpu.dot_dimension_numbers<[0], [0], [1], [1], [0, 1, 1, 1], [], []>, transpose_lhs_hint = false} : vector<128x128xf32>, vector<128x128xf32>, vector<128x128xf32> -> vector<128x128xf32>
    %add3A_219 = arith.addf %add3A_199, %dot_general3A_218 : vector<128x128xf32>
    %slice3A_220 = vector.extract_strided_slice %get3A_3 {offsets = [0, 11], sizes = [128, 1], strides = [1, 1]} : vector<128x128xi32> to vector<128x1xi32>
    %and3A_221 = arith.constant 127 : i32
    %and3A_222 = vector.broadcast %and3A_221 : i32 to vector<128x1xi32>
    %and3A_223 = arith.andi %slice3A_220, %and3A_222 : vector<128x1xi32>
    %eq3A_224 = vector.broadcast %and3A_223 : vector<128x1xi32> to vector<128x128xi32>
    %eq3A_225 = vector.broadcast %iota3A : vector<1x128xi32> to vector<128x128xi32>
    %eq3A_226 = arith.cmpi eq, %eq3A_224, %eq3A_225 : vector<128x128xi32>
    %convert_element_type3A_227 = arith.extui %eq3A_226 : vector<128x128xi1> to vector<128x128xi32>
    %convert_element_type3A_228 = arith.sitofp %convert_element_type3A_227 : vector<128x128xi32> to vector<128x128xf32>
    %shift_right_logical3A_229 = arith.constant 7 : i32
    %shift_right_logical3A_230 = vector.broadcast %shift_right_logical3A_229 : i32 to vector<128x1xi32>
    %shift_right_logical3A_231 = arith.shrui %slice3A_220, %shift_right_logical3A_230 : vector<128x1xi32>
    %eq3A_232 = vector.broadcast %shift_right_logical3A_231 : vector<128x1xi32> to vector<128x128xi32>
    %eq3A_233 = vector.broadcast %iota3A : vector<1x128xi32> to vector<128x128xi32>
    %eq3A_234 = arith.cmpi eq, %eq3A_232, %eq3A_233 : vector<128x128xi32>
    %convert_element_type3A_235 = arith.extui %eq3A_234 : vector<128x128xi1> to vector<128x128xi32>
    %convert_element_type3A_236 = arith.sitofp %convert_element_type3A_235 : vector<128x128xi32> to vector<128x128xf32>
    %dot_general3A_237 = arith.constant dense<0.000000e+00> : vector<128x128xf32>
    %dot_general3A_238 = tpu.matmul %convert_element_type3A_236, %convert_element_type3A_228, %dot_general3A_237 {dimension_numbers = #tpu.dot_dimension_numbers<[0], [0], [1], [1], [0, 1, 1, 1], [], []>, transpose_lhs_hint = false} : vector<128x128xf32>, vector<128x128xf32>, vector<128x128xf32> -> vector<128x128xf32>
    %add3A_239 = arith.addf %add3A_219, %dot_general3A_238 : vector<128x128xf32>
    %slice3A_240 = vector.extract_strided_slice %get3A_3 {offsets = [0, 12], sizes = [128, 1], strides = [1, 1]} : vector<128x128xi32> to vector<128x1xi32>
    %and3A_241 = arith.constant 127 : i32
    %and3A_242 = vector.broadcast %and3A_241 : i32 to vector<128x1xi32>
    %and3A_243 = arith.andi %slice3A_240, %and3A_242 : vector<128x1xi32>
    %eq3A_244 = vector.broadcast %and3A_243 : vector<128x1xi32> to vector<128x128xi32>
    %eq3A_245 = vector.broadcast %iota3A : vector<1x128xi32> to vector<128x128xi32>
    %eq3A_246 = arith.cmpi eq, %eq3A_244, %eq3A_245 : vector<128x128xi32>
    %convert_element_type3A_247 = arith.extui %eq3A_246 : vector<128x128xi1> to vector<128x128xi32>
    %convert_element_type3A_248 = arith.sitofp %convert_element_type3A_247 : vector<128x128xi32> to vector<128x128xf32>
    %shift_right_logical3A_249 = arith.constant 7 : i32
    %shift_right_logical3A_250 = vector.broadcast %shift_right_logical3A_249 : i32 to vector<128x1xi32>
    %shift_right_logical3A_251 = arith.shrui %slice3A_240, %shift_right_logical3A_250 : vector<128x1xi32>
    %eq3A_252 = vector.broadcast %shift_right_logical3A_251 : vector<128x1xi32> to vector<128x128xi32>
    %eq3A_253 = vector.broadcast %iota3A : vector<1x128xi32> to vector<128x128xi32>
    %eq3A_254 = arith.cmpi eq, %eq3A_252, %eq3A_253 : vector<128x128xi32>
    %convert_element_type3A_255 = arith.extui %eq3A_254 : vector<128x128xi1> to vector<128x128xi32>
    %convert_element_type3A_256 = arith.sitofp %convert_element_type3A_255 : vector<128x128xi32> to vector<128x128xf32>
    %dot_general3A_257 = arith.constant dense<0.000000e+00> : vector<128x128xf32>
    %dot_general3A_258 = tpu.matmul %convert_element_type3A_256, %convert_element_type3A_248, %dot_general3A_257 {dimension_numbers = #tpu.dot_dimension_numbers<[0], [0], [1], [1], [0, 1, 1, 1], [], []>, transpose_lhs_hint = false} : vector<128x128xf32>, vector<128x128xf32>, vector<128x128xf32> -> vector<128x128xf32>
    %add3A_259 = arith.addf %add3A_239, %dot_general3A_258 : vector<128x128xf32>
    %slice3A_260 = vector.extract_strided_slice %get3A_3 {offsets = [0, 13], sizes = [128, 1], strides = [1, 1]} : vector<128x128xi32> to vector<128x1xi32>
    %and3A_261 = arith.constant 127 : i32
    %and3A_262 = vector.broadcast %and3A_261 : i32 to vector<128x1xi32>
    %and3A_263 = arith.andi %slice3A_260, %and3A_262 : vector<128x1xi32>
    %eq3A_264 = vector.broadcast %and3A_263 : vector<128x1xi32> to vector<128x128xi32>
    %eq3A_265 = vector.broadcast %iota3A : vector<1x128xi32> to vector<128x128xi32>
    %eq3A_266 = arith.cmpi eq, %eq3A_264, %eq3A_265 : vector<128x128xi32>
    %convert_element_type3A_267 = arith.extui %eq3A_266 : vector<128x128xi1> to vector<128x128xi32>
    %convert_element_type3A_268 = arith.sitofp %convert_element_type3A_267 : vector<128x128xi32> to vector<128x128xf32>
    %shift_right_logical3A_269 = arith.constant 7 : i32
    %shift_right_logical3A_270 = vector.broadcast %shift_right_logical3A_269 : i32 to vector<128x1xi32>
    %shift_right_logical3A_271 = arith.shrui %slice3A_260, %shift_right_logical3A_270 : vector<128x1xi32>
    %eq3A_272 = vector.broadcast %shift_right_logical3A_271 : vector<128x1xi32> to vector<128x128xi32>
    %eq3A_273 = vector.broadcast %iota3A : vector<1x128xi32> to vector<128x128xi32>
    %eq3A_274 = arith.cmpi eq, %eq3A_272, %eq3A_273 : vector<128x128xi32>
    %convert_element_type3A_275 = arith.extui %eq3A_274 : vector<128x128xi1> to vector<128x128xi32>
    %convert_element_type3A_276 = arith.sitofp %convert_element_type3A_275 : vector<128x128xi32> to vector<128x128xf32>
    %dot_general3A_277 = arith.constant dense<0.000000e+00> : vector<128x128xf32>
    %dot_general3A_278 = tpu.matmul %convert_element_type3A_276, %convert_element_type3A_268, %dot_general3A_277 {dimension_numbers = #tpu.dot_dimension_numbers<[0], [0], [1], [1], [0, 1, 1, 1], [], []>, transpose_lhs_hint = false} : vector<128x128xf32>, vector<128x128xf32>, vector<128x128xf32> -> vector<128x128xf32>
    %add3A_279 = arith.addf %add3A_259, %dot_general3A_278 : vector<128x128xf32>
    %slice3A_280 = vector.extract_strided_slice %get3A_3 {offsets = [0, 14], sizes = [128, 1], strides = [1, 1]} : vector<128x128xi32> to vector<128x1xi32>
    %and3A_281 = arith.constant 127 : i32
    %and3A_282 = vector.broadcast %and3A_281 : i32 to vector<128x1xi32>
    %and3A_283 = arith.andi %slice3A_280, %and3A_282 : vector<128x1xi32>
    %eq3A_284 = vector.broadcast %and3A_283 : vector<128x1xi32> to vector<128x128xi32>
    %eq3A_285 = vector.broadcast %iota3A : vector<1x128xi32> to vector<128x128xi32>
    %eq3A_286 = arith.cmpi eq, %eq3A_284, %eq3A_285 : vector<128x128xi32>
    %convert_element_type3A_287 = arith.extui %eq3A_286 : vector<128x128xi1> to vector<128x128xi32>
    %convert_element_type3A_288 = arith.sitofp %convert_element_type3A_287 : vector<128x128xi32> to vector<128x128xf32>
    %shift_right_logical3A_289 = arith.constant 7 : i32
    %shift_right_logical3A_290 = vector.broadcast %shift_right_logical3A_289 : i32 to vector<128x1xi32>
    %shift_right_logical3A_291 = arith.shrui %slice3A_280, %shift_right_logical3A_290 : vector<128x1xi32>
    %eq3A_292 = vector.broadcast %shift_right_logical3A_291 : vector<128x1xi32> to vector<128x128xi32>
    %eq3A_293 = vector.broadcast %iota3A : vector<1x128xi32> to vector<128x128xi32>
    %eq3A_294 = arith.cmpi eq, %eq3A_292, %eq3A_293 : vector<128x128xi32>
    %convert_element_type3A_295 = arith.extui %eq3A_294 : vector<128x128xi1> to vector<128x128xi32>
    %convert_element_type3A_296 = arith.sitofp %convert_element_type3A_295 : vector<128x128xi32> to vector<128x128xf32>
    %dot_general3A_297 = arith.constant dense<0.000000e+00> : vector<128x128xf32>
    %dot_general3A_298 = tpu.matmul %convert_element_type3A_296, %convert_element_type3A_288, %dot_general3A_297 {dimension_numbers = #tpu.dot_dimension_numbers<[0], [0], [1], [1], [0, 1, 1, 1], [], []>, transpose_lhs_hint = false} : vector<128x128xf32>, vector<128x128xf32>, vector<128x128xf32> -> vector<128x128xf32>
    %add3A_299 = arith.addf %add3A_279, %dot_general3A_298 : vector<128x128xf32>
    %slice3A_300 = vector.extract_strided_slice %get3A_3 {offsets = [0, 15], sizes = [128, 1], strides = [1, 1]} : vector<128x128xi32> to vector<128x1xi32>
    %and3A_301 = arith.constant 127 : i32
    %and3A_302 = vector.broadcast %and3A_301 : i32 to vector<128x1xi32>
    %and3A_303 = arith.andi %slice3A_300, %and3A_302 : vector<128x1xi32>
    %eq3A_304 = vector.broadcast %and3A_303 : vector<128x1xi32> to vector<128x128xi32>
    %eq3A_305 = vector.broadcast %iota3A : vector<1x128xi32> to vector<128x128xi32>
    %eq3A_306 = arith.cmpi eq, %eq3A_304, %eq3A_305 : vector<128x128xi32>
    %convert_element_type3A_307 = arith.extui %eq3A_306 : vector<128x128xi1> to vector<128x128xi32>
    %convert_element_type3A_308 = arith.sitofp %convert_element_type3A_307 : vector<128x128xi32> to vector<128x128xf32>
    %shift_right_logical3A_309 = arith.constant 7 : i32
    %shift_right_logical3A_310 = vector.broadcast %shift_right_logical3A_309 : i32 to vector<128x1xi32>
    %shift_right_logical3A_311 = arith.shrui %slice3A_300, %shift_right_logical3A_310 : vector<128x1xi32>
    %eq3A_312 = vector.broadcast %shift_right_logical3A_311 : vector<128x1xi32> to vector<128x128xi32>
    %eq3A_313 = vector.broadcast %iota3A : vector<1x128xi32> to vector<128x128xi32>
    %eq3A_314 = arith.cmpi eq, %eq3A_312, %eq3A_313 : vector<128x128xi32>
    %convert_element_type3A_315 = arith.extui %eq3A_314 : vector<128x128xi1> to vector<128x128xi32>
    %convert_element_type3A_316 = arith.sitofp %convert_element_type3A_315 : vector<128x128xi32> to vector<128x128xf32>
    %dot_general3A_317 = arith.constant dense<0.000000e+00> : vector<128x128xf32>
    %dot_general3A_318 = tpu.matmul %convert_element_type3A_316, %convert_element_type3A_308, %dot_general3A_317 {dimension_numbers = #tpu.dot_dimension_numbers<[0], [0], [1], [1], [0, 1, 1, 1], [], []>, transpose_lhs_hint = false} : vector<128x128xf32>, vector<128x128xf32>, vector<128x128xf32> -> vector<128x128xf32>
    %add3A_319 = arith.addf %add3A_299, %dot_general3A_318 : vector<128x128xf32>
    %slice3A_320 = vector.extract_strided_slice %get3A_3 {offsets = [0, 16], sizes = [128, 1], strides = [1, 1]} : vector<128x128xi32> to vector<128x1xi32>
    %and3A_321 = arith.constant 127 : i32
    %and3A_322 = vector.broadcast %and3A_321 : i32 to vector<128x1xi32>
    %and3A_323 = arith.andi %slice3A_320, %and3A_322 : vector<128x1xi32>
    %eq3A_324 = vector.broadcast %and3A_323 : vector<128x1xi32> to vector<128x128xi32>
    %eq3A_325 = vector.broadcast %iota3A : vector<1x128xi32> to vector<128x128xi32>
    %eq3A_326 = arith.cmpi eq, %eq3A_324, %eq3A_325 : vector<128x128xi32>
    %convert_element_type3A_327 = arith.extui %eq3A_326 : vector<128x128xi1> to vector<128x128xi32>
    %convert_element_type3A_328 = arith.sitofp %convert_element_type3A_327 : vector<128x128xi32> to vector<128x128xf32>
    %shift_right_logical3A_329 = arith.constant 7 : i32
    %shift_right_logical3A_330 = vector.broadcast %shift_right_logical3A_329 : i32 to vector<128x1xi32>
    %shift_right_logical3A_331 = arith.shrui %slice3A_320, %shift_right_logical3A_330 : vector<128x1xi32>
    %eq3A_332 = vector.broadcast %shift_right_logical3A_331 : vector<128x1xi32> to vector<128x128xi32>
    %eq3A_333 = vector.broadcast %iota3A : vector<1x128xi32> to vector<128x128xi32>
    %eq3A_334 = arith.cmpi eq, %eq3A_332, %eq3A_333 : vector<128x128xi32>
    %convert_element_type3A_335 = arith.extui %eq3A_334 : vector<128x128xi1> to vector<128x128xi32>
    %convert_element_type3A_336 = arith.sitofp %convert_element_type3A_335 : vector<128x128xi32> to vector<128x128xf32>
    %dot_general3A_337 = arith.constant dense<0.000000e+00> : vector<128x128xf32>
    %dot_general3A_338 = tpu.matmul %convert_element_type3A_336, %convert_element_type3A_328, %dot_general3A_337 {dimension_numbers = #tpu.dot_dimension_numbers<[0], [0], [1], [1], [0, 1, 1, 1], [], []>, transpose_lhs_hint = false} : vector<128x128xf32>, vector<128x128xf32>, vector<128x128xf32> -> vector<128x128xf32>
    %add3A_339 = arith.addf %add3A_319, %dot_general3A_338 : vector<128x128xf32>
    %slice3A_340 = vector.extract_strided_slice %get3A_3 {offsets = [0, 17], sizes = [128, 1], strides = [1, 1]} : vector<128x128xi32> to vector<128x1xi32>
    %and3A_341 = arith.constant 127 : i32
    %and3A_342 = vector.broadcast %and3A_341 : i32 to vector<128x1xi32>
    %and3A_343 = arith.andi %slice3A_340, %and3A_342 : vector<128x1xi32>
    %eq3A_344 = vector.broadcast %and3A_343 : vector<128x1xi32> to vector<128x128xi32>
    %eq3A_345 = vector.broadcast %iota3A : vector<1x128xi32> to vector<128x128xi32>
    %eq3A_346 = arith.cmpi eq, %eq3A_344, %eq3A_345 : vector<128x128xi32>
    %convert_element_type3A_347 = arith.extui %eq3A_346 : vector<128x128xi1> to vector<128x128xi32>
    %convert_element_type3A_348 = arith.sitofp %convert_element_type3A_347 : vector<128x128xi32> to vector<128x128xf32>
    %shift_right_logical3A_349 = arith.constant 7 : i32
    %shift_right_logical3A_350 = vector.broadcast %shift_right_logical3A_349 : i32 to vector<128x1xi32>
    %shift_right_logical3A_351 = arith.shrui %slice3A_340, %shift_right_logical3A_350 : vector<128x1xi32>
    %eq3A_352 = vector.broadcast %shift_right_logical3A_351 : vector<128x1xi32> to vector<128x128xi32>
    %eq3A_353 = vector.broadcast %iota3A : vector<1x128xi32> to vector<128x128xi32>
    %eq3A_354 = arith.cmpi eq, %eq3A_352, %eq3A_353 : vector<128x128xi32>
    %convert_element_type3A_355 = arith.extui %eq3A_354 : vector<128x128xi1> to vector<128x128xi32>
    %convert_element_type3A_356 = arith.sitofp %convert_element_type3A_355 : vector<128x128xi32> to vector<128x128xf32>
    %dot_general3A_357 = arith.constant dense<0.000000e+00> : vector<128x128xf32>
    %dot_general3A_358 = tpu.matmul %convert_element_type3A_356, %convert_element_type3A_348, %dot_general3A_357 {dimension_numbers = #tpu.dot_dimension_numbers<[0], [0], [1], [1], [0, 1, 1, 1], [], []>, transpose_lhs_hint = false} : vector<128x128xf32>, vector<128x128xf32>, vector<128x128xf32> -> vector<128x128xf32>
    %add3A_359 = arith.addf %add3A_339, %dot_general3A_358 : vector<128x128xf32>
    %slice3A_360 = vector.extract_strided_slice %get3A_3 {offsets = [0, 18], sizes = [128, 1], strides = [1, 1]} : vector<128x128xi32> to vector<128x1xi32>
    %and3A_361 = arith.constant 127 : i32
    %and3A_362 = vector.broadcast %and3A_361 : i32 to vector<128x1xi32>
    %and3A_363 = arith.andi %slice3A_360, %and3A_362 : vector<128x1xi32>
    %eq3A_364 = vector.broadcast %and3A_363 : vector<128x1xi32> to vector<128x128xi32>
    %eq3A_365 = vector.broadcast %iota3A : vector<1x128xi32> to vector<128x128xi32>
    %eq3A_366 = arith.cmpi eq, %eq3A_364, %eq3A_365 : vector<128x128xi32>
    %convert_element_type3A_367 = arith.extui %eq3A_366 : vector<128x128xi1> to vector<128x128xi32>
    %convert_element_type3A_368 = arith.sitofp %convert_element_type3A_367 : vector<128x128xi32> to vector<128x128xf32>
    %shift_right_logical3A_369 = arith.constant 7 : i32
    %shift_right_logical3A_370 = vector.broadcast %shift_right_logical3A_369 : i32 to vector<128x1xi32>
    %shift_right_logical3A_371 = arith.shrui %slice3A_360, %shift_right_logical3A_370 : vector<128x1xi32>
    %eq3A_372 = vector.broadcast %shift_right_logical3A_371 : vector<128x1xi32> to vector<128x128xi32>
    %eq3A_373 = vector.broadcast %iota3A : vector<1x128xi32> to vector<128x128xi32>
    %eq3A_374 = arith.cmpi eq, %eq3A_372, %eq3A_373 : vector<128x128xi32>
    %convert_element_type3A_375 = arith.extui %eq3A_374 : vector<128x128xi1> to vector<128x128xi32>
    %convert_element_type3A_376 = arith.sitofp %convert_element_type3A_375 : vector<128x128xi32> to vector<128x128xf32>
    %dot_general3A_377 = arith.constant dense<0.000000e+00> : vector<128x128xf32>
    %dot_general3A_378 = tpu.matmul %convert_element_type3A_376, %convert_element_type3A_368, %dot_general3A_377 {dimension_numbers = #tpu.dot_dimension_numbers<[0], [0], [1], [1], [0, 1, 1, 1], [], []>, transpose_lhs_hint = false} : vector<128x128xf32>, vector<128x128xf32>, vector<128x128xf32> -> vector<128x128xf32>
    %add3A_379 = arith.addf %add3A_359, %dot_general3A_378 : vector<128x128xf32>
    %slice3A_380 = vector.extract_strided_slice %get3A_3 {offsets = [0, 19], sizes = [128, 1], strides = [1, 1]} : vector<128x128xi32> to vector<128x1xi32>
    %and3A_381 = arith.constant 127 : i32
    %and3A_382 = vector.broadcast %and3A_381 : i32 to vector<128x1xi32>
    %and3A_383 = arith.andi %slice3A_380, %and3A_382 : vector<128x1xi32>
    %eq3A_384 = vector.broadcast %and3A_383 : vector<128x1xi32> to vector<128x128xi32>
    %eq3A_385 = vector.broadcast %iota3A : vector<1x128xi32> to vector<128x128xi32>
    %eq3A_386 = arith.cmpi eq, %eq3A_384, %eq3A_385 : vector<128x128xi32>
    %convert_element_type3A_387 = arith.extui %eq3A_386 : vector<128x128xi1> to vector<128x128xi32>
    %convert_element_type3A_388 = arith.sitofp %convert_element_type3A_387 : vector<128x128xi32> to vector<128x128xf32>
    %shift_right_logical3A_389 = arith.constant 7 : i32
    %shift_right_logical3A_390 = vector.broadcast %shift_right_logical3A_389 : i32 to vector<128x1xi32>
    %shift_right_logical3A_391 = arith.shrui %slice3A_380, %shift_right_logical3A_390 : vector<128x1xi32>
    %eq3A_392 = vector.broadcast %shift_right_logical3A_391 : vector<128x1xi32> to vector<128x128xi32>
    %eq3A_393 = vector.broadcast %iota3A : vector<1x128xi32> to vector<128x128xi32>
    %eq3A_394 = arith.cmpi eq, %eq3A_392, %eq3A_393 : vector<128x128xi32>
    %convert_element_type3A_395 = arith.extui %eq3A_394 : vector<128x128xi1> to vector<128x128xi32>
    %convert_element_type3A_396 = arith.sitofp %convert_element_type3A_395 : vector<128x128xi32> to vector<128x128xf32>
    %dot_general3A_397 = arith.constant dense<0.000000e+00> : vector<128x128xf32>
    %dot_general3A_398 = tpu.matmul %convert_element_type3A_396, %convert_element_type3A_388, %dot_general3A_397 {dimension_numbers = #tpu.dot_dimension_numbers<[0], [0], [1], [1], [0, 1, 1, 1], [], []>, transpose_lhs_hint = false} : vector<128x128xf32>, vector<128x128xf32>, vector<128x128xf32> -> vector<128x128xf32>
    %add3A_399 = arith.addf %add3A_379, %dot_general3A_398 : vector<128x128xf32>
    %slice3A_400 = vector.extract_strided_slice %get3A_3 {offsets = [0, 20], sizes = [128, 1], strides = [1, 1]} : vector<128x128xi32> to vector<128x1xi32>
    %and3A_401 = arith.constant 127 : i32
    %and3A_402 = vector.broadcast %and3A_401 : i32 to vector<128x1xi32>
    %and3A_403 = arith.andi %slice3A_400, %and3A_402 : vector<128x1xi32>
    %eq3A_404 = vector.broadcast %and3A_403 : vector<128x1xi32> to vector<128x128xi32>
    %eq3A_405 = vector.broadcast %iota3A : vector<1x128xi32> to vector<128x128xi32>
    %eq3A_406 = arith.cmpi eq, %eq3A_404, %eq3A_405 : vector<128x128xi32>
    %convert_element_type3A_407 = arith.extui %eq3A_406 : vector<128x128xi1> to vector<128x128xi32>
    %convert_element_type3A_408 = arith.sitofp %convert_element_type3A_407 : vector<128x128xi32> to vector<128x128xf32>
    %shift_right_logical3A_409 = arith.constant 7 : i32
    %shift_right_logical3A_410 = vector.broadcast %shift_right_logical3A_409 : i32 to vector<128x1xi32>
    %shift_right_logical3A_411 = arith.shrui %slice3A_400, %shift_right_logical3A_410 : vector<128x1xi32>
    %eq3A_412 = vector.broadcast %shift_right_logical3A_411 : vector<128x1xi32> to vector<128x128xi32>
    %eq3A_413 = vector.broadcast %iota3A : vector<1x128xi32> to vector<128x128xi32>
    %eq3A_414 = arith.cmpi eq, %eq3A_412, %eq3A_413 : vector<128x128xi32>
    %convert_element_type3A_415 = arith.extui %eq3A_414 : vector<128x128xi1> to vector<128x128xi32>
    %convert_element_type3A_416 = arith.sitofp %convert_element_type3A_415 : vector<128x128xi32> to vector<128x128xf32>
    %dot_general3A_417 = arith.constant dense<0.000000e+00> : vector<128x128xf32>
    %dot_general3A_418 = tpu.matmul %convert_element_type3A_416, %convert_element_type3A_408, %dot_general3A_417 {dimension_numbers = #tpu.dot_dimension_numbers<[0], [0], [1], [1], [0, 1, 1, 1], [], []>, transpose_lhs_hint = false} : vector<128x128xf32>, vector<128x128xf32>, vector<128x128xf32> -> vector<128x128xf32>
    %add3A_419 = arith.addf %add3A_399, %dot_general3A_418 : vector<128x128xf32>
    %slice3A_420 = vector.extract_strided_slice %get3A_3 {offsets = [0, 21], sizes = [128, 1], strides = [1, 1]} : vector<128x128xi32> to vector<128x1xi32>
    %and3A_421 = arith.constant 127 : i32
    %and3A_422 = vector.broadcast %and3A_421 : i32 to vector<128x1xi32>
    %and3A_423 = arith.andi %slice3A_420, %and3A_422 : vector<128x1xi32>
    %eq3A_424 = vector.broadcast %and3A_423 : vector<128x1xi32> to vector<128x128xi32>
    %eq3A_425 = vector.broadcast %iota3A : vector<1x128xi32> to vector<128x128xi32>
    %eq3A_426 = arith.cmpi eq, %eq3A_424, %eq3A_425 : vector<128x128xi32>
    %convert_element_type3A_427 = arith.extui %eq3A_426 : vector<128x128xi1> to vector<128x128xi32>
    %convert_element_type3A_428 = arith.sitofp %convert_element_type3A_427 : vector<128x128xi32> to vector<128x128xf32>
    %shift_right_logical3A_429 = arith.constant 7 : i32
    %shift_right_logical3A_430 = vector.broadcast %shift_right_logical3A_429 : i32 to vector<128x1xi32>
    %shift_right_logical3A_431 = arith.shrui %slice3A_420, %shift_right_logical3A_430 : vector<128x1xi32>
    %eq3A_432 = vector.broadcast %shift_right_logical3A_431 : vector<128x1xi32> to vector<128x128xi32>
    %eq3A_433 = vector.broadcast %iota3A : vector<1x128xi32> to vector<128x128xi32>
    %eq3A_434 = arith.cmpi eq, %eq3A_432, %eq3A_433 : vector<128x128xi32>
    %convert_element_type3A_435 = arith.extui %eq3A_434 : vector<128x128xi1> to vector<128x128xi32>
    %convert_element_type3A_436 = arith.sitofp %convert_element_type3A_435 : vector<128x128xi32> to vector<128x128xf32>
    %dot_general3A_437 = arith.constant dense<0.000000e+00> : vector<128x128xf32>
    %dot_general3A_438 = tpu.matmul %convert_element_type3A_436, %convert_element_type3A_428, %dot_general3A_437 {dimension_numbers = #tpu.dot_dimension_numbers<[0], [0], [1], [1], [0, 1, 1, 1], [], []>, transpose_lhs_hint = false} : vector<128x128xf32>, vector<128x128xf32>, vector<128x128xf32> -> vector<128x128xf32>
    %add3A_439 = arith.addf %add3A_419, %dot_general3A_438 : vector<128x128xf32>
    %slice3A_440 = vector.extract_strided_slice %get3A_3 {offsets = [0, 22], sizes = [128, 1], strides = [1, 1]} : vector<128x128xi32> to vector<128x1xi32>
    %and3A_441 = arith.constant 127 : i32
    %and3A_442 = vector.broadcast %and3A_441 : i32 to vector<128x1xi32>
    %and3A_443 = arith.andi %slice3A_440, %and3A_442 : vector<128x1xi32>
    %eq3A_444 = vector.broadcast %and3A_443 : vector<128x1xi32> to vector<128x128xi32>
    %eq3A_445 = vector.broadcast %iota3A : vector<1x128xi32> to vector<128x128xi32>
    %eq3A_446 = arith.cmpi eq, %eq3A_444, %eq3A_445 : vector<128x128xi32>
    %convert_element_type3A_447 = arith.extui %eq3A_446 : vector<128x128xi1> to vector<128x128xi32>
    %convert_element_type3A_448 = arith.sitofp %convert_element_type3A_447 : vector<128x128xi32> to vector<128x128xf32>
    %shift_right_logical3A_449 = arith.constant 7 : i32
    %shift_right_logical3A_450 = vector.broadcast %shift_right_logical3A_449 : i32 to vector<128x1xi32>
    %shift_right_logical3A_451 = arith.shrui %slice3A_440, %shift_right_logical3A_450 : vector<128x1xi32>
    %eq3A_452 = vector.broadcast %shift_right_logical3A_451 : vector<128x1xi32> to vector<128x128xi32>
    %eq3A_453 = vector.broadcast %iota3A : vector<1x128xi32> to vector<128x128xi32>
    %eq3A_454 = arith.cmpi eq, %eq3A_452, %eq3A_453 : vector<128x128xi32>
    %convert_element_type3A_455 = arith.extui %eq3A_454 : vector<128x128xi1> to vector<128x128xi32>
    %convert_element_type3A_456 = arith.sitofp %convert_element_type3A_455 : vector<128x128xi32> to vector<128x128xf32>
    %dot_general3A_457 = arith.constant dense<0.000000e+00> : vector<128x128xf32>
    %dot_general3A_458 = tpu.matmul %convert_element_type3A_456, %convert_element_type3A_448, %dot_general3A_457 {dimension_numbers = #tpu.dot_dimension_numbers<[0], [0], [1], [1], [0, 1, 1, 1], [], []>, transpose_lhs_hint = false} : vector<128x128xf32>, vector<128x128xf32>, vector<128x128xf32> -> vector<128x128xf32>
    %add3A_459 = arith.addf %add3A_439, %dot_general3A_458 : vector<128x128xf32>
    %slice3A_460 = vector.extract_strided_slice %get3A_3 {offsets = [0, 23], sizes = [128, 1], strides = [1, 1]} : vector<128x128xi32> to vector<128x1xi32>
    %and3A_461 = arith.constant 127 : i32
    %and3A_462 = vector.broadcast %and3A_461 : i32 to vector<128x1xi32>
    %and3A_463 = arith.andi %slice3A_460, %and3A_462 : vector<128x1xi32>
    %eq3A_464 = vector.broadcast %and3A_463 : vector<128x1xi32> to vector<128x128xi32>
    %eq3A_465 = vector.broadcast %iota3A : vector<1x128xi32> to vector<128x128xi32>
    %eq3A_466 = arith.cmpi eq, %eq3A_464, %eq3A_465 : vector<128x128xi32>
    %convert_element_type3A_467 = arith.extui %eq3A_466 : vector<128x128xi1> to vector<128x128xi32>
    %convert_element_type3A_468 = arith.sitofp %convert_element_type3A_467 : vector<128x128xi32> to vector<128x128xf32>
    %shift_right_logical3A_469 = arith.constant 7 : i32
    %shift_right_logical3A_470 = vector.broadcast %shift_right_logical3A_469 : i32 to vector<128x1xi32>
    %shift_right_logical3A_471 = arith.shrui %slice3A_460, %shift_right_logical3A_470 : vector<128x1xi32>
    %eq3A_472 = vector.broadcast %shift_right_logical3A_471 : vector<128x1xi32> to vector<128x128xi32>
    %eq3A_473 = vector.broadcast %iota3A : vector<1x128xi32> to vector<128x128xi32>
    %eq3A_474 = arith.cmpi eq, %eq3A_472, %eq3A_473 : vector<128x128xi32>
    %convert_element_type3A_475 = arith.extui %eq3A_474 : vector<128x128xi1> to vector<128x128xi32>
    %convert_element_type3A_476 = arith.sitofp %convert_element_type3A_475 : vector<128x128xi32> to vector<128x128xf32>
    %dot_general3A_477 = arith.constant dense<0.000000e+00> : vector<128x128xf32>
    %dot_general3A_478 = tpu.matmul %convert_element_type3A_476, %convert_element_type3A_468, %dot_general3A_477 {dimension_numbers = #tpu.dot_dimension_numbers<[0], [0], [1], [1], [0, 1, 1, 1], [], []>, transpose_lhs_hint = false} : vector<128x128xf32>, vector<128x128xf32>, vector<128x128xf32> -> vector<128x128xf32>
    %add3A_479 = arith.addf %add3A_459, %dot_general3A_478 : vector<128x128xf32>
    %slice3A_480 = vector.extract_strided_slice %get3A_3 {offsets = [0, 24], sizes = [128, 1], strides = [1, 1]} : vector<128x128xi32> to vector<128x1xi32>
    %and3A_481 = arith.constant 127 : i32
    %and3A_482 = vector.broadcast %and3A_481 : i32 to vector<128x1xi32>
    %and3A_483 = arith.andi %slice3A_480, %and3A_482 : vector<128x1xi32>
    %eq3A_484 = vector.broadcast %and3A_483 : vector<128x1xi32> to vector<128x128xi32>
    %eq3A_485 = vector.broadcast %iota3A : vector<1x128xi32> to vector<128x128xi32>
    %eq3A_486 = arith.cmpi eq, %eq3A_484, %eq3A_485 : vector<128x128xi32>
    %convert_element_type3A_487 = arith.extui %eq3A_486 : vector<128x128xi1> to vector<128x128xi32>
    %convert_element_type3A_488 = arith.sitofp %convert_element_type3A_487 : vector<128x128xi32> to vector<128x128xf32>
    %shift_right_logical3A_489 = arith.constant 7 : i32
    %shift_right_logical3A_490 = vector.broadcast %shift_right_logical3A_489 : i32 to vector<128x1xi32>
    %shift_right_logical3A_491 = arith.shrui %slice3A_480, %shift_right_logical3A_490 : vector<128x1xi32>
    %eq3A_492 = vector.broadcast %shift_right_logical3A_491 : vector<128x1xi32> to vector<128x128xi32>
    %eq3A_493 = vector.broadcast %iota3A : vector<1x128xi32> to vector<128x128xi32>
    %eq3A_494 = arith.cmpi eq, %eq3A_492, %eq3A_493 : vector<128x128xi32>
    %convert_element_type3A_495 = arith.extui %eq3A_494 : vector<128x128xi1> to vector<128x128xi32>
    %convert_element_type3A_496 = arith.sitofp %convert_element_type3A_495 : vector<128x128xi32> to vector<128x128xf32>
    %dot_general3A_497 = arith.constant dense<0.000000e+00> : vector<128x128xf32>
    %dot_general3A_498 = tpu.matmul %convert_element_type3A_496, %convert_element_type3A_488, %dot_general3A_497 {dimension_numbers = #tpu.dot_dimension_numbers<[0], [0], [1], [1], [0, 1, 1, 1], [], []>, transpose_lhs_hint = false} : vector<128x128xf32>, vector<128x128xf32>, vector<128x128xf32> -> vector<128x128xf32>
    %add3A_499 = arith.addf %add3A_479, %dot_general3A_498 : vector<128x128xf32>
    %slice3A_500 = vector.extract_strided_slice %get3A_3 {offsets = [0, 25], sizes = [128, 1], strides = [1, 1]} : vector<128x128xi32> to vector<128x1xi32>
    %and3A_501 = arith.constant 127 : i32
    %and3A_502 = vector.broadcast %and3A_501 : i32 to vector<128x1xi32>
    %and3A_503 = arith.andi %slice3A_500, %and3A_502 : vector<128x1xi32>
    %eq3A_504 = vector.broadcast %and3A_503 : vector<128x1xi32> to vector<128x128xi32>
    %eq3A_505 = vector.broadcast %iota3A : vector<1x128xi32> to vector<128x128xi32>
    %eq3A_506 = arith.cmpi eq, %eq3A_504, %eq3A_505 : vector<128x128xi32>
    %convert_element_type3A_507 = arith.extui %eq3A_506 : vector<128x128xi1> to vector<128x128xi32>
    %convert_element_type3A_508 = arith.sitofp %convert_element_type3A_507 : vector<128x128xi32> to vector<128x128xf32>
    %shift_right_logical3A_509 = arith.constant 7 : i32
    %shift_right_logical3A_510 = vector.broadcast %shift_right_logical3A_509 : i32 to vector<128x1xi32>
    %shift_right_logical3A_511 = arith.shrui %slice3A_500, %shift_right_logical3A_510 : vector<128x1xi32>
    %eq3A_512 = vector.broadcast %shift_right_logical3A_511 : vector<128x1xi32> to vector<128x128xi32>
    %eq3A_513 = vector.broadcast %iota3A : vector<1x128xi32> to vector<128x128xi32>
    %eq3A_514 = arith.cmpi eq, %eq3A_512, %eq3A_513 : vector<128x128xi32>
    %convert_element_type3A_515 = arith.extui %eq3A_514 : vector<128x128xi1> to vector<128x128xi32>
    %convert_element_type3A_516 = arith.sitofp %convert_element_type3A_515 : vector<128x128xi32> to vector<128x128xf32>
    %dot_general3A_517 = arith.constant dense<0.000000e+00> : vector<128x128xf32>
    %dot_general3A_518 = tpu.matmul %convert_element_type3A_516, %convert_element_type3A_508, %dot_general3A_517 {dimension_numbers = #tpu.dot_dimension_numbers<[0], [0], [1], [1], [0, 1, 1, 1], [], []>, transpose_lhs_hint = false} : vector<128x128xf32>, vector<128x128xf32>, vector<128x128xf32> -> vector<128x128xf32>
    %add3A_519 = arith.addf %add3A_499, %dot_general3A_518 : vector<128x128xf32>
    %slice3A_520 = vector.extract_strided_slice %get3A_3 {offsets = [0, 26], sizes = [128, 1], strides = [1, 1]} : vector<128x128xi32> to vector<128x1xi32>
    %and3A_521 = arith.constant 127 : i32
    %and3A_522 = vector.broadcast %and3A_521 : i32 to vector<128x1xi32>
    %and3A_523 = arith.andi %slice3A_520, %and3A_522 : vector<128x1xi32>
    %eq3A_524 = vector.broadcast %and3A_523 : vector<128x1xi32> to vector<128x128xi32>
    %eq3A_525 = vector.broadcast %iota3A : vector<1x128xi32> to vector<128x128xi32>
    %eq3A_526 = arith.cmpi eq, %eq3A_524, %eq3A_525 : vector<128x128xi32>
    %convert_element_type3A_527 = arith.extui %eq3A_526 : vector<128x128xi1> to vector<128x128xi32>
    %convert_element_type3A_528 = arith.sitofp %convert_element_type3A_527 : vector<128x128xi32> to vector<128x128xf32>
    %shift_right_logical3A_529 = arith.constant 7 : i32
    %shift_right_logical3A_530 = vector.broadcast %shift_right_logical3A_529 : i32 to vector<128x1xi32>
    %shift_right_logical3A_531 = arith.shrui %slice3A_520, %shift_right_logical3A_530 : vector<128x1xi32>
    %eq3A_532 = vector.broadcast %shift_right_logical3A_531 : vector<128x1xi32> to vector<128x128xi32>
    %eq3A_533 = vector.broadcast %iota3A : vector<1x128xi32> to vector<128x128xi32>
    %eq3A_534 = arith.cmpi eq, %eq3A_532, %eq3A_533 : vector<128x128xi32>
    %convert_element_type3A_535 = arith.extui %eq3A_534 : vector<128x128xi1> to vector<128x128xi32>
    %convert_element_type3A_536 = arith.sitofp %convert_element_type3A_535 : vector<128x128xi32> to vector<128x128xf32>
    %dot_general3A_537 = arith.constant dense<0.000000e+00> : vector<128x128xf32>
    %dot_general3A_538 = tpu.matmul %convert_element_type3A_536, %convert_element_type3A_528, %dot_general3A_537 {dimension_numbers = #tpu.dot_dimension_numbers<[0], [0], [1], [1], [0, 1, 1, 1], [], []>, transpose_lhs_hint = false} : vector<128x128xf32>, vector<128x128xf32>, vector<128x128xf32> -> vector<128x128xf32>
    %add3A_539 = arith.addf %add3A_519, %dot_general3A_538 : vector<128x128xf32>
    %slice3A_540 = vector.extract_strided_slice %get3A_3 {offsets = [0, 27], sizes = [128, 1], strides = [1, 1]} : vector<128x128xi32> to vector<128x1xi32>
    %and3A_541 = arith.constant 127 : i32
    %and3A_542 = vector.broadcast %and3A_541 : i32 to vector<128x1xi32>
    %and3A_543 = arith.andi %slice3A_540, %and3A_542 : vector<128x1xi32>
    %eq3A_544 = vector.broadcast %and3A_543 : vector<128x1xi32> to vector<128x128xi32>
    %eq3A_545 = vector.broadcast %iota3A : vector<1x128xi32> to vector<128x128xi32>
    %eq3A_546 = arith.cmpi eq, %eq3A_544, %eq3A_545 : vector<128x128xi32>
    %convert_element_type3A_547 = arith.extui %eq3A_546 : vector<128x128xi1> to vector<128x128xi32>
    %convert_element_type3A_548 = arith.sitofp %convert_element_type3A_547 : vector<128x128xi32> to vector<128x128xf32>
    %shift_right_logical3A_549 = arith.constant 7 : i32
    %shift_right_logical3A_550 = vector.broadcast %shift_right_logical3A_549 : i32 to vector<128x1xi32>
    %shift_right_logical3A_551 = arith.shrui %slice3A_540, %shift_right_logical3A_550 : vector<128x1xi32>
    %eq3A_552 = vector.broadcast %shift_right_logical3A_551 : vector<128x1xi32> to vector<128x128xi32>
    %eq3A_553 = vector.broadcast %iota3A : vector<1x128xi32> to vector<128x128xi32>
    %eq3A_554 = arith.cmpi eq, %eq3A_552, %eq3A_553 : vector<128x128xi32>
    %convert_element_type3A_555 = arith.extui %eq3A_554 : vector<128x128xi1> to vector<128x128xi32>
    %convert_element_type3A_556 = arith.sitofp %convert_element_type3A_555 : vector<128x128xi32> to vector<128x128xf32>
    %dot_general3A_557 = arith.constant dense<0.000000e+00> : vector<128x128xf32>
    %dot_general3A_558 = tpu.matmul %convert_element_type3A_556, %convert_element_type3A_548, %dot_general3A_557 {dimension_numbers = #tpu.dot_dimension_numbers<[0], [0], [1], [1], [0, 1, 1, 1], [], []>, transpose_lhs_hint = false} : vector<128x128xf32>, vector<128x128xf32>, vector<128x128xf32> -> vector<128x128xf32>
    %add3A_559 = arith.addf %add3A_539, %dot_general3A_558 : vector<128x128xf32>
    %slice3A_560 = vector.extract_strided_slice %get3A_3 {offsets = [0, 28], sizes = [128, 1], strides = [1, 1]} : vector<128x128xi32> to vector<128x1xi32>
    %and3A_561 = arith.constant 127 : i32
    %and3A_562 = vector.broadcast %and3A_561 : i32 to vector<128x1xi32>
    %and3A_563 = arith.andi %slice3A_560, %and3A_562 : vector<128x1xi32>
    %eq3A_564 = vector.broadcast %and3A_563 : vector<128x1xi32> to vector<128x128xi32>
    %eq3A_565 = vector.broadcast %iota3A : vector<1x128xi32> to vector<128x128xi32>
    %eq3A_566 = arith.cmpi eq, %eq3A_564, %eq3A_565 : vector<128x128xi32>
    %convert_element_type3A_567 = arith.extui %eq3A_566 : vector<128x128xi1> to vector<128x128xi32>
    %convert_element_type3A_568 = arith.sitofp %convert_element_type3A_567 : vector<128x128xi32> to vector<128x128xf32>
    %shift_right_logical3A_569 = arith.constant 7 : i32
    %shift_right_logical3A_570 = vector.broadcast %shift_right_logical3A_569 : i32 to vector<128x1xi32>
    %shift_right_logical3A_571 = arith.shrui %slice3A_560, %shift_right_logical3A_570 : vector<128x1xi32>
    %eq3A_572 = vector.broadcast %shift_right_logical3A_571 : vector<128x1xi32> to vector<128x128xi32>
    %eq3A_573 = vector.broadcast %iota3A : vector<1x128xi32> to vector<128x128xi32>
    %eq3A_574 = arith.cmpi eq, %eq3A_572, %eq3A_573 : vector<128x128xi32>
    %convert_element_type3A_575 = arith.extui %eq3A_574 : vector<128x128xi1> to vector<128x128xi32>
    %convert_element_type3A_576 = arith.sitofp %convert_element_type3A_575 : vector<128x128xi32> to vector<128x128xf32>
    %dot_general3A_577 = arith.constant dense<0.000000e+00> : vector<128x128xf32>
    %dot_general3A_578 = tpu.matmul %convert_element_type3A_576, %convert_element_type3A_568, %dot_general3A_577 {dimension_numbers = #tpu.dot_dimension_numbers<[0], [0], [1], [1], [0, 1, 1, 1], [], []>, transpose_lhs_hint = false} : vector<128x128xf32>, vector<128x128xf32>, vector<128x128xf32> -> vector<128x128xf32>
    %add3A_579 = arith.addf %add3A_559, %dot_general3A_578 : vector<128x128xf32>
    %slice3A_580 = vector.extract_strided_slice %get3A_3 {offsets = [0, 29], sizes = [128, 1], strides = [1, 1]} : vector<128x128xi32> to vector<128x1xi32>
    %and3A_581 = arith.constant 127 : i32
    %and3A_582 = vector.broadcast %and3A_581 : i32 to vector<128x1xi32>
    %and3A_583 = arith.andi %slice3A_580, %and3A_582 : vector<128x1xi32>
    %eq3A_584 = vector.broadcast %and3A_583 : vector<128x1xi32> to vector<128x128xi32>
    %eq3A_585 = vector.broadcast %iota3A : vector<1x128xi32> to vector<128x128xi32>
    %eq3A_586 = arith.cmpi eq, %eq3A_584, %eq3A_585 : vector<128x128xi32>
    %convert_element_type3A_587 = arith.extui %eq3A_586 : vector<128x128xi1> to vector<128x128xi32>
    %convert_element_type3A_588 = arith.sitofp %convert_element_type3A_587 : vector<128x128xi32> to vector<128x128xf32>
    %shift_right_logical3A_589 = arith.constant 7 : i32
    %shift_right_logical3A_590 = vector.broadcast %shift_right_logical3A_589 : i32 to vector<128x1xi32>
    %shift_right_logical3A_591 = arith.shrui %slice3A_580, %shift_right_logical3A_590 : vector<128x1xi32>
    %eq3A_592 = vector.broadcast %shift_right_logical3A_591 : vector<128x1xi32> to vector<128x128xi32>
    %eq3A_593 = vector.broadcast %iota3A : vector<1x128xi32> to vector<128x128xi32>
    %eq3A_594 = arith.cmpi eq, %eq3A_592, %eq3A_593 : vector<128x128xi32>
    %convert_element_type3A_595 = arith.extui %eq3A_594 : vector<128x128xi1> to vector<128x128xi32>
    %convert_element_type3A_596 = arith.sitofp %convert_element_type3A_595 : vector<128x128xi32> to vector<128x128xf32>
    %dot_general3A_597 = arith.constant dense<0.000000e+00> : vector<128x128xf32>
    %dot_general3A_598 = tpu.matmul %convert_element_type3A_596, %convert_element_type3A_588, %dot_general3A_597 {dimension_numbers = #tpu.dot_dimension_numbers<[0], [0], [1], [1], [0, 1, 1, 1], [], []>, transpose_lhs_hint = false} : vector<128x128xf32>, vector<128x128xf32>, vector<128x128xf32> -> vector<128x128xf32>
    %add3A_599 = arith.addf %add3A_579, %dot_general3A_598 : vector<128x128xf32>
    %slice3A_600 = vector.extract_strided_slice %get3A_3 {offsets = [0, 30], sizes = [128, 1], strides = [1, 1]} : vector<128x128xi32> to vector<128x1xi32>
    %and3A_601 = arith.constant 127 : i32
    %and3A_602 = vector.broadcast %and3A_601 : i32 to vector<128x1xi32>
    %and3A_603 = arith.andi %slice3A_600, %and3A_602 : vector<128x1xi32>
    %eq3A_604 = vector.broadcast %and3A_603 : vector<128x1xi32> to vector<128x128xi32>
    %eq3A_605 = vector.broadcast %iota3A : vector<1x128xi32> to vector<128x128xi32>
    %eq3A_606 = arith.cmpi eq, %eq3A_604, %eq3A_605 : vector<128x128xi32>
    %convert_element_type3A_607 = arith.extui %eq3A_606 : vector<128x128xi1> to vector<128x128xi32>
    %convert_element_type3A_608 = arith.sitofp %convert_element_type3A_607 : vector<128x128xi32> to vector<128x128xf32>
    %shift_right_logical3A_609 = arith.constant 7 : i32
    %shift_right_logical3A_610 = vector.broadcast %shift_right_logical3A_609 : i32 to vector<128x1xi32>
    %shift_right_logical3A_611 = arith.shrui %slice3A_600, %shift_right_logical3A_610 : vector<128x1xi32>
    %eq3A_612 = vector.broadcast %shift_right_logical3A_611 : vector<128x1xi32> to vector<128x128xi32>
    %eq3A_613 = vector.broadcast %iota3A : vector<1x128xi32> to vector<128x128xi32>
    %eq3A_614 = arith.cmpi eq, %eq3A_612, %eq3A_613 : vector<128x128xi32>
    %convert_element_type3A_615 = arith.extui %eq3A_614 : vector<128x128xi1> to vector<128x128xi32>
    %convert_element_type3A_616 = arith.sitofp %convert_element_type3A_615 : vector<128x128xi32> to vector<128x128xf32>
    %dot_general3A_617 = arith.constant dense<0.000000e+00> : vector<128x128xf32>
    %dot_general3A_618 = tpu.matmul %convert_element_type3A_616, %convert_element_type3A_608, %dot_general3A_617 {dimension_numbers = #tpu.dot_dimension_numbers<[0], [0], [1], [1], [0, 1, 1, 1], [], []>, transpose_lhs_hint = false} : vector<128x128xf32>, vector<128x128xf32>, vector<128x128xf32> -> vector<128x128xf32>
    %add3A_619 = arith.addf %add3A_599, %dot_general3A_618 : vector<128x128xf32>
    %slice3A_620 = vector.extract_strided_slice %get3A_3 {offsets = [0, 31], sizes = [128, 1], strides = [1, 1]} : vector<128x128xi32> to vector<128x1xi32>
    %and3A_621 = arith.constant 127 : i32
    %and3A_622 = vector.broadcast %and3A_621 : i32 to vector<128x1xi32>
    %and3A_623 = arith.andi %slice3A_620, %and3A_622 : vector<128x1xi32>
    %eq3A_624 = vector.broadcast %and3A_623 : vector<128x1xi32> to vector<128x128xi32>
    %eq3A_625 = vector.broadcast %iota3A : vector<1x128xi32> to vector<128x128xi32>
    %eq3A_626 = arith.cmpi eq, %eq3A_624, %eq3A_625 : vector<128x128xi32>
    %convert_element_type3A_627 = arith.extui %eq3A_626 : vector<128x128xi1> to vector<128x128xi32>
    %convert_element_type3A_628 = arith.sitofp %convert_element_type3A_627 : vector<128x128xi32> to vector<128x128xf32>
    %shift_right_logical3A_629 = arith.constant 7 : i32
    %shift_right_logical3A_630 = vector.broadcast %shift_right_logical3A_629 : i32 to vector<128x1xi32>
    %shift_right_logical3A_631 = arith.shrui %slice3A_620, %shift_right_logical3A_630 : vector<128x1xi32>
    %eq3A_632 = vector.broadcast %shift_right_logical3A_631 : vector<128x1xi32> to vector<128x128xi32>
    %eq3A_633 = vector.broadcast %iota3A : vector<1x128xi32> to vector<128x128xi32>
    %eq3A_634 = arith.cmpi eq, %eq3A_632, %eq3A_633 : vector<128x128xi32>
    %convert_element_type3A_635 = arith.extui %eq3A_634 : vector<128x128xi1> to vector<128x128xi32>
    %convert_element_type3A_636 = arith.sitofp %convert_element_type3A_635 : vector<128x128xi32> to vector<128x128xf32>
    %dot_general3A_637 = arith.constant dense<0.000000e+00> : vector<128x128xf32>
    %dot_general3A_638 = tpu.matmul %convert_element_type3A_636, %convert_element_type3A_628, %dot_general3A_637 {dimension_numbers = #tpu.dot_dimension_numbers<[0], [0], [1], [1], [0, 1, 1, 1], [], []>, transpose_lhs_hint = false} : vector<128x128xf32>, vector<128x128xf32>, vector<128x128xf32> -> vector<128x128xf32>
    %add3A_639 = arith.addf %add3A_619, %dot_general3A_638 : vector<128x128xf32>
    %slice3A_640 = vector.extract_strided_slice %get3A_3 {offsets = [0, 32], sizes = [128, 1], strides = [1, 1]} : vector<128x128xi32> to vector<128x1xi32>
    %and3A_641 = arith.constant 127 : i32
    %and3A_642 = vector.broadcast %and3A_641 : i32 to vector<128x1xi32>
    %and3A_643 = arith.andi %slice3A_640, %and3A_642 : vector<128x1xi32>
    %eq3A_644 = vector.broadcast %and3A_643 : vector<128x1xi32> to vector<128x128xi32>
    %eq3A_645 = vector.broadcast %iota3A : vector<1x128xi32> to vector<128x128xi32>
    %eq3A_646 = arith.cmpi eq, %eq3A_644, %eq3A_645 : vector<128x128xi32>
    %convert_element_type3A_647 = arith.extui %eq3A_646 : vector<128x128xi1> to vector<128x128xi32>
    %convert_element_type3A_648 = arith.sitofp %convert_element_type3A_647 : vector<128x128xi32> to vector<128x128xf32>
    %shift_right_logical3A_649 = arith.constant 7 : i32
    %shift_right_logical3A_650 = vector.broadcast %shift_right_logical3A_649 : i32 to vector<128x1xi32>
    %shift_right_logical3A_651 = arith.shrui %slice3A_640, %shift_right_logical3A_650 : vector<128x1xi32>
    %eq3A_652 = vector.broadcast %shift_right_logical3A_651 : vector<128x1xi32> to vector<128x128xi32>
    %eq3A_653 = vector.broadcast %iota3A : vector<1x128xi32> to vector<128x128xi32>
    %eq3A_654 = arith.cmpi eq, %eq3A_652, %eq3A_653 : vector<128x128xi32>
    %convert_element_type3A_655 = arith.extui %eq3A_654 : vector<128x128xi1> to vector<128x128xi32>
    %convert_element_type3A_656 = arith.sitofp %convert_element_type3A_655 : vector<128x128xi32> to vector<128x128xf32>
    %dot_general3A_657 = arith.constant dense<0.000000e+00> : vector<128x128xf32>
    %dot_general3A_658 = tpu.matmul %convert_element_type3A_656, %convert_element_type3A_648, %dot_general3A_657 {dimension_numbers = #tpu.dot_dimension_numbers<[0], [0], [1], [1], [0, 1, 1, 1], [], []>, transpose_lhs_hint = false} : vector<128x128xf32>, vector<128x128xf32>, vector<128x128xf32> -> vector<128x128xf32>
    %add3A_659 = arith.addf %add3A_639, %dot_general3A_658 : vector<128x128xf32>
    %slice3A_660 = vector.extract_strided_slice %get3A_3 {offsets = [0, 33], sizes = [128, 1], strides = [1, 1]} : vector<128x128xi32> to vector<128x1xi32>
    %and3A_661 = arith.constant 127 : i32
    %and3A_662 = vector.broadcast %and3A_661 : i32 to vector<128x1xi32>
    %and3A_663 = arith.andi %slice3A_660, %and3A_662 : vector<128x1xi32>
    %eq3A_664 = vector.broadcast %and3A_663 : vector<128x1xi32> to vector<128x128xi32>
    %eq3A_665 = vector.broadcast %iota3A : vector<1x128xi32> to vector<128x128xi32>
    %eq3A_666 = arith.cmpi eq, %eq3A_664, %eq3A_665 : vector<128x128xi32>
    %convert_element_type3A_667 = arith.extui %eq3A_666 : vector<128x128xi1> to vector<128x128xi32>
    %convert_element_type3A_668 = arith.sitofp %convert_element_type3A_667 : vector<128x128xi32> to vector<128x128xf32>
    %shift_right_logical3A_669 = arith.constant 7 : i32
    %shift_right_logical3A_670 = vector.broadcast %shift_right_logical3A_669 : i32 to vector<128x1xi32>
    %shift_right_logical3A_671 = arith.shrui %slice3A_660, %shift_right_logical3A_670 : vector<128x1xi32>
    %eq3A_672 = vector.broadcast %shift_right_logical3A_671 : vector<128x1xi32> to vector<128x128xi32>
    %eq3A_673 = vector.broadcast %iota3A : vector<1x128xi32> to vector<128x128xi32>
    %eq3A_674 = arith.cmpi eq, %eq3A_672, %eq3A_673 : vector<128x128xi32>
    %convert_element_type3A_675 = arith.extui %eq3A_674 : vector<128x128xi1> to vector<128x128xi32>
    %convert_element_type3A_676 = arith.sitofp %convert_element_type3A_675 : vector<128x128xi32> to vector<128x128xf32>
    %dot_general3A_677 = arith.constant dense<0.000000e+00> : vector<128x128xf32>
    %dot_general3A_678 = tpu.matmul %convert_element_type3A_676, %convert_element_type3A_668, %dot_general3A_677 {dimension_numbers = #tpu.dot_dimension_numbers<[0], [0], [1], [1], [0, 1, 1, 1], [], []>, transpose_lhs_hint = false} : vector<128x128xf32>, vector<128x128xf32>, vector<128x128xf32> -> vector<128x128xf32>
    %add3A_679 = arith.addf %add3A_659, %dot_general3A_678 : vector<128x128xf32>
    %slice3A_680 = vector.extract_strided_slice %get3A_3 {offsets = [0, 34], sizes = [128, 1], strides = [1, 1]} : vector<128x128xi32> to vector<128x1xi32>
    %and3A_681 = arith.constant 127 : i32
    %and3A_682 = vector.broadcast %and3A_681 : i32 to vector<128x1xi32>
    %and3A_683 = arith.andi %slice3A_680, %and3A_682 : vector<128x1xi32>
    %eq3A_684 = vector.broadcast %and3A_683 : vector<128x1xi32> to vector<128x128xi32>
    %eq3A_685 = vector.broadcast %iota3A : vector<1x128xi32> to vector<128x128xi32>
    %eq3A_686 = arith.cmpi eq, %eq3A_684, %eq3A_685 : vector<128x128xi32>
    %convert_element_type3A_687 = arith.extui %eq3A_686 : vector<128x128xi1> to vector<128x128xi32>
    %convert_element_type3A_688 = arith.sitofp %convert_element_type3A_687 : vector<128x128xi32> to vector<128x128xf32>
    %shift_right_logical3A_689 = arith.constant 7 : i32
    %shift_right_logical3A_690 = vector.broadcast %shift_right_logical3A_689 : i32 to vector<128x1xi32>
    %shift_right_logical3A_691 = arith.shrui %slice3A_680, %shift_right_logical3A_690 : vector<128x1xi32>
    %eq3A_692 = vector.broadcast %shift_right_logical3A_691 : vector<128x1xi32> to vector<128x128xi32>
    %eq3A_693 = vector.broadcast %iota3A : vector<1x128xi32> to vector<128x128xi32>
    %eq3A_694 = arith.cmpi eq, %eq3A_692, %eq3A_693 : vector<128x128xi32>
    %convert_element_type3A_695 = arith.extui %eq3A_694 : vector<128x128xi1> to vector<128x128xi32>
    %convert_element_type3A_696 = arith.sitofp %convert_element_type3A_695 : vector<128x128xi32> to vector<128x128xf32>
    %dot_general3A_697 = arith.constant dense<0.000000e+00> : vector<128x128xf32>
    %dot_general3A_698 = tpu.matmul %convert_element_type3A_696, %convert_element_type3A_688, %dot_general3A_697 {dimension_numbers = #tpu.dot_dimension_numbers<[0], [0], [1], [1], [0, 1, 1, 1], [], []>, transpose_lhs_hint = false} : vector<128x128xf32>, vector<128x128xf32>, vector<128x128xf32> -> vector<128x128xf32>
    %add3A_699 = arith.addf %add3A_679, %dot_general3A_698 : vector<128x128xf32>
    %slice3A_700 = vector.extract_strided_slice %get3A_3 {offsets = [0, 35], sizes = [128, 1], strides = [1, 1]} : vector<128x128xi32> to vector<128x1xi32>
    %and3A_701 = arith.constant 127 : i32
    %and3A_702 = vector.broadcast %and3A_701 : i32 to vector<128x1xi32>
    %and3A_703 = arith.andi %slice3A_700, %and3A_702 : vector<128x1xi32>
    %eq3A_704 = vector.broadcast %and3A_703 : vector<128x1xi32> to vector<128x128xi32>
    %eq3A_705 = vector.broadcast %iota3A : vector<1x128xi32> to vector<128x128xi32>
    %eq3A_706 = arith.cmpi eq, %eq3A_704, %eq3A_705 : vector<128x128xi32>
    %convert_element_type3A_707 = arith.extui %eq3A_706 : vector<128x128xi1> to vector<128x128xi32>
    %convert_element_type3A_708 = arith.sitofp %convert_element_type3A_707 : vector<128x128xi32> to vector<128x128xf32>
    %shift_right_logical3A_709 = arith.constant 7 : i32
    %shift_right_logical3A_710 = vector.broadcast %shift_right_logical3A_709 : i32 to vector<128x1xi32>
    %shift_right_logical3A_711 = arith.shrui %slice3A_700, %shift_right_logical3A_710 : vector<128x1xi32>
    %eq3A_712 = vector.broadcast %shift_right_logical3A_711 : vector<128x1xi32> to vector<128x128xi32>
    %eq3A_713 = vector.broadcast %iota3A : vector<1x128xi32> to vector<128x128xi32>
    %eq3A_714 = arith.cmpi eq, %eq3A_712, %eq3A_713 : vector<128x128xi32>
    %convert_element_type3A_715 = arith.extui %eq3A_714 : vector<128x128xi1> to vector<128x128xi32>
    %convert_element_type3A_716 = arith.sitofp %convert_element_type3A_715 : vector<128x128xi32> to vector<128x128xf32>
    %dot_general3A_717 = arith.constant dense<0.000000e+00> : vector<128x128xf32>
    %dot_general3A_718 = tpu.matmul %convert_element_type3A_716, %convert_element_type3A_708, %dot_general3A_717 {dimension_numbers = #tpu.dot_dimension_numbers<[0], [0], [1], [1], [0, 1, 1, 1], [], []>, transpose_lhs_hint = false} : vector<128x128xf32>, vector<128x128xf32>, vector<128x128xf32> -> vector<128x128xf32>
    %add3A_719 = arith.addf %add3A_699, %dot_general3A_718 : vector<128x128xf32>
    %slice3A_720 = vector.extract_strided_slice %get3A_3 {offsets = [0, 36], sizes = [128, 1], strides = [1, 1]} : vector<128x128xi32> to vector<128x1xi32>
    %and3A_721 = arith.constant 127 : i32
    %and3A_722 = vector.broadcast %and3A_721 : i32 to vector<128x1xi32>
    %and3A_723 = arith.andi %slice3A_720, %and3A_722 : vector<128x1xi32>
    %eq3A_724 = vector.broadcast %and3A_723 : vector<128x1xi32> to vector<128x128xi32>
    %eq3A_725 = vector.broadcast %iota3A : vector<1x128xi32> to vector<128x128xi32>
    %eq3A_726 = arith.cmpi eq, %eq3A_724, %eq3A_725 : vector<128x128xi32>
    %convert_element_type3A_727 = arith.extui %eq3A_726 : vector<128x128xi1> to vector<128x128xi32>
    %convert_element_type3A_728 = arith.sitofp %convert_element_type3A_727 : vector<128x128xi32> to vector<128x128xf32>
    %shift_right_logical3A_729 = arith.constant 7 : i32
    %shift_right_logical3A_730 = vector.broadcast %shift_right_logical3A_729 : i32 to vector<128x1xi32>
    %shift_right_logical3A_731 = arith.shrui %slice3A_720, %shift_right_logical3A_730 : vector<128x1xi32>
    %eq3A_732 = vector.broadcast %shift_right_logical3A_731 : vector<128x1xi32> to vector<128x128xi32>
    %eq3A_733 = vector.broadcast %iota3A : vector<1x128xi32> to vector<128x128xi32>
    %eq3A_734 = arith.cmpi eq, %eq3A_732, %eq3A_733 : vector<128x128xi32>
    %convert_element_type3A_735 = arith.extui %eq3A_734 : vector<128x128xi1> to vector<128x128xi32>
    %convert_element_type3A_736 = arith.sitofp %convert_element_type3A_735 : vector<128x128xi32> to vector<128x128xf32>
    %dot_general3A_737 = arith.constant dense<0.000000e+00> : vector<128x128xf32>
    %dot_general3A_738 = tpu.matmul %convert_element_type3A_736, %convert_element_type3A_728, %dot_general3A_737 {dimension_numbers = #tpu.dot_dimension_numbers<[0], [0], [1], [1], [0, 1, 1, 1], [], []>, transpose_lhs_hint = false} : vector<128x128xf32>, vector<128x128xf32>, vector<128x128xf32> -> vector<128x128xf32>
    %add3A_739 = arith.addf %add3A_719, %dot_general3A_738 : vector<128x128xf32>
    %slice3A_740 = vector.extract_strided_slice %get3A_3 {offsets = [0, 37], sizes = [128, 1], strides = [1, 1]} : vector<128x128xi32> to vector<128x1xi32>
    %and3A_741 = arith.constant 127 : i32
    %and3A_742 = vector.broadcast %and3A_741 : i32 to vector<128x1xi32>
    %and3A_743 = arith.andi %slice3A_740, %and3A_742 : vector<128x1xi32>
    %eq3A_744 = vector.broadcast %and3A_743 : vector<128x1xi32> to vector<128x128xi32>
    %eq3A_745 = vector.broadcast %iota3A : vector<1x128xi32> to vector<128x128xi32>
    %eq3A_746 = arith.cmpi eq, %eq3A_744, %eq3A_745 : vector<128x128xi32>
    %convert_element_type3A_747 = arith.extui %eq3A_746 : vector<128x128xi1> to vector<128x128xi32>
    %convert_element_type3A_748 = arith.sitofp %convert_element_type3A_747 : vector<128x128xi32> to vector<128x128xf32>
    %shift_right_logical3A_749 = arith.constant 7 : i32
    %shift_right_logical3A_750 = vector.broadcast %shift_right_logical3A_749 : i32 to vector<128x1xi32>
    %shift_right_logical3A_751 = arith.shrui %slice3A_740, %shift_right_logical3A_750 : vector<128x1xi32>
    %eq3A_752 = vector.broadcast %shift_right_logical3A_751 : vector<128x1xi32> to vector<128x128xi32>
    %eq3A_753 = vector.broadcast %iota3A : vector<1x128xi32> to vector<128x128xi32>
    %eq3A_754 = arith.cmpi eq, %eq3A_752, %eq3A_753 : vector<128x128xi32>
    %convert_element_type3A_755 = arith.extui %eq3A_754 : vector<128x128xi1> to vector<128x128xi32>
    %convert_element_type3A_756 = arith.sitofp %convert_element_type3A_755 : vector<128x128xi32> to vector<128x128xf32>
    %dot_general3A_757 = arith.constant dense<0.000000e+00> : vector<128x128xf32>
    %dot_general3A_758 = tpu.matmul %convert_element_type3A_756, %convert_element_type3A_748, %dot_general3A_757 {dimension_numbers = #tpu.dot_dimension_numbers<[0], [0], [1], [1], [0, 1, 1, 1], [], []>, transpose_lhs_hint = false} : vector<128x128xf32>, vector<128x128xf32>, vector<128x128xf32> -> vector<128x128xf32>
    %add3A_759 = arith.addf %add3A_739, %dot_general3A_758 : vector<128x128xf32>
    %slice3A_760 = vector.extract_strided_slice %get3A_3 {offsets = [0, 38], sizes = [128, 1], strides = [1, 1]} : vector<128x128xi32> to vector<128x1xi32>
    %and3A_761 = arith.constant 127 : i32
    %and3A_762 = vector.broadcast %and3A_761 : i32 to vector<128x1xi32>
    %and3A_763 = arith.andi %slice3A_760, %and3A_762 : vector<128x1xi32>
    %eq3A_764 = vector.broadcast %and3A_763 : vector<128x1xi32> to vector<128x128xi32>
    %eq3A_765 = vector.broadcast %iota3A : vector<1x128xi32> to vector<128x128xi32>
    %eq3A_766 = arith.cmpi eq, %eq3A_764, %eq3A_765 : vector<128x128xi32>
    %convert_element_type3A_767 = arith.extui %eq3A_766 : vector<128x128xi1> to vector<128x128xi32>
    %convert_element_type3A_768 = arith.sitofp %convert_element_type3A_767 : vector<128x128xi32> to vector<128x128xf32>
    %shift_right_logical3A_769 = arith.constant 7 : i32
    %shift_right_logical3A_770 = vector.broadcast %shift_right_logical3A_769 : i32 to vector<128x1xi32>
    %shift_right_logical3A_771 = arith.shrui %slice3A_760, %shift_right_logical3A_770 : vector<128x1xi32>
    %eq3A_772 = vector.broadcast %shift_right_logical3A_771 : vector<128x1xi32> to vector<128x128xi32>
    %eq3A_773 = vector.broadcast %iota3A : vector<1x128xi32> to vector<128x128xi32>
    %eq3A_774 = arith.cmpi eq, %eq3A_772, %eq3A_773 : vector<128x128xi32>
    %convert_element_type3A_775 = arith.extui %eq3A_774 : vector<128x128xi1> to vector<128x128xi32>
    %convert_element_type3A_776 = arith.sitofp %convert_element_type3A_775 : vector<128x128xi32> to vector<128x128xf32>
    %dot_general3A_777 = arith.constant dense<0.000000e+00> : vector<128x128xf32>
    %dot_general3A_778 = tpu.matmul %convert_element_type3A_776, %convert_element_type3A_768, %dot_general3A_777 {dimension_numbers = #tpu.dot_dimension_numbers<[0], [0], [1], [1], [0, 1, 1, 1], [], []>, transpose_lhs_hint = false} : vector<128x128xf32>, vector<128x128xf32>, vector<128x128xf32> -> vector<128x128xf32>
    %add3A_779 = arith.addf %add3A_759, %dot_general3A_778 : vector<128x128xf32>
    %slice3A_780 = vector.extract_strided_slice %get3A_3 {offsets = [0, 39], sizes = [128, 1], strides = [1, 1]} : vector<128x128xi32> to vector<128x1xi32>
    %and3A_781 = arith.constant 127 : i32
    %and3A_782 = vector.broadcast %and3A_781 : i32 to vector<128x1xi32>
    %and3A_783 = arith.andi %slice3A_780, %and3A_782 : vector<128x1xi32>
    %eq3A_784 = vector.broadcast %and3A_783 : vector<128x1xi32> to vector<128x128xi32>
    %eq3A_785 = vector.broadcast %iota3A : vector<1x128xi32> to vector<128x128xi32>
    %eq3A_786 = arith.cmpi eq, %eq3A_784, %eq3A_785 : vector<128x128xi32>
    %convert_element_type3A_787 = arith.extui %eq3A_786 : vector<128x128xi1> to vector<128x128xi32>
    %convert_element_type3A_788 = arith.sitofp %convert_element_type3A_787 : vector<128x128xi32> to vector<128x128xf32>
    %shift_right_logical3A_789 = arith.constant 7 : i32
    %shift_right_logical3A_790 = vector.broadcast %shift_right_logical3A_789 : i32 to vector<128x1xi32>
    %shift_right_logical3A_791 = arith.shrui %slice3A_780, %shift_right_logical3A_790 : vector<128x1xi32>
    %eq3A_792 = vector.broadcast %shift_right_logical3A_791 : vector<128x1xi32> to vector<128x128xi32>
    %eq3A_793 = vector.broadcast %iota3A : vector<1x128xi32> to vector<128x128xi32>
    %eq3A_794 = arith.cmpi eq, %eq3A_792, %eq3A_793 : vector<128x128xi32>
    %convert_element_type3A_795 = arith.extui %eq3A_794 : vector<128x128xi1> to vector<128x128xi32>
    %convert_element_type3A_796 = arith.sitofp %convert_element_type3A_795 : vector<128x128xi32> to vector<128x128xf32>
    %dot_general3A_797 = arith.constant dense<0.000000e+00> : vector<128x128xf32>
    %dot_general3A_798 = tpu.matmul %convert_element_type3A_796, %convert_element_type3A_788, %dot_general3A_797 {dimension_numbers = #tpu.dot_dimension_numbers<[0], [0], [1], [1], [0, 1, 1, 1], [], []>, transpose_lhs_hint = false} : vector<128x128xf32>, vector<128x128xf32>, vector<128x128xf32> -> vector<128x128xf32>
    %add3A_799 = arith.addf %add3A_779, %dot_general3A_798 : vector<128x128xf32>
    %slice3A_800 = vector.extract_strided_slice %get3A_3 {offsets = [0, 40], sizes = [128, 1], strides = [1, 1]} : vector<128x128xi32> to vector<128x1xi32>
    %and3A_801 = arith.constant 127 : i32
    %and3A_802 = vector.broadcast %and3A_801 : i32 to vector<128x1xi32>
    %and3A_803 = arith.andi %slice3A_800, %and3A_802 : vector<128x1xi32>
    %eq3A_804 = vector.broadcast %and3A_803 : vector<128x1xi32> to vector<128x128xi32>
    %eq3A_805 = vector.broadcast %iota3A : vector<1x128xi32> to vector<128x128xi32>
    %eq3A_806 = arith.cmpi eq, %eq3A_804, %eq3A_805 : vector<128x128xi32>
    %convert_element_type3A_807 = arith.extui %eq3A_806 : vector<128x128xi1> to vector<128x128xi32>
    %convert_element_type3A_808 = arith.sitofp %convert_element_type3A_807 : vector<128x128xi32> to vector<128x128xf32>
    %shift_right_logical3A_809 = arith.constant 7 : i32
    %shift_right_logical3A_810 = vector.broadcast %shift_right_logical3A_809 : i32 to vector<128x1xi32>
    %shift_right_logical3A_811 = arith.shrui %slice3A_800, %shift_right_logical3A_810 : vector<128x1xi32>
    %eq3A_812 = vector.broadcast %shift_right_logical3A_811 : vector<128x1xi32> to vector<128x128xi32>
    %eq3A_813 = vector.broadcast %iota3A : vector<1x128xi32> to vector<128x128xi32>
    %eq3A_814 = arith.cmpi eq, %eq3A_812, %eq3A_813 : vector<128x128xi32>
    %convert_element_type3A_815 = arith.extui %eq3A_814 : vector<128x128xi1> to vector<128x128xi32>
    %convert_element_type3A_816 = arith.sitofp %convert_element_type3A_815 : vector<128x128xi32> to vector<128x128xf32>
    %dot_general3A_817 = arith.constant dense<0.000000e+00> : vector<128x128xf32>
    %dot_general3A_818 = tpu.matmul %convert_element_type3A_816, %convert_element_type3A_808, %dot_general3A_817 {dimension_numbers = #tpu.dot_dimension_numbers<[0], [0], [1], [1], [0, 1, 1, 1], [], []>, transpose_lhs_hint = false} : vector<128x128xf32>, vector<128x128xf32>, vector<128x128xf32> -> vector<128x128xf32>
    %add3A_819 = arith.addf %add3A_799, %dot_general3A_818 : vector<128x128xf32>
    %slice3A_820 = vector.extract_strided_slice %get3A_3 {offsets = [0, 41], sizes = [128, 1], strides = [1, 1]} : vector<128x128xi32> to vector<128x1xi32>
    %and3A_821 = arith.constant 127 : i32
    %and3A_822 = vector.broadcast %and3A_821 : i32 to vector<128x1xi32>
    %and3A_823 = arith.andi %slice3A_820, %and3A_822 : vector<128x1xi32>
    %eq3A_824 = vector.broadcast %and3A_823 : vector<128x1xi32> to vector<128x128xi32>
    %eq3A_825 = vector.broadcast %iota3A : vector<1x128xi32> to vector<128x128xi32>
    %eq3A_826 = arith.cmpi eq, %eq3A_824, %eq3A_825 : vector<128x128xi32>
    %convert_element_type3A_827 = arith.extui %eq3A_826 : vector<128x128xi1> to vector<128x128xi32>
    %convert_element_type3A_828 = arith.sitofp %convert_element_type3A_827 : vector<128x128xi32> to vector<128x128xf32>
    %shift_right_logical3A_829 = arith.constant 7 : i32
    %shift_right_logical3A_830 = vector.broadcast %shift_right_logical3A_829 : i32 to vector<128x1xi32>
    %shift_right_logical3A_831 = arith.shrui %slice3A_820, %shift_right_logical3A_830 : vector<128x1xi32>
    %eq3A_832 = vector.broadcast %shift_right_logical3A_831 : vector<128x1xi32> to vector<128x128xi32>
    %eq3A_833 = vector.broadcast %iota3A : vector<1x128xi32> to vector<128x128xi32>
    %eq3A_834 = arith.cmpi eq, %eq3A_832, %eq3A_833 : vector<128x128xi32>
    %convert_element_type3A_835 = arith.extui %eq3A_834 : vector<128x128xi1> to vector<128x128xi32>
    %convert_element_type3A_836 = arith.sitofp %convert_element_type3A_835 : vector<128x128xi32> to vector<128x128xf32>
    %dot_general3A_837 = arith.constant dense<0.000000e+00> : vector<128x128xf32>
    %dot_general3A_838 = tpu.matmul %convert_element_type3A_836, %convert_element_type3A_828, %dot_general3A_837 {dimension_numbers = #tpu.dot_dimension_numbers<[0], [0], [1], [1], [0, 1, 1, 1], [], []>, transpose_lhs_hint = false} : vector<128x128xf32>, vector<128x128xf32>, vector<128x128xf32> -> vector<128x128xf32>
    %add3A_839 = arith.addf %add3A_819, %dot_general3A_838 : vector<128x128xf32>
    %slice3A_840 = vector.extract_strided_slice %get3A_3 {offsets = [0, 42], sizes = [128, 1], strides = [1, 1]} : vector<128x128xi32> to vector<128x1xi32>
    %and3A_841 = arith.constant 127 : i32
    %and3A_842 = vector.broadcast %and3A_841 : i32 to vector<128x1xi32>
    %and3A_843 = arith.andi %slice3A_840, %and3A_842 : vector<128x1xi32>
    %eq3A_844 = vector.broadcast %and3A_843 : vector<128x1xi32> to vector<128x128xi32>
    %eq3A_845 = vector.broadcast %iota3A : vector<1x128xi32> to vector<128x128xi32>
    %eq3A_846 = arith.cmpi eq, %eq3A_844, %eq3A_845 : vector<128x128xi32>
    %convert_element_type3A_847 = arith.extui %eq3A_846 : vector<128x128xi1> to vector<128x128xi32>
    %convert_element_type3A_848 = arith.sitofp %convert_element_type3A_847 : vector<128x128xi32> to vector<128x128xf32>
    %shift_right_logical3A_849 = arith.constant 7 : i32
    %shift_right_logical3A_850 = vector.broadcast %shift_right_logical3A_849 : i32 to vector<128x1xi32>
    %shift_right_logical3A_851 = arith.shrui %slice3A_840, %shift_right_logical3A_850 : vector<128x1xi32>
    %eq3A_852 = vector.broadcast %shift_right_logical3A_851 : vector<128x1xi32> to vector<128x128xi32>
    %eq3A_853 = vector.broadcast %iota3A : vector<1x128xi32> to vector<128x128xi32>
    %eq3A_854 = arith.cmpi eq, %eq3A_852, %eq3A_853 : vector<128x128xi32>
    %convert_element_type3A_855 = arith.extui %eq3A_854 : vector<128x128xi1> to vector<128x128xi32>
    %convert_element_type3A_856 = arith.sitofp %convert_element_type3A_855 : vector<128x128xi32> to vector<128x128xf32>
    %dot_general3A_857 = arith.constant dense<0.000000e+00> : vector<128x128xf32>
    %dot_general3A_858 = tpu.matmul %convert_element_type3A_856, %convert_element_type3A_848, %dot_general3A_857 {dimension_numbers = #tpu.dot_dimension_numbers<[0], [0], [1], [1], [0, 1, 1, 1], [], []>, transpose_lhs_hint = false} : vector<128x128xf32>, vector<128x128xf32>, vector<128x128xf32> -> vector<128x128xf32>
    %add3A_859 = arith.addf %add3A_839, %dot_general3A_858 : vector<128x128xf32>
    %slice3A_860 = vector.extract_strided_slice %get3A_3 {offsets = [0, 43], sizes = [128, 1], strides = [1, 1]} : vector<128x128xi32> to vector<128x1xi32>
    %and3A_861 = arith.constant 127 : i32
    %and3A_862 = vector.broadcast %and3A_861 : i32 to vector<128x1xi32>
    %and3A_863 = arith.andi %slice3A_860, %and3A_862 : vector<128x1xi32>
    %eq3A_864 = vector.broadcast %and3A_863 : vector<128x1xi32> to vector<128x128xi32>
    %eq3A_865 = vector.broadcast %iota3A : vector<1x128xi32> to vector<128x128xi32>
    %eq3A_866 = arith.cmpi eq, %eq3A_864, %eq3A_865 : vector<128x128xi32>
    %convert_element_type3A_867 = arith.extui %eq3A_866 : vector<128x128xi1> to vector<128x128xi32>
    %convert_element_type3A_868 = arith.sitofp %convert_element_type3A_867 : vector<128x128xi32> to vector<128x128xf32>
    %shift_right_logical3A_869 = arith.constant 7 : i32
    %shift_right_logical3A_870 = vector.broadcast %shift_right_logical3A_869 : i32 to vector<128x1xi32>
    %shift_right_logical3A_871 = arith.shrui %slice3A_860, %shift_right_logical3A_870 : vector<128x1xi32>
    %eq3A_872 = vector.broadcast %shift_right_logical3A_871 : vector<128x1xi32> to vector<128x128xi32>
    %eq3A_873 = vector.broadcast %iota3A : vector<1x128xi32> to vector<128x128xi32>
    %eq3A_874 = arith.cmpi eq, %eq3A_872, %eq3A_873 : vector<128x128xi32>
    %convert_element_type3A_875 = arith.extui %eq3A_874 : vector<128x128xi1> to vector<128x128xi32>
    %convert_element_type3A_876 = arith.sitofp %convert_element_type3A_875 : vector<128x128xi32> to vector<128x128xf32>
    %dot_general3A_877 = arith.constant dense<0.000000e+00> : vector<128x128xf32>
    %dot_general3A_878 = tpu.matmul %convert_element_type3A_876, %convert_element_type3A_868, %dot_general3A_877 {dimension_numbers = #tpu.dot_dimension_numbers<[0], [0], [1], [1], [0, 1, 1, 1], [], []>, transpose_lhs_hint = false} : vector<128x128xf32>, vector<128x128xf32>, vector<128x128xf32> -> vector<128x128xf32>
    %add3A_879 = arith.addf %add3A_859, %dot_general3A_878 : vector<128x128xf32>
    %slice3A_880 = vector.extract_strided_slice %get3A_3 {offsets = [0, 44], sizes = [128, 1], strides = [1, 1]} : vector<128x128xi32> to vector<128x1xi32>
    %and3A_881 = arith.constant 127 : i32
    %and3A_882 = vector.broadcast %and3A_881 : i32 to vector<128x1xi32>
    %and3A_883 = arith.andi %slice3A_880, %and3A_882 : vector<128x1xi32>
    %eq3A_884 = vector.broadcast %and3A_883 : vector<128x1xi32> to vector<128x128xi32>
    %eq3A_885 = vector.broadcast %iota3A : vector<1x128xi32> to vector<128x128xi32>
    %eq3A_886 = arith.cmpi eq, %eq3A_884, %eq3A_885 : vector<128x128xi32>
    %convert_element_type3A_887 = arith.extui %eq3A_886 : vector<128x128xi1> to vector<128x128xi32>
    %convert_element_type3A_888 = arith.sitofp %convert_element_type3A_887 : vector<128x128xi32> to vector<128x128xf32>
    %shift_right_logical3A_889 = arith.constant 7 : i32
    %shift_right_logical3A_890 = vector.broadcast %shift_right_logical3A_889 : i32 to vector<128x1xi32>
    %shift_right_logical3A_891 = arith.shrui %slice3A_880, %shift_right_logical3A_890 : vector<128x1xi32>
    %eq3A_892 = vector.broadcast %shift_right_logical3A_891 : vector<128x1xi32> to vector<128x128xi32>
    %eq3A_893 = vector.broadcast %iota3A : vector<1x128xi32> to vector<128x128xi32>
    %eq3A_894 = arith.cmpi eq, %eq3A_892, %eq3A_893 : vector<128x128xi32>
    %convert_element_type3A_895 = arith.extui %eq3A_894 : vector<128x128xi1> to vector<128x128xi32>
    %convert_element_type3A_896 = arith.sitofp %convert_element_type3A_895 : vector<128x128xi32> to vector<128x128xf32>
    %dot_general3A_897 = arith.constant dense<0.000000e+00> : vector<128x128xf32>
    %dot_general3A_898 = tpu.matmul %convert_element_type3A_896, %convert_element_type3A_888, %dot_general3A_897 {dimension_numbers = #tpu.dot_dimension_numbers<[0], [0], [1], [1], [0, 1, 1, 1], [], []>, transpose_lhs_hint = false} : vector<128x128xf32>, vector<128x128xf32>, vector<128x128xf32> -> vector<128x128xf32>
    %add3A_899 = arith.addf %add3A_879, %dot_general3A_898 : vector<128x128xf32>
    %slice3A_900 = vector.extract_strided_slice %get3A_3 {offsets = [0, 45], sizes = [128, 1], strides = [1, 1]} : vector<128x128xi32> to vector<128x1xi32>
    %and3A_901 = arith.constant 127 : i32
    %and3A_902 = vector.broadcast %and3A_901 : i32 to vector<128x1xi32>
    %and3A_903 = arith.andi %slice3A_900, %and3A_902 : vector<128x1xi32>
    %eq3A_904 = vector.broadcast %and3A_903 : vector<128x1xi32> to vector<128x128xi32>
    %eq3A_905 = vector.broadcast %iota3A : vector<1x128xi32> to vector<128x128xi32>
    %eq3A_906 = arith.cmpi eq, %eq3A_904, %eq3A_905 : vector<128x128xi32>
    %convert_element_type3A_907 = arith.extui %eq3A_906 : vector<128x128xi1> to vector<128x128xi32>
    %convert_element_type3A_908 = arith.sitofp %convert_element_type3A_907 : vector<128x128xi32> to vector<128x128xf32>
    %shift_right_logical3A_909 = arith.constant 7 : i32
    %shift_right_logical3A_910 = vector.broadcast %shift_right_logical3A_909 : i32 to vector<128x1xi32>
    %shift_right_logical3A_911 = arith.shrui %slice3A_900, %shift_right_logical3A_910 : vector<128x1xi32>
    %eq3A_912 = vector.broadcast %shift_right_logical3A_911 : vector<128x1xi32> to vector<128x128xi32>
    %eq3A_913 = vector.broadcast %iota3A : vector<1x128xi32> to vector<128x128xi32>
    %eq3A_914 = arith.cmpi eq, %eq3A_912, %eq3A_913 : vector<128x128xi32>
    %convert_element_type3A_915 = arith.extui %eq3A_914 : vector<128x128xi1> to vector<128x128xi32>
    %convert_element_type3A_916 = arith.sitofp %convert_element_type3A_915 : vector<128x128xi32> to vector<128x128xf32>
    %dot_general3A_917 = arith.constant dense<0.000000e+00> : vector<128x128xf32>
    %dot_general3A_918 = tpu.matmul %convert_element_type3A_916, %convert_element_type3A_908, %dot_general3A_917 {dimension_numbers = #tpu.dot_dimension_numbers<[0], [0], [1], [1], [0, 1, 1, 1], [], []>, transpose_lhs_hint = false} : vector<128x128xf32>, vector<128x128xf32>, vector<128x128xf32> -> vector<128x128xf32>
    %add3A_919 = arith.addf %add3A_899, %dot_general3A_918 : vector<128x128xf32>
    %slice3A_920 = vector.extract_strided_slice %get3A_3 {offsets = [0, 46], sizes = [128, 1], strides = [1, 1]} : vector<128x128xi32> to vector<128x1xi32>
    %and3A_921 = arith.constant 127 : i32
    %and3A_922 = vector.broadcast %and3A_921 : i32 to vector<128x1xi32>
    %and3A_923 = arith.andi %slice3A_920, %and3A_922 : vector<128x1xi32>
    %eq3A_924 = vector.broadcast %and3A_923 : vector<128x1xi32> to vector<128x128xi32>
    %eq3A_925 = vector.broadcast %iota3A : vector<1x128xi32> to vector<128x128xi32>
    %eq3A_926 = arith.cmpi eq, %eq3A_924, %eq3A_925 : vector<128x128xi32>
    %convert_element_type3A_927 = arith.extui %eq3A_926 : vector<128x128xi1> to vector<128x128xi32>
    %convert_element_type3A_928 = arith.sitofp %convert_element_type3A_927 : vector<128x128xi32> to vector<128x128xf32>
    %shift_right_logical3A_929 = arith.constant 7 : i32
    %shift_right_logical3A_930 = vector.broadcast %shift_right_logical3A_929 : i32 to vector<128x1xi32>
    %shift_right_logical3A_931 = arith.shrui %slice3A_920, %shift_right_logical3A_930 : vector<128x1xi32>
    %eq3A_932 = vector.broadcast %shift_right_logical3A_931 : vector<128x1xi32> to vector<128x128xi32>
    %eq3A_933 = vector.broadcast %iota3A : vector<1x128xi32> to vector<128x128xi32>
    %eq3A_934 = arith.cmpi eq, %eq3A_932, %eq3A_933 : vector<128x128xi32>
    %convert_element_type3A_935 = arith.extui %eq3A_934 : vector<128x128xi1> to vector<128x128xi32>
    %convert_element_type3A_936 = arith.sitofp %convert_element_type3A_935 : vector<128x128xi32> to vector<128x128xf32>
    %dot_general3A_937 = arith.constant dense<0.000000e+00> : vector<128x128xf32>
    %dot_general3A_938 = tpu.matmul %convert_element_type3A_936, %convert_element_type3A_928, %dot_general3A_937 {dimension_numbers = #tpu.dot_dimension_numbers<[0], [0], [1], [1], [0, 1, 1, 1], [], []>, transpose_lhs_hint = false} : vector<128x128xf32>, vector<128x128xf32>, vector<128x128xf32> -> vector<128x128xf32>
    %add3A_939 = arith.addf %add3A_919, %dot_general3A_938 : vector<128x128xf32>
    %slice3A_940 = vector.extract_strided_slice %get3A_3 {offsets = [0, 47], sizes = [128, 1], strides = [1, 1]} : vector<128x128xi32> to vector<128x1xi32>
    %and3A_941 = arith.constant 127 : i32
    %and3A_942 = vector.broadcast %and3A_941 : i32 to vector<128x1xi32>
    %and3A_943 = arith.andi %slice3A_940, %and3A_942 : vector<128x1xi32>
    %eq3A_944 = vector.broadcast %and3A_943 : vector<128x1xi32> to vector<128x128xi32>
    %eq3A_945 = vector.broadcast %iota3A : vector<1x128xi32> to vector<128x128xi32>
    %eq3A_946 = arith.cmpi eq, %eq3A_944, %eq3A_945 : vector<128x128xi32>
    %convert_element_type3A_947 = arith.extui %eq3A_946 : vector<128x128xi1> to vector<128x128xi32>
    %convert_element_type3A_948 = arith.sitofp %convert_element_type3A_947 : vector<128x128xi32> to vector<128x128xf32>
    %shift_right_logical3A_949 = arith.constant 7 : i32
    %shift_right_logical3A_950 = vector.broadcast %shift_right_logical3A_949 : i32 to vector<128x1xi32>
    %shift_right_logical3A_951 = arith.shrui %slice3A_940, %shift_right_logical3A_950 : vector<128x1xi32>
    %eq3A_952 = vector.broadcast %shift_right_logical3A_951 : vector<128x1xi32> to vector<128x128xi32>
    %eq3A_953 = vector.broadcast %iota3A : vector<1x128xi32> to vector<128x128xi32>
    %eq3A_954 = arith.cmpi eq, %eq3A_952, %eq3A_953 : vector<128x128xi32>
    %convert_element_type3A_955 = arith.extui %eq3A_954 : vector<128x128xi1> to vector<128x128xi32>
    %convert_element_type3A_956 = arith.sitofp %convert_element_type3A_955 : vector<128x128xi32> to vector<128x128xf32>
    %dot_general3A_957 = arith.constant dense<0.000000e+00> : vector<128x128xf32>
    %dot_general3A_958 = tpu.matmul %convert_element_type3A_956, %convert_element_type3A_948, %dot_general3A_957 {dimension_numbers = #tpu.dot_dimension_numbers<[0], [0], [1], [1], [0, 1, 1, 1], [], []>, transpose_lhs_hint = false} : vector<128x128xf32>, vector<128x128xf32>, vector<128x128xf32> -> vector<128x128xf32>
    %add3A_959 = arith.addf %add3A_939, %dot_general3A_958 : vector<128x128xf32>
    %slice3A_960 = vector.extract_strided_slice %get3A_3 {offsets = [0, 48], sizes = [128, 1], strides = [1, 1]} : vector<128x128xi32> to vector<128x1xi32>
    %and3A_961 = arith.constant 127 : i32
    %and3A_962 = vector.broadcast %and3A_961 : i32 to vector<128x1xi32>
    %and3A_963 = arith.andi %slice3A_960, %and3A_962 : vector<128x1xi32>
    %eq3A_964 = vector.broadcast %and3A_963 : vector<128x1xi32> to vector<128x128xi32>
    %eq3A_965 = vector.broadcast %iota3A : vector<1x128xi32> to vector<128x128xi32>
    %eq3A_966 = arith.cmpi eq, %eq3A_964, %eq3A_965 : vector<128x128xi32>
    %convert_element_type3A_967 = arith.extui %eq3A_966 : vector<128x128xi1> to vector<128x128xi32>
    %convert_element_type3A_968 = arith.sitofp %convert_element_type3A_967 : vector<128x128xi32> to vector<128x128xf32>
    %shift_right_logical3A_969 = arith.constant 7 : i32
    %shift_right_logical3A_970 = vector.broadcast %shift_right_logical3A_969 : i32 to vector<128x1xi32>
    %shift_right_logical3A_971 = arith.shrui %slice3A_960, %shift_right_logical3A_970 : vector<128x1xi32>
    %eq3A_972 = vector.broadcast %shift_right_logical3A_971 : vector<128x1xi32> to vector<128x128xi32>
    %eq3A_973 = vector.broadcast %iota3A : vector<1x128xi32> to vector<128x128xi32>
    %eq3A_974 = arith.cmpi eq, %eq3A_972, %eq3A_973 : vector<128x128xi32>
    %convert_element_type3A_975 = arith.extui %eq3A_974 : vector<128x128xi1> to vector<128x128xi32>
    %convert_element_type3A_976 = arith.sitofp %convert_element_type3A_975 : vector<128x128xi32> to vector<128x128xf32>
    %dot_general3A_977 = arith.constant dense<0.000000e+00> : vector<128x128xf32>
    %dot_general3A_978 = tpu.matmul %convert_element_type3A_976, %convert_element_type3A_968, %dot_general3A_977 {dimension_numbers = #tpu.dot_dimension_numbers<[0], [0], [1], [1], [0, 1, 1, 1], [], []>, transpose_lhs_hint = false} : vector<128x128xf32>, vector<128x128xf32>, vector<128x128xf32> -> vector<128x128xf32>
    %add3A_979 = arith.addf %add3A_959, %dot_general3A_978 : vector<128x128xf32>
    %slice3A_980 = vector.extract_strided_slice %get3A_3 {offsets = [0, 49], sizes = [128, 1], strides = [1, 1]} : vector<128x128xi32> to vector<128x1xi32>
    %and3A_981 = arith.constant 127 : i32
    %and3A_982 = vector.broadcast %and3A_981 : i32 to vector<128x1xi32>
    %and3A_983 = arith.andi %slice3A_980, %and3A_982 : vector<128x1xi32>
    %eq3A_984 = vector.broadcast %and3A_983 : vector<128x1xi32> to vector<128x128xi32>
    %eq3A_985 = vector.broadcast %iota3A : vector<1x128xi32> to vector<128x128xi32>
    %eq3A_986 = arith.cmpi eq, %eq3A_984, %eq3A_985 : vector<128x128xi32>
    %convert_element_type3A_987 = arith.extui %eq3A_986 : vector<128x128xi1> to vector<128x128xi32>
    %convert_element_type3A_988 = arith.sitofp %convert_element_type3A_987 : vector<128x128xi32> to vector<128x128xf32>
    %shift_right_logical3A_989 = arith.constant 7 : i32
    %shift_right_logical3A_990 = vector.broadcast %shift_right_logical3A_989 : i32 to vector<128x1xi32>
    %shift_right_logical3A_991 = arith.shrui %slice3A_980, %shift_right_logical3A_990 : vector<128x1xi32>
    %eq3A_992 = vector.broadcast %shift_right_logical3A_991 : vector<128x1xi32> to vector<128x128xi32>
    %eq3A_993 = vector.broadcast %iota3A : vector<1x128xi32> to vector<128x128xi32>
    %eq3A_994 = arith.cmpi eq, %eq3A_992, %eq3A_993 : vector<128x128xi32>
    %convert_element_type3A_995 = arith.extui %eq3A_994 : vector<128x128xi1> to vector<128x128xi32>
    %convert_element_type3A_996 = arith.sitofp %convert_element_type3A_995 : vector<128x128xi32> to vector<128x128xf32>
    %dot_general3A_997 = arith.constant dense<0.000000e+00> : vector<128x128xf32>
    %dot_general3A_998 = tpu.matmul %convert_element_type3A_996, %convert_element_type3A_988, %dot_general3A_997 {dimension_numbers = #tpu.dot_dimension_numbers<[0], [0], [1], [1], [0, 1, 1, 1], [], []>, transpose_lhs_hint = false} : vector<128x128xf32>, vector<128x128xf32>, vector<128x128xf32> -> vector<128x128xf32>
    %add3A_999 = arith.addf %add3A_979, %dot_general3A_998 : vector<128x128xf32>
    %slice3A_1000 = vector.extract_strided_slice %get3A_3 {offsets = [0, 50], sizes = [128, 1], strides = [1, 1]} : vector<128x128xi32> to vector<128x1xi32>
    %and3A_1001 = arith.constant 127 : i32
    %and3A_1002 = vector.broadcast %and3A_1001 : i32 to vector<128x1xi32>
    %and3A_1003 = arith.andi %slice3A_1000, %and3A_1002 : vector<128x1xi32>
    %eq3A_1004 = vector.broadcast %and3A_1003 : vector<128x1xi32> to vector<128x128xi32>
    %eq3A_1005 = vector.broadcast %iota3A : vector<1x128xi32> to vector<128x128xi32>
    %eq3A_1006 = arith.cmpi eq, %eq3A_1004, %eq3A_1005 : vector<128x128xi32>
    %convert_element_type3A_1007 = arith.extui %eq3A_1006 : vector<128x128xi1> to vector<128x128xi32>
    %convert_element_type3A_1008 = arith.sitofp %convert_element_type3A_1007 : vector<128x128xi32> to vector<128x128xf32>
    %shift_right_logical3A_1009 = arith.constant 7 : i32
    %shift_right_logical3A_1010 = vector.broadcast %shift_right_logical3A_1009 : i32 to vector<128x1xi32>
    %shift_right_logical3A_1011 = arith.shrui %slice3A_1000, %shift_right_logical3A_1010 : vector<128x1xi32>
    %eq3A_1012 = vector.broadcast %shift_right_logical3A_1011 : vector<128x1xi32> to vector<128x128xi32>
    %eq3A_1013 = vector.broadcast %iota3A : vector<1x128xi32> to vector<128x128xi32>
    %eq3A_1014 = arith.cmpi eq, %eq3A_1012, %eq3A_1013 : vector<128x128xi32>
    %convert_element_type3A_1015 = arith.extui %eq3A_1014 : vector<128x128xi1> to vector<128x128xi32>
    %convert_element_type3A_1016 = arith.sitofp %convert_element_type3A_1015 : vector<128x128xi32> to vector<128x128xf32>
    %dot_general3A_1017 = arith.constant dense<0.000000e+00> : vector<128x128xf32>
    %dot_general3A_1018 = tpu.matmul %convert_element_type3A_1016, %convert_element_type3A_1008, %dot_general3A_1017 {dimension_numbers = #tpu.dot_dimension_numbers<[0], [0], [1], [1], [0, 1, 1, 1], [], []>, transpose_lhs_hint = false} : vector<128x128xf32>, vector<128x128xf32>, vector<128x128xf32> -> vector<128x128xf32>
    %add3A_1019 = arith.addf %add3A_999, %dot_general3A_1018 : vector<128x128xf32>
    %slice3A_1020 = vector.extract_strided_slice %get3A_3 {offsets = [0, 51], sizes = [128, 1], strides = [1, 1]} : vector<128x128xi32> to vector<128x1xi32>
    %and3A_1021 = arith.constant 127 : i32
    %and3A_1022 = vector.broadcast %and3A_1021 : i32 to vector<128x1xi32>
    %and3A_1023 = arith.andi %slice3A_1020, %and3A_1022 : vector<128x1xi32>
    %eq3A_1024 = vector.broadcast %and3A_1023 : vector<128x1xi32> to vector<128x128xi32>
    %eq3A_1025 = vector.broadcast %iota3A : vector<1x128xi32> to vector<128x128xi32>
    %eq3A_1026 = arith.cmpi eq, %eq3A_1024, %eq3A_1025 : vector<128x128xi32>
    %convert_element_type3A_1027 = arith.extui %eq3A_1026 : vector<128x128xi1> to vector<128x128xi32>
    %convert_element_type3A_1028 = arith.sitofp %convert_element_type3A_1027 : vector<128x128xi32> to vector<128x128xf32>
    %shift_right_logical3A_1029 = arith.constant 7 : i32
    %shift_right_logical3A_1030 = vector.broadcast %shift_right_logical3A_1029 : i32 to vector<128x1xi32>
    %shift_right_logical3A_1031 = arith.shrui %slice3A_1020, %shift_right_logical3A_1030 : vector<128x1xi32>
    %eq3A_1032 = vector.broadcast %shift_right_logical3A_1031 : vector<128x1xi32> to vector<128x128xi32>
    %eq3A_1033 = vector.broadcast %iota3A : vector<1x128xi32> to vector<128x128xi32>
    %eq3A_1034 = arith.cmpi eq, %eq3A_1032, %eq3A_1033 : vector<128x128xi32>
    %convert_element_type3A_1035 = arith.extui %eq3A_1034 : vector<128x128xi1> to vector<128x128xi32>
    %convert_element_type3A_1036 = arith.sitofp %convert_element_type3A_1035 : vector<128x128xi32> to vector<128x128xf32>
    %dot_general3A_1037 = arith.constant dense<0.000000e+00> : vector<128x128xf32>
    %dot_general3A_1038 = tpu.matmul %convert_element_type3A_1036, %convert_element_type3A_1028, %dot_general3A_1037 {dimension_numbers = #tpu.dot_dimension_numbers<[0], [0], [1], [1], [0, 1, 1, 1], [], []>, transpose_lhs_hint = false} : vector<128x128xf32>, vector<128x128xf32>, vector<128x128xf32> -> vector<128x128xf32>
    %add3A_1039 = arith.addf %add3A_1019, %dot_general3A_1038 : vector<128x128xf32>
    %slice3A_1040 = vector.extract_strided_slice %get3A_3 {offsets = [0, 52], sizes = [128, 1], strides = [1, 1]} : vector<128x128xi32> to vector<128x1xi32>
    %and3A_1041 = arith.constant 127 : i32
    %and3A_1042 = vector.broadcast %and3A_1041 : i32 to vector<128x1xi32>
    %and3A_1043 = arith.andi %slice3A_1040, %and3A_1042 : vector<128x1xi32>
    %eq3A_1044 = vector.broadcast %and3A_1043 : vector<128x1xi32> to vector<128x128xi32>
    %eq3A_1045 = vector.broadcast %iota3A : vector<1x128xi32> to vector<128x128xi32>
    %eq3A_1046 = arith.cmpi eq, %eq3A_1044, %eq3A_1045 : vector<128x128xi32>
    %convert_element_type3A_1047 = arith.extui %eq3A_1046 : vector<128x128xi1> to vector<128x128xi32>
    %convert_element_type3A_1048 = arith.sitofp %convert_element_type3A_1047 : vector<128x128xi32> to vector<128x128xf32>
    %shift_right_logical3A_1049 = arith.constant 7 : i32
    %shift_right_logical3A_1050 = vector.broadcast %shift_right_logical3A_1049 : i32 to vector<128x1xi32>
    %shift_right_logical3A_1051 = arith.shrui %slice3A_1040, %shift_right_logical3A_1050 : vector<128x1xi32>
    %eq3A_1052 = vector.broadcast %shift_right_logical3A_1051 : vector<128x1xi32> to vector<128x128xi32>
    %eq3A_1053 = vector.broadcast %iota3A : vector<1x128xi32> to vector<128x128xi32>
    %eq3A_1054 = arith.cmpi eq, %eq3A_1052, %eq3A_1053 : vector<128x128xi32>
    %convert_element_type3A_1055 = arith.extui %eq3A_1054 : vector<128x128xi1> to vector<128x128xi32>
    %convert_element_type3A_1056 = arith.sitofp %convert_element_type3A_1055 : vector<128x128xi32> to vector<128x128xf32>
    %dot_general3A_1057 = arith.constant dense<0.000000e+00> : vector<128x128xf32>
    %dot_general3A_1058 = tpu.matmul %convert_element_type3A_1056, %convert_element_type3A_1048, %dot_general3A_1057 {dimension_numbers = #tpu.dot_dimension_numbers<[0], [0], [1], [1], [0, 1, 1, 1], [], []>, transpose_lhs_hint = false} : vector<128x128xf32>, vector<128x128xf32>, vector<128x128xf32> -> vector<128x128xf32>
    %add3A_1059 = arith.addf %add3A_1039, %dot_general3A_1058 : vector<128x128xf32>
    %slice3A_1060 = vector.extract_strided_slice %get3A_3 {offsets = [0, 53], sizes = [128, 1], strides = [1, 1]} : vector<128x128xi32> to vector<128x1xi32>
    %and3A_1061 = arith.constant 127 : i32
    %and3A_1062 = vector.broadcast %and3A_1061 : i32 to vector<128x1xi32>
    %and3A_1063 = arith.andi %slice3A_1060, %and3A_1062 : vector<128x1xi32>
    %eq3A_1064 = vector.broadcast %and3A_1063 : vector<128x1xi32> to vector<128x128xi32>
    %eq3A_1065 = vector.broadcast %iota3A : vector<1x128xi32> to vector<128x128xi32>
    %eq3A_1066 = arith.cmpi eq, %eq3A_1064, %eq3A_1065 : vector<128x128xi32>
    %convert_element_type3A_1067 = arith.extui %eq3A_1066 : vector<128x128xi1> to vector<128x128xi32>
    %convert_element_type3A_1068 = arith.sitofp %convert_element_type3A_1067 : vector<128x128xi32> to vector<128x128xf32>
    %shift_right_logical3A_1069 = arith.constant 7 : i32
    %shift_right_logical3A_1070 = vector.broadcast %shift_right_logical3A_1069 : i32 to vector<128x1xi32>
    %shift_right_logical3A_1071 = arith.shrui %slice3A_1060, %shift_right_logical3A_1070 : vector<128x1xi32>
    %eq3A_1072 = vector.broadcast %shift_right_logical3A_1071 : vector<128x1xi32> to vector<128x128xi32>
    %eq3A_1073 = vector.broadcast %iota3A : vector<1x128xi32> to vector<128x128xi32>
    %eq3A_1074 = arith.cmpi eq, %eq3A_1072, %eq3A_1073 : vector<128x128xi32>
    %convert_element_type3A_1075 = arith.extui %eq3A_1074 : vector<128x128xi1> to vector<128x128xi32>
    %convert_element_type3A_1076 = arith.sitofp %convert_element_type3A_1075 : vector<128x128xi32> to vector<128x128xf32>
    %dot_general3A_1077 = arith.constant dense<0.000000e+00> : vector<128x128xf32>
    %dot_general3A_1078 = tpu.matmul %convert_element_type3A_1076, %convert_element_type3A_1068, %dot_general3A_1077 {dimension_numbers = #tpu.dot_dimension_numbers<[0], [0], [1], [1], [0, 1, 1, 1], [], []>, transpose_lhs_hint = false} : vector<128x128xf32>, vector<128x128xf32>, vector<128x128xf32> -> vector<128x128xf32>
    %add3A_1079 = arith.addf %add3A_1059, %dot_general3A_1078 : vector<128x128xf32>
    %slice3A_1080 = vector.extract_strided_slice %get3A_3 {offsets = [0, 54], sizes = [128, 1], strides = [1, 1]} : vector<128x128xi32> to vector<128x1xi32>
    %and3A_1081 = arith.constant 127 : i32
    %and3A_1082 = vector.broadcast %and3A_1081 : i32 to vector<128x1xi32>
    %and3A_1083 = arith.andi %slice3A_1080, %and3A_1082 : vector<128x1xi32>
    %eq3A_1084 = vector.broadcast %and3A_1083 : vector<128x1xi32> to vector<128x128xi32>
    %eq3A_1085 = vector.broadcast %iota3A : vector<1x128xi32> to vector<128x128xi32>
    %eq3A_1086 = arith.cmpi eq, %eq3A_1084, %eq3A_1085 : vector<128x128xi32>
    %convert_element_type3A_1087 = arith.extui %eq3A_1086 : vector<128x128xi1> to vector<128x128xi32>
    %convert_element_type3A_1088 = arith.sitofp %convert_element_type3A_1087 : vector<128x128xi32> to vector<128x128xf32>
    %shift_right_logical3A_1089 = arith.constant 7 : i32
    %shift_right_logical3A_1090 = vector.broadcast %shift_right_logical3A_1089 : i32 to vector<128x1xi32>
    %shift_right_logical3A_1091 = arith.shrui %slice3A_1080, %shift_right_logical3A_1090 : vector<128x1xi32>
    %eq3A_1092 = vector.broadcast %shift_right_logical3A_1091 : vector<128x1xi32> to vector<128x128xi32>
    %eq3A_1093 = vector.broadcast %iota3A : vector<1x128xi32> to vector<128x128xi32>
    %eq3A_1094 = arith.cmpi eq, %eq3A_1092, %eq3A_1093 : vector<128x128xi32>
    %convert_element_type3A_1095 = arith.extui %eq3A_1094 : vector<128x128xi1> to vector<128x128xi32>
    %convert_element_type3A_1096 = arith.sitofp %convert_element_type3A_1095 : vector<128x128xi32> to vector<128x128xf32>
    %dot_general3A_1097 = arith.constant dense<0.000000e+00> : vector<128x128xf32>
    %dot_general3A_1098 = tpu.matmul %convert_element_type3A_1096, %convert_element_type3A_1088, %dot_general3A_1097 {dimension_numbers = #tpu.dot_dimension_numbers<[0], [0], [1], [1], [0, 1, 1, 1], [], []>, transpose_lhs_hint = false} : vector<128x128xf32>, vector<128x128xf32>, vector<128x128xf32> -> vector<128x128xf32>
    %add3A_1099 = arith.addf %add3A_1079, %dot_general3A_1098 : vector<128x128xf32>
    %slice3A_1100 = vector.extract_strided_slice %get3A_3 {offsets = [0, 55], sizes = [128, 1], strides = [1, 1]} : vector<128x128xi32> to vector<128x1xi32>
    %and3A_1101 = arith.constant 127 : i32
    %and3A_1102 = vector.broadcast %and3A_1101 : i32 to vector<128x1xi32>
    %and3A_1103 = arith.andi %slice3A_1100, %and3A_1102 : vector<128x1xi32>
    %eq3A_1104 = vector.broadcast %and3A_1103 : vector<128x1xi32> to vector<128x128xi32>
    %eq3A_1105 = vector.broadcast %iota3A : vector<1x128xi32> to vector<128x128xi32>
    %eq3A_1106 = arith.cmpi eq, %eq3A_1104, %eq3A_1105 : vector<128x128xi32>
    %convert_element_type3A_1107 = arith.extui %eq3A_1106 : vector<128x128xi1> to vector<128x128xi32>
    %convert_element_type3A_1108 = arith.sitofp %convert_element_type3A_1107 : vector<128x128xi32> to vector<128x128xf32>
    %shift_right_logical3A_1109 = arith.constant 7 : i32
    %shift_right_logical3A_1110 = vector.broadcast %shift_right_logical3A_1109 : i32 to vector<128x1xi32>
    %shift_right_logical3A_1111 = arith.shrui %slice3A_1100, %shift_right_logical3A_1110 : vector<128x1xi32>
    %eq3A_1112 = vector.broadcast %shift_right_logical3A_1111 : vector<128x1xi32> to vector<128x128xi32>
    %eq3A_1113 = vector.broadcast %iota3A : vector<1x128xi32> to vector<128x128xi32>
    %eq3A_1114 = arith.cmpi eq, %eq3A_1112, %eq3A_1113 : vector<128x128xi32>
    %convert_element_type3A_1115 = arith.extui %eq3A_1114 : vector<128x128xi1> to vector<128x128xi32>
    %convert_element_type3A_1116 = arith.sitofp %convert_element_type3A_1115 : vector<128x128xi32> to vector<128x128xf32>
    %dot_general3A_1117 = arith.constant dense<0.000000e+00> : vector<128x128xf32>
    %dot_general3A_1118 = tpu.matmul %convert_element_type3A_1116, %convert_element_type3A_1108, %dot_general3A_1117 {dimension_numbers = #tpu.dot_dimension_numbers<[0], [0], [1], [1], [0, 1, 1, 1], [], []>, transpose_lhs_hint = false} : vector<128x128xf32>, vector<128x128xf32>, vector<128x128xf32> -> vector<128x128xf32>
    %add3A_1119 = arith.addf %add3A_1099, %dot_general3A_1118 : vector<128x128xf32>
    %slice3A_1120 = vector.extract_strided_slice %get3A_3 {offsets = [0, 56], sizes = [128, 1], strides = [1, 1]} : vector<128x128xi32> to vector<128x1xi32>
    %and3A_1121 = arith.constant 127 : i32
    %and3A_1122 = vector.broadcast %and3A_1121 : i32 to vector<128x1xi32>
    %and3A_1123 = arith.andi %slice3A_1120, %and3A_1122 : vector<128x1xi32>
    %eq3A_1124 = vector.broadcast %and3A_1123 : vector<128x1xi32> to vector<128x128xi32>
    %eq3A_1125 = vector.broadcast %iota3A : vector<1x128xi32> to vector<128x128xi32>
    %eq3A_1126 = arith.cmpi eq, %eq3A_1124, %eq3A_1125 : vector<128x128xi32>
    %convert_element_type3A_1127 = arith.extui %eq3A_1126 : vector<128x128xi1> to vector<128x128xi32>
    %convert_element_type3A_1128 = arith.sitofp %convert_element_type3A_1127 : vector<128x128xi32> to vector<128x128xf32>
    %shift_right_logical3A_1129 = arith.constant 7 : i32
    %shift_right_logical3A_1130 = vector.broadcast %shift_right_logical3A_1129 : i32 to vector<128x1xi32>
    %shift_right_logical3A_1131 = arith.shrui %slice3A_1120, %shift_right_logical3A_1130 : vector<128x1xi32>
    %eq3A_1132 = vector.broadcast %shift_right_logical3A_1131 : vector<128x1xi32> to vector<128x128xi32>
    %eq3A_1133 = vector.broadcast %iota3A : vector<1x128xi32> to vector<128x128xi32>
    %eq3A_1134 = arith.cmpi eq, %eq3A_1132, %eq3A_1133 : vector<128x128xi32>
    %convert_element_type3A_1135 = arith.extui %eq3A_1134 : vector<128x128xi1> to vector<128x128xi32>
    %convert_element_type3A_1136 = arith.sitofp %convert_element_type3A_1135 : vector<128x128xi32> to vector<128x128xf32>
    %dot_general3A_1137 = arith.constant dense<0.000000e+00> : vector<128x128xf32>
    %dot_general3A_1138 = tpu.matmul %convert_element_type3A_1136, %convert_element_type3A_1128, %dot_general3A_1137 {dimension_numbers = #tpu.dot_dimension_numbers<[0], [0], [1], [1], [0, 1, 1, 1], [], []>, transpose_lhs_hint = false} : vector<128x128xf32>, vector<128x128xf32>, vector<128x128xf32> -> vector<128x128xf32>
    %add3A_1139 = arith.addf %add3A_1119, %dot_general3A_1138 : vector<128x128xf32>
    %slice3A_1140 = vector.extract_strided_slice %get3A_3 {offsets = [0, 57], sizes = [128, 1], strides = [1, 1]} : vector<128x128xi32> to vector<128x1xi32>
    %and3A_1141 = arith.constant 127 : i32
    %and3A_1142 = vector.broadcast %and3A_1141 : i32 to vector<128x1xi32>
    %and3A_1143 = arith.andi %slice3A_1140, %and3A_1142 : vector<128x1xi32>
    %eq3A_1144 = vector.broadcast %and3A_1143 : vector<128x1xi32> to vector<128x128xi32>
    %eq3A_1145 = vector.broadcast %iota3A : vector<1x128xi32> to vector<128x128xi32>
    %eq3A_1146 = arith.cmpi eq, %eq3A_1144, %eq3A_1145 : vector<128x128xi32>
    %convert_element_type3A_1147 = arith.extui %eq3A_1146 : vector<128x128xi1> to vector<128x128xi32>
    %convert_element_type3A_1148 = arith.sitofp %convert_element_type3A_1147 : vector<128x128xi32> to vector<128x128xf32>
    %shift_right_logical3A_1149 = arith.constant 7 : i32
    %shift_right_logical3A_1150 = vector.broadcast %shift_right_logical3A_1149 : i32 to vector<128x1xi32>
    %shift_right_logical3A_1151 = arith.shrui %slice3A_1140, %shift_right_logical3A_1150 : vector<128x1xi32>
    %eq3A_1152 = vector.broadcast %shift_right_logical3A_1151 : vector<128x1xi32> to vector<128x128xi32>
    %eq3A_1153 = vector.broadcast %iota3A : vector<1x128xi32> to vector<128x128xi32>
    %eq3A_1154 = arith.cmpi eq, %eq3A_1152, %eq3A_1153 : vector<128x128xi32>
    %convert_element_type3A_1155 = arith.extui %eq3A_1154 : vector<128x128xi1> to vector<128x128xi32>
    %convert_element_type3A_1156 = arith.sitofp %convert_element_type3A_1155 : vector<128x128xi32> to vector<128x128xf32>
    %dot_general3A_1157 = arith.constant dense<0.000000e+00> : vector<128x128xf32>
    %dot_general3A_1158 = tpu.matmul %convert_element_type3A_1156, %convert_element_type3A_1148, %dot_general3A_1157 {dimension_numbers = #tpu.dot_dimension_numbers<[0], [0], [1], [1], [0, 1, 1, 1], [], []>, transpose_lhs_hint = false} : vector<128x128xf32>, vector<128x128xf32>, vector<128x128xf32> -> vector<128x128xf32>
    %add3A_1159 = arith.addf %add3A_1139, %dot_general3A_1158 : vector<128x128xf32>
    %slice3A_1160 = vector.extract_strided_slice %get3A_3 {offsets = [0, 58], sizes = [128, 1], strides = [1, 1]} : vector<128x128xi32> to vector<128x1xi32>
    %and3A_1161 = arith.constant 127 : i32
    %and3A_1162 = vector.broadcast %and3A_1161 : i32 to vector<128x1xi32>
    %and3A_1163 = arith.andi %slice3A_1160, %and3A_1162 : vector<128x1xi32>
    %eq3A_1164 = vector.broadcast %and3A_1163 : vector<128x1xi32> to vector<128x128xi32>
    %eq3A_1165 = vector.broadcast %iota3A : vector<1x128xi32> to vector<128x128xi32>
    %eq3A_1166 = arith.cmpi eq, %eq3A_1164, %eq3A_1165 : vector<128x128xi32>
    %convert_element_type3A_1167 = arith.extui %eq3A_1166 : vector<128x128xi1> to vector<128x128xi32>
    %convert_element_type3A_1168 = arith.sitofp %convert_element_type3A_1167 : vector<128x128xi32> to vector<128x128xf32>
    %shift_right_logical3A_1169 = arith.constant 7 : i32
    %shift_right_logical3A_1170 = vector.broadcast %shift_right_logical3A_1169 : i32 to vector<128x1xi32>
    %shift_right_logical3A_1171 = arith.shrui %slice3A_1160, %shift_right_logical3A_1170 : vector<128x1xi32>
    %eq3A_1172 = vector.broadcast %shift_right_logical3A_1171 : vector<128x1xi32> to vector<128x128xi32>
    %eq3A_1173 = vector.broadcast %iota3A : vector<1x128xi32> to vector<128x128xi32>
    %eq3A_1174 = arith.cmpi eq, %eq3A_1172, %eq3A_1173 : vector<128x128xi32>
    %convert_element_type3A_1175 = arith.extui %eq3A_1174 : vector<128x128xi1> to vector<128x128xi32>
    %convert_element_type3A_1176 = arith.sitofp %convert_element_type3A_1175 : vector<128x128xi32> to vector<128x128xf32>
    %dot_general3A_1177 = arith.constant dense<0.000000e+00> : vector<128x128xf32>
    %dot_general3A_1178 = tpu.matmul %convert_element_type3A_1176, %convert_element_type3A_1168, %dot_general3A_1177 {dimension_numbers = #tpu.dot_dimension_numbers<[0], [0], [1], [1], [0, 1, 1, 1], [], []>, transpose_lhs_hint = false} : vector<128x128xf32>, vector<128x128xf32>, vector<128x128xf32> -> vector<128x128xf32>
    %add3A_1179 = arith.addf %add3A_1159, %dot_general3A_1178 : vector<128x128xf32>
    %slice3A_1180 = vector.extract_strided_slice %get3A_3 {offsets = [0, 59], sizes = [128, 1], strides = [1, 1]} : vector<128x128xi32> to vector<128x1xi32>
    %and3A_1181 = arith.constant 127 : i32
    %and3A_1182 = vector.broadcast %and3A_1181 : i32 to vector<128x1xi32>
    %and3A_1183 = arith.andi %slice3A_1180, %and3A_1182 : vector<128x1xi32>
    %eq3A_1184 = vector.broadcast %and3A_1183 : vector<128x1xi32> to vector<128x128xi32>
    %eq3A_1185 = vector.broadcast %iota3A : vector<1x128xi32> to vector<128x128xi32>
    %eq3A_1186 = arith.cmpi eq, %eq3A_1184, %eq3A_1185 : vector<128x128xi32>
    %convert_element_type3A_1187 = arith.extui %eq3A_1186 : vector<128x128xi1> to vector<128x128xi32>
    %convert_element_type3A_1188 = arith.sitofp %convert_element_type3A_1187 : vector<128x128xi32> to vector<128x128xf32>
    %shift_right_logical3A_1189 = arith.constant 7 : i32
    %shift_right_logical3A_1190 = vector.broadcast %shift_right_logical3A_1189 : i32 to vector<128x1xi32>
    %shift_right_logical3A_1191 = arith.shrui %slice3A_1180, %shift_right_logical3A_1190 : vector<128x1xi32>
    %eq3A_1192 = vector.broadcast %shift_right_logical3A_1191 : vector<128x1xi32> to vector<128x128xi32>
    %eq3A_1193 = vector.broadcast %iota3A : vector<1x128xi32> to vector<128x128xi32>
    %eq3A_1194 = arith.cmpi eq, %eq3A_1192, %eq3A_1193 : vector<128x128xi32>
    %convert_element_type3A_1195 = arith.extui %eq3A_1194 : vector<128x128xi1> to vector<128x128xi32>
    %convert_element_type3A_1196 = arith.sitofp %convert_element_type3A_1195 : vector<128x128xi32> to vector<128x128xf32>
    %dot_general3A_1197 = arith.constant dense<0.000000e+00> : vector<128x128xf32>
    %dot_general3A_1198 = tpu.matmul %convert_element_type3A_1196, %convert_element_type3A_1188, %dot_general3A_1197 {dimension_numbers = #tpu.dot_dimension_numbers<[0], [0], [1], [1], [0, 1, 1, 1], [], []>, transpose_lhs_hint = false} : vector<128x128xf32>, vector<128x128xf32>, vector<128x128xf32> -> vector<128x128xf32>
    %add3A_1199 = arith.addf %add3A_1179, %dot_general3A_1198 : vector<128x128xf32>
    %slice3A_1200 = vector.extract_strided_slice %get3A_3 {offsets = [0, 60], sizes = [128, 1], strides = [1, 1]} : vector<128x128xi32> to vector<128x1xi32>
    %and3A_1201 = arith.constant 127 : i32
    %and3A_1202 = vector.broadcast %and3A_1201 : i32 to vector<128x1xi32>
    %and3A_1203 = arith.andi %slice3A_1200, %and3A_1202 : vector<128x1xi32>
    %eq3A_1204 = vector.broadcast %and3A_1203 : vector<128x1xi32> to vector<128x128xi32>
    %eq3A_1205 = vector.broadcast %iota3A : vector<1x128xi32> to vector<128x128xi32>
    %eq3A_1206 = arith.cmpi eq, %eq3A_1204, %eq3A_1205 : vector<128x128xi32>
    %convert_element_type3A_1207 = arith.extui %eq3A_1206 : vector<128x128xi1> to vector<128x128xi32>
    %convert_element_type3A_1208 = arith.sitofp %convert_element_type3A_1207 : vector<128x128xi32> to vector<128x128xf32>
    %shift_right_logical3A_1209 = arith.constant 7 : i32
    %shift_right_logical3A_1210 = vector.broadcast %shift_right_logical3A_1209 : i32 to vector<128x1xi32>
    %shift_right_logical3A_1211 = arith.shrui %slice3A_1200, %shift_right_logical3A_1210 : vector<128x1xi32>
    %eq3A_1212 = vector.broadcast %shift_right_logical3A_1211 : vector<128x1xi32> to vector<128x128xi32>
    %eq3A_1213 = vector.broadcast %iota3A : vector<1x128xi32> to vector<128x128xi32>
    %eq3A_1214 = arith.cmpi eq, %eq3A_1212, %eq3A_1213 : vector<128x128xi32>
    %convert_element_type3A_1215 = arith.extui %eq3A_1214 : vector<128x128xi1> to vector<128x128xi32>
    %convert_element_type3A_1216 = arith.sitofp %convert_element_type3A_1215 : vector<128x128xi32> to vector<128x128xf32>
    %dot_general3A_1217 = arith.constant dense<0.000000e+00> : vector<128x128xf32>
    %dot_general3A_1218 = tpu.matmul %convert_element_type3A_1216, %convert_element_type3A_1208, %dot_general3A_1217 {dimension_numbers = #tpu.dot_dimension_numbers<[0], [0], [1], [1], [0, 1, 1, 1], [], []>, transpose_lhs_hint = false} : vector<128x128xf32>, vector<128x128xf32>, vector<128x128xf32> -> vector<128x128xf32>
    %add3A_1219 = arith.addf %add3A_1199, %dot_general3A_1218 : vector<128x128xf32>
    %slice3A_1220 = vector.extract_strided_slice %get3A_3 {offsets = [0, 61], sizes = [128, 1], strides = [1, 1]} : vector<128x128xi32> to vector<128x1xi32>
    %and3A_1221 = arith.constant 127 : i32
    %and3A_1222 = vector.broadcast %and3A_1221 : i32 to vector<128x1xi32>
    %and3A_1223 = arith.andi %slice3A_1220, %and3A_1222 : vector<128x1xi32>
    %eq3A_1224 = vector.broadcast %and3A_1223 : vector<128x1xi32> to vector<128x128xi32>
    %eq3A_1225 = vector.broadcast %iota3A : vector<1x128xi32> to vector<128x128xi32>
    %eq3A_1226 = arith.cmpi eq, %eq3A_1224, %eq3A_1225 : vector<128x128xi32>
    %convert_element_type3A_1227 = arith.extui %eq3A_1226 : vector<128x128xi1> to vector<128x128xi32>
    %convert_element_type3A_1228 = arith.sitofp %convert_element_type3A_1227 : vector<128x128xi32> to vector<128x128xf32>
    %shift_right_logical3A_1229 = arith.constant 7 : i32
    %shift_right_logical3A_1230 = vector.broadcast %shift_right_logical3A_1229 : i32 to vector<128x1xi32>
    %shift_right_logical3A_1231 = arith.shrui %slice3A_1220, %shift_right_logical3A_1230 : vector<128x1xi32>
    %eq3A_1232 = vector.broadcast %shift_right_logical3A_1231 : vector<128x1xi32> to vector<128x128xi32>
    %eq3A_1233 = vector.broadcast %iota3A : vector<1x128xi32> to vector<128x128xi32>
    %eq3A_1234 = arith.cmpi eq, %eq3A_1232, %eq3A_1233 : vector<128x128xi32>
    %convert_element_type3A_1235 = arith.extui %eq3A_1234 : vector<128x128xi1> to vector<128x128xi32>
    %convert_element_type3A_1236 = arith.sitofp %convert_element_type3A_1235 : vector<128x128xi32> to vector<128x128xf32>
    %dot_general3A_1237 = arith.constant dense<0.000000e+00> : vector<128x128xf32>
    %dot_general3A_1238 = tpu.matmul %convert_element_type3A_1236, %convert_element_type3A_1228, %dot_general3A_1237 {dimension_numbers = #tpu.dot_dimension_numbers<[0], [0], [1], [1], [0, 1, 1, 1], [], []>, transpose_lhs_hint = false} : vector<128x128xf32>, vector<128x128xf32>, vector<128x128xf32> -> vector<128x128xf32>
    %add3A_1239 = arith.addf %add3A_1219, %dot_general3A_1238 : vector<128x128xf32>
    %slice3A_1240 = vector.extract_strided_slice %get3A_3 {offsets = [0, 62], sizes = [128, 1], strides = [1, 1]} : vector<128x128xi32> to vector<128x1xi32>
    %and3A_1241 = arith.constant 127 : i32
    %and3A_1242 = vector.broadcast %and3A_1241 : i32 to vector<128x1xi32>
    %and3A_1243 = arith.andi %slice3A_1240, %and3A_1242 : vector<128x1xi32>
    %eq3A_1244 = vector.broadcast %and3A_1243 : vector<128x1xi32> to vector<128x128xi32>
    %eq3A_1245 = vector.broadcast %iota3A : vector<1x128xi32> to vector<128x128xi32>
    %eq3A_1246 = arith.cmpi eq, %eq3A_1244, %eq3A_1245 : vector<128x128xi32>
    %convert_element_type3A_1247 = arith.extui %eq3A_1246 : vector<128x128xi1> to vector<128x128xi32>
    %convert_element_type3A_1248 = arith.sitofp %convert_element_type3A_1247 : vector<128x128xi32> to vector<128x128xf32>
    %shift_right_logical3A_1249 = arith.constant 7 : i32
    %shift_right_logical3A_1250 = vector.broadcast %shift_right_logical3A_1249 : i32 to vector<128x1xi32>
    %shift_right_logical3A_1251 = arith.shrui %slice3A_1240, %shift_right_logical3A_1250 : vector<128x1xi32>
    %eq3A_1252 = vector.broadcast %shift_right_logical3A_1251 : vector<128x1xi32> to vector<128x128xi32>
    %eq3A_1253 = vector.broadcast %iota3A : vector<1x128xi32> to vector<128x128xi32>
    %eq3A_1254 = arith.cmpi eq, %eq3A_1252, %eq3A_1253 : vector<128x128xi32>
    %convert_element_type3A_1255 = arith.extui %eq3A_1254 : vector<128x128xi1> to vector<128x128xi32>
    %convert_element_type3A_1256 = arith.sitofp %convert_element_type3A_1255 : vector<128x128xi32> to vector<128x128xf32>
    %dot_general3A_1257 = arith.constant dense<0.000000e+00> : vector<128x128xf32>
    %dot_general3A_1258 = tpu.matmul %convert_element_type3A_1256, %convert_element_type3A_1248, %dot_general3A_1257 {dimension_numbers = #tpu.dot_dimension_numbers<[0], [0], [1], [1], [0, 1, 1, 1], [], []>, transpose_lhs_hint = false} : vector<128x128xf32>, vector<128x128xf32>, vector<128x128xf32> -> vector<128x128xf32>
    %add3A_1259 = arith.addf %add3A_1239, %dot_general3A_1258 : vector<128x128xf32>
    %slice3A_1260 = vector.extract_strided_slice %get3A_3 {offsets = [0, 63], sizes = [128, 1], strides = [1, 1]} : vector<128x128xi32> to vector<128x1xi32>
    %and3A_1261 = arith.constant 127 : i32
    %and3A_1262 = vector.broadcast %and3A_1261 : i32 to vector<128x1xi32>
    %and3A_1263 = arith.andi %slice3A_1260, %and3A_1262 : vector<128x1xi32>
    %eq3A_1264 = vector.broadcast %and3A_1263 : vector<128x1xi32> to vector<128x128xi32>
    %eq3A_1265 = vector.broadcast %iota3A : vector<1x128xi32> to vector<128x128xi32>
    %eq3A_1266 = arith.cmpi eq, %eq3A_1264, %eq3A_1265 : vector<128x128xi32>
    %convert_element_type3A_1267 = arith.extui %eq3A_1266 : vector<128x128xi1> to vector<128x128xi32>
    %convert_element_type3A_1268 = arith.sitofp %convert_element_type3A_1267 : vector<128x128xi32> to vector<128x128xf32>
    %shift_right_logical3A_1269 = arith.constant 7 : i32
    %shift_right_logical3A_1270 = vector.broadcast %shift_right_logical3A_1269 : i32 to vector<128x1xi32>
    %shift_right_logical3A_1271 = arith.shrui %slice3A_1260, %shift_right_logical3A_1270 : vector<128x1xi32>
    %eq3A_1272 = vector.broadcast %shift_right_logical3A_1271 : vector<128x1xi32> to vector<128x128xi32>
    %eq3A_1273 = vector.broadcast %iota3A : vector<1x128xi32> to vector<128x128xi32>
    %eq3A_1274 = arith.cmpi eq, %eq3A_1272, %eq3A_1273 : vector<128x128xi32>
    %convert_element_type3A_1275 = arith.extui %eq3A_1274 : vector<128x128xi1> to vector<128x128xi32>
    %convert_element_type3A_1276 = arith.sitofp %convert_element_type3A_1275 : vector<128x128xi32> to vector<128x128xf32>
    %dot_general3A_1277 = arith.constant dense<0.000000e+00> : vector<128x128xf32>
    %dot_general3A_1278 = tpu.matmul %convert_element_type3A_1276, %convert_element_type3A_1268, %dot_general3A_1277 {dimension_numbers = #tpu.dot_dimension_numbers<[0], [0], [1], [1], [0, 1, 1, 1], [], []>, transpose_lhs_hint = false} : vector<128x128xf32>, vector<128x128xf32>, vector<128x128xf32> -> vector<128x128xf32>
    %add3A_1279 = arith.addf %add3A_1259, %dot_general3A_1278 : vector<128x128xf32>
    %slice3A_1280 = vector.extract_strided_slice %get3A_3 {offsets = [0, 64], sizes = [128, 1], strides = [1, 1]} : vector<128x128xi32> to vector<128x1xi32>
    %and3A_1281 = arith.constant 127 : i32
    %and3A_1282 = vector.broadcast %and3A_1281 : i32 to vector<128x1xi32>
    %and3A_1283 = arith.andi %slice3A_1280, %and3A_1282 : vector<128x1xi32>
    %eq3A_1284 = vector.broadcast %and3A_1283 : vector<128x1xi32> to vector<128x128xi32>
    %eq3A_1285 = vector.broadcast %iota3A : vector<1x128xi32> to vector<128x128xi32>
    %eq3A_1286 = arith.cmpi eq, %eq3A_1284, %eq3A_1285 : vector<128x128xi32>
    %convert_element_type3A_1287 = arith.extui %eq3A_1286 : vector<128x128xi1> to vector<128x128xi32>
    %convert_element_type3A_1288 = arith.sitofp %convert_element_type3A_1287 : vector<128x128xi32> to vector<128x128xf32>
    %shift_right_logical3A_1289 = arith.constant 7 : i32
    %shift_right_logical3A_1290 = vector.broadcast %shift_right_logical3A_1289 : i32 to vector<128x1xi32>
    %shift_right_logical3A_1291 = arith.shrui %slice3A_1280, %shift_right_logical3A_1290 : vector<128x1xi32>
    %eq3A_1292 = vector.broadcast %shift_right_logical3A_1291 : vector<128x1xi32> to vector<128x128xi32>
    %eq3A_1293 = vector.broadcast %iota3A : vector<1x128xi32> to vector<128x128xi32>
    %eq3A_1294 = arith.cmpi eq, %eq3A_1292, %eq3A_1293 : vector<128x128xi32>
    %convert_element_type3A_1295 = arith.extui %eq3A_1294 : vector<128x128xi1> to vector<128x128xi32>
    %convert_element_type3A_1296 = arith.sitofp %convert_element_type3A_1295 : vector<128x128xi32> to vector<128x128xf32>
    %dot_general3A_1297 = arith.constant dense<0.000000e+00> : vector<128x128xf32>
    %dot_general3A_1298 = tpu.matmul %convert_element_type3A_1296, %convert_element_type3A_1288, %dot_general3A_1297 {dimension_numbers = #tpu.dot_dimension_numbers<[0], [0], [1], [1], [0, 1, 1, 1], [], []>, transpose_lhs_hint = false} : vector<128x128xf32>, vector<128x128xf32>, vector<128x128xf32> -> vector<128x128xf32>
    %add3A_1299 = arith.addf %add3A_1279, %dot_general3A_1298 : vector<128x128xf32>
    %slice3A_1300 = vector.extract_strided_slice %get3A_3 {offsets = [0, 65], sizes = [128, 1], strides = [1, 1]} : vector<128x128xi32> to vector<128x1xi32>
    %and3A_1301 = arith.constant 127 : i32
    %and3A_1302 = vector.broadcast %and3A_1301 : i32 to vector<128x1xi32>
    %and3A_1303 = arith.andi %slice3A_1300, %and3A_1302 : vector<128x1xi32>
    %eq3A_1304 = vector.broadcast %and3A_1303 : vector<128x1xi32> to vector<128x128xi32>
    %eq3A_1305 = vector.broadcast %iota3A : vector<1x128xi32> to vector<128x128xi32>
    %eq3A_1306 = arith.cmpi eq, %eq3A_1304, %eq3A_1305 : vector<128x128xi32>
    %convert_element_type3A_1307 = arith.extui %eq3A_1306 : vector<128x128xi1> to vector<128x128xi32>
    %convert_element_type3A_1308 = arith.sitofp %convert_element_type3A_1307 : vector<128x128xi32> to vector<128x128xf32>
    %shift_right_logical3A_1309 = arith.constant 7 : i32
    %shift_right_logical3A_1310 = vector.broadcast %shift_right_logical3A_1309 : i32 to vector<128x1xi32>
    %shift_right_logical3A_1311 = arith.shrui %slice3A_1300, %shift_right_logical3A_1310 : vector<128x1xi32>
    %eq3A_1312 = vector.broadcast %shift_right_logical3A_1311 : vector<128x1xi32> to vector<128x128xi32>
    %eq3A_1313 = vector.broadcast %iota3A : vector<1x128xi32> to vector<128x128xi32>
    %eq3A_1314 = arith.cmpi eq, %eq3A_1312, %eq3A_1313 : vector<128x128xi32>
    %convert_element_type3A_1315 = arith.extui %eq3A_1314 : vector<128x128xi1> to vector<128x128xi32>
    %convert_element_type3A_1316 = arith.sitofp %convert_element_type3A_1315 : vector<128x128xi32> to vector<128x128xf32>
    %dot_general3A_1317 = arith.constant dense<0.000000e+00> : vector<128x128xf32>
    %dot_general3A_1318 = tpu.matmul %convert_element_type3A_1316, %convert_element_type3A_1308, %dot_general3A_1317 {dimension_numbers = #tpu.dot_dimension_numbers<[0], [0], [1], [1], [0, 1, 1, 1], [], []>, transpose_lhs_hint = false} : vector<128x128xf32>, vector<128x128xf32>, vector<128x128xf32> -> vector<128x128xf32>
    %add3A_1319 = arith.addf %add3A_1299, %dot_general3A_1318 : vector<128x128xf32>
    %slice3A_1320 = vector.extract_strided_slice %get3A_3 {offsets = [0, 66], sizes = [128, 1], strides = [1, 1]} : vector<128x128xi32> to vector<128x1xi32>
    %and3A_1321 = arith.constant 127 : i32
    %and3A_1322 = vector.broadcast %and3A_1321 : i32 to vector<128x1xi32>
    %and3A_1323 = arith.andi %slice3A_1320, %and3A_1322 : vector<128x1xi32>
    %eq3A_1324 = vector.broadcast %and3A_1323 : vector<128x1xi32> to vector<128x128xi32>
    %eq3A_1325 = vector.broadcast %iota3A : vector<1x128xi32> to vector<128x128xi32>
    %eq3A_1326 = arith.cmpi eq, %eq3A_1324, %eq3A_1325 : vector<128x128xi32>
    %convert_element_type3A_1327 = arith.extui %eq3A_1326 : vector<128x128xi1> to vector<128x128xi32>
    %convert_element_type3A_1328 = arith.sitofp %convert_element_type3A_1327 : vector<128x128xi32> to vector<128x128xf32>
    %shift_right_logical3A_1329 = arith.constant 7 : i32
    %shift_right_logical3A_1330 = vector.broadcast %shift_right_logical3A_1329 : i32 to vector<128x1xi32>
    %shift_right_logical3A_1331 = arith.shrui %slice3A_1320, %shift_right_logical3A_1330 : vector<128x1xi32>
    %eq3A_1332 = vector.broadcast %shift_right_logical3A_1331 : vector<128x1xi32> to vector<128x128xi32>
    %eq3A_1333 = vector.broadcast %iota3A : vector<1x128xi32> to vector<128x128xi32>
    %eq3A_1334 = arith.cmpi eq, %eq3A_1332, %eq3A_1333 : vector<128x128xi32>
    %convert_element_type3A_1335 = arith.extui %eq3A_1334 : vector<128x128xi1> to vector<128x128xi32>
    %convert_element_type3A_1336 = arith.sitofp %convert_element_type3A_1335 : vector<128x128xi32> to vector<128x128xf32>
    %dot_general3A_1337 = arith.constant dense<0.000000e+00> : vector<128x128xf32>
    %dot_general3A_1338 = tpu.matmul %convert_element_type3A_1336, %convert_element_type3A_1328, %dot_general3A_1337 {dimension_numbers = #tpu.dot_dimension_numbers<[0], [0], [1], [1], [0, 1, 1, 1], [], []>, transpose_lhs_hint = false} : vector<128x128xf32>, vector<128x128xf32>, vector<128x128xf32> -> vector<128x128xf32>
    %add3A_1339 = arith.addf %add3A_1319, %dot_general3A_1338 : vector<128x128xf32>
    %slice3A_1340 = vector.extract_strided_slice %get3A_3 {offsets = [0, 67], sizes = [128, 1], strides = [1, 1]} : vector<128x128xi32> to vector<128x1xi32>
    %and3A_1341 = arith.constant 127 : i32
    %and3A_1342 = vector.broadcast %and3A_1341 : i32 to vector<128x1xi32>
    %and3A_1343 = arith.andi %slice3A_1340, %and3A_1342 : vector<128x1xi32>
    %eq3A_1344 = vector.broadcast %and3A_1343 : vector<128x1xi32> to vector<128x128xi32>
    %eq3A_1345 = vector.broadcast %iota3A : vector<1x128xi32> to vector<128x128xi32>
    %eq3A_1346 = arith.cmpi eq, %eq3A_1344, %eq3A_1345 : vector<128x128xi32>
    %convert_element_type3A_1347 = arith.extui %eq3A_1346 : vector<128x128xi1> to vector<128x128xi32>
    %convert_element_type3A_1348 = arith.sitofp %convert_element_type3A_1347 : vector<128x128xi32> to vector<128x128xf32>
    %shift_right_logical3A_1349 = arith.constant 7 : i32
    %shift_right_logical3A_1350 = vector.broadcast %shift_right_logical3A_1349 : i32 to vector<128x1xi32>
    %shift_right_logical3A_1351 = arith.shrui %slice3A_1340, %shift_right_logical3A_1350 : vector<128x1xi32>
    %eq3A_1352 = vector.broadcast %shift_right_logical3A_1351 : vector<128x1xi32> to vector<128x128xi32>
    %eq3A_1353 = vector.broadcast %iota3A : vector<1x128xi32> to vector<128x128xi32>
    %eq3A_1354 = arith.cmpi eq, %eq3A_1352, %eq3A_1353 : vector<128x128xi32>
    %convert_element_type3A_1355 = arith.extui %eq3A_1354 : vector<128x128xi1> to vector<128x128xi32>
    %convert_element_type3A_1356 = arith.sitofp %convert_element_type3A_1355 : vector<128x128xi32> to vector<128x128xf32>
    %dot_general3A_1357 = arith.constant dense<0.000000e+00> : vector<128x128xf32>
    %dot_general3A_1358 = tpu.matmul %convert_element_type3A_1356, %convert_element_type3A_1348, %dot_general3A_1357 {dimension_numbers = #tpu.dot_dimension_numbers<[0], [0], [1], [1], [0, 1, 1, 1], [], []>, transpose_lhs_hint = false} : vector<128x128xf32>, vector<128x128xf32>, vector<128x128xf32> -> vector<128x128xf32>
    %add3A_1359 = arith.addf %add3A_1339, %dot_general3A_1358 : vector<128x128xf32>
    %slice3A_1360 = vector.extract_strided_slice %get3A_3 {offsets = [0, 68], sizes = [128, 1], strides = [1, 1]} : vector<128x128xi32> to vector<128x1xi32>
    %and3A_1361 = arith.constant 127 : i32
    %and3A_1362 = vector.broadcast %and3A_1361 : i32 to vector<128x1xi32>
    %and3A_1363 = arith.andi %slice3A_1360, %and3A_1362 : vector<128x1xi32>
    %eq3A_1364 = vector.broadcast %and3A_1363 : vector<128x1xi32> to vector<128x128xi32>
    %eq3A_1365 = vector.broadcast %iota3A : vector<1x128xi32> to vector<128x128xi32>
    %eq3A_1366 = arith.cmpi eq, %eq3A_1364, %eq3A_1365 : vector<128x128xi32>
    %convert_element_type3A_1367 = arith.extui %eq3A_1366 : vector<128x128xi1> to vector<128x128xi32>
    %convert_element_type3A_1368 = arith.sitofp %convert_element_type3A_1367 : vector<128x128xi32> to vector<128x128xf32>
    %shift_right_logical3A_1369 = arith.constant 7 : i32
    %shift_right_logical3A_1370 = vector.broadcast %shift_right_logical3A_1369 : i32 to vector<128x1xi32>
    %shift_right_logical3A_1371 = arith.shrui %slice3A_1360, %shift_right_logical3A_1370 : vector<128x1xi32>
    %eq3A_1372 = vector.broadcast %shift_right_logical3A_1371 : vector<128x1xi32> to vector<128x128xi32>
    %eq3A_1373 = vector.broadcast %iota3A : vector<1x128xi32> to vector<128x128xi32>
    %eq3A_1374 = arith.cmpi eq, %eq3A_1372, %eq3A_1373 : vector<128x128xi32>
    %convert_element_type3A_1375 = arith.extui %eq3A_1374 : vector<128x128xi1> to vector<128x128xi32>
    %convert_element_type3A_1376 = arith.sitofp %convert_element_type3A_1375 : vector<128x128xi32> to vector<128x128xf32>
    %dot_general3A_1377 = arith.constant dense<0.000000e+00> : vector<128x128xf32>
    %dot_general3A_1378 = tpu.matmul %convert_element_type3A_1376, %convert_element_type3A_1368, %dot_general3A_1377 {dimension_numbers = #tpu.dot_dimension_numbers<[0], [0], [1], [1], [0, 1, 1, 1], [], []>, transpose_lhs_hint = false} : vector<128x128xf32>, vector<128x128xf32>, vector<128x128xf32> -> vector<128x128xf32>
    %add3A_1379 = arith.addf %add3A_1359, %dot_general3A_1378 : vector<128x128xf32>
    %slice3A_1380 = vector.extract_strided_slice %get3A_3 {offsets = [0, 69], sizes = [128, 1], strides = [1, 1]} : vector<128x128xi32> to vector<128x1xi32>
    %and3A_1381 = arith.constant 127 : i32
    %and3A_1382 = vector.broadcast %and3A_1381 : i32 to vector<128x1xi32>
    %and3A_1383 = arith.andi %slice3A_1380, %and3A_1382 : vector<128x1xi32>
    %eq3A_1384 = vector.broadcast %and3A_1383 : vector<128x1xi32> to vector<128x128xi32>
    %eq3A_1385 = vector.broadcast %iota3A : vector<1x128xi32> to vector<128x128xi32>
    %eq3A_1386 = arith.cmpi eq, %eq3A_1384, %eq3A_1385 : vector<128x128xi32>
    %convert_element_type3A_1387 = arith.extui %eq3A_1386 : vector<128x128xi1> to vector<128x128xi32>
    %convert_element_type3A_1388 = arith.sitofp %convert_element_type3A_1387 : vector<128x128xi32> to vector<128x128xf32>
    %shift_right_logical3A_1389 = arith.constant 7 : i32
    %shift_right_logical3A_1390 = vector.broadcast %shift_right_logical3A_1389 : i32 to vector<128x1xi32>
    %shift_right_logical3A_1391 = arith.shrui %slice3A_1380, %shift_right_logical3A_1390 : vector<128x1xi32>
    %eq3A_1392 = vector.broadcast %shift_right_logical3A_1391 : vector<128x1xi32> to vector<128x128xi32>
    %eq3A_1393 = vector.broadcast %iota3A : vector<1x128xi32> to vector<128x128xi32>
    %eq3A_1394 = arith.cmpi eq, %eq3A_1392, %eq3A_1393 : vector<128x128xi32>
    %convert_element_type3A_1395 = arith.extui %eq3A_1394 : vector<128x128xi1> to vector<128x128xi32>
    %convert_element_type3A_1396 = arith.sitofp %convert_element_type3A_1395 : vector<128x128xi32> to vector<128x128xf32>
    %dot_general3A_1397 = arith.constant dense<0.000000e+00> : vector<128x128xf32>
    %dot_general3A_1398 = tpu.matmul %convert_element_type3A_1396, %convert_element_type3A_1388, %dot_general3A_1397 {dimension_numbers = #tpu.dot_dimension_numbers<[0], [0], [1], [1], [0, 1, 1, 1], [], []>, transpose_lhs_hint = false} : vector<128x128xf32>, vector<128x128xf32>, vector<128x128xf32> -> vector<128x128xf32>
    %add3A_1399 = arith.addf %add3A_1379, %dot_general3A_1398 : vector<128x128xf32>
    %slice3A_1400 = vector.extract_strided_slice %get3A_3 {offsets = [0, 70], sizes = [128, 1], strides = [1, 1]} : vector<128x128xi32> to vector<128x1xi32>
    %and3A_1401 = arith.constant 127 : i32
    %and3A_1402 = vector.broadcast %and3A_1401 : i32 to vector<128x1xi32>
    %and3A_1403 = arith.andi %slice3A_1400, %and3A_1402 : vector<128x1xi32>
    %eq3A_1404 = vector.broadcast %and3A_1403 : vector<128x1xi32> to vector<128x128xi32>
    %eq3A_1405 = vector.broadcast %iota3A : vector<1x128xi32> to vector<128x128xi32>
    %eq3A_1406 = arith.cmpi eq, %eq3A_1404, %eq3A_1405 : vector<128x128xi32>
    %convert_element_type3A_1407 = arith.extui %eq3A_1406 : vector<128x128xi1> to vector<128x128xi32>
    %convert_element_type3A_1408 = arith.sitofp %convert_element_type3A_1407 : vector<128x128xi32> to vector<128x128xf32>
    %shift_right_logical3A_1409 = arith.constant 7 : i32
    %shift_right_logical3A_1410 = vector.broadcast %shift_right_logical3A_1409 : i32 to vector<128x1xi32>
    %shift_right_logical3A_1411 = arith.shrui %slice3A_1400, %shift_right_logical3A_1410 : vector<128x1xi32>
    %eq3A_1412 = vector.broadcast %shift_right_logical3A_1411 : vector<128x1xi32> to vector<128x128xi32>
    %eq3A_1413 = vector.broadcast %iota3A : vector<1x128xi32> to vector<128x128xi32>
    %eq3A_1414 = arith.cmpi eq, %eq3A_1412, %eq3A_1413 : vector<128x128xi32>
    %convert_element_type3A_1415 = arith.extui %eq3A_1414 : vector<128x128xi1> to vector<128x128xi32>
    %convert_element_type3A_1416 = arith.sitofp %convert_element_type3A_1415 : vector<128x128xi32> to vector<128x128xf32>
    %dot_general3A_1417 = arith.constant dense<0.000000e+00> : vector<128x128xf32>
    %dot_general3A_1418 = tpu.matmul %convert_element_type3A_1416, %convert_element_type3A_1408, %dot_general3A_1417 {dimension_numbers = #tpu.dot_dimension_numbers<[0], [0], [1], [1], [0, 1, 1, 1], [], []>, transpose_lhs_hint = false} : vector<128x128xf32>, vector<128x128xf32>, vector<128x128xf32> -> vector<128x128xf32>
    %add3A_1419 = arith.addf %add3A_1399, %dot_general3A_1418 : vector<128x128xf32>
    %slice3A_1420 = vector.extract_strided_slice %get3A_3 {offsets = [0, 71], sizes = [128, 1], strides = [1, 1]} : vector<128x128xi32> to vector<128x1xi32>
    %and3A_1421 = arith.constant 127 : i32
    %and3A_1422 = vector.broadcast %and3A_1421 : i32 to vector<128x1xi32>
    %and3A_1423 = arith.andi %slice3A_1420, %and3A_1422 : vector<128x1xi32>
    %eq3A_1424 = vector.broadcast %and3A_1423 : vector<128x1xi32> to vector<128x128xi32>
    %eq3A_1425 = vector.broadcast %iota3A : vector<1x128xi32> to vector<128x128xi32>
    %eq3A_1426 = arith.cmpi eq, %eq3A_1424, %eq3A_1425 : vector<128x128xi32>
    %convert_element_type3A_1427 = arith.extui %eq3A_1426 : vector<128x128xi1> to vector<128x128xi32>
    %convert_element_type3A_1428 = arith.sitofp %convert_element_type3A_1427 : vector<128x128xi32> to vector<128x128xf32>
    %shift_right_logical3A_1429 = arith.constant 7 : i32
    %shift_right_logical3A_1430 = vector.broadcast %shift_right_logical3A_1429 : i32 to vector<128x1xi32>
    %shift_right_logical3A_1431 = arith.shrui %slice3A_1420, %shift_right_logical3A_1430 : vector<128x1xi32>
    %eq3A_1432 = vector.broadcast %shift_right_logical3A_1431 : vector<128x1xi32> to vector<128x128xi32>
    %eq3A_1433 = vector.broadcast %iota3A : vector<1x128xi32> to vector<128x128xi32>
    %eq3A_1434 = arith.cmpi eq, %eq3A_1432, %eq3A_1433 : vector<128x128xi32>
    %convert_element_type3A_1435 = arith.extui %eq3A_1434 : vector<128x128xi1> to vector<128x128xi32>
    %convert_element_type3A_1436 = arith.sitofp %convert_element_type3A_1435 : vector<128x128xi32> to vector<128x128xf32>
    %dot_general3A_1437 = arith.constant dense<0.000000e+00> : vector<128x128xf32>
    %dot_general3A_1438 = tpu.matmul %convert_element_type3A_1436, %convert_element_type3A_1428, %dot_general3A_1437 {dimension_numbers = #tpu.dot_dimension_numbers<[0], [0], [1], [1], [0, 1, 1, 1], [], []>, transpose_lhs_hint = false} : vector<128x128xf32>, vector<128x128xf32>, vector<128x128xf32> -> vector<128x128xf32>
    %add3A_1439 = arith.addf %add3A_1419, %dot_general3A_1438 : vector<128x128xf32>
    %slice3A_1440 = vector.extract_strided_slice %get3A_3 {offsets = [0, 72], sizes = [128, 1], strides = [1, 1]} : vector<128x128xi32> to vector<128x1xi32>
    %and3A_1441 = arith.constant 127 : i32
    %and3A_1442 = vector.broadcast %and3A_1441 : i32 to vector<128x1xi32>
    %and3A_1443 = arith.andi %slice3A_1440, %and3A_1442 : vector<128x1xi32>
    %eq3A_1444 = vector.broadcast %and3A_1443 : vector<128x1xi32> to vector<128x128xi32>
    %eq3A_1445 = vector.broadcast %iota3A : vector<1x128xi32> to vector<128x128xi32>
    %eq3A_1446 = arith.cmpi eq, %eq3A_1444, %eq3A_1445 : vector<128x128xi32>
    %convert_element_type3A_1447 = arith.extui %eq3A_1446 : vector<128x128xi1> to vector<128x128xi32>
    %convert_element_type3A_1448 = arith.sitofp %convert_element_type3A_1447 : vector<128x128xi32> to vector<128x128xf32>
    %shift_right_logical3A_1449 = arith.constant 7 : i32
    %shift_right_logical3A_1450 = vector.broadcast %shift_right_logical3A_1449 : i32 to vector<128x1xi32>
    %shift_right_logical3A_1451 = arith.shrui %slice3A_1440, %shift_right_logical3A_1450 : vector<128x1xi32>
    %eq3A_1452 = vector.broadcast %shift_right_logical3A_1451 : vector<128x1xi32> to vector<128x128xi32>
    %eq3A_1453 = vector.broadcast %iota3A : vector<1x128xi32> to vector<128x128xi32>
    %eq3A_1454 = arith.cmpi eq, %eq3A_1452, %eq3A_1453 : vector<128x128xi32>
    %convert_element_type3A_1455 = arith.extui %eq3A_1454 : vector<128x128xi1> to vector<128x128xi32>
    %convert_element_type3A_1456 = arith.sitofp %convert_element_type3A_1455 : vector<128x128xi32> to vector<128x128xf32>
    %dot_general3A_1457 = arith.constant dense<0.000000e+00> : vector<128x128xf32>
    %dot_general3A_1458 = tpu.matmul %convert_element_type3A_1456, %convert_element_type3A_1448, %dot_general3A_1457 {dimension_numbers = #tpu.dot_dimension_numbers<[0], [0], [1], [1], [0, 1, 1, 1], [], []>, transpose_lhs_hint = false} : vector<128x128xf32>, vector<128x128xf32>, vector<128x128xf32> -> vector<128x128xf32>
    %add3A_1459 = arith.addf %add3A_1439, %dot_general3A_1458 : vector<128x128xf32>
    %slice3A_1460 = vector.extract_strided_slice %get3A_3 {offsets = [0, 73], sizes = [128, 1], strides = [1, 1]} : vector<128x128xi32> to vector<128x1xi32>
    %and3A_1461 = arith.constant 127 : i32
    %and3A_1462 = vector.broadcast %and3A_1461 : i32 to vector<128x1xi32>
    %and3A_1463 = arith.andi %slice3A_1460, %and3A_1462 : vector<128x1xi32>
    %eq3A_1464 = vector.broadcast %and3A_1463 : vector<128x1xi32> to vector<128x128xi32>
    %eq3A_1465 = vector.broadcast %iota3A : vector<1x128xi32> to vector<128x128xi32>
    %eq3A_1466 = arith.cmpi eq, %eq3A_1464, %eq3A_1465 : vector<128x128xi32>
    %convert_element_type3A_1467 = arith.extui %eq3A_1466 : vector<128x128xi1> to vector<128x128xi32>
    %convert_element_type3A_1468 = arith.sitofp %convert_element_type3A_1467 : vector<128x128xi32> to vector<128x128xf32>
    %shift_right_logical3A_1469 = arith.constant 7 : i32
    %shift_right_logical3A_1470 = vector.broadcast %shift_right_logical3A_1469 : i32 to vector<128x1xi32>
    %shift_right_logical3A_1471 = arith.shrui %slice3A_1460, %shift_right_logical3A_1470 : vector<128x1xi32>
    %eq3A_1472 = vector.broadcast %shift_right_logical3A_1471 : vector<128x1xi32> to vector<128x128xi32>
    %eq3A_1473 = vector.broadcast %iota3A : vector<1x128xi32> to vector<128x128xi32>
    %eq3A_1474 = arith.cmpi eq, %eq3A_1472, %eq3A_1473 : vector<128x128xi32>
    %convert_element_type3A_1475 = arith.extui %eq3A_1474 : vector<128x128xi1> to vector<128x128xi32>
    %convert_element_type3A_1476 = arith.sitofp %convert_element_type3A_1475 : vector<128x128xi32> to vector<128x128xf32>
    %dot_general3A_1477 = arith.constant dense<0.000000e+00> : vector<128x128xf32>
    %dot_general3A_1478 = tpu.matmul %convert_element_type3A_1476, %convert_element_type3A_1468, %dot_general3A_1477 {dimension_numbers = #tpu.dot_dimension_numbers<[0], [0], [1], [1], [0, 1, 1, 1], [], []>, transpose_lhs_hint = false} : vector<128x128xf32>, vector<128x128xf32>, vector<128x128xf32> -> vector<128x128xf32>
    %add3A_1479 = arith.addf %add3A_1459, %dot_general3A_1478 : vector<128x128xf32>
    %slice3A_1480 = vector.extract_strided_slice %get3A_3 {offsets = [0, 74], sizes = [128, 1], strides = [1, 1]} : vector<128x128xi32> to vector<128x1xi32>
    %and3A_1481 = arith.constant 127 : i32
    %and3A_1482 = vector.broadcast %and3A_1481 : i32 to vector<128x1xi32>
    %and3A_1483 = arith.andi %slice3A_1480, %and3A_1482 : vector<128x1xi32>
    %eq3A_1484 = vector.broadcast %and3A_1483 : vector<128x1xi32> to vector<128x128xi32>
    %eq3A_1485 = vector.broadcast %iota3A : vector<1x128xi32> to vector<128x128xi32>
    %eq3A_1486 = arith.cmpi eq, %eq3A_1484, %eq3A_1485 : vector<128x128xi32>
    %convert_element_type3A_1487 = arith.extui %eq3A_1486 : vector<128x128xi1> to vector<128x128xi32>
    %convert_element_type3A_1488 = arith.sitofp %convert_element_type3A_1487 : vector<128x128xi32> to vector<128x128xf32>
    %shift_right_logical3A_1489 = arith.constant 7 : i32
    %shift_right_logical3A_1490 = vector.broadcast %shift_right_logical3A_1489 : i32 to vector<128x1xi32>
    %shift_right_logical3A_1491 = arith.shrui %slice3A_1480, %shift_right_logical3A_1490 : vector<128x1xi32>
    %eq3A_1492 = vector.broadcast %shift_right_logical3A_1491 : vector<128x1xi32> to vector<128x128xi32>
    %eq3A_1493 = vector.broadcast %iota3A : vector<1x128xi32> to vector<128x128xi32>
    %eq3A_1494 = arith.cmpi eq, %eq3A_1492, %eq3A_1493 : vector<128x128xi32>
    %convert_element_type3A_1495 = arith.extui %eq3A_1494 : vector<128x128xi1> to vector<128x128xi32>
    %convert_element_type3A_1496 = arith.sitofp %convert_element_type3A_1495 : vector<128x128xi32> to vector<128x128xf32>
    %dot_general3A_1497 = arith.constant dense<0.000000e+00> : vector<128x128xf32>
    %dot_general3A_1498 = tpu.matmul %convert_element_type3A_1496, %convert_element_type3A_1488, %dot_general3A_1497 {dimension_numbers = #tpu.dot_dimension_numbers<[0], [0], [1], [1], [0, 1, 1, 1], [], []>, transpose_lhs_hint = false} : vector<128x128xf32>, vector<128x128xf32>, vector<128x128xf32> -> vector<128x128xf32>
    %add3A_1499 = arith.addf %add3A_1479, %dot_general3A_1498 : vector<128x128xf32>
    %slice3A_1500 = vector.extract_strided_slice %get3A_3 {offsets = [0, 75], sizes = [128, 1], strides = [1, 1]} : vector<128x128xi32> to vector<128x1xi32>
    %and3A_1501 = arith.constant 127 : i32
    %and3A_1502 = vector.broadcast %and3A_1501 : i32 to vector<128x1xi32>
    %and3A_1503 = arith.andi %slice3A_1500, %and3A_1502 : vector<128x1xi32>
    %eq3A_1504 = vector.broadcast %and3A_1503 : vector<128x1xi32> to vector<128x128xi32>
    %eq3A_1505 = vector.broadcast %iota3A : vector<1x128xi32> to vector<128x128xi32>
    %eq3A_1506 = arith.cmpi eq, %eq3A_1504, %eq3A_1505 : vector<128x128xi32>
    %convert_element_type3A_1507 = arith.extui %eq3A_1506 : vector<128x128xi1> to vector<128x128xi32>
    %convert_element_type3A_1508 = arith.sitofp %convert_element_type3A_1507 : vector<128x128xi32> to vector<128x128xf32>
    %shift_right_logical3A_1509 = arith.constant 7 : i32
    %shift_right_logical3A_1510 = vector.broadcast %shift_right_logical3A_1509 : i32 to vector<128x1xi32>
    %shift_right_logical3A_1511 = arith.shrui %slice3A_1500, %shift_right_logical3A_1510 : vector<128x1xi32>
    %eq3A_1512 = vector.broadcast %shift_right_logical3A_1511 : vector<128x1xi32> to vector<128x128xi32>
    %eq3A_1513 = vector.broadcast %iota3A : vector<1x128xi32> to vector<128x128xi32>
    %eq3A_1514 = arith.cmpi eq, %eq3A_1512, %eq3A_1513 : vector<128x128xi32>
    %convert_element_type3A_1515 = arith.extui %eq3A_1514 : vector<128x128xi1> to vector<128x128xi32>
    %convert_element_type3A_1516 = arith.sitofp %convert_element_type3A_1515 : vector<128x128xi32> to vector<128x128xf32>
    %dot_general3A_1517 = arith.constant dense<0.000000e+00> : vector<128x128xf32>
    %dot_general3A_1518 = tpu.matmul %convert_element_type3A_1516, %convert_element_type3A_1508, %dot_general3A_1517 {dimension_numbers = #tpu.dot_dimension_numbers<[0], [0], [1], [1], [0, 1, 1, 1], [], []>, transpose_lhs_hint = false} : vector<128x128xf32>, vector<128x128xf32>, vector<128x128xf32> -> vector<128x128xf32>
    %add3A_1519 = arith.addf %add3A_1499, %dot_general3A_1518 : vector<128x128xf32>
    %slice3A_1520 = vector.extract_strided_slice %get3A_3 {offsets = [0, 76], sizes = [128, 1], strides = [1, 1]} : vector<128x128xi32> to vector<128x1xi32>
    %and3A_1521 = arith.constant 127 : i32
    %and3A_1522 = vector.broadcast %and3A_1521 : i32 to vector<128x1xi32>
    %and3A_1523 = arith.andi %slice3A_1520, %and3A_1522 : vector<128x1xi32>
    %eq3A_1524 = vector.broadcast %and3A_1523 : vector<128x1xi32> to vector<128x128xi32>
    %eq3A_1525 = vector.broadcast %iota3A : vector<1x128xi32> to vector<128x128xi32>
    %eq3A_1526 = arith.cmpi eq, %eq3A_1524, %eq3A_1525 : vector<128x128xi32>
    %convert_element_type3A_1527 = arith.extui %eq3A_1526 : vector<128x128xi1> to vector<128x128xi32>
    %convert_element_type3A_1528 = arith.sitofp %convert_element_type3A_1527 : vector<128x128xi32> to vector<128x128xf32>
    %shift_right_logical3A_1529 = arith.constant 7 : i32
    %shift_right_logical3A_1530 = vector.broadcast %shift_right_logical3A_1529 : i32 to vector<128x1xi32>
    %shift_right_logical3A_1531 = arith.shrui %slice3A_1520, %shift_right_logical3A_1530 : vector<128x1xi32>
    %eq3A_1532 = vector.broadcast %shift_right_logical3A_1531 : vector<128x1xi32> to vector<128x128xi32>
    %eq3A_1533 = vector.broadcast %iota3A : vector<1x128xi32> to vector<128x128xi32>
    %eq3A_1534 = arith.cmpi eq, %eq3A_1532, %eq3A_1533 : vector<128x128xi32>
    %convert_element_type3A_1535 = arith.extui %eq3A_1534 : vector<128x128xi1> to vector<128x128xi32>
    %convert_element_type3A_1536 = arith.sitofp %convert_element_type3A_1535 : vector<128x128xi32> to vector<128x128xf32>
    %dot_general3A_1537 = arith.constant dense<0.000000e+00> : vector<128x128xf32>
    %dot_general3A_1538 = tpu.matmul %convert_element_type3A_1536, %convert_element_type3A_1528, %dot_general3A_1537 {dimension_numbers = #tpu.dot_dimension_numbers<[0], [0], [1], [1], [0, 1, 1, 1], [], []>, transpose_lhs_hint = false} : vector<128x128xf32>, vector<128x128xf32>, vector<128x128xf32> -> vector<128x128xf32>
    %add3A_1539 = arith.addf %add3A_1519, %dot_general3A_1538 : vector<128x128xf32>
    %slice3A_1540 = vector.extract_strided_slice %get3A_3 {offsets = [0, 77], sizes = [128, 1], strides = [1, 1]} : vector<128x128xi32> to vector<128x1xi32>
    %and3A_1541 = arith.constant 127 : i32
    %and3A_1542 = vector.broadcast %and3A_1541 : i32 to vector<128x1xi32>
    %and3A_1543 = arith.andi %slice3A_1540, %and3A_1542 : vector<128x1xi32>
    %eq3A_1544 = vector.broadcast %and3A_1543 : vector<128x1xi32> to vector<128x128xi32>
    %eq3A_1545 = vector.broadcast %iota3A : vector<1x128xi32> to vector<128x128xi32>
    %eq3A_1546 = arith.cmpi eq, %eq3A_1544, %eq3A_1545 : vector<128x128xi32>
    %convert_element_type3A_1547 = arith.extui %eq3A_1546 : vector<128x128xi1> to vector<128x128xi32>
    %convert_element_type3A_1548 = arith.sitofp %convert_element_type3A_1547 : vector<128x128xi32> to vector<128x128xf32>
    %shift_right_logical3A_1549 = arith.constant 7 : i32
    %shift_right_logical3A_1550 = vector.broadcast %shift_right_logical3A_1549 : i32 to vector<128x1xi32>
    %shift_right_logical3A_1551 = arith.shrui %slice3A_1540, %shift_right_logical3A_1550 : vector<128x1xi32>
    %eq3A_1552 = vector.broadcast %shift_right_logical3A_1551 : vector<128x1xi32> to vector<128x128xi32>
    %eq3A_1553 = vector.broadcast %iota3A : vector<1x128xi32> to vector<128x128xi32>
    %eq3A_1554 = arith.cmpi eq, %eq3A_1552, %eq3A_1553 : vector<128x128xi32>
    %convert_element_type3A_1555 = arith.extui %eq3A_1554 : vector<128x128xi1> to vector<128x128xi32>
    %convert_element_type3A_1556 = arith.sitofp %convert_element_type3A_1555 : vector<128x128xi32> to vector<128x128xf32>
    %dot_general3A_1557 = arith.constant dense<0.000000e+00> : vector<128x128xf32>
    %dot_general3A_1558 = tpu.matmul %convert_element_type3A_1556, %convert_element_type3A_1548, %dot_general3A_1557 {dimension_numbers = #tpu.dot_dimension_numbers<[0], [0], [1], [1], [0, 1, 1, 1], [], []>, transpose_lhs_hint = false} : vector<128x128xf32>, vector<128x128xf32>, vector<128x128xf32> -> vector<128x128xf32>
    %add3A_1559 = arith.addf %add3A_1539, %dot_general3A_1558 : vector<128x128xf32>
    %slice3A_1560 = vector.extract_strided_slice %get3A_3 {offsets = [0, 78], sizes = [128, 1], strides = [1, 1]} : vector<128x128xi32> to vector<128x1xi32>
    %and3A_1561 = arith.constant 127 : i32
    %and3A_1562 = vector.broadcast %and3A_1561 : i32 to vector<128x1xi32>
    %and3A_1563 = arith.andi %slice3A_1560, %and3A_1562 : vector<128x1xi32>
    %eq3A_1564 = vector.broadcast %and3A_1563 : vector<128x1xi32> to vector<128x128xi32>
    %eq3A_1565 = vector.broadcast %iota3A : vector<1x128xi32> to vector<128x128xi32>
    %eq3A_1566 = arith.cmpi eq, %eq3A_1564, %eq3A_1565 : vector<128x128xi32>
    %convert_element_type3A_1567 = arith.extui %eq3A_1566 : vector<128x128xi1> to vector<128x128xi32>
    %convert_element_type3A_1568 = arith.sitofp %convert_element_type3A_1567 : vector<128x128xi32> to vector<128x128xf32>
    %shift_right_logical3A_1569 = arith.constant 7 : i32
    %shift_right_logical3A_1570 = vector.broadcast %shift_right_logical3A_1569 : i32 to vector<128x1xi32>
    %shift_right_logical3A_1571 = arith.shrui %slice3A_1560, %shift_right_logical3A_1570 : vector<128x1xi32>
    %eq3A_1572 = vector.broadcast %shift_right_logical3A_1571 : vector<128x1xi32> to vector<128x128xi32>
    %eq3A_1573 = vector.broadcast %iota3A : vector<1x128xi32> to vector<128x128xi32>
    %eq3A_1574 = arith.cmpi eq, %eq3A_1572, %eq3A_1573 : vector<128x128xi32>
    %convert_element_type3A_1575 = arith.extui %eq3A_1574 : vector<128x128xi1> to vector<128x128xi32>
    %convert_element_type3A_1576 = arith.sitofp %convert_element_type3A_1575 : vector<128x128xi32> to vector<128x128xf32>
    %dot_general3A_1577 = arith.constant dense<0.000000e+00> : vector<128x128xf32>
    %dot_general3A_1578 = tpu.matmul %convert_element_type3A_1576, %convert_element_type3A_1568, %dot_general3A_1577 {dimension_numbers = #tpu.dot_dimension_numbers<[0], [0], [1], [1], [0, 1, 1, 1], [], []>, transpose_lhs_hint = false} : vector<128x128xf32>, vector<128x128xf32>, vector<128x128xf32> -> vector<128x128xf32>
    %add3A_1579 = arith.addf %add3A_1559, %dot_general3A_1578 : vector<128x128xf32>
    %slice3A_1580 = vector.extract_strided_slice %get3A_3 {offsets = [0, 79], sizes = [128, 1], strides = [1, 1]} : vector<128x128xi32> to vector<128x1xi32>
    %and3A_1581 = arith.constant 127 : i32
    %and3A_1582 = vector.broadcast %and3A_1581 : i32 to vector<128x1xi32>
    %and3A_1583 = arith.andi %slice3A_1580, %and3A_1582 : vector<128x1xi32>
    %eq3A_1584 = vector.broadcast %and3A_1583 : vector<128x1xi32> to vector<128x128xi32>
    %eq3A_1585 = vector.broadcast %iota3A : vector<1x128xi32> to vector<128x128xi32>
    %eq3A_1586 = arith.cmpi eq, %eq3A_1584, %eq3A_1585 : vector<128x128xi32>
    %convert_element_type3A_1587 = arith.extui %eq3A_1586 : vector<128x128xi1> to vector<128x128xi32>
    %convert_element_type3A_1588 = arith.sitofp %convert_element_type3A_1587 : vector<128x128xi32> to vector<128x128xf32>
    %shift_right_logical3A_1589 = arith.constant 7 : i32
    %shift_right_logical3A_1590 = vector.broadcast %shift_right_logical3A_1589 : i32 to vector<128x1xi32>
    %shift_right_logical3A_1591 = arith.shrui %slice3A_1580, %shift_right_logical3A_1590 : vector<128x1xi32>
    %eq3A_1592 = vector.broadcast %shift_right_logical3A_1591 : vector<128x1xi32> to vector<128x128xi32>
    %eq3A_1593 = vector.broadcast %iota3A : vector<1x128xi32> to vector<128x128xi32>
    %eq3A_1594 = arith.cmpi eq, %eq3A_1592, %eq3A_1593 : vector<128x128xi32>
    %convert_element_type3A_1595 = arith.extui %eq3A_1594 : vector<128x128xi1> to vector<128x128xi32>
    %convert_element_type3A_1596 = arith.sitofp %convert_element_type3A_1595 : vector<128x128xi32> to vector<128x128xf32>
    %dot_general3A_1597 = arith.constant dense<0.000000e+00> : vector<128x128xf32>
    %dot_general3A_1598 = tpu.matmul %convert_element_type3A_1596, %convert_element_type3A_1588, %dot_general3A_1597 {dimension_numbers = #tpu.dot_dimension_numbers<[0], [0], [1], [1], [0, 1, 1, 1], [], []>, transpose_lhs_hint = false} : vector<128x128xf32>, vector<128x128xf32>, vector<128x128xf32> -> vector<128x128xf32>
    %add3A_1599 = arith.addf %add3A_1579, %dot_general3A_1598 : vector<128x128xf32>
    %slice3A_1600 = vector.extract_strided_slice %get3A_3 {offsets = [0, 80], sizes = [128, 1], strides = [1, 1]} : vector<128x128xi32> to vector<128x1xi32>
    %and3A_1601 = arith.constant 127 : i32
    %and3A_1602 = vector.broadcast %and3A_1601 : i32 to vector<128x1xi32>
    %and3A_1603 = arith.andi %slice3A_1600, %and3A_1602 : vector<128x1xi32>
    %eq3A_1604 = vector.broadcast %and3A_1603 : vector<128x1xi32> to vector<128x128xi32>
    %eq3A_1605 = vector.broadcast %iota3A : vector<1x128xi32> to vector<128x128xi32>
    %eq3A_1606 = arith.cmpi eq, %eq3A_1604, %eq3A_1605 : vector<128x128xi32>
    %convert_element_type3A_1607 = arith.extui %eq3A_1606 : vector<128x128xi1> to vector<128x128xi32>
    %convert_element_type3A_1608 = arith.sitofp %convert_element_type3A_1607 : vector<128x128xi32> to vector<128x128xf32>
    %shift_right_logical3A_1609 = arith.constant 7 : i32
    %shift_right_logical3A_1610 = vector.broadcast %shift_right_logical3A_1609 : i32 to vector<128x1xi32>
    %shift_right_logical3A_1611 = arith.shrui %slice3A_1600, %shift_right_logical3A_1610 : vector<128x1xi32>
    %eq3A_1612 = vector.broadcast %shift_right_logical3A_1611 : vector<128x1xi32> to vector<128x128xi32>
    %eq3A_1613 = vector.broadcast %iota3A : vector<1x128xi32> to vector<128x128xi32>
    %eq3A_1614 = arith.cmpi eq, %eq3A_1612, %eq3A_1613 : vector<128x128xi32>
    %convert_element_type3A_1615 = arith.extui %eq3A_1614 : vector<128x128xi1> to vector<128x128xi32>
    %convert_element_type3A_1616 = arith.sitofp %convert_element_type3A_1615 : vector<128x128xi32> to vector<128x128xf32>
    %dot_general3A_1617 = arith.constant dense<0.000000e+00> : vector<128x128xf32>
    %dot_general3A_1618 = tpu.matmul %convert_element_type3A_1616, %convert_element_type3A_1608, %dot_general3A_1617 {dimension_numbers = #tpu.dot_dimension_numbers<[0], [0], [1], [1], [0, 1, 1, 1], [], []>, transpose_lhs_hint = false} : vector<128x128xf32>, vector<128x128xf32>, vector<128x128xf32> -> vector<128x128xf32>
    %add3A_1619 = arith.addf %add3A_1599, %dot_general3A_1618 : vector<128x128xf32>
    %slice3A_1620 = vector.extract_strided_slice %get3A_3 {offsets = [0, 81], sizes = [128, 1], strides = [1, 1]} : vector<128x128xi32> to vector<128x1xi32>
    %and3A_1621 = arith.constant 127 : i32
    %and3A_1622 = vector.broadcast %and3A_1621 : i32 to vector<128x1xi32>
    %and3A_1623 = arith.andi %slice3A_1620, %and3A_1622 : vector<128x1xi32>
    %eq3A_1624 = vector.broadcast %and3A_1623 : vector<128x1xi32> to vector<128x128xi32>
    %eq3A_1625 = vector.broadcast %iota3A : vector<1x128xi32> to vector<128x128xi32>
    %eq3A_1626 = arith.cmpi eq, %eq3A_1624, %eq3A_1625 : vector<128x128xi32>
    %convert_element_type3A_1627 = arith.extui %eq3A_1626 : vector<128x128xi1> to vector<128x128xi32>
    %convert_element_type3A_1628 = arith.sitofp %convert_element_type3A_1627 : vector<128x128xi32> to vector<128x128xf32>
    %shift_right_logical3A_1629 = arith.constant 7 : i32
    %shift_right_logical3A_1630 = vector.broadcast %shift_right_logical3A_1629 : i32 to vector<128x1xi32>
    %shift_right_logical3A_1631 = arith.shrui %slice3A_1620, %shift_right_logical3A_1630 : vector<128x1xi32>
    %eq3A_1632 = vector.broadcast %shift_right_logical3A_1631 : vector<128x1xi32> to vector<128x128xi32>
    %eq3A_1633 = vector.broadcast %iota3A : vector<1x128xi32> to vector<128x128xi32>
    %eq3A_1634 = arith.cmpi eq, %eq3A_1632, %eq3A_1633 : vector<128x128xi32>
    %convert_element_type3A_1635 = arith.extui %eq3A_1634 : vector<128x128xi1> to vector<128x128xi32>
    %convert_element_type3A_1636 = arith.sitofp %convert_element_type3A_1635 : vector<128x128xi32> to vector<128x128xf32>
    %dot_general3A_1637 = arith.constant dense<0.000000e+00> : vector<128x128xf32>
    %dot_general3A_1638 = tpu.matmul %convert_element_type3A_1636, %convert_element_type3A_1628, %dot_general3A_1637 {dimension_numbers = #tpu.dot_dimension_numbers<[0], [0], [1], [1], [0, 1, 1, 1], [], []>, transpose_lhs_hint = false} : vector<128x128xf32>, vector<128x128xf32>, vector<128x128xf32> -> vector<128x128xf32>
    %add3A_1639 = arith.addf %add3A_1619, %dot_general3A_1638 : vector<128x128xf32>
    %slice3A_1640 = vector.extract_strided_slice %get3A_3 {offsets = [0, 82], sizes = [128, 1], strides = [1, 1]} : vector<128x128xi32> to vector<128x1xi32>
    %and3A_1641 = arith.constant 127 : i32
    %and3A_1642 = vector.broadcast %and3A_1641 : i32 to vector<128x1xi32>
    %and3A_1643 = arith.andi %slice3A_1640, %and3A_1642 : vector<128x1xi32>
    %eq3A_1644 = vector.broadcast %and3A_1643 : vector<128x1xi32> to vector<128x128xi32>
    %eq3A_1645 = vector.broadcast %iota3A : vector<1x128xi32> to vector<128x128xi32>
    %eq3A_1646 = arith.cmpi eq, %eq3A_1644, %eq3A_1645 : vector<128x128xi32>
    %convert_element_type3A_1647 = arith.extui %eq3A_1646 : vector<128x128xi1> to vector<128x128xi32>
    %convert_element_type3A_1648 = arith.sitofp %convert_element_type3A_1647 : vector<128x128xi32> to vector<128x128xf32>
    %shift_right_logical3A_1649 = arith.constant 7 : i32
    %shift_right_logical3A_1650 = vector.broadcast %shift_right_logical3A_1649 : i32 to vector<128x1xi32>
    %shift_right_logical3A_1651 = arith.shrui %slice3A_1640, %shift_right_logical3A_1650 : vector<128x1xi32>
    %eq3A_1652 = vector.broadcast %shift_right_logical3A_1651 : vector<128x1xi32> to vector<128x128xi32>
    %eq3A_1653 = vector.broadcast %iota3A : vector<1x128xi32> to vector<128x128xi32>
    %eq3A_1654 = arith.cmpi eq, %eq3A_1652, %eq3A_1653 : vector<128x128xi32>
    %convert_element_type3A_1655 = arith.extui %eq3A_1654 : vector<128x128xi1> to vector<128x128xi32>
    %convert_element_type3A_1656 = arith.sitofp %convert_element_type3A_1655 : vector<128x128xi32> to vector<128x128xf32>
    %dot_general3A_1657 = arith.constant dense<0.000000e+00> : vector<128x128xf32>
    %dot_general3A_1658 = tpu.matmul %convert_element_type3A_1656, %convert_element_type3A_1648, %dot_general3A_1657 {dimension_numbers = #tpu.dot_dimension_numbers<[0], [0], [1], [1], [0, 1, 1, 1], [], []>, transpose_lhs_hint = false} : vector<128x128xf32>, vector<128x128xf32>, vector<128x128xf32> -> vector<128x128xf32>
    %add3A_1659 = arith.addf %add3A_1639, %dot_general3A_1658 : vector<128x128xf32>
    %slice3A_1660 = vector.extract_strided_slice %get3A_3 {offsets = [0, 83], sizes = [128, 1], strides = [1, 1]} : vector<128x128xi32> to vector<128x1xi32>
    %and3A_1661 = arith.constant 127 : i32
    %and3A_1662 = vector.broadcast %and3A_1661 : i32 to vector<128x1xi32>
    %and3A_1663 = arith.andi %slice3A_1660, %and3A_1662 : vector<128x1xi32>
    %eq3A_1664 = vector.broadcast %and3A_1663 : vector<128x1xi32> to vector<128x128xi32>
    %eq3A_1665 = vector.broadcast %iota3A : vector<1x128xi32> to vector<128x128xi32>
    %eq3A_1666 = arith.cmpi eq, %eq3A_1664, %eq3A_1665 : vector<128x128xi32>
    %convert_element_type3A_1667 = arith.extui %eq3A_1666 : vector<128x128xi1> to vector<128x128xi32>
    %convert_element_type3A_1668 = arith.sitofp %convert_element_type3A_1667 : vector<128x128xi32> to vector<128x128xf32>
    %shift_right_logical3A_1669 = arith.constant 7 : i32
    %shift_right_logical3A_1670 = vector.broadcast %shift_right_logical3A_1669 : i32 to vector<128x1xi32>
    %shift_right_logical3A_1671 = arith.shrui %slice3A_1660, %shift_right_logical3A_1670 : vector<128x1xi32>
    %eq3A_1672 = vector.broadcast %shift_right_logical3A_1671 : vector<128x1xi32> to vector<128x128xi32>
    %eq3A_1673 = vector.broadcast %iota3A : vector<1x128xi32> to vector<128x128xi32>
    %eq3A_1674 = arith.cmpi eq, %eq3A_1672, %eq3A_1673 : vector<128x128xi32>
    %convert_element_type3A_1675 = arith.extui %eq3A_1674 : vector<128x128xi1> to vector<128x128xi32>
    %convert_element_type3A_1676 = arith.sitofp %convert_element_type3A_1675 : vector<128x128xi32> to vector<128x128xf32>
    %dot_general3A_1677 = arith.constant dense<0.000000e+00> : vector<128x128xf32>
    %dot_general3A_1678 = tpu.matmul %convert_element_type3A_1676, %convert_element_type3A_1668, %dot_general3A_1677 {dimension_numbers = #tpu.dot_dimension_numbers<[0], [0], [1], [1], [0, 1, 1, 1], [], []>, transpose_lhs_hint = false} : vector<128x128xf32>, vector<128x128xf32>, vector<128x128xf32> -> vector<128x128xf32>
    %add3A_1679 = arith.addf %add3A_1659, %dot_general3A_1678 : vector<128x128xf32>
    %slice3A_1680 = vector.extract_strided_slice %get3A_3 {offsets = [0, 84], sizes = [128, 1], strides = [1, 1]} : vector<128x128xi32> to vector<128x1xi32>
    %and3A_1681 = arith.constant 127 : i32
    %and3A_1682 = vector.broadcast %and3A_1681 : i32 to vector<128x1xi32>
    %and3A_1683 = arith.andi %slice3A_1680, %and3A_1682 : vector<128x1xi32>
    %eq3A_1684 = vector.broadcast %and3A_1683 : vector<128x1xi32> to vector<128x128xi32>
    %eq3A_1685 = vector.broadcast %iota3A : vector<1x128xi32> to vector<128x128xi32>
    %eq3A_1686 = arith.cmpi eq, %eq3A_1684, %eq3A_1685 : vector<128x128xi32>
    %convert_element_type3A_1687 = arith.extui %eq3A_1686 : vector<128x128xi1> to vector<128x128xi32>
    %convert_element_type3A_1688 = arith.sitofp %convert_element_type3A_1687 : vector<128x128xi32> to vector<128x128xf32>
    %shift_right_logical3A_1689 = arith.constant 7 : i32
    %shift_right_logical3A_1690 = vector.broadcast %shift_right_logical3A_1689 : i32 to vector<128x1xi32>
    %shift_right_logical3A_1691 = arith.shrui %slice3A_1680, %shift_right_logical3A_1690 : vector<128x1xi32>
    %eq3A_1692 = vector.broadcast %shift_right_logical3A_1691 : vector<128x1xi32> to vector<128x128xi32>
    %eq3A_1693 = vector.broadcast %iota3A : vector<1x128xi32> to vector<128x128xi32>
    %eq3A_1694 = arith.cmpi eq, %eq3A_1692, %eq3A_1693 : vector<128x128xi32>
    %convert_element_type3A_1695 = arith.extui %eq3A_1694 : vector<128x128xi1> to vector<128x128xi32>
    %convert_element_type3A_1696 = arith.sitofp %convert_element_type3A_1695 : vector<128x128xi32> to vector<128x128xf32>
    %dot_general3A_1697 = arith.constant dense<0.000000e+00> : vector<128x128xf32>
    %dot_general3A_1698 = tpu.matmul %convert_element_type3A_1696, %convert_element_type3A_1688, %dot_general3A_1697 {dimension_numbers = #tpu.dot_dimension_numbers<[0], [0], [1], [1], [0, 1, 1, 1], [], []>, transpose_lhs_hint = false} : vector<128x128xf32>, vector<128x128xf32>, vector<128x128xf32> -> vector<128x128xf32>
    %add3A_1699 = arith.addf %add3A_1679, %dot_general3A_1698 : vector<128x128xf32>
    %slice3A_1700 = vector.extract_strided_slice %get3A_3 {offsets = [0, 85], sizes = [128, 1], strides = [1, 1]} : vector<128x128xi32> to vector<128x1xi32>
    %and3A_1701 = arith.constant 127 : i32
    %and3A_1702 = vector.broadcast %and3A_1701 : i32 to vector<128x1xi32>
    %and3A_1703 = arith.andi %slice3A_1700, %and3A_1702 : vector<128x1xi32>
    %eq3A_1704 = vector.broadcast %and3A_1703 : vector<128x1xi32> to vector<128x128xi32>
    %eq3A_1705 = vector.broadcast %iota3A : vector<1x128xi32> to vector<128x128xi32>
    %eq3A_1706 = arith.cmpi eq, %eq3A_1704, %eq3A_1705 : vector<128x128xi32>
    %convert_element_type3A_1707 = arith.extui %eq3A_1706 : vector<128x128xi1> to vector<128x128xi32>
    %convert_element_type3A_1708 = arith.sitofp %convert_element_type3A_1707 : vector<128x128xi32> to vector<128x128xf32>
    %shift_right_logical3A_1709 = arith.constant 7 : i32
    %shift_right_logical3A_1710 = vector.broadcast %shift_right_logical3A_1709 : i32 to vector<128x1xi32>
    %shift_right_logical3A_1711 = arith.shrui %slice3A_1700, %shift_right_logical3A_1710 : vector<128x1xi32>
    %eq3A_1712 = vector.broadcast %shift_right_logical3A_1711 : vector<128x1xi32> to vector<128x128xi32>
    %eq3A_1713 = vector.broadcast %iota3A : vector<1x128xi32> to vector<128x128xi32>
    %eq3A_1714 = arith.cmpi eq, %eq3A_1712, %eq3A_1713 : vector<128x128xi32>
    %convert_element_type3A_1715 = arith.extui %eq3A_1714 : vector<128x128xi1> to vector<128x128xi32>
    %convert_element_type3A_1716 = arith.sitofp %convert_element_type3A_1715 : vector<128x128xi32> to vector<128x128xf32>
    %dot_general3A_1717 = arith.constant dense<0.000000e+00> : vector<128x128xf32>
    %dot_general3A_1718 = tpu.matmul %convert_element_type3A_1716, %convert_element_type3A_1708, %dot_general3A_1717 {dimension_numbers = #tpu.dot_dimension_numbers<[0], [0], [1], [1], [0, 1, 1, 1], [], []>, transpose_lhs_hint = false} : vector<128x128xf32>, vector<128x128xf32>, vector<128x128xf32> -> vector<128x128xf32>
    %add3A_1719 = arith.addf %add3A_1699, %dot_general3A_1718 : vector<128x128xf32>
    %slice3A_1720 = vector.extract_strided_slice %get3A_3 {offsets = [0, 86], sizes = [128, 1], strides = [1, 1]} : vector<128x128xi32> to vector<128x1xi32>
    %and3A_1721 = arith.constant 127 : i32
    %and3A_1722 = vector.broadcast %and3A_1721 : i32 to vector<128x1xi32>
    %and3A_1723 = arith.andi %slice3A_1720, %and3A_1722 : vector<128x1xi32>
    %eq3A_1724 = vector.broadcast %and3A_1723 : vector<128x1xi32> to vector<128x128xi32>
    %eq3A_1725 = vector.broadcast %iota3A : vector<1x128xi32> to vector<128x128xi32>
    %eq3A_1726 = arith.cmpi eq, %eq3A_1724, %eq3A_1725 : vector<128x128xi32>
    %convert_element_type3A_1727 = arith.extui %eq3A_1726 : vector<128x128xi1> to vector<128x128xi32>
    %convert_element_type3A_1728 = arith.sitofp %convert_element_type3A_1727 : vector<128x128xi32> to vector<128x128xf32>
    %shift_right_logical3A_1729 = arith.constant 7 : i32
    %shift_right_logical3A_1730 = vector.broadcast %shift_right_logical3A_1729 : i32 to vector<128x1xi32>
    %shift_right_logical3A_1731 = arith.shrui %slice3A_1720, %shift_right_logical3A_1730 : vector<128x1xi32>
    %eq3A_1732 = vector.broadcast %shift_right_logical3A_1731 : vector<128x1xi32> to vector<128x128xi32>
    %eq3A_1733 = vector.broadcast %iota3A : vector<1x128xi32> to vector<128x128xi32>
    %eq3A_1734 = arith.cmpi eq, %eq3A_1732, %eq3A_1733 : vector<128x128xi32>
    %convert_element_type3A_1735 = arith.extui %eq3A_1734 : vector<128x128xi1> to vector<128x128xi32>
    %convert_element_type3A_1736 = arith.sitofp %convert_element_type3A_1735 : vector<128x128xi32> to vector<128x128xf32>
    %dot_general3A_1737 = arith.constant dense<0.000000e+00> : vector<128x128xf32>
    %dot_general3A_1738 = tpu.matmul %convert_element_type3A_1736, %convert_element_type3A_1728, %dot_general3A_1737 {dimension_numbers = #tpu.dot_dimension_numbers<[0], [0], [1], [1], [0, 1, 1, 1], [], []>, transpose_lhs_hint = false} : vector<128x128xf32>, vector<128x128xf32>, vector<128x128xf32> -> vector<128x128xf32>
    %add3A_1739 = arith.addf %add3A_1719, %dot_general3A_1738 : vector<128x128xf32>
    %slice3A_1740 = vector.extract_strided_slice %get3A_3 {offsets = [0, 87], sizes = [128, 1], strides = [1, 1]} : vector<128x128xi32> to vector<128x1xi32>
    %and3A_1741 = arith.constant 127 : i32
    %and3A_1742 = vector.broadcast %and3A_1741 : i32 to vector<128x1xi32>
    %and3A_1743 = arith.andi %slice3A_1740, %and3A_1742 : vector<128x1xi32>
    %eq3A_1744 = vector.broadcast %and3A_1743 : vector<128x1xi32> to vector<128x128xi32>
    %eq3A_1745 = vector.broadcast %iota3A : vector<1x128xi32> to vector<128x128xi32>
    %eq3A_1746 = arith.cmpi eq, %eq3A_1744, %eq3A_1745 : vector<128x128xi32>
    %convert_element_type3A_1747 = arith.extui %eq3A_1746 : vector<128x128xi1> to vector<128x128xi32>
    %convert_element_type3A_1748 = arith.sitofp %convert_element_type3A_1747 : vector<128x128xi32> to vector<128x128xf32>
    %shift_right_logical3A_1749 = arith.constant 7 : i32
    %shift_right_logical3A_1750 = vector.broadcast %shift_right_logical3A_1749 : i32 to vector<128x1xi32>
    %shift_right_logical3A_1751 = arith.shrui %slice3A_1740, %shift_right_logical3A_1750 : vector<128x1xi32>
    %eq3A_1752 = vector.broadcast %shift_right_logical3A_1751 : vector<128x1xi32> to vector<128x128xi32>
    %eq3A_1753 = vector.broadcast %iota3A : vector<1x128xi32> to vector<128x128xi32>
    %eq3A_1754 = arith.cmpi eq, %eq3A_1752, %eq3A_1753 : vector<128x128xi32>
    %convert_element_type3A_1755 = arith.extui %eq3A_1754 : vector<128x128xi1> to vector<128x128xi32>
    %convert_element_type3A_1756 = arith.sitofp %convert_element_type3A_1755 : vector<128x128xi32> to vector<128x128xf32>
    %dot_general3A_1757 = arith.constant dense<0.000000e+00> : vector<128x128xf32>
    %dot_general3A_1758 = tpu.matmul %convert_element_type3A_1756, %convert_element_type3A_1748, %dot_general3A_1757 {dimension_numbers = #tpu.dot_dimension_numbers<[0], [0], [1], [1], [0, 1, 1, 1], [], []>, transpose_lhs_hint = false} : vector<128x128xf32>, vector<128x128xf32>, vector<128x128xf32> -> vector<128x128xf32>
    %add3A_1759 = arith.addf %add3A_1739, %dot_general3A_1758 : vector<128x128xf32>
    %slice3A_1760 = vector.extract_strided_slice %get3A_3 {offsets = [0, 88], sizes = [128, 1], strides = [1, 1]} : vector<128x128xi32> to vector<128x1xi32>
    %and3A_1761 = arith.constant 127 : i32
    %and3A_1762 = vector.broadcast %and3A_1761 : i32 to vector<128x1xi32>
    %and3A_1763 = arith.andi %slice3A_1760, %and3A_1762 : vector<128x1xi32>
    %eq3A_1764 = vector.broadcast %and3A_1763 : vector<128x1xi32> to vector<128x128xi32>
    %eq3A_1765 = vector.broadcast %iota3A : vector<1x128xi32> to vector<128x128xi32>
    %eq3A_1766 = arith.cmpi eq, %eq3A_1764, %eq3A_1765 : vector<128x128xi32>
    %convert_element_type3A_1767 = arith.extui %eq3A_1766 : vector<128x128xi1> to vector<128x128xi32>
    %convert_element_type3A_1768 = arith.sitofp %convert_element_type3A_1767 : vector<128x128xi32> to vector<128x128xf32>
    %shift_right_logical3A_1769 = arith.constant 7 : i32
    %shift_right_logical3A_1770 = vector.broadcast %shift_right_logical3A_1769 : i32 to vector<128x1xi32>
    %shift_right_logical3A_1771 = arith.shrui %slice3A_1760, %shift_right_logical3A_1770 : vector<128x1xi32>
    %eq3A_1772 = vector.broadcast %shift_right_logical3A_1771 : vector<128x1xi32> to vector<128x128xi32>
    %eq3A_1773 = vector.broadcast %iota3A : vector<1x128xi32> to vector<128x128xi32>
    %eq3A_1774 = arith.cmpi eq, %eq3A_1772, %eq3A_1773 : vector<128x128xi32>
    %convert_element_type3A_1775 = arith.extui %eq3A_1774 : vector<128x128xi1> to vector<128x128xi32>
    %convert_element_type3A_1776 = arith.sitofp %convert_element_type3A_1775 : vector<128x128xi32> to vector<128x128xf32>
    %dot_general3A_1777 = arith.constant dense<0.000000e+00> : vector<128x128xf32>
    %dot_general3A_1778 = tpu.matmul %convert_element_type3A_1776, %convert_element_type3A_1768, %dot_general3A_1777 {dimension_numbers = #tpu.dot_dimension_numbers<[0], [0], [1], [1], [0, 1, 1, 1], [], []>, transpose_lhs_hint = false} : vector<128x128xf32>, vector<128x128xf32>, vector<128x128xf32> -> vector<128x128xf32>
    %add3A_1779 = arith.addf %add3A_1759, %dot_general3A_1778 : vector<128x128xf32>
    %slice3A_1780 = vector.extract_strided_slice %get3A_3 {offsets = [0, 89], sizes = [128, 1], strides = [1, 1]} : vector<128x128xi32> to vector<128x1xi32>
    %and3A_1781 = arith.constant 127 : i32
    %and3A_1782 = vector.broadcast %and3A_1781 : i32 to vector<128x1xi32>
    %and3A_1783 = arith.andi %slice3A_1780, %and3A_1782 : vector<128x1xi32>
    %eq3A_1784 = vector.broadcast %and3A_1783 : vector<128x1xi32> to vector<128x128xi32>
    %eq3A_1785 = vector.broadcast %iota3A : vector<1x128xi32> to vector<128x128xi32>
    %eq3A_1786 = arith.cmpi eq, %eq3A_1784, %eq3A_1785 : vector<128x128xi32>
    %convert_element_type3A_1787 = arith.extui %eq3A_1786 : vector<128x128xi1> to vector<128x128xi32>
    %convert_element_type3A_1788 = arith.sitofp %convert_element_type3A_1787 : vector<128x128xi32> to vector<128x128xf32>
    %shift_right_logical3A_1789 = arith.constant 7 : i32
    %shift_right_logical3A_1790 = vector.broadcast %shift_right_logical3A_1789 : i32 to vector<128x1xi32>
    %shift_right_logical3A_1791 = arith.shrui %slice3A_1780, %shift_right_logical3A_1790 : vector<128x1xi32>
    %eq3A_1792 = vector.broadcast %shift_right_logical3A_1791 : vector<128x1xi32> to vector<128x128xi32>
    %eq3A_1793 = vector.broadcast %iota3A : vector<1x128xi32> to vector<128x128xi32>
    %eq3A_1794 = arith.cmpi eq, %eq3A_1792, %eq3A_1793 : vector<128x128xi32>
    %convert_element_type3A_1795 = arith.extui %eq3A_1794 : vector<128x128xi1> to vector<128x128xi32>
    %convert_element_type3A_1796 = arith.sitofp %convert_element_type3A_1795 : vector<128x128xi32> to vector<128x128xf32>
    %dot_general3A_1797 = arith.constant dense<0.000000e+00> : vector<128x128xf32>
    %dot_general3A_1798 = tpu.matmul %convert_element_type3A_1796, %convert_element_type3A_1788, %dot_general3A_1797 {dimension_numbers = #tpu.dot_dimension_numbers<[0], [0], [1], [1], [0, 1, 1, 1], [], []>, transpose_lhs_hint = false} : vector<128x128xf32>, vector<128x128xf32>, vector<128x128xf32> -> vector<128x128xf32>
    %add3A_1799 = arith.addf %add3A_1779, %dot_general3A_1798 : vector<128x128xf32>
    %slice3A_1800 = vector.extract_strided_slice %get3A_3 {offsets = [0, 90], sizes = [128, 1], strides = [1, 1]} : vector<128x128xi32> to vector<128x1xi32>
    %and3A_1801 = arith.constant 127 : i32
    %and3A_1802 = vector.broadcast %and3A_1801 : i32 to vector<128x1xi32>
    %and3A_1803 = arith.andi %slice3A_1800, %and3A_1802 : vector<128x1xi32>
    %eq3A_1804 = vector.broadcast %and3A_1803 : vector<128x1xi32> to vector<128x128xi32>
    %eq3A_1805 = vector.broadcast %iota3A : vector<1x128xi32> to vector<128x128xi32>
    %eq3A_1806 = arith.cmpi eq, %eq3A_1804, %eq3A_1805 : vector<128x128xi32>
    %convert_element_type3A_1807 = arith.extui %eq3A_1806 : vector<128x128xi1> to vector<128x128xi32>
    %convert_element_type3A_1808 = arith.sitofp %convert_element_type3A_1807 : vector<128x128xi32> to vector<128x128xf32>
    %shift_right_logical3A_1809 = arith.constant 7 : i32
    %shift_right_logical3A_1810 = vector.broadcast %shift_right_logical3A_1809 : i32 to vector<128x1xi32>
    %shift_right_logical3A_1811 = arith.shrui %slice3A_1800, %shift_right_logical3A_1810 : vector<128x1xi32>
    %eq3A_1812 = vector.broadcast %shift_right_logical3A_1811 : vector<128x1xi32> to vector<128x128xi32>
    %eq3A_1813 = vector.broadcast %iota3A : vector<1x128xi32> to vector<128x128xi32>
    %eq3A_1814 = arith.cmpi eq, %eq3A_1812, %eq3A_1813 : vector<128x128xi32>
    %convert_element_type3A_1815 = arith.extui %eq3A_1814 : vector<128x128xi1> to vector<128x128xi32>
    %convert_element_type3A_1816 = arith.sitofp %convert_element_type3A_1815 : vector<128x128xi32> to vector<128x128xf32>
    %dot_general3A_1817 = arith.constant dense<0.000000e+00> : vector<128x128xf32>
    %dot_general3A_1818 = tpu.matmul %convert_element_type3A_1816, %convert_element_type3A_1808, %dot_general3A_1817 {dimension_numbers = #tpu.dot_dimension_numbers<[0], [0], [1], [1], [0, 1, 1, 1], [], []>, transpose_lhs_hint = false} : vector<128x128xf32>, vector<128x128xf32>, vector<128x128xf32> -> vector<128x128xf32>
    %add3A_1819 = arith.addf %add3A_1799, %dot_general3A_1818 : vector<128x128xf32>
    %slice3A_1820 = vector.extract_strided_slice %get3A_3 {offsets = [0, 91], sizes = [128, 1], strides = [1, 1]} : vector<128x128xi32> to vector<128x1xi32>
    %and3A_1821 = arith.constant 127 : i32
    %and3A_1822 = vector.broadcast %and3A_1821 : i32 to vector<128x1xi32>
    %and3A_1823 = arith.andi %slice3A_1820, %and3A_1822 : vector<128x1xi32>
    %eq3A_1824 = vector.broadcast %and3A_1823 : vector<128x1xi32> to vector<128x128xi32>
    %eq3A_1825 = vector.broadcast %iota3A : vector<1x128xi32> to vector<128x128xi32>
    %eq3A_1826 = arith.cmpi eq, %eq3A_1824, %eq3A_1825 : vector<128x128xi32>
    %convert_element_type3A_1827 = arith.extui %eq3A_1826 : vector<128x128xi1> to vector<128x128xi32>
    %convert_element_type3A_1828 = arith.sitofp %convert_element_type3A_1827 : vector<128x128xi32> to vector<128x128xf32>
    %shift_right_logical3A_1829 = arith.constant 7 : i32
    %shift_right_logical3A_1830 = vector.broadcast %shift_right_logical3A_1829 : i32 to vector<128x1xi32>
    %shift_right_logical3A_1831 = arith.shrui %slice3A_1820, %shift_right_logical3A_1830 : vector<128x1xi32>
    %eq3A_1832 = vector.broadcast %shift_right_logical3A_1831 : vector<128x1xi32> to vector<128x128xi32>
    %eq3A_1833 = vector.broadcast %iota3A : vector<1x128xi32> to vector<128x128xi32>
    %eq3A_1834 = arith.cmpi eq, %eq3A_1832, %eq3A_1833 : vector<128x128xi32>
    %convert_element_type3A_1835 = arith.extui %eq3A_1834 : vector<128x128xi1> to vector<128x128xi32>
    %convert_element_type3A_1836 = arith.sitofp %convert_element_type3A_1835 : vector<128x128xi32> to vector<128x128xf32>
    %dot_general3A_1837 = arith.constant dense<0.000000e+00> : vector<128x128xf32>
    %dot_general3A_1838 = tpu.matmul %convert_element_type3A_1836, %convert_element_type3A_1828, %dot_general3A_1837 {dimension_numbers = #tpu.dot_dimension_numbers<[0], [0], [1], [1], [0, 1, 1, 1], [], []>, transpose_lhs_hint = false} : vector<128x128xf32>, vector<128x128xf32>, vector<128x128xf32> -> vector<128x128xf32>
    %add3A_1839 = arith.addf %add3A_1819, %dot_general3A_1838 : vector<128x128xf32>
    %slice3A_1840 = vector.extract_strided_slice %get3A_3 {offsets = [0, 92], sizes = [128, 1], strides = [1, 1]} : vector<128x128xi32> to vector<128x1xi32>
    %and3A_1841 = arith.constant 127 : i32
    %and3A_1842 = vector.broadcast %and3A_1841 : i32 to vector<128x1xi32>
    %and3A_1843 = arith.andi %slice3A_1840, %and3A_1842 : vector<128x1xi32>
    %eq3A_1844 = vector.broadcast %and3A_1843 : vector<128x1xi32> to vector<128x128xi32>
    %eq3A_1845 = vector.broadcast %iota3A : vector<1x128xi32> to vector<128x128xi32>
    %eq3A_1846 = arith.cmpi eq, %eq3A_1844, %eq3A_1845 : vector<128x128xi32>
    %convert_element_type3A_1847 = arith.extui %eq3A_1846 : vector<128x128xi1> to vector<128x128xi32>
    %convert_element_type3A_1848 = arith.sitofp %convert_element_type3A_1847 : vector<128x128xi32> to vector<128x128xf32>
    %shift_right_logical3A_1849 = arith.constant 7 : i32
    %shift_right_logical3A_1850 = vector.broadcast %shift_right_logical3A_1849 : i32 to vector<128x1xi32>
    %shift_right_logical3A_1851 = arith.shrui %slice3A_1840, %shift_right_logical3A_1850 : vector<128x1xi32>
    %eq3A_1852 = vector.broadcast %shift_right_logical3A_1851 : vector<128x1xi32> to vector<128x128xi32>
    %eq3A_1853 = vector.broadcast %iota3A : vector<1x128xi32> to vector<128x128xi32>
    %eq3A_1854 = arith.cmpi eq, %eq3A_1852, %eq3A_1853 : vector<128x128xi32>
    %convert_element_type3A_1855 = arith.extui %eq3A_1854 : vector<128x128xi1> to vector<128x128xi32>
    %convert_element_type3A_1856 = arith.sitofp %convert_element_type3A_1855 : vector<128x128xi32> to vector<128x128xf32>
    %dot_general3A_1857 = arith.constant dense<0.000000e+00> : vector<128x128xf32>
    %dot_general3A_1858 = tpu.matmul %convert_element_type3A_1856, %convert_element_type3A_1848, %dot_general3A_1857 {dimension_numbers = #tpu.dot_dimension_numbers<[0], [0], [1], [1], [0, 1, 1, 1], [], []>, transpose_lhs_hint = false} : vector<128x128xf32>, vector<128x128xf32>, vector<128x128xf32> -> vector<128x128xf32>
    %add3A_1859 = arith.addf %add3A_1839, %dot_general3A_1858 : vector<128x128xf32>
    %slice3A_1860 = vector.extract_strided_slice %get3A_3 {offsets = [0, 93], sizes = [128, 1], strides = [1, 1]} : vector<128x128xi32> to vector<128x1xi32>
    %and3A_1861 = arith.constant 127 : i32
    %and3A_1862 = vector.broadcast %and3A_1861 : i32 to vector<128x1xi32>
    %and3A_1863 = arith.andi %slice3A_1860, %and3A_1862 : vector<128x1xi32>
    %eq3A_1864 = vector.broadcast %and3A_1863 : vector<128x1xi32> to vector<128x128xi32>
    %eq3A_1865 = vector.broadcast %iota3A : vector<1x128xi32> to vector<128x128xi32>
    %eq3A_1866 = arith.cmpi eq, %eq3A_1864, %eq3A_1865 : vector<128x128xi32>
    %convert_element_type3A_1867 = arith.extui %eq3A_1866 : vector<128x128xi1> to vector<128x128xi32>
    %convert_element_type3A_1868 = arith.sitofp %convert_element_type3A_1867 : vector<128x128xi32> to vector<128x128xf32>
    %shift_right_logical3A_1869 = arith.constant 7 : i32
    %shift_right_logical3A_1870 = vector.broadcast %shift_right_logical3A_1869 : i32 to vector<128x1xi32>
    %shift_right_logical3A_1871 = arith.shrui %slice3A_1860, %shift_right_logical3A_1870 : vector<128x1xi32>
    %eq3A_1872 = vector.broadcast %shift_right_logical3A_1871 : vector<128x1xi32> to vector<128x128xi32>
    %eq3A_1873 = vector.broadcast %iota3A : vector<1x128xi32> to vector<128x128xi32>
    %eq3A_1874 = arith.cmpi eq, %eq3A_1872, %eq3A_1873 : vector<128x128xi32>
    %convert_element_type3A_1875 = arith.extui %eq3A_1874 : vector<128x128xi1> to vector<128x128xi32>
    %convert_element_type3A_1876 = arith.sitofp %convert_element_type3A_1875 : vector<128x128xi32> to vector<128x128xf32>
    %dot_general3A_1877 = arith.constant dense<0.000000e+00> : vector<128x128xf32>
    %dot_general3A_1878 = tpu.matmul %convert_element_type3A_1876, %convert_element_type3A_1868, %dot_general3A_1877 {dimension_numbers = #tpu.dot_dimension_numbers<[0], [0], [1], [1], [0, 1, 1, 1], [], []>, transpose_lhs_hint = false} : vector<128x128xf32>, vector<128x128xf32>, vector<128x128xf32> -> vector<128x128xf32>
    %add3A_1879 = arith.addf %add3A_1859, %dot_general3A_1878 : vector<128x128xf32>
    %slice3A_1880 = vector.extract_strided_slice %get3A_3 {offsets = [0, 94], sizes = [128, 1], strides = [1, 1]} : vector<128x128xi32> to vector<128x1xi32>
    %and3A_1881 = arith.constant 127 : i32
    %and3A_1882 = vector.broadcast %and3A_1881 : i32 to vector<128x1xi32>
    %and3A_1883 = arith.andi %slice3A_1880, %and3A_1882 : vector<128x1xi32>
    %eq3A_1884 = vector.broadcast %and3A_1883 : vector<128x1xi32> to vector<128x128xi32>
    %eq3A_1885 = vector.broadcast %iota3A : vector<1x128xi32> to vector<128x128xi32>
    %eq3A_1886 = arith.cmpi eq, %eq3A_1884, %eq3A_1885 : vector<128x128xi32>
    %convert_element_type3A_1887 = arith.extui %eq3A_1886 : vector<128x128xi1> to vector<128x128xi32>
    %convert_element_type3A_1888 = arith.sitofp %convert_element_type3A_1887 : vector<128x128xi32> to vector<128x128xf32>
    %shift_right_logical3A_1889 = arith.constant 7 : i32
    %shift_right_logical3A_1890 = vector.broadcast %shift_right_logical3A_1889 : i32 to vector<128x1xi32>
    %shift_right_logical3A_1891 = arith.shrui %slice3A_1880, %shift_right_logical3A_1890 : vector<128x1xi32>
    %eq3A_1892 = vector.broadcast %shift_right_logical3A_1891 : vector<128x1xi32> to vector<128x128xi32>
    %eq3A_1893 = vector.broadcast %iota3A : vector<1x128xi32> to vector<128x128xi32>
    %eq3A_1894 = arith.cmpi eq, %eq3A_1892, %eq3A_1893 : vector<128x128xi32>
    %convert_element_type3A_1895 = arith.extui %eq3A_1894 : vector<128x128xi1> to vector<128x128xi32>
    %convert_element_type3A_1896 = arith.sitofp %convert_element_type3A_1895 : vector<128x128xi32> to vector<128x128xf32>
    %dot_general3A_1897 = arith.constant dense<0.000000e+00> : vector<128x128xf32>
    %dot_general3A_1898 = tpu.matmul %convert_element_type3A_1896, %convert_element_type3A_1888, %dot_general3A_1897 {dimension_numbers = #tpu.dot_dimension_numbers<[0], [0], [1], [1], [0, 1, 1, 1], [], []>, transpose_lhs_hint = false} : vector<128x128xf32>, vector<128x128xf32>, vector<128x128xf32> -> vector<128x128xf32>
    %add3A_1899 = arith.addf %add3A_1879, %dot_general3A_1898 : vector<128x128xf32>
    %slice3A_1900 = vector.extract_strided_slice %get3A_3 {offsets = [0, 95], sizes = [128, 1], strides = [1, 1]} : vector<128x128xi32> to vector<128x1xi32>
    %and3A_1901 = arith.constant 127 : i32
    %and3A_1902 = vector.broadcast %and3A_1901 : i32 to vector<128x1xi32>
    %and3A_1903 = arith.andi %slice3A_1900, %and3A_1902 : vector<128x1xi32>
    %eq3A_1904 = vector.broadcast %and3A_1903 : vector<128x1xi32> to vector<128x128xi32>
    %eq3A_1905 = vector.broadcast %iota3A : vector<1x128xi32> to vector<128x128xi32>
    %eq3A_1906 = arith.cmpi eq, %eq3A_1904, %eq3A_1905 : vector<128x128xi32>
    %convert_element_type3A_1907 = arith.extui %eq3A_1906 : vector<128x128xi1> to vector<128x128xi32>
    %convert_element_type3A_1908 = arith.sitofp %convert_element_type3A_1907 : vector<128x128xi32> to vector<128x128xf32>
    %shift_right_logical3A_1909 = arith.constant 7 : i32
    %shift_right_logical3A_1910 = vector.broadcast %shift_right_logical3A_1909 : i32 to vector<128x1xi32>
    %shift_right_logical3A_1911 = arith.shrui %slice3A_1900, %shift_right_logical3A_1910 : vector<128x1xi32>
    %eq3A_1912 = vector.broadcast %shift_right_logical3A_1911 : vector<128x1xi32> to vector<128x128xi32>
    %eq3A_1913 = vector.broadcast %iota3A : vector<1x128xi32> to vector<128x128xi32>
    %eq3A_1914 = arith.cmpi eq, %eq3A_1912, %eq3A_1913 : vector<128x128xi32>
    %convert_element_type3A_1915 = arith.extui %eq3A_1914 : vector<128x128xi1> to vector<128x128xi32>
    %convert_element_type3A_1916 = arith.sitofp %convert_element_type3A_1915 : vector<128x128xi32> to vector<128x128xf32>
    %dot_general3A_1917 = arith.constant dense<0.000000e+00> : vector<128x128xf32>
    %dot_general3A_1918 = tpu.matmul %convert_element_type3A_1916, %convert_element_type3A_1908, %dot_general3A_1917 {dimension_numbers = #tpu.dot_dimension_numbers<[0], [0], [1], [1], [0, 1, 1, 1], [], []>, transpose_lhs_hint = false} : vector<128x128xf32>, vector<128x128xf32>, vector<128x128xf32> -> vector<128x128xf32>
    %add3A_1919 = arith.addf %add3A_1899, %dot_general3A_1918 : vector<128x128xf32>
    %slice3A_1920 = vector.extract_strided_slice %get3A_3 {offsets = [0, 96], sizes = [128, 1], strides = [1, 1]} : vector<128x128xi32> to vector<128x1xi32>
    %and3A_1921 = arith.constant 127 : i32
    %and3A_1922 = vector.broadcast %and3A_1921 : i32 to vector<128x1xi32>
    %and3A_1923 = arith.andi %slice3A_1920, %and3A_1922 : vector<128x1xi32>
    %eq3A_1924 = vector.broadcast %and3A_1923 : vector<128x1xi32> to vector<128x128xi32>
    %eq3A_1925 = vector.broadcast %iota3A : vector<1x128xi32> to vector<128x128xi32>
    %eq3A_1926 = arith.cmpi eq, %eq3A_1924, %eq3A_1925 : vector<128x128xi32>
    %convert_element_type3A_1927 = arith.extui %eq3A_1926 : vector<128x128xi1> to vector<128x128xi32>
    %convert_element_type3A_1928 = arith.sitofp %convert_element_type3A_1927 : vector<128x128xi32> to vector<128x128xf32>
    %shift_right_logical3A_1929 = arith.constant 7 : i32
    %shift_right_logical3A_1930 = vector.broadcast %shift_right_logical3A_1929 : i32 to vector<128x1xi32>
    %shift_right_logical3A_1931 = arith.shrui %slice3A_1920, %shift_right_logical3A_1930 : vector<128x1xi32>
    %eq3A_1932 = vector.broadcast %shift_right_logical3A_1931 : vector<128x1xi32> to vector<128x128xi32>
    %eq3A_1933 = vector.broadcast %iota3A : vector<1x128xi32> to vector<128x128xi32>
    %eq3A_1934 = arith.cmpi eq, %eq3A_1932, %eq3A_1933 : vector<128x128xi32>
    %convert_element_type3A_1935 = arith.extui %eq3A_1934 : vector<128x128xi1> to vector<128x128xi32>
    %convert_element_type3A_1936 = arith.sitofp %convert_element_type3A_1935 : vector<128x128xi32> to vector<128x128xf32>
    %dot_general3A_1937 = arith.constant dense<0.000000e+00> : vector<128x128xf32>
    %dot_general3A_1938 = tpu.matmul %convert_element_type3A_1936, %convert_element_type3A_1928, %dot_general3A_1937 {dimension_numbers = #tpu.dot_dimension_numbers<[0], [0], [1], [1], [0, 1, 1, 1], [], []>, transpose_lhs_hint = false} : vector<128x128xf32>, vector<128x128xf32>, vector<128x128xf32> -> vector<128x128xf32>
    %add3A_1939 = arith.addf %add3A_1919, %dot_general3A_1938 : vector<128x128xf32>
    %slice3A_1940 = vector.extract_strided_slice %get3A_3 {offsets = [0, 97], sizes = [128, 1], strides = [1, 1]} : vector<128x128xi32> to vector<128x1xi32>
    %and3A_1941 = arith.constant 127 : i32
    %and3A_1942 = vector.broadcast %and3A_1941 : i32 to vector<128x1xi32>
    %and3A_1943 = arith.andi %slice3A_1940, %and3A_1942 : vector<128x1xi32>
    %eq3A_1944 = vector.broadcast %and3A_1943 : vector<128x1xi32> to vector<128x128xi32>
    %eq3A_1945 = vector.broadcast %iota3A : vector<1x128xi32> to vector<128x128xi32>
    %eq3A_1946 = arith.cmpi eq, %eq3A_1944, %eq3A_1945 : vector<128x128xi32>
    %convert_element_type3A_1947 = arith.extui %eq3A_1946 : vector<128x128xi1> to vector<128x128xi32>
    %convert_element_type3A_1948 = arith.sitofp %convert_element_type3A_1947 : vector<128x128xi32> to vector<128x128xf32>
    %shift_right_logical3A_1949 = arith.constant 7 : i32
    %shift_right_logical3A_1950 = vector.broadcast %shift_right_logical3A_1949 : i32 to vector<128x1xi32>
    %shift_right_logical3A_1951 = arith.shrui %slice3A_1940, %shift_right_logical3A_1950 : vector<128x1xi32>
    %eq3A_1952 = vector.broadcast %shift_right_logical3A_1951 : vector<128x1xi32> to vector<128x128xi32>
    %eq3A_1953 = vector.broadcast %iota3A : vector<1x128xi32> to vector<128x128xi32>
    %eq3A_1954 = arith.cmpi eq, %eq3A_1952, %eq3A_1953 : vector<128x128xi32>
    %convert_element_type3A_1955 = arith.extui %eq3A_1954 : vector<128x128xi1> to vector<128x128xi32>
    %convert_element_type3A_1956 = arith.sitofp %convert_element_type3A_1955 : vector<128x128xi32> to vector<128x128xf32>
    %dot_general3A_1957 = arith.constant dense<0.000000e+00> : vector<128x128xf32>
    %dot_general3A_1958 = tpu.matmul %convert_element_type3A_1956, %convert_element_type3A_1948, %dot_general3A_1957 {dimension_numbers = #tpu.dot_dimension_numbers<[0], [0], [1], [1], [0, 1, 1, 1], [], []>, transpose_lhs_hint = false} : vector<128x128xf32>, vector<128x128xf32>, vector<128x128xf32> -> vector<128x128xf32>
    %add3A_1959 = arith.addf %add3A_1939, %dot_general3A_1958 : vector<128x128xf32>
    %slice3A_1960 = vector.extract_strided_slice %get3A_3 {offsets = [0, 98], sizes = [128, 1], strides = [1, 1]} : vector<128x128xi32> to vector<128x1xi32>
    %and3A_1961 = arith.constant 127 : i32
    %and3A_1962 = vector.broadcast %and3A_1961 : i32 to vector<128x1xi32>
    %and3A_1963 = arith.andi %slice3A_1960, %and3A_1962 : vector<128x1xi32>
    %eq3A_1964 = vector.broadcast %and3A_1963 : vector<128x1xi32> to vector<128x128xi32>
    %eq3A_1965 = vector.broadcast %iota3A : vector<1x128xi32> to vector<128x128xi32>
    %eq3A_1966 = arith.cmpi eq, %eq3A_1964, %eq3A_1965 : vector<128x128xi32>
    %convert_element_type3A_1967 = arith.extui %eq3A_1966 : vector<128x128xi1> to vector<128x128xi32>
    %convert_element_type3A_1968 = arith.sitofp %convert_element_type3A_1967 : vector<128x128xi32> to vector<128x128xf32>
    %shift_right_logical3A_1969 = arith.constant 7 : i32
    %shift_right_logical3A_1970 = vector.broadcast %shift_right_logical3A_1969 : i32 to vector<128x1xi32>
    %shift_right_logical3A_1971 = arith.shrui %slice3A_1960, %shift_right_logical3A_1970 : vector<128x1xi32>
    %eq3A_1972 = vector.broadcast %shift_right_logical3A_1971 : vector<128x1xi32> to vector<128x128xi32>
    %eq3A_1973 = vector.broadcast %iota3A : vector<1x128xi32> to vector<128x128xi32>
    %eq3A_1974 = arith.cmpi eq, %eq3A_1972, %eq3A_1973 : vector<128x128xi32>
    %convert_element_type3A_1975 = arith.extui %eq3A_1974 : vector<128x128xi1> to vector<128x128xi32>
    %convert_element_type3A_1976 = arith.sitofp %convert_element_type3A_1975 : vector<128x128xi32> to vector<128x128xf32>
    %dot_general3A_1977 = arith.constant dense<0.000000e+00> : vector<128x128xf32>
    %dot_general3A_1978 = tpu.matmul %convert_element_type3A_1976, %convert_element_type3A_1968, %dot_general3A_1977 {dimension_numbers = #tpu.dot_dimension_numbers<[0], [0], [1], [1], [0, 1, 1, 1], [], []>, transpose_lhs_hint = false} : vector<128x128xf32>, vector<128x128xf32>, vector<128x128xf32> -> vector<128x128xf32>
    %add3A_1979 = arith.addf %add3A_1959, %dot_general3A_1978 : vector<128x128xf32>
    %slice3A_1980 = vector.extract_strided_slice %get3A_3 {offsets = [0, 99], sizes = [128, 1], strides = [1, 1]} : vector<128x128xi32> to vector<128x1xi32>
    %and3A_1981 = arith.constant 127 : i32
    %and3A_1982 = vector.broadcast %and3A_1981 : i32 to vector<128x1xi32>
    %and3A_1983 = arith.andi %slice3A_1980, %and3A_1982 : vector<128x1xi32>
    %eq3A_1984 = vector.broadcast %and3A_1983 : vector<128x1xi32> to vector<128x128xi32>
    %eq3A_1985 = vector.broadcast %iota3A : vector<1x128xi32> to vector<128x128xi32>
    %eq3A_1986 = arith.cmpi eq, %eq3A_1984, %eq3A_1985 : vector<128x128xi32>
    %convert_element_type3A_1987 = arith.extui %eq3A_1986 : vector<128x128xi1> to vector<128x128xi32>
    %convert_element_type3A_1988 = arith.sitofp %convert_element_type3A_1987 : vector<128x128xi32> to vector<128x128xf32>
    %shift_right_logical3A_1989 = arith.constant 7 : i32
    %shift_right_logical3A_1990 = vector.broadcast %shift_right_logical3A_1989 : i32 to vector<128x1xi32>
    %shift_right_logical3A_1991 = arith.shrui %slice3A_1980, %shift_right_logical3A_1990 : vector<128x1xi32>
    %eq3A_1992 = vector.broadcast %shift_right_logical3A_1991 : vector<128x1xi32> to vector<128x128xi32>
    %eq3A_1993 = vector.broadcast %iota3A : vector<1x128xi32> to vector<128x128xi32>
    %eq3A_1994 = arith.cmpi eq, %eq3A_1992, %eq3A_1993 : vector<128x128xi32>
    %convert_element_type3A_1995 = arith.extui %eq3A_1994 : vector<128x128xi1> to vector<128x128xi32>
    %convert_element_type3A_1996 = arith.sitofp %convert_element_type3A_1995 : vector<128x128xi32> to vector<128x128xf32>
    %dot_general3A_1997 = arith.constant dense<0.000000e+00> : vector<128x128xf32>
    %dot_general3A_1998 = tpu.matmul %convert_element_type3A_1996, %convert_element_type3A_1988, %dot_general3A_1997 {dimension_numbers = #tpu.dot_dimension_numbers<[0], [0], [1], [1], [0, 1, 1, 1], [], []>, transpose_lhs_hint = false} : vector<128x128xf32>, vector<128x128xf32>, vector<128x128xf32> -> vector<128x128xf32>
    %add3A_1999 = arith.addf %add3A_1979, %dot_general3A_1998 : vector<128x128xf32>
    %slice3A_2000 = vector.extract_strided_slice %get3A_3 {offsets = [0, 100], sizes = [128, 1], strides = [1, 1]} : vector<128x128xi32> to vector<128x1xi32>
    %and3A_2001 = arith.constant 127 : i32
    %and3A_2002 = vector.broadcast %and3A_2001 : i32 to vector<128x1xi32>
    %and3A_2003 = arith.andi %slice3A_2000, %and3A_2002 : vector<128x1xi32>
    %eq3A_2004 = vector.broadcast %and3A_2003 : vector<128x1xi32> to vector<128x128xi32>
    %eq3A_2005 = vector.broadcast %iota3A : vector<1x128xi32> to vector<128x128xi32>
    %eq3A_2006 = arith.cmpi eq, %eq3A_2004, %eq3A_2005 : vector<128x128xi32>
    %convert_element_type3A_2007 = arith.extui %eq3A_2006 : vector<128x128xi1> to vector<128x128xi32>
    %convert_element_type3A_2008 = arith.sitofp %convert_element_type3A_2007 : vector<128x128xi32> to vector<128x128xf32>
    %shift_right_logical3A_2009 = arith.constant 7 : i32
    %shift_right_logical3A_2010 = vector.broadcast %shift_right_logical3A_2009 : i32 to vector<128x1xi32>
    %shift_right_logical3A_2011 = arith.shrui %slice3A_2000, %shift_right_logical3A_2010 : vector<128x1xi32>
    %eq3A_2012 = vector.broadcast %shift_right_logical3A_2011 : vector<128x1xi32> to vector<128x128xi32>
    %eq3A_2013 = vector.broadcast %iota3A : vector<1x128xi32> to vector<128x128xi32>
    %eq3A_2014 = arith.cmpi eq, %eq3A_2012, %eq3A_2013 : vector<128x128xi32>
    %convert_element_type3A_2015 = arith.extui %eq3A_2014 : vector<128x128xi1> to vector<128x128xi32>
    %convert_element_type3A_2016 = arith.sitofp %convert_element_type3A_2015 : vector<128x128xi32> to vector<128x128xf32>
    %dot_general3A_2017 = arith.constant dense<0.000000e+00> : vector<128x128xf32>
    %dot_general3A_2018 = tpu.matmul %convert_element_type3A_2016, %convert_element_type3A_2008, %dot_general3A_2017 {dimension_numbers = #tpu.dot_dimension_numbers<[0], [0], [1], [1], [0, 1, 1, 1], [], []>, transpose_lhs_hint = false} : vector<128x128xf32>, vector<128x128xf32>, vector<128x128xf32> -> vector<128x128xf32>
    %add3A_2019 = arith.addf %add3A_1999, %dot_general3A_2018 : vector<128x128xf32>
    %slice3A_2020 = vector.extract_strided_slice %get3A_3 {offsets = [0, 101], sizes = [128, 1], strides = [1, 1]} : vector<128x128xi32> to vector<128x1xi32>
    %and3A_2021 = arith.constant 127 : i32
    %and3A_2022 = vector.broadcast %and3A_2021 : i32 to vector<128x1xi32>
    %and3A_2023 = arith.andi %slice3A_2020, %and3A_2022 : vector<128x1xi32>
    %eq3A_2024 = vector.broadcast %and3A_2023 : vector<128x1xi32> to vector<128x128xi32>
    %eq3A_2025 = vector.broadcast %iota3A : vector<1x128xi32> to vector<128x128xi32>
    %eq3A_2026 = arith.cmpi eq, %eq3A_2024, %eq3A_2025 : vector<128x128xi32>
    %convert_element_type3A_2027 = arith.extui %eq3A_2026 : vector<128x128xi1> to vector<128x128xi32>
    %convert_element_type3A_2028 = arith.sitofp %convert_element_type3A_2027 : vector<128x128xi32> to vector<128x128xf32>
    %shift_right_logical3A_2029 = arith.constant 7 : i32
    %shift_right_logical3A_2030 = vector.broadcast %shift_right_logical3A_2029 : i32 to vector<128x1xi32>
    %shift_right_logical3A_2031 = arith.shrui %slice3A_2020, %shift_right_logical3A_2030 : vector<128x1xi32>
    %eq3A_2032 = vector.broadcast %shift_right_logical3A_2031 : vector<128x1xi32> to vector<128x128xi32>
    %eq3A_2033 = vector.broadcast %iota3A : vector<1x128xi32> to vector<128x128xi32>
    %eq3A_2034 = arith.cmpi eq, %eq3A_2032, %eq3A_2033 : vector<128x128xi32>
    %convert_element_type3A_2035 = arith.extui %eq3A_2034 : vector<128x128xi1> to vector<128x128xi32>
    %convert_element_type3A_2036 = arith.sitofp %convert_element_type3A_2035 : vector<128x128xi32> to vector<128x128xf32>
    %dot_general3A_2037 = arith.constant dense<0.000000e+00> : vector<128x128xf32>
    %dot_general3A_2038 = tpu.matmul %convert_element_type3A_2036, %convert_element_type3A_2028, %dot_general3A_2037 {dimension_numbers = #tpu.dot_dimension_numbers<[0], [0], [1], [1], [0, 1, 1, 1], [], []>, transpose_lhs_hint = false} : vector<128x128xf32>, vector<128x128xf32>, vector<128x128xf32> -> vector<128x128xf32>
    %add3A_2039 = arith.addf %add3A_2019, %dot_general3A_2038 : vector<128x128xf32>
    %slice3A_2040 = vector.extract_strided_slice %get3A_3 {offsets = [0, 102], sizes = [128, 1], strides = [1, 1]} : vector<128x128xi32> to vector<128x1xi32>
    %and3A_2041 = arith.constant 127 : i32
    %and3A_2042 = vector.broadcast %and3A_2041 : i32 to vector<128x1xi32>
    %and3A_2043 = arith.andi %slice3A_2040, %and3A_2042 : vector<128x1xi32>
    %eq3A_2044 = vector.broadcast %and3A_2043 : vector<128x1xi32> to vector<128x128xi32>
    %eq3A_2045 = vector.broadcast %iota3A : vector<1x128xi32> to vector<128x128xi32>
    %eq3A_2046 = arith.cmpi eq, %eq3A_2044, %eq3A_2045 : vector<128x128xi32>
    %convert_element_type3A_2047 = arith.extui %eq3A_2046 : vector<128x128xi1> to vector<128x128xi32>
    %convert_element_type3A_2048 = arith.sitofp %convert_element_type3A_2047 : vector<128x128xi32> to vector<128x128xf32>
    %shift_right_logical3A_2049 = arith.constant 7 : i32
    %shift_right_logical3A_2050 = vector.broadcast %shift_right_logical3A_2049 : i32 to vector<128x1xi32>
    %shift_right_logical3A_2051 = arith.shrui %slice3A_2040, %shift_right_logical3A_2050 : vector<128x1xi32>
    %eq3A_2052 = vector.broadcast %shift_right_logical3A_2051 : vector<128x1xi32> to vector<128x128xi32>
    %eq3A_2053 = vector.broadcast %iota3A : vector<1x128xi32> to vector<128x128xi32>
    %eq3A_2054 = arith.cmpi eq, %eq3A_2052, %eq3A_2053 : vector<128x128xi32>
    %convert_element_type3A_2055 = arith.extui %eq3A_2054 : vector<128x128xi1> to vector<128x128xi32>
    %convert_element_type3A_2056 = arith.sitofp %convert_element_type3A_2055 : vector<128x128xi32> to vector<128x128xf32>
    %dot_general3A_2057 = arith.constant dense<0.000000e+00> : vector<128x128xf32>
    %dot_general3A_2058 = tpu.matmul %convert_element_type3A_2056, %convert_element_type3A_2048, %dot_general3A_2057 {dimension_numbers = #tpu.dot_dimension_numbers<[0], [0], [1], [1], [0, 1, 1, 1], [], []>, transpose_lhs_hint = false} : vector<128x128xf32>, vector<128x128xf32>, vector<128x128xf32> -> vector<128x128xf32>
    %add3A_2059 = arith.addf %add3A_2039, %dot_general3A_2058 : vector<128x128xf32>
    %slice3A_2060 = vector.extract_strided_slice %get3A_3 {offsets = [0, 103], sizes = [128, 1], strides = [1, 1]} : vector<128x128xi32> to vector<128x1xi32>
    %and3A_2061 = arith.constant 127 : i32
    %and3A_2062 = vector.broadcast %and3A_2061 : i32 to vector<128x1xi32>
    %and3A_2063 = arith.andi %slice3A_2060, %and3A_2062 : vector<128x1xi32>
    %eq3A_2064 = vector.broadcast %and3A_2063 : vector<128x1xi32> to vector<128x128xi32>
    %eq3A_2065 = vector.broadcast %iota3A : vector<1x128xi32> to vector<128x128xi32>
    %eq3A_2066 = arith.cmpi eq, %eq3A_2064, %eq3A_2065 : vector<128x128xi32>
    %convert_element_type3A_2067 = arith.extui %eq3A_2066 : vector<128x128xi1> to vector<128x128xi32>
    %convert_element_type3A_2068 = arith.sitofp %convert_element_type3A_2067 : vector<128x128xi32> to vector<128x128xf32>
    %shift_right_logical3A_2069 = arith.constant 7 : i32
    %shift_right_logical3A_2070 = vector.broadcast %shift_right_logical3A_2069 : i32 to vector<128x1xi32>
    %shift_right_logical3A_2071 = arith.shrui %slice3A_2060, %shift_right_logical3A_2070 : vector<128x1xi32>
    %eq3A_2072 = vector.broadcast %shift_right_logical3A_2071 : vector<128x1xi32> to vector<128x128xi32>
    %eq3A_2073 = vector.broadcast %iota3A : vector<1x128xi32> to vector<128x128xi32>
    %eq3A_2074 = arith.cmpi eq, %eq3A_2072, %eq3A_2073 : vector<128x128xi32>
    %convert_element_type3A_2075 = arith.extui %eq3A_2074 : vector<128x128xi1> to vector<128x128xi32>
    %convert_element_type3A_2076 = arith.sitofp %convert_element_type3A_2075 : vector<128x128xi32> to vector<128x128xf32>
    %dot_general3A_2077 = arith.constant dense<0.000000e+00> : vector<128x128xf32>
    %dot_general3A_2078 = tpu.matmul %convert_element_type3A_2076, %convert_element_type3A_2068, %dot_general3A_2077 {dimension_numbers = #tpu.dot_dimension_numbers<[0], [0], [1], [1], [0, 1, 1, 1], [], []>, transpose_lhs_hint = false} : vector<128x128xf32>, vector<128x128xf32>, vector<128x128xf32> -> vector<128x128xf32>
    %add3A_2079 = arith.addf %add3A_2059, %dot_general3A_2078 : vector<128x128xf32>
    %slice3A_2080 = vector.extract_strided_slice %get3A_3 {offsets = [0, 104], sizes = [128, 1], strides = [1, 1]} : vector<128x128xi32> to vector<128x1xi32>
    %and3A_2081 = arith.constant 127 : i32
    %and3A_2082 = vector.broadcast %and3A_2081 : i32 to vector<128x1xi32>
    %and3A_2083 = arith.andi %slice3A_2080, %and3A_2082 : vector<128x1xi32>
    %eq3A_2084 = vector.broadcast %and3A_2083 : vector<128x1xi32> to vector<128x128xi32>
    %eq3A_2085 = vector.broadcast %iota3A : vector<1x128xi32> to vector<128x128xi32>
    %eq3A_2086 = arith.cmpi eq, %eq3A_2084, %eq3A_2085 : vector<128x128xi32>
    %convert_element_type3A_2087 = arith.extui %eq3A_2086 : vector<128x128xi1> to vector<128x128xi32>
    %convert_element_type3A_2088 = arith.sitofp %convert_element_type3A_2087 : vector<128x128xi32> to vector<128x128xf32>
    %shift_right_logical3A_2089 = arith.constant 7 : i32
    %shift_right_logical3A_2090 = vector.broadcast %shift_right_logical3A_2089 : i32 to vector<128x1xi32>
    %shift_right_logical3A_2091 = arith.shrui %slice3A_2080, %shift_right_logical3A_2090 : vector<128x1xi32>
    %eq3A_2092 = vector.broadcast %shift_right_logical3A_2091 : vector<128x1xi32> to vector<128x128xi32>
    %eq3A_2093 = vector.broadcast %iota3A : vector<1x128xi32> to vector<128x128xi32>
    %eq3A_2094 = arith.cmpi eq, %eq3A_2092, %eq3A_2093 : vector<128x128xi32>
    %convert_element_type3A_2095 = arith.extui %eq3A_2094 : vector<128x128xi1> to vector<128x128xi32>
    %convert_element_type3A_2096 = arith.sitofp %convert_element_type3A_2095 : vector<128x128xi32> to vector<128x128xf32>
    %dot_general3A_2097 = arith.constant dense<0.000000e+00> : vector<128x128xf32>
    %dot_general3A_2098 = tpu.matmul %convert_element_type3A_2096, %convert_element_type3A_2088, %dot_general3A_2097 {dimension_numbers = #tpu.dot_dimension_numbers<[0], [0], [1], [1], [0, 1, 1, 1], [], []>, transpose_lhs_hint = false} : vector<128x128xf32>, vector<128x128xf32>, vector<128x128xf32> -> vector<128x128xf32>
    %add3A_2099 = arith.addf %add3A_2079, %dot_general3A_2098 : vector<128x128xf32>
    %slice3A_2100 = vector.extract_strided_slice %get3A_3 {offsets = [0, 105], sizes = [128, 1], strides = [1, 1]} : vector<128x128xi32> to vector<128x1xi32>
    %and3A_2101 = arith.constant 127 : i32
    %and3A_2102 = vector.broadcast %and3A_2101 : i32 to vector<128x1xi32>
    %and3A_2103 = arith.andi %slice3A_2100, %and3A_2102 : vector<128x1xi32>
    %eq3A_2104 = vector.broadcast %and3A_2103 : vector<128x1xi32> to vector<128x128xi32>
    %eq3A_2105 = vector.broadcast %iota3A : vector<1x128xi32> to vector<128x128xi32>
    %eq3A_2106 = arith.cmpi eq, %eq3A_2104, %eq3A_2105 : vector<128x128xi32>
    %convert_element_type3A_2107 = arith.extui %eq3A_2106 : vector<128x128xi1> to vector<128x128xi32>
    %convert_element_type3A_2108 = arith.sitofp %convert_element_type3A_2107 : vector<128x128xi32> to vector<128x128xf32>
    %shift_right_logical3A_2109 = arith.constant 7 : i32
    %shift_right_logical3A_2110 = vector.broadcast %shift_right_logical3A_2109 : i32 to vector<128x1xi32>
    %shift_right_logical3A_2111 = arith.shrui %slice3A_2100, %shift_right_logical3A_2110 : vector<128x1xi32>
    %eq3A_2112 = vector.broadcast %shift_right_logical3A_2111 : vector<128x1xi32> to vector<128x128xi32>
    %eq3A_2113 = vector.broadcast %iota3A : vector<1x128xi32> to vector<128x128xi32>
    %eq3A_2114 = arith.cmpi eq, %eq3A_2112, %eq3A_2113 : vector<128x128xi32>
    %convert_element_type3A_2115 = arith.extui %eq3A_2114 : vector<128x128xi1> to vector<128x128xi32>
    %convert_element_type3A_2116 = arith.sitofp %convert_element_type3A_2115 : vector<128x128xi32> to vector<128x128xf32>
    %dot_general3A_2117 = arith.constant dense<0.000000e+00> : vector<128x128xf32>
    %dot_general3A_2118 = tpu.matmul %convert_element_type3A_2116, %convert_element_type3A_2108, %dot_general3A_2117 {dimension_numbers = #tpu.dot_dimension_numbers<[0], [0], [1], [1], [0, 1, 1, 1], [], []>, transpose_lhs_hint = false} : vector<128x128xf32>, vector<128x128xf32>, vector<128x128xf32> -> vector<128x128xf32>
    %add3A_2119 = arith.addf %add3A_2099, %dot_general3A_2118 : vector<128x128xf32>
    %slice3A_2120 = vector.extract_strided_slice %get3A_3 {offsets = [0, 106], sizes = [128, 1], strides = [1, 1]} : vector<128x128xi32> to vector<128x1xi32>
    %and3A_2121 = arith.constant 127 : i32
    %and3A_2122 = vector.broadcast %and3A_2121 : i32 to vector<128x1xi32>
    %and3A_2123 = arith.andi %slice3A_2120, %and3A_2122 : vector<128x1xi32>
    %eq3A_2124 = vector.broadcast %and3A_2123 : vector<128x1xi32> to vector<128x128xi32>
    %eq3A_2125 = vector.broadcast %iota3A : vector<1x128xi32> to vector<128x128xi32>
    %eq3A_2126 = arith.cmpi eq, %eq3A_2124, %eq3A_2125 : vector<128x128xi32>
    %convert_element_type3A_2127 = arith.extui %eq3A_2126 : vector<128x128xi1> to vector<128x128xi32>
    %convert_element_type3A_2128 = arith.sitofp %convert_element_type3A_2127 : vector<128x128xi32> to vector<128x128xf32>
    %shift_right_logical3A_2129 = arith.constant 7 : i32
    %shift_right_logical3A_2130 = vector.broadcast %shift_right_logical3A_2129 : i32 to vector<128x1xi32>
    %shift_right_logical3A_2131 = arith.shrui %slice3A_2120, %shift_right_logical3A_2130 : vector<128x1xi32>
    %eq3A_2132 = vector.broadcast %shift_right_logical3A_2131 : vector<128x1xi32> to vector<128x128xi32>
    %eq3A_2133 = vector.broadcast %iota3A : vector<1x128xi32> to vector<128x128xi32>
    %eq3A_2134 = arith.cmpi eq, %eq3A_2132, %eq3A_2133 : vector<128x128xi32>
    %convert_element_type3A_2135 = arith.extui %eq3A_2134 : vector<128x128xi1> to vector<128x128xi32>
    %convert_element_type3A_2136 = arith.sitofp %convert_element_type3A_2135 : vector<128x128xi32> to vector<128x128xf32>
    %dot_general3A_2137 = arith.constant dense<0.000000e+00> : vector<128x128xf32>
    %dot_general3A_2138 = tpu.matmul %convert_element_type3A_2136, %convert_element_type3A_2128, %dot_general3A_2137 {dimension_numbers = #tpu.dot_dimension_numbers<[0], [0], [1], [1], [0, 1, 1, 1], [], []>, transpose_lhs_hint = false} : vector<128x128xf32>, vector<128x128xf32>, vector<128x128xf32> -> vector<128x128xf32>
    %add3A_2139 = arith.addf %add3A_2119, %dot_general3A_2138 : vector<128x128xf32>
    %slice3A_2140 = vector.extract_strided_slice %get3A_3 {offsets = [0, 107], sizes = [128, 1], strides = [1, 1]} : vector<128x128xi32> to vector<128x1xi32>
    %and3A_2141 = arith.constant 127 : i32
    %and3A_2142 = vector.broadcast %and3A_2141 : i32 to vector<128x1xi32>
    %and3A_2143 = arith.andi %slice3A_2140, %and3A_2142 : vector<128x1xi32>
    %eq3A_2144 = vector.broadcast %and3A_2143 : vector<128x1xi32> to vector<128x128xi32>
    %eq3A_2145 = vector.broadcast %iota3A : vector<1x128xi32> to vector<128x128xi32>
    %eq3A_2146 = arith.cmpi eq, %eq3A_2144, %eq3A_2145 : vector<128x128xi32>
    %convert_element_type3A_2147 = arith.extui %eq3A_2146 : vector<128x128xi1> to vector<128x128xi32>
    %convert_element_type3A_2148 = arith.sitofp %convert_element_type3A_2147 : vector<128x128xi32> to vector<128x128xf32>
    %shift_right_logical3A_2149 = arith.constant 7 : i32
    %shift_right_logical3A_2150 = vector.broadcast %shift_right_logical3A_2149 : i32 to vector<128x1xi32>
    %shift_right_logical3A_2151 = arith.shrui %slice3A_2140, %shift_right_logical3A_2150 : vector<128x1xi32>
    %eq3A_2152 = vector.broadcast %shift_right_logical3A_2151 : vector<128x1xi32> to vector<128x128xi32>
    %eq3A_2153 = vector.broadcast %iota3A : vector<1x128xi32> to vector<128x128xi32>
    %eq3A_2154 = arith.cmpi eq, %eq3A_2152, %eq3A_2153 : vector<128x128xi32>
    %convert_element_type3A_2155 = arith.extui %eq3A_2154 : vector<128x128xi1> to vector<128x128xi32>
    %convert_element_type3A_2156 = arith.sitofp %convert_element_type3A_2155 : vector<128x128xi32> to vector<128x128xf32>
    %dot_general3A_2157 = arith.constant dense<0.000000e+00> : vector<128x128xf32>
    %dot_general3A_2158 = tpu.matmul %convert_element_type3A_2156, %convert_element_type3A_2148, %dot_general3A_2157 {dimension_numbers = #tpu.dot_dimension_numbers<[0], [0], [1], [1], [0, 1, 1, 1], [], []>, transpose_lhs_hint = false} : vector<128x128xf32>, vector<128x128xf32>, vector<128x128xf32> -> vector<128x128xf32>
    %add3A_2159 = arith.addf %add3A_2139, %dot_general3A_2158 : vector<128x128xf32>
    %slice3A_2160 = vector.extract_strided_slice %get3A_3 {offsets = [0, 108], sizes = [128, 1], strides = [1, 1]} : vector<128x128xi32> to vector<128x1xi32>
    %and3A_2161 = arith.constant 127 : i32
    %and3A_2162 = vector.broadcast %and3A_2161 : i32 to vector<128x1xi32>
    %and3A_2163 = arith.andi %slice3A_2160, %and3A_2162 : vector<128x1xi32>
    %eq3A_2164 = vector.broadcast %and3A_2163 : vector<128x1xi32> to vector<128x128xi32>
    %eq3A_2165 = vector.broadcast %iota3A : vector<1x128xi32> to vector<128x128xi32>
    %eq3A_2166 = arith.cmpi eq, %eq3A_2164, %eq3A_2165 : vector<128x128xi32>
    %convert_element_type3A_2167 = arith.extui %eq3A_2166 : vector<128x128xi1> to vector<128x128xi32>
    %convert_element_type3A_2168 = arith.sitofp %convert_element_type3A_2167 : vector<128x128xi32> to vector<128x128xf32>
    %shift_right_logical3A_2169 = arith.constant 7 : i32
    %shift_right_logical3A_2170 = vector.broadcast %shift_right_logical3A_2169 : i32 to vector<128x1xi32>
    %shift_right_logical3A_2171 = arith.shrui %slice3A_2160, %shift_right_logical3A_2170 : vector<128x1xi32>
    %eq3A_2172 = vector.broadcast %shift_right_logical3A_2171 : vector<128x1xi32> to vector<128x128xi32>
    %eq3A_2173 = vector.broadcast %iota3A : vector<1x128xi32> to vector<128x128xi32>
    %eq3A_2174 = arith.cmpi eq, %eq3A_2172, %eq3A_2173 : vector<128x128xi32>
    %convert_element_type3A_2175 = arith.extui %eq3A_2174 : vector<128x128xi1> to vector<128x128xi32>
    %convert_element_type3A_2176 = arith.sitofp %convert_element_type3A_2175 : vector<128x128xi32> to vector<128x128xf32>
    %dot_general3A_2177 = arith.constant dense<0.000000e+00> : vector<128x128xf32>
    %dot_general3A_2178 = tpu.matmul %convert_element_type3A_2176, %convert_element_type3A_2168, %dot_general3A_2177 {dimension_numbers = #tpu.dot_dimension_numbers<[0], [0], [1], [1], [0, 1, 1, 1], [], []>, transpose_lhs_hint = false} : vector<128x128xf32>, vector<128x128xf32>, vector<128x128xf32> -> vector<128x128xf32>
    %add3A_2179 = arith.addf %add3A_2159, %dot_general3A_2178 : vector<128x128xf32>
    %slice3A_2180 = vector.extract_strided_slice %get3A_3 {offsets = [0, 109], sizes = [128, 1], strides = [1, 1]} : vector<128x128xi32> to vector<128x1xi32>
    %and3A_2181 = arith.constant 127 : i32
    %and3A_2182 = vector.broadcast %and3A_2181 : i32 to vector<128x1xi32>
    %and3A_2183 = arith.andi %slice3A_2180, %and3A_2182 : vector<128x1xi32>
    %eq3A_2184 = vector.broadcast %and3A_2183 : vector<128x1xi32> to vector<128x128xi32>
    %eq3A_2185 = vector.broadcast %iota3A : vector<1x128xi32> to vector<128x128xi32>
    %eq3A_2186 = arith.cmpi eq, %eq3A_2184, %eq3A_2185 : vector<128x128xi32>
    %convert_element_type3A_2187 = arith.extui %eq3A_2186 : vector<128x128xi1> to vector<128x128xi32>
    %convert_element_type3A_2188 = arith.sitofp %convert_element_type3A_2187 : vector<128x128xi32> to vector<128x128xf32>
    %shift_right_logical3A_2189 = arith.constant 7 : i32
    %shift_right_logical3A_2190 = vector.broadcast %shift_right_logical3A_2189 : i32 to vector<128x1xi32>
    %shift_right_logical3A_2191 = arith.shrui %slice3A_2180, %shift_right_logical3A_2190 : vector<128x1xi32>
    %eq3A_2192 = vector.broadcast %shift_right_logical3A_2191 : vector<128x1xi32> to vector<128x128xi32>
    %eq3A_2193 = vector.broadcast %iota3A : vector<1x128xi32> to vector<128x128xi32>
    %eq3A_2194 = arith.cmpi eq, %eq3A_2192, %eq3A_2193 : vector<128x128xi32>
    %convert_element_type3A_2195 = arith.extui %eq3A_2194 : vector<128x128xi1> to vector<128x128xi32>
    %convert_element_type3A_2196 = arith.sitofp %convert_element_type3A_2195 : vector<128x128xi32> to vector<128x128xf32>
    %dot_general3A_2197 = arith.constant dense<0.000000e+00> : vector<128x128xf32>
    %dot_general3A_2198 = tpu.matmul %convert_element_type3A_2196, %convert_element_type3A_2188, %dot_general3A_2197 {dimension_numbers = #tpu.dot_dimension_numbers<[0], [0], [1], [1], [0, 1, 1, 1], [], []>, transpose_lhs_hint = false} : vector<128x128xf32>, vector<128x128xf32>, vector<128x128xf32> -> vector<128x128xf32>
    %add3A_2199 = arith.addf %add3A_2179, %dot_general3A_2198 : vector<128x128xf32>
    %slice3A_2200 = vector.extract_strided_slice %get3A_3 {offsets = [0, 110], sizes = [128, 1], strides = [1, 1]} : vector<128x128xi32> to vector<128x1xi32>
    %and3A_2201 = arith.constant 127 : i32
    %and3A_2202 = vector.broadcast %and3A_2201 : i32 to vector<128x1xi32>
    %and3A_2203 = arith.andi %slice3A_2200, %and3A_2202 : vector<128x1xi32>
    %eq3A_2204 = vector.broadcast %and3A_2203 : vector<128x1xi32> to vector<128x128xi32>
    %eq3A_2205 = vector.broadcast %iota3A : vector<1x128xi32> to vector<128x128xi32>
    %eq3A_2206 = arith.cmpi eq, %eq3A_2204, %eq3A_2205 : vector<128x128xi32>
    %convert_element_type3A_2207 = arith.extui %eq3A_2206 : vector<128x128xi1> to vector<128x128xi32>
    %convert_element_type3A_2208 = arith.sitofp %convert_element_type3A_2207 : vector<128x128xi32> to vector<128x128xf32>
    %shift_right_logical3A_2209 = arith.constant 7 : i32
    %shift_right_logical3A_2210 = vector.broadcast %shift_right_logical3A_2209 : i32 to vector<128x1xi32>
    %shift_right_logical3A_2211 = arith.shrui %slice3A_2200, %shift_right_logical3A_2210 : vector<128x1xi32>
    %eq3A_2212 = vector.broadcast %shift_right_logical3A_2211 : vector<128x1xi32> to vector<128x128xi32>
    %eq3A_2213 = vector.broadcast %iota3A : vector<1x128xi32> to vector<128x128xi32>
    %eq3A_2214 = arith.cmpi eq, %eq3A_2212, %eq3A_2213 : vector<128x128xi32>
    %convert_element_type3A_2215 = arith.extui %eq3A_2214 : vector<128x128xi1> to vector<128x128xi32>
    %convert_element_type3A_2216 = arith.sitofp %convert_element_type3A_2215 : vector<128x128xi32> to vector<128x128xf32>
    %dot_general3A_2217 = arith.constant dense<0.000000e+00> : vector<128x128xf32>
    %dot_general3A_2218 = tpu.matmul %convert_element_type3A_2216, %convert_element_type3A_2208, %dot_general3A_2217 {dimension_numbers = #tpu.dot_dimension_numbers<[0], [0], [1], [1], [0, 1, 1, 1], [], []>, transpose_lhs_hint = false} : vector<128x128xf32>, vector<128x128xf32>, vector<128x128xf32> -> vector<128x128xf32>
    %add3A_2219 = arith.addf %add3A_2199, %dot_general3A_2218 : vector<128x128xf32>
    %slice3A_2220 = vector.extract_strided_slice %get3A_3 {offsets = [0, 111], sizes = [128, 1], strides = [1, 1]} : vector<128x128xi32> to vector<128x1xi32>
    %and3A_2221 = arith.constant 127 : i32
    %and3A_2222 = vector.broadcast %and3A_2221 : i32 to vector<128x1xi32>
    %and3A_2223 = arith.andi %slice3A_2220, %and3A_2222 : vector<128x1xi32>
    %eq3A_2224 = vector.broadcast %and3A_2223 : vector<128x1xi32> to vector<128x128xi32>
    %eq3A_2225 = vector.broadcast %iota3A : vector<1x128xi32> to vector<128x128xi32>
    %eq3A_2226 = arith.cmpi eq, %eq3A_2224, %eq3A_2225 : vector<128x128xi32>
    %convert_element_type3A_2227 = arith.extui %eq3A_2226 : vector<128x128xi1> to vector<128x128xi32>
    %convert_element_type3A_2228 = arith.sitofp %convert_element_type3A_2227 : vector<128x128xi32> to vector<128x128xf32>
    %shift_right_logical3A_2229 = arith.constant 7 : i32
    %shift_right_logical3A_2230 = vector.broadcast %shift_right_logical3A_2229 : i32 to vector<128x1xi32>
    %shift_right_logical3A_2231 = arith.shrui %slice3A_2220, %shift_right_logical3A_2230 : vector<128x1xi32>
    %eq3A_2232 = vector.broadcast %shift_right_logical3A_2231 : vector<128x1xi32> to vector<128x128xi32>
    %eq3A_2233 = vector.broadcast %iota3A : vector<1x128xi32> to vector<128x128xi32>
    %eq3A_2234 = arith.cmpi eq, %eq3A_2232, %eq3A_2233 : vector<128x128xi32>
    %convert_element_type3A_2235 = arith.extui %eq3A_2234 : vector<128x128xi1> to vector<128x128xi32>
    %convert_element_type3A_2236 = arith.sitofp %convert_element_type3A_2235 : vector<128x128xi32> to vector<128x128xf32>
    %dot_general3A_2237 = arith.constant dense<0.000000e+00> : vector<128x128xf32>
    %dot_general3A_2238 = tpu.matmul %convert_element_type3A_2236, %convert_element_type3A_2228, %dot_general3A_2237 {dimension_numbers = #tpu.dot_dimension_numbers<[0], [0], [1], [1], [0, 1, 1, 1], [], []>, transpose_lhs_hint = false} : vector<128x128xf32>, vector<128x128xf32>, vector<128x128xf32> -> vector<128x128xf32>
    %add3A_2239 = arith.addf %add3A_2219, %dot_general3A_2238 : vector<128x128xf32>
    %slice3A_2240 = vector.extract_strided_slice %get3A_3 {offsets = [0, 112], sizes = [128, 1], strides = [1, 1]} : vector<128x128xi32> to vector<128x1xi32>
    %and3A_2241 = arith.constant 127 : i32
    %and3A_2242 = vector.broadcast %and3A_2241 : i32 to vector<128x1xi32>
    %and3A_2243 = arith.andi %slice3A_2240, %and3A_2242 : vector<128x1xi32>
    %eq3A_2244 = vector.broadcast %and3A_2243 : vector<128x1xi32> to vector<128x128xi32>
    %eq3A_2245 = vector.broadcast %iota3A : vector<1x128xi32> to vector<128x128xi32>
    %eq3A_2246 = arith.cmpi eq, %eq3A_2244, %eq3A_2245 : vector<128x128xi32>
    %convert_element_type3A_2247 = arith.extui %eq3A_2246 : vector<128x128xi1> to vector<128x128xi32>
    %convert_element_type3A_2248 = arith.sitofp %convert_element_type3A_2247 : vector<128x128xi32> to vector<128x128xf32>
    %shift_right_logical3A_2249 = arith.constant 7 : i32
    %shift_right_logical3A_2250 = vector.broadcast %shift_right_logical3A_2249 : i32 to vector<128x1xi32>
    %shift_right_logical3A_2251 = arith.shrui %slice3A_2240, %shift_right_logical3A_2250 : vector<128x1xi32>
    %eq3A_2252 = vector.broadcast %shift_right_logical3A_2251 : vector<128x1xi32> to vector<128x128xi32>
    %eq3A_2253 = vector.broadcast %iota3A : vector<1x128xi32> to vector<128x128xi32>
    %eq3A_2254 = arith.cmpi eq, %eq3A_2252, %eq3A_2253 : vector<128x128xi32>
    %convert_element_type3A_2255 = arith.extui %eq3A_2254 : vector<128x128xi1> to vector<128x128xi32>
    %convert_element_type3A_2256 = arith.sitofp %convert_element_type3A_2255 : vector<128x128xi32> to vector<128x128xf32>
    %dot_general3A_2257 = arith.constant dense<0.000000e+00> : vector<128x128xf32>
    %dot_general3A_2258 = tpu.matmul %convert_element_type3A_2256, %convert_element_type3A_2248, %dot_general3A_2257 {dimension_numbers = #tpu.dot_dimension_numbers<[0], [0], [1], [1], [0, 1, 1, 1], [], []>, transpose_lhs_hint = false} : vector<128x128xf32>, vector<128x128xf32>, vector<128x128xf32> -> vector<128x128xf32>
    %add3A_2259 = arith.addf %add3A_2239, %dot_general3A_2258 : vector<128x128xf32>
    %slice3A_2260 = vector.extract_strided_slice %get3A_3 {offsets = [0, 113], sizes = [128, 1], strides = [1, 1]} : vector<128x128xi32> to vector<128x1xi32>
    %and3A_2261 = arith.constant 127 : i32
    %and3A_2262 = vector.broadcast %and3A_2261 : i32 to vector<128x1xi32>
    %and3A_2263 = arith.andi %slice3A_2260, %and3A_2262 : vector<128x1xi32>
    %eq3A_2264 = vector.broadcast %and3A_2263 : vector<128x1xi32> to vector<128x128xi32>
    %eq3A_2265 = vector.broadcast %iota3A : vector<1x128xi32> to vector<128x128xi32>
    %eq3A_2266 = arith.cmpi eq, %eq3A_2264, %eq3A_2265 : vector<128x128xi32>
    %convert_element_type3A_2267 = arith.extui %eq3A_2266 : vector<128x128xi1> to vector<128x128xi32>
    %convert_element_type3A_2268 = arith.sitofp %convert_element_type3A_2267 : vector<128x128xi32> to vector<128x128xf32>
    %shift_right_logical3A_2269 = arith.constant 7 : i32
    %shift_right_logical3A_2270 = vector.broadcast %shift_right_logical3A_2269 : i32 to vector<128x1xi32>
    %shift_right_logical3A_2271 = arith.shrui %slice3A_2260, %shift_right_logical3A_2270 : vector<128x1xi32>
    %eq3A_2272 = vector.broadcast %shift_right_logical3A_2271 : vector<128x1xi32> to vector<128x128xi32>
    %eq3A_2273 = vector.broadcast %iota3A : vector<1x128xi32> to vector<128x128xi32>
    %eq3A_2274 = arith.cmpi eq, %eq3A_2272, %eq3A_2273 : vector<128x128xi32>
    %convert_element_type3A_2275 = arith.extui %eq3A_2274 : vector<128x128xi1> to vector<128x128xi32>
    %convert_element_type3A_2276 = arith.sitofp %convert_element_type3A_2275 : vector<128x128xi32> to vector<128x128xf32>
    %dot_general3A_2277 = arith.constant dense<0.000000e+00> : vector<128x128xf32>
    %dot_general3A_2278 = tpu.matmul %convert_element_type3A_2276, %convert_element_type3A_2268, %dot_general3A_2277 {dimension_numbers = #tpu.dot_dimension_numbers<[0], [0], [1], [1], [0, 1, 1, 1], [], []>, transpose_lhs_hint = false} : vector<128x128xf32>, vector<128x128xf32>, vector<128x128xf32> -> vector<128x128xf32>
    %add3A_2279 = arith.addf %add3A_2259, %dot_general3A_2278 : vector<128x128xf32>
    %slice3A_2280 = vector.extract_strided_slice %get3A_3 {offsets = [0, 114], sizes = [128, 1], strides = [1, 1]} : vector<128x128xi32> to vector<128x1xi32>
    %and3A_2281 = arith.constant 127 : i32
    %and3A_2282 = vector.broadcast %and3A_2281 : i32 to vector<128x1xi32>
    %and3A_2283 = arith.andi %slice3A_2280, %and3A_2282 : vector<128x1xi32>
    %eq3A_2284 = vector.broadcast %and3A_2283 : vector<128x1xi32> to vector<128x128xi32>
    %eq3A_2285 = vector.broadcast %iota3A : vector<1x128xi32> to vector<128x128xi32>
    %eq3A_2286 = arith.cmpi eq, %eq3A_2284, %eq3A_2285 : vector<128x128xi32>
    %convert_element_type3A_2287 = arith.extui %eq3A_2286 : vector<128x128xi1> to vector<128x128xi32>
    %convert_element_type3A_2288 = arith.sitofp %convert_element_type3A_2287 : vector<128x128xi32> to vector<128x128xf32>
    %shift_right_logical3A_2289 = arith.constant 7 : i32
    %shift_right_logical3A_2290 = vector.broadcast %shift_right_logical3A_2289 : i32 to vector<128x1xi32>
    %shift_right_logical3A_2291 = arith.shrui %slice3A_2280, %shift_right_logical3A_2290 : vector<128x1xi32>
    %eq3A_2292 = vector.broadcast %shift_right_logical3A_2291 : vector<128x1xi32> to vector<128x128xi32>
    %eq3A_2293 = vector.broadcast %iota3A : vector<1x128xi32> to vector<128x128xi32>
    %eq3A_2294 = arith.cmpi eq, %eq3A_2292, %eq3A_2293 : vector<128x128xi32>
    %convert_element_type3A_2295 = arith.extui %eq3A_2294 : vector<128x128xi1> to vector<128x128xi32>
    %convert_element_type3A_2296 = arith.sitofp %convert_element_type3A_2295 : vector<128x128xi32> to vector<128x128xf32>
    %dot_general3A_2297 = arith.constant dense<0.000000e+00> : vector<128x128xf32>
    %dot_general3A_2298 = tpu.matmul %convert_element_type3A_2296, %convert_element_type3A_2288, %dot_general3A_2297 {dimension_numbers = #tpu.dot_dimension_numbers<[0], [0], [1], [1], [0, 1, 1, 1], [], []>, transpose_lhs_hint = false} : vector<128x128xf32>, vector<128x128xf32>, vector<128x128xf32> -> vector<128x128xf32>
    %add3A_2299 = arith.addf %add3A_2279, %dot_general3A_2298 : vector<128x128xf32>
    %slice3A_2300 = vector.extract_strided_slice %get3A_3 {offsets = [0, 115], sizes = [128, 1], strides = [1, 1]} : vector<128x128xi32> to vector<128x1xi32>
    %and3A_2301 = arith.constant 127 : i32
    %and3A_2302 = vector.broadcast %and3A_2301 : i32 to vector<128x1xi32>
    %and3A_2303 = arith.andi %slice3A_2300, %and3A_2302 : vector<128x1xi32>
    %eq3A_2304 = vector.broadcast %and3A_2303 : vector<128x1xi32> to vector<128x128xi32>
    %eq3A_2305 = vector.broadcast %iota3A : vector<1x128xi32> to vector<128x128xi32>
    %eq3A_2306 = arith.cmpi eq, %eq3A_2304, %eq3A_2305 : vector<128x128xi32>
    %convert_element_type3A_2307 = arith.extui %eq3A_2306 : vector<128x128xi1> to vector<128x128xi32>
    %convert_element_type3A_2308 = arith.sitofp %convert_element_type3A_2307 : vector<128x128xi32> to vector<128x128xf32>
    %shift_right_logical3A_2309 = arith.constant 7 : i32
    %shift_right_logical3A_2310 = vector.broadcast %shift_right_logical3A_2309 : i32 to vector<128x1xi32>
    %shift_right_logical3A_2311 = arith.shrui %slice3A_2300, %shift_right_logical3A_2310 : vector<128x1xi32>
    %eq3A_2312 = vector.broadcast %shift_right_logical3A_2311 : vector<128x1xi32> to vector<128x128xi32>
    %eq3A_2313 = vector.broadcast %iota3A : vector<1x128xi32> to vector<128x128xi32>
    %eq3A_2314 = arith.cmpi eq, %eq3A_2312, %eq3A_2313 : vector<128x128xi32>
    %convert_element_type3A_2315 = arith.extui %eq3A_2314 : vector<128x128xi1> to vector<128x128xi32>
    %convert_element_type3A_2316 = arith.sitofp %convert_element_type3A_2315 : vector<128x128xi32> to vector<128x128xf32>
    %dot_general3A_2317 = arith.constant dense<0.000000e+00> : vector<128x128xf32>
    %dot_general3A_2318 = tpu.matmul %convert_element_type3A_2316, %convert_element_type3A_2308, %dot_general3A_2317 {dimension_numbers = #tpu.dot_dimension_numbers<[0], [0], [1], [1], [0, 1, 1, 1], [], []>, transpose_lhs_hint = false} : vector<128x128xf32>, vector<128x128xf32>, vector<128x128xf32> -> vector<128x128xf32>
    %add3A_2319 = arith.addf %add3A_2299, %dot_general3A_2318 : vector<128x128xf32>
    %slice3A_2320 = vector.extract_strided_slice %get3A_3 {offsets = [0, 116], sizes = [128, 1], strides = [1, 1]} : vector<128x128xi32> to vector<128x1xi32>
    %and3A_2321 = arith.constant 127 : i32
    %and3A_2322 = vector.broadcast %and3A_2321 : i32 to vector<128x1xi32>
    %and3A_2323 = arith.andi %slice3A_2320, %and3A_2322 : vector<128x1xi32>
    %eq3A_2324 = vector.broadcast %and3A_2323 : vector<128x1xi32> to vector<128x128xi32>
    %eq3A_2325 = vector.broadcast %iota3A : vector<1x128xi32> to vector<128x128xi32>
    %eq3A_2326 = arith.cmpi eq, %eq3A_2324, %eq3A_2325 : vector<128x128xi32>
    %convert_element_type3A_2327 = arith.extui %eq3A_2326 : vector<128x128xi1> to vector<128x128xi32>
    %convert_element_type3A_2328 = arith.sitofp %convert_element_type3A_2327 : vector<128x128xi32> to vector<128x128xf32>
    %shift_right_logical3A_2329 = arith.constant 7 : i32
    %shift_right_logical3A_2330 = vector.broadcast %shift_right_logical3A_2329 : i32 to vector<128x1xi32>
    %shift_right_logical3A_2331 = arith.shrui %slice3A_2320, %shift_right_logical3A_2330 : vector<128x1xi32>
    %eq3A_2332 = vector.broadcast %shift_right_logical3A_2331 : vector<128x1xi32> to vector<128x128xi32>
    %eq3A_2333 = vector.broadcast %iota3A : vector<1x128xi32> to vector<128x128xi32>
    %eq3A_2334 = arith.cmpi eq, %eq3A_2332, %eq3A_2333 : vector<128x128xi32>
    %convert_element_type3A_2335 = arith.extui %eq3A_2334 : vector<128x128xi1> to vector<128x128xi32>
    %convert_element_type3A_2336 = arith.sitofp %convert_element_type3A_2335 : vector<128x128xi32> to vector<128x128xf32>
    %dot_general3A_2337 = arith.constant dense<0.000000e+00> : vector<128x128xf32>
    %dot_general3A_2338 = tpu.matmul %convert_element_type3A_2336, %convert_element_type3A_2328, %dot_general3A_2337 {dimension_numbers = #tpu.dot_dimension_numbers<[0], [0], [1], [1], [0, 1, 1, 1], [], []>, transpose_lhs_hint = false} : vector<128x128xf32>, vector<128x128xf32>, vector<128x128xf32> -> vector<128x128xf32>
    %add3A_2339 = arith.addf %add3A_2319, %dot_general3A_2338 : vector<128x128xf32>
    %slice3A_2340 = vector.extract_strided_slice %get3A_3 {offsets = [0, 117], sizes = [128, 1], strides = [1, 1]} : vector<128x128xi32> to vector<128x1xi32>
    %and3A_2341 = arith.constant 127 : i32
    %and3A_2342 = vector.broadcast %and3A_2341 : i32 to vector<128x1xi32>
    %and3A_2343 = arith.andi %slice3A_2340, %and3A_2342 : vector<128x1xi32>
    %eq3A_2344 = vector.broadcast %and3A_2343 : vector<128x1xi32> to vector<128x128xi32>
    %eq3A_2345 = vector.broadcast %iota3A : vector<1x128xi32> to vector<128x128xi32>
    %eq3A_2346 = arith.cmpi eq, %eq3A_2344, %eq3A_2345 : vector<128x128xi32>
    %convert_element_type3A_2347 = arith.extui %eq3A_2346 : vector<128x128xi1> to vector<128x128xi32>
    %convert_element_type3A_2348 = arith.sitofp %convert_element_type3A_2347 : vector<128x128xi32> to vector<128x128xf32>
    %shift_right_logical3A_2349 = arith.constant 7 : i32
    %shift_right_logical3A_2350 = vector.broadcast %shift_right_logical3A_2349 : i32 to vector<128x1xi32>
    %shift_right_logical3A_2351 = arith.shrui %slice3A_2340, %shift_right_logical3A_2350 : vector<128x1xi32>
    %eq3A_2352 = vector.broadcast %shift_right_logical3A_2351 : vector<128x1xi32> to vector<128x128xi32>
    %eq3A_2353 = vector.broadcast %iota3A : vector<1x128xi32> to vector<128x128xi32>
    %eq3A_2354 = arith.cmpi eq, %eq3A_2352, %eq3A_2353 : vector<128x128xi32>
    %convert_element_type3A_2355 = arith.extui %eq3A_2354 : vector<128x128xi1> to vector<128x128xi32>
    %convert_element_type3A_2356 = arith.sitofp %convert_element_type3A_2355 : vector<128x128xi32> to vector<128x128xf32>
    %dot_general3A_2357 = arith.constant dense<0.000000e+00> : vector<128x128xf32>
    %dot_general3A_2358 = tpu.matmul %convert_element_type3A_2356, %convert_element_type3A_2348, %dot_general3A_2357 {dimension_numbers = #tpu.dot_dimension_numbers<[0], [0], [1], [1], [0, 1, 1, 1], [], []>, transpose_lhs_hint = false} : vector<128x128xf32>, vector<128x128xf32>, vector<128x128xf32> -> vector<128x128xf32>
    %add3A_2359 = arith.addf %add3A_2339, %dot_general3A_2358 : vector<128x128xf32>
    %slice3A_2360 = vector.extract_strided_slice %get3A_3 {offsets = [0, 118], sizes = [128, 1], strides = [1, 1]} : vector<128x128xi32> to vector<128x1xi32>
    %and3A_2361 = arith.constant 127 : i32
    %and3A_2362 = vector.broadcast %and3A_2361 : i32 to vector<128x1xi32>
    %and3A_2363 = arith.andi %slice3A_2360, %and3A_2362 : vector<128x1xi32>
    %eq3A_2364 = vector.broadcast %and3A_2363 : vector<128x1xi32> to vector<128x128xi32>
    %eq3A_2365 = vector.broadcast %iota3A : vector<1x128xi32> to vector<128x128xi32>
    %eq3A_2366 = arith.cmpi eq, %eq3A_2364, %eq3A_2365 : vector<128x128xi32>
    %convert_element_type3A_2367 = arith.extui %eq3A_2366 : vector<128x128xi1> to vector<128x128xi32>
    %convert_element_type3A_2368 = arith.sitofp %convert_element_type3A_2367 : vector<128x128xi32> to vector<128x128xf32>
    %shift_right_logical3A_2369 = arith.constant 7 : i32
    %shift_right_logical3A_2370 = vector.broadcast %shift_right_logical3A_2369 : i32 to vector<128x1xi32>
    %shift_right_logical3A_2371 = arith.shrui %slice3A_2360, %shift_right_logical3A_2370 : vector<128x1xi32>
    %eq3A_2372 = vector.broadcast %shift_right_logical3A_2371 : vector<128x1xi32> to vector<128x128xi32>
    %eq3A_2373 = vector.broadcast %iota3A : vector<1x128xi32> to vector<128x128xi32>
    %eq3A_2374 = arith.cmpi eq, %eq3A_2372, %eq3A_2373 : vector<128x128xi32>
    %convert_element_type3A_2375 = arith.extui %eq3A_2374 : vector<128x128xi1> to vector<128x128xi32>
    %convert_element_type3A_2376 = arith.sitofp %convert_element_type3A_2375 : vector<128x128xi32> to vector<128x128xf32>
    %dot_general3A_2377 = arith.constant dense<0.000000e+00> : vector<128x128xf32>
    %dot_general3A_2378 = tpu.matmul %convert_element_type3A_2376, %convert_element_type3A_2368, %dot_general3A_2377 {dimension_numbers = #tpu.dot_dimension_numbers<[0], [0], [1], [1], [0, 1, 1, 1], [], []>, transpose_lhs_hint = false} : vector<128x128xf32>, vector<128x128xf32>, vector<128x128xf32> -> vector<128x128xf32>
    %add3A_2379 = arith.addf %add3A_2359, %dot_general3A_2378 : vector<128x128xf32>
    %slice3A_2380 = vector.extract_strided_slice %get3A_3 {offsets = [0, 119], sizes = [128, 1], strides = [1, 1]} : vector<128x128xi32> to vector<128x1xi32>
    %and3A_2381 = arith.constant 127 : i32
    %and3A_2382 = vector.broadcast %and3A_2381 : i32 to vector<128x1xi32>
    %and3A_2383 = arith.andi %slice3A_2380, %and3A_2382 : vector<128x1xi32>
    %eq3A_2384 = vector.broadcast %and3A_2383 : vector<128x1xi32> to vector<128x128xi32>
    %eq3A_2385 = vector.broadcast %iota3A : vector<1x128xi32> to vector<128x128xi32>
    %eq3A_2386 = arith.cmpi eq, %eq3A_2384, %eq3A_2385 : vector<128x128xi32>
    %convert_element_type3A_2387 = arith.extui %eq3A_2386 : vector<128x128xi1> to vector<128x128xi32>
    %convert_element_type3A_2388 = arith.sitofp %convert_element_type3A_2387 : vector<128x128xi32> to vector<128x128xf32>
    %shift_right_logical3A_2389 = arith.constant 7 : i32
    %shift_right_logical3A_2390 = vector.broadcast %shift_right_logical3A_2389 : i32 to vector<128x1xi32>
    %shift_right_logical3A_2391 = arith.shrui %slice3A_2380, %shift_right_logical3A_2390 : vector<128x1xi32>
    %eq3A_2392 = vector.broadcast %shift_right_logical3A_2391 : vector<128x1xi32> to vector<128x128xi32>
    %eq3A_2393 = vector.broadcast %iota3A : vector<1x128xi32> to vector<128x128xi32>
    %eq3A_2394 = arith.cmpi eq, %eq3A_2392, %eq3A_2393 : vector<128x128xi32>
    %convert_element_type3A_2395 = arith.extui %eq3A_2394 : vector<128x128xi1> to vector<128x128xi32>
    %convert_element_type3A_2396 = arith.sitofp %convert_element_type3A_2395 : vector<128x128xi32> to vector<128x128xf32>
    %dot_general3A_2397 = arith.constant dense<0.000000e+00> : vector<128x128xf32>
    %dot_general3A_2398 = tpu.matmul %convert_element_type3A_2396, %convert_element_type3A_2388, %dot_general3A_2397 {dimension_numbers = #tpu.dot_dimension_numbers<[0], [0], [1], [1], [0, 1, 1, 1], [], []>, transpose_lhs_hint = false} : vector<128x128xf32>, vector<128x128xf32>, vector<128x128xf32> -> vector<128x128xf32>
    %add3A_2399 = arith.addf %add3A_2379, %dot_general3A_2398 : vector<128x128xf32>
    %slice3A_2400 = vector.extract_strided_slice %get3A_3 {offsets = [0, 120], sizes = [128, 1], strides = [1, 1]} : vector<128x128xi32> to vector<128x1xi32>
    %and3A_2401 = arith.constant 127 : i32
    %and3A_2402 = vector.broadcast %and3A_2401 : i32 to vector<128x1xi32>
    %and3A_2403 = arith.andi %slice3A_2400, %and3A_2402 : vector<128x1xi32>
    %eq3A_2404 = vector.broadcast %and3A_2403 : vector<128x1xi32> to vector<128x128xi32>
    %eq3A_2405 = vector.broadcast %iota3A : vector<1x128xi32> to vector<128x128xi32>
    %eq3A_2406 = arith.cmpi eq, %eq3A_2404, %eq3A_2405 : vector<128x128xi32>
    %convert_element_type3A_2407 = arith.extui %eq3A_2406 : vector<128x128xi1> to vector<128x128xi32>
    %convert_element_type3A_2408 = arith.sitofp %convert_element_type3A_2407 : vector<128x128xi32> to vector<128x128xf32>
    %shift_right_logical3A_2409 = arith.constant 7 : i32
    %shift_right_logical3A_2410 = vector.broadcast %shift_right_logical3A_2409 : i32 to vector<128x1xi32>
    %shift_right_logical3A_2411 = arith.shrui %slice3A_2400, %shift_right_logical3A_2410 : vector<128x1xi32>
    %eq3A_2412 = vector.broadcast %shift_right_logical3A_2411 : vector<128x1xi32> to vector<128x128xi32>
    %eq3A_2413 = vector.broadcast %iota3A : vector<1x128xi32> to vector<128x128xi32>
    %eq3A_2414 = arith.cmpi eq, %eq3A_2412, %eq3A_2413 : vector<128x128xi32>
    %convert_element_type3A_2415 = arith.extui %eq3A_2414 : vector<128x128xi1> to vector<128x128xi32>
    %convert_element_type3A_2416 = arith.sitofp %convert_element_type3A_2415 : vector<128x128xi32> to vector<128x128xf32>
    %dot_general3A_2417 = arith.constant dense<0.000000e+00> : vector<128x128xf32>
    %dot_general3A_2418 = tpu.matmul %convert_element_type3A_2416, %convert_element_type3A_2408, %dot_general3A_2417 {dimension_numbers = #tpu.dot_dimension_numbers<[0], [0], [1], [1], [0, 1, 1, 1], [], []>, transpose_lhs_hint = false} : vector<128x128xf32>, vector<128x128xf32>, vector<128x128xf32> -> vector<128x128xf32>
    %add3A_2419 = arith.addf %add3A_2399, %dot_general3A_2418 : vector<128x128xf32>
    %slice3A_2420 = vector.extract_strided_slice %get3A_3 {offsets = [0, 121], sizes = [128, 1], strides = [1, 1]} : vector<128x128xi32> to vector<128x1xi32>
    %and3A_2421 = arith.constant 127 : i32
    %and3A_2422 = vector.broadcast %and3A_2421 : i32 to vector<128x1xi32>
    %and3A_2423 = arith.andi %slice3A_2420, %and3A_2422 : vector<128x1xi32>
    %eq3A_2424 = vector.broadcast %and3A_2423 : vector<128x1xi32> to vector<128x128xi32>
    %eq3A_2425 = vector.broadcast %iota3A : vector<1x128xi32> to vector<128x128xi32>
    %eq3A_2426 = arith.cmpi eq, %eq3A_2424, %eq3A_2425 : vector<128x128xi32>
    %convert_element_type3A_2427 = arith.extui %eq3A_2426 : vector<128x128xi1> to vector<128x128xi32>
    %convert_element_type3A_2428 = arith.sitofp %convert_element_type3A_2427 : vector<128x128xi32> to vector<128x128xf32>
    %shift_right_logical3A_2429 = arith.constant 7 : i32
    %shift_right_logical3A_2430 = vector.broadcast %shift_right_logical3A_2429 : i32 to vector<128x1xi32>
    %shift_right_logical3A_2431 = arith.shrui %slice3A_2420, %shift_right_logical3A_2430 : vector<128x1xi32>
    %eq3A_2432 = vector.broadcast %shift_right_logical3A_2431 : vector<128x1xi32> to vector<128x128xi32>
    %eq3A_2433 = vector.broadcast %iota3A : vector<1x128xi32> to vector<128x128xi32>
    %eq3A_2434 = arith.cmpi eq, %eq3A_2432, %eq3A_2433 : vector<128x128xi32>
    %convert_element_type3A_2435 = arith.extui %eq3A_2434 : vector<128x128xi1> to vector<128x128xi32>
    %convert_element_type3A_2436 = arith.sitofp %convert_element_type3A_2435 : vector<128x128xi32> to vector<128x128xf32>
    %dot_general3A_2437 = arith.constant dense<0.000000e+00> : vector<128x128xf32>
    %dot_general3A_2438 = tpu.matmul %convert_element_type3A_2436, %convert_element_type3A_2428, %dot_general3A_2437 {dimension_numbers = #tpu.dot_dimension_numbers<[0], [0], [1], [1], [0, 1, 1, 1], [], []>, transpose_lhs_hint = false} : vector<128x128xf32>, vector<128x128xf32>, vector<128x128xf32> -> vector<128x128xf32>
    %add3A_2439 = arith.addf %add3A_2419, %dot_general3A_2438 : vector<128x128xf32>
    %slice3A_2440 = vector.extract_strided_slice %get3A_3 {offsets = [0, 122], sizes = [128, 1], strides = [1, 1]} : vector<128x128xi32> to vector<128x1xi32>
    %and3A_2441 = arith.constant 127 : i32
    %and3A_2442 = vector.broadcast %and3A_2441 : i32 to vector<128x1xi32>
    %and3A_2443 = arith.andi %slice3A_2440, %and3A_2442 : vector<128x1xi32>
    %eq3A_2444 = vector.broadcast %and3A_2443 : vector<128x1xi32> to vector<128x128xi32>
    %eq3A_2445 = vector.broadcast %iota3A : vector<1x128xi32> to vector<128x128xi32>
    %eq3A_2446 = arith.cmpi eq, %eq3A_2444, %eq3A_2445 : vector<128x128xi32>
    %convert_element_type3A_2447 = arith.extui %eq3A_2446 : vector<128x128xi1> to vector<128x128xi32>
    %convert_element_type3A_2448 = arith.sitofp %convert_element_type3A_2447 : vector<128x128xi32> to vector<128x128xf32>
    %shift_right_logical3A_2449 = arith.constant 7 : i32
    %shift_right_logical3A_2450 = vector.broadcast %shift_right_logical3A_2449 : i32 to vector<128x1xi32>
    %shift_right_logical3A_2451 = arith.shrui %slice3A_2440, %shift_right_logical3A_2450 : vector<128x1xi32>
    %eq3A_2452 = vector.broadcast %shift_right_logical3A_2451 : vector<128x1xi32> to vector<128x128xi32>
    %eq3A_2453 = vector.broadcast %iota3A : vector<1x128xi32> to vector<128x128xi32>
    %eq3A_2454 = arith.cmpi eq, %eq3A_2452, %eq3A_2453 : vector<128x128xi32>
    %convert_element_type3A_2455 = arith.extui %eq3A_2454 : vector<128x128xi1> to vector<128x128xi32>
    %convert_element_type3A_2456 = arith.sitofp %convert_element_type3A_2455 : vector<128x128xi32> to vector<128x128xf32>
    %dot_general3A_2457 = arith.constant dense<0.000000e+00> : vector<128x128xf32>
    %dot_general3A_2458 = tpu.matmul %convert_element_type3A_2456, %convert_element_type3A_2448, %dot_general3A_2457 {dimension_numbers = #tpu.dot_dimension_numbers<[0], [0], [1], [1], [0, 1, 1, 1], [], []>, transpose_lhs_hint = false} : vector<128x128xf32>, vector<128x128xf32>, vector<128x128xf32> -> vector<128x128xf32>
    %add3A_2459 = arith.addf %add3A_2439, %dot_general3A_2458 : vector<128x128xf32>
    %slice3A_2460 = vector.extract_strided_slice %get3A_3 {offsets = [0, 123], sizes = [128, 1], strides = [1, 1]} : vector<128x128xi32> to vector<128x1xi32>
    %and3A_2461 = arith.constant 127 : i32
    %and3A_2462 = vector.broadcast %and3A_2461 : i32 to vector<128x1xi32>
    %and3A_2463 = arith.andi %slice3A_2460, %and3A_2462 : vector<128x1xi32>
    %eq3A_2464 = vector.broadcast %and3A_2463 : vector<128x1xi32> to vector<128x128xi32>
    %eq3A_2465 = vector.broadcast %iota3A : vector<1x128xi32> to vector<128x128xi32>
    %eq3A_2466 = arith.cmpi eq, %eq3A_2464, %eq3A_2465 : vector<128x128xi32>
    %convert_element_type3A_2467 = arith.extui %eq3A_2466 : vector<128x128xi1> to vector<128x128xi32>
    %convert_element_type3A_2468 = arith.sitofp %convert_element_type3A_2467 : vector<128x128xi32> to vector<128x128xf32>
    %shift_right_logical3A_2469 = arith.constant 7 : i32
    %shift_right_logical3A_2470 = vector.broadcast %shift_right_logical3A_2469 : i32 to vector<128x1xi32>
    %shift_right_logical3A_2471 = arith.shrui %slice3A_2460, %shift_right_logical3A_2470 : vector<128x1xi32>
    %eq3A_2472 = vector.broadcast %shift_right_logical3A_2471 : vector<128x1xi32> to vector<128x128xi32>
    %eq3A_2473 = vector.broadcast %iota3A : vector<1x128xi32> to vector<128x128xi32>
    %eq3A_2474 = arith.cmpi eq, %eq3A_2472, %eq3A_2473 : vector<128x128xi32>
    %convert_element_type3A_2475 = arith.extui %eq3A_2474 : vector<128x128xi1> to vector<128x128xi32>
    %convert_element_type3A_2476 = arith.sitofp %convert_element_type3A_2475 : vector<128x128xi32> to vector<128x128xf32>
    %dot_general3A_2477 = arith.constant dense<0.000000e+00> : vector<128x128xf32>
    %dot_general3A_2478 = tpu.matmul %convert_element_type3A_2476, %convert_element_type3A_2468, %dot_general3A_2477 {dimension_numbers = #tpu.dot_dimension_numbers<[0], [0], [1], [1], [0, 1, 1, 1], [], []>, transpose_lhs_hint = false} : vector<128x128xf32>, vector<128x128xf32>, vector<128x128xf32> -> vector<128x128xf32>
    %add3A_2479 = arith.addf %add3A_2459, %dot_general3A_2478 : vector<128x128xf32>
    %slice3A_2480 = vector.extract_strided_slice %get3A_3 {offsets = [0, 124], sizes = [128, 1], strides = [1, 1]} : vector<128x128xi32> to vector<128x1xi32>
    %and3A_2481 = arith.constant 127 : i32
    %and3A_2482 = vector.broadcast %and3A_2481 : i32 to vector<128x1xi32>
    %and3A_2483 = arith.andi %slice3A_2480, %and3A_2482 : vector<128x1xi32>
    %eq3A_2484 = vector.broadcast %and3A_2483 : vector<128x1xi32> to vector<128x128xi32>
    %eq3A_2485 = vector.broadcast %iota3A : vector<1x128xi32> to vector<128x128xi32>
    %eq3A_2486 = arith.cmpi eq, %eq3A_2484, %eq3A_2485 : vector<128x128xi32>
    %convert_element_type3A_2487 = arith.extui %eq3A_2486 : vector<128x128xi1> to vector<128x128xi32>
    %convert_element_type3A_2488 = arith.sitofp %convert_element_type3A_2487 : vector<128x128xi32> to vector<128x128xf32>
    %shift_right_logical3A_2489 = arith.constant 7 : i32
    %shift_right_logical3A_2490 = vector.broadcast %shift_right_logical3A_2489 : i32 to vector<128x1xi32>
    %shift_right_logical3A_2491 = arith.shrui %slice3A_2480, %shift_right_logical3A_2490 : vector<128x1xi32>
    %eq3A_2492 = vector.broadcast %shift_right_logical3A_2491 : vector<128x1xi32> to vector<128x128xi32>
    %eq3A_2493 = vector.broadcast %iota3A : vector<1x128xi32> to vector<128x128xi32>
    %eq3A_2494 = arith.cmpi eq, %eq3A_2492, %eq3A_2493 : vector<128x128xi32>
    %convert_element_type3A_2495 = arith.extui %eq3A_2494 : vector<128x128xi1> to vector<128x128xi32>
    %convert_element_type3A_2496 = arith.sitofp %convert_element_type3A_2495 : vector<128x128xi32> to vector<128x128xf32>
    %dot_general3A_2497 = arith.constant dense<0.000000e+00> : vector<128x128xf32>
    %dot_general3A_2498 = tpu.matmul %convert_element_type3A_2496, %convert_element_type3A_2488, %dot_general3A_2497 {dimension_numbers = #tpu.dot_dimension_numbers<[0], [0], [1], [1], [0, 1, 1, 1], [], []>, transpose_lhs_hint = false} : vector<128x128xf32>, vector<128x128xf32>, vector<128x128xf32> -> vector<128x128xf32>
    %add3A_2499 = arith.addf %add3A_2479, %dot_general3A_2498 : vector<128x128xf32>
    %slice3A_2500 = vector.extract_strided_slice %get3A_3 {offsets = [0, 125], sizes = [128, 1], strides = [1, 1]} : vector<128x128xi32> to vector<128x1xi32>
    %and3A_2501 = arith.constant 127 : i32
    %and3A_2502 = vector.broadcast %and3A_2501 : i32 to vector<128x1xi32>
    %and3A_2503 = arith.andi %slice3A_2500, %and3A_2502 : vector<128x1xi32>
    %eq3A_2504 = vector.broadcast %and3A_2503 : vector<128x1xi32> to vector<128x128xi32>
    %eq3A_2505 = vector.broadcast %iota3A : vector<1x128xi32> to vector<128x128xi32>
    %eq3A_2506 = arith.cmpi eq, %eq3A_2504, %eq3A_2505 : vector<128x128xi32>
    %convert_element_type3A_2507 = arith.extui %eq3A_2506 : vector<128x128xi1> to vector<128x128xi32>
    %convert_element_type3A_2508 = arith.sitofp %convert_element_type3A_2507 : vector<128x128xi32> to vector<128x128xf32>
    %shift_right_logical3A_2509 = arith.constant 7 : i32
    %shift_right_logical3A_2510 = vector.broadcast %shift_right_logical3A_2509 : i32 to vector<128x1xi32>
    %shift_right_logical3A_2511 = arith.shrui %slice3A_2500, %shift_right_logical3A_2510 : vector<128x1xi32>
    %eq3A_2512 = vector.broadcast %shift_right_logical3A_2511 : vector<128x1xi32> to vector<128x128xi32>
    %eq3A_2513 = vector.broadcast %iota3A : vector<1x128xi32> to vector<128x128xi32>
    %eq3A_2514 = arith.cmpi eq, %eq3A_2512, %eq3A_2513 : vector<128x128xi32>
    %convert_element_type3A_2515 = arith.extui %eq3A_2514 : vector<128x128xi1> to vector<128x128xi32>
    %convert_element_type3A_2516 = arith.sitofp %convert_element_type3A_2515 : vector<128x128xi32> to vector<128x128xf32>
    %dot_general3A_2517 = arith.constant dense<0.000000e+00> : vector<128x128xf32>
    %dot_general3A_2518 = tpu.matmul %convert_element_type3A_2516, %convert_element_type3A_2508, %dot_general3A_2517 {dimension_numbers = #tpu.dot_dimension_numbers<[0], [0], [1], [1], [0, 1, 1, 1], [], []>, transpose_lhs_hint = false} : vector<128x128xf32>, vector<128x128xf32>, vector<128x128xf32> -> vector<128x128xf32>
    %add3A_2519 = arith.addf %add3A_2499, %dot_general3A_2518 : vector<128x128xf32>
    %slice3A_2520 = vector.extract_strided_slice %get3A_3 {offsets = [0, 126], sizes = [128, 1], strides = [1, 1]} : vector<128x128xi32> to vector<128x1xi32>
    %and3A_2521 = arith.constant 127 : i32
    %and3A_2522 = vector.broadcast %and3A_2521 : i32 to vector<128x1xi32>
    %and3A_2523 = arith.andi %slice3A_2520, %and3A_2522 : vector<128x1xi32>
    %eq3A_2524 = vector.broadcast %and3A_2523 : vector<128x1xi32> to vector<128x128xi32>
    %eq3A_2525 = vector.broadcast %iota3A : vector<1x128xi32> to vector<128x128xi32>
    %eq3A_2526 = arith.cmpi eq, %eq3A_2524, %eq3A_2525 : vector<128x128xi32>
    %convert_element_type3A_2527 = arith.extui %eq3A_2526 : vector<128x128xi1> to vector<128x128xi32>
    %convert_element_type3A_2528 = arith.sitofp %convert_element_type3A_2527 : vector<128x128xi32> to vector<128x128xf32>
    %shift_right_logical3A_2529 = arith.constant 7 : i32
    %shift_right_logical3A_2530 = vector.broadcast %shift_right_logical3A_2529 : i32 to vector<128x1xi32>
    %shift_right_logical3A_2531 = arith.shrui %slice3A_2520, %shift_right_logical3A_2530 : vector<128x1xi32>
    %eq3A_2532 = vector.broadcast %shift_right_logical3A_2531 : vector<128x1xi32> to vector<128x128xi32>
    %eq3A_2533 = vector.broadcast %iota3A : vector<1x128xi32> to vector<128x128xi32>
    %eq3A_2534 = arith.cmpi eq, %eq3A_2532, %eq3A_2533 : vector<128x128xi32>
    %convert_element_type3A_2535 = arith.extui %eq3A_2534 : vector<128x128xi1> to vector<128x128xi32>
    %convert_element_type3A_2536 = arith.sitofp %convert_element_type3A_2535 : vector<128x128xi32> to vector<128x128xf32>
    %dot_general3A_2537 = arith.constant dense<0.000000e+00> : vector<128x128xf32>
    %dot_general3A_2538 = tpu.matmul %convert_element_type3A_2536, %convert_element_type3A_2528, %dot_general3A_2537 {dimension_numbers = #tpu.dot_dimension_numbers<[0], [0], [1], [1], [0, 1, 1, 1], [], []>, transpose_lhs_hint = false} : vector<128x128xf32>, vector<128x128xf32>, vector<128x128xf32> -> vector<128x128xf32>
    %add3A_2539 = arith.addf %add3A_2519, %dot_general3A_2538 : vector<128x128xf32>
    %slice3A_2540 = vector.extract_strided_slice %get3A_3 {offsets = [0, 127], sizes = [128, 1], strides = [1, 1]} : vector<128x128xi32> to vector<128x1xi32>
    %and3A_2541 = arith.constant 127 : i32
    %and3A_2542 = vector.broadcast %and3A_2541 : i32 to vector<128x1xi32>
    %and3A_2543 = arith.andi %slice3A_2540, %and3A_2542 : vector<128x1xi32>
    %eq3A_2544 = vector.broadcast %and3A_2543 : vector<128x1xi32> to vector<128x128xi32>
    %eq3A_2545 = vector.broadcast %iota3A : vector<1x128xi32> to vector<128x128xi32>
    %eq3A_2546 = arith.cmpi eq, %eq3A_2544, %eq3A_2545 : vector<128x128xi32>
    %convert_element_type3A_2547 = arith.extui %eq3A_2546 : vector<128x128xi1> to vector<128x128xi32>
    %convert_element_type3A_2548 = arith.sitofp %convert_element_type3A_2547 : vector<128x128xi32> to vector<128x128xf32>
    %shift_right_logical3A_2549 = arith.constant 7 : i32
    %shift_right_logical3A_2550 = vector.broadcast %shift_right_logical3A_2549 : i32 to vector<128x1xi32>
    %shift_right_logical3A_2551 = arith.shrui %slice3A_2540, %shift_right_logical3A_2550 : vector<128x1xi32>
    %eq3A_2552 = vector.broadcast %shift_right_logical3A_2551 : vector<128x1xi32> to vector<128x128xi32>
    %eq3A_2553 = vector.broadcast %iota3A : vector<1x128xi32> to vector<128x128xi32>
    %eq3A_2554 = arith.cmpi eq, %eq3A_2552, %eq3A_2553 : vector<128x128xi32>
    %convert_element_type3A_2555 = arith.extui %eq3A_2554 : vector<128x128xi1> to vector<128x128xi32>
    %convert_element_type3A_2556 = arith.sitofp %convert_element_type3A_2555 : vector<128x128xi32> to vector<128x128xf32>
    %dot_general3A_2557 = arith.constant dense<0.000000e+00> : vector<128x128xf32>
    %dot_general3A_2558 = tpu.matmul %convert_element_type3A_2556, %convert_element_type3A_2548, %dot_general3A_2557 {dimension_numbers = #tpu.dot_dimension_numbers<[0], [0], [1], [1], [0, 1, 1, 1], [], []>, transpose_lhs_hint = false} : vector<128x128xf32>, vector<128x128xf32>, vector<128x128xf32> -> vector<128x128xf32>
    %add3A_2559 = arith.addf %add3A_2539, %dot_general3A_2558 : vector<128x128xf32>
    %get3A_2560 = arith.constant 0 : index
    %get3A_2561 = arith.constant 0 : index
    %get3A_2562 = vector.load %arg2[%get3A_2560, %get3A_2561] : memref<128x128xf32, #tpu.memory_space<vmem>>, vector<128x128xf32>
    %add3A_2563 = arith.addf %get3A_2562, %add3A_2559 : vector<128x128xf32>
    %swap3A = arith.constant 0 : index
    %swap3A_2564 = arith.constant 0 : index
    %swap3A_2565 = vector.load %arg2[%swap3A, %swap3A_2564] : memref<128x128xf32, #tpu.memory_space<vmem>>, vector<128x128xf32>
    tpu.vector_store %arg2[%swap3A, %swap3A_2564], %add3A_2563 {strides = array<i32>} : memref<128x128xf32, #tpu.memory_space<vmem>>, vector<128x128xf32>,
    return
  }
  func.func @transform_0(%arg0: i32) -> (i32, i32) {
    %c0_i32 = arith.constant 0 : i32
    %c0_i32_0 = arith.constant 0 : i32
    return %c0_i32, %arg0 : i32, i32
  }
  func.func @transform_1(%arg0: i32) -> (i32, i32) {
    %c0_i32 = arith.constant 0 : i32
    %c0_i32_0 = arith.constant 0 : i32
    %c0_i32_1 = arith.constant 0 : i32
    return %c0_i32, %c0_i32_0 : i32, i32
  }
}

module attributes {stable_mosaic.version = 14 : i64} {
  func.func @_tc_body(%arg0: i32, %arg1: memref<1000x128xf32, #tpu.memory_space<vmem>>, %arg2: memref<1000x128xf32, #tpu.memory_space<vmem>>, %arg3: memref<1000x1xf32, #tpu.memory_space<vmem>>, %arg4: memref<1000x256xf32, #tpu.memory_space<vmem>>, %arg5: memref<128x256xf32, #tpu.memory_space<vmem>>, %arg6: memref<128x256xf32, #tpu.memory_space<vmem>>, %arg7: memref<256x256xf32, #tpu.memory_space<vmem>>, %arg8: memref<1x256xf32, #tpu.memory_space<vmem>>, %arg9: memref<1000x256xf32, #tpu.memory_space<vmem>>) attributes {dimension_semantics = [#tpu.dimension_semantics<arbitrary>], iteration_bounds = array<i64: 10>, scalar_prefetch = 0 : i64, scratch_operands = 0 : i64, tpu.core_type = #tpu.core_type<tc>, window_params = [{transform_indices = @transform_0, window_bounds = array<i64: 1000, 128>}, {transform_indices = @transform_1, window_bounds = array<i64: 1000, 128>}, {transform_indices = @transform_2, window_bounds = array<i64: 1000, 1>}, {transform_indices = @transform_3, window_bounds = array<i64: 1000, 256>}, {pipeline_mode = #tpu.pipeline_mode<synchronous>, transform_indices = @transform_4, window_bounds = array<i64: 128, 256>}, {pipeline_mode = #tpu.pipeline_mode<synchronous>, transform_indices = @transform_5, window_bounds = array<i64: 128, 256>}, {pipeline_mode = #tpu.pipeline_mode<synchronous>, transform_indices = @transform_6, window_bounds = array<i64: 256, 256>}, {pipeline_mode = #tpu.pipeline_mode<synchronous>, transform_indices = @transform_7, window_bounds = array<i64: 1, 256>}, {transform_indices = @transform_8, window_bounds = array<i64: 1000, 256>}]} {
    %get3A = arith.constant 0 : index
    %get3A_0 = arith.constant 0 : index
    %get3A_1 = vector.load %arg3[%get3A, %get3A_0] : memref<1000x1xf32, #tpu.memory_space<vmem>>, vector<1000x1xf32>
    %max3A = arith.constant 1.000000e+00 : f32
    %max3A_2 = vector.broadcast %max3A : f32 to vector<1000x1xf32>
    %max3A_3 = arith.maximumf %get3A_1, %max3A_2 : vector<1000x1xf32>
    %get3A_4 = arith.constant 0 : index
    %get3A_5 = arith.constant 0 : index
    %get3A_6 = vector.load %arg1[%get3A_4, %get3A_5] : memref<1000x128xf32, #tpu.memory_space<vmem>>, vector<1000x128xf32>
    %div3A = vector.broadcast %max3A_3 : vector<1000x1xf32> to vector<1000x128xf32>
    %div3A_7 = arith.divf %get3A_6, %div3A : vector<1000x128xf32>
    %get3A_8 = arith.constant 0 : index
    %get3A_9 = arith.constant 0 : index
    %get3A_10 = vector.load %arg2[%get3A_8, %get3A_9] : memref<1000x128xf32, #tpu.memory_space<vmem>>, vector<1000x128xf32>
    %div3A_11 = vector.broadcast %max3A_3 : vector<1000x1xf32> to vector<1000x128xf32>
    %div3A_12 = arith.divf %get3A_10, %div3A_11 : vector<1000x128xf32>
    %get3A_13 = arith.constant 0 : index
    %get3A_14 = arith.constant 0 : index
    %get3A_15 = vector.load %arg5[%get3A_13, %get3A_14] : memref<128x256xf32, #tpu.memory_space<vmem>>, vector<128x256xf32>
    %dot_general3A = arith.constant dense<0.000000e+00> : vector<1000x256xf32>
    %dot_general3A_16 = tpu.matmul %div3A_7, %get3A_15, %dot_general3A {dimension_numbers = #tpu.dot_dimension_numbers<[1], [0], [0], [1], [0, 0, 1, 1], [], []>, transpose_lhs_hint = false} : vector<1000x128xf32>, vector<128x256xf32>, vector<1000x256xf32> -> vector<1000x256xf32>
    %get3A_17 = arith.constant 0 : index
    %get3A_18 = arith.constant 0 : index
    %get3A_19 = vector.load %arg6[%get3A_17, %get3A_18] : memref<128x256xf32, #tpu.memory_space<vmem>>, vector<128x256xf32>
    %dot_general3A_20 = arith.constant dense<0.000000e+00> : vector<1000x256xf32>
    %dot_general3A_21 = tpu.matmul %div3A_12, %get3A_19, %dot_general3A_20 {dimension_numbers = #tpu.dot_dimension_numbers<[1], [0], [0], [1], [0, 0, 1, 1], [], []>, transpose_lhs_hint = false} : vector<1000x128xf32>, vector<128x256xf32>, vector<1000x256xf32> -> vector<1000x256xf32>
    %add3A = arith.addf %dot_general3A_16, %dot_general3A_21 : vector<1000x256xf32>
    %get3A_22 = arith.constant 0 : index
    %get3A_23 = arith.constant 0 : index
    %get3A_24 = vector.load %arg4[%get3A_22, %get3A_23] : memref<1000x256xf32, #tpu.memory_space<vmem>>, vector<1000x256xf32>
    %get3A_25 = arith.constant 0 : index
    %get3A_26 = arith.constant 0 : index
    %get3A_27 = vector.load %arg7[%get3A_25, %get3A_26] : memref<256x256xf32, #tpu.memory_space<vmem>>, vector<256x256xf32>
    %dot_general3A_28 = arith.constant dense<0.000000e+00> : vector<1000x256xf32>
    %dot_general3A_29 = tpu.matmul %get3A_24, %get3A_27, %dot_general3A_28 {dimension_numbers = #tpu.dot_dimension_numbers<[1], [0], [0], [1], [0, 0, 1, 1], [], []>, transpose_lhs_hint = false} : vector<1000x256xf32>, vector<256x256xf32>, vector<1000x256xf32> -> vector<1000x256xf32>
    %add3A_30 = arith.addf %add3A, %dot_general3A_29 : vector<1000x256xf32>
    %get3A_31 = arith.constant 0 : index
    %get3A_32 = arith.constant 0 : index
    %get3A_33 = vector.load %arg8[%get3A_31, %get3A_32] : memref<1x256xf32, #tpu.memory_space<vmem>>, vector<1x256xf32>
    %add3A_34 = vector.broadcast %get3A_33 : vector<1x256xf32> to vector<1000x256xf32>
    %add3A_35 = arith.addf %add3A_30, %add3A_34 : vector<1000x256xf32>
    %max3A_36 = arith.constant 0.000000e+00 : f32
    %max3A_37 = vector.broadcast %max3A_36 : f32 to vector<1000x256xf32>
    %max3A_38 = arith.maximumf %add3A_35, %max3A_37 : vector<1000x256xf32>
    %swap3A = arith.constant 0 : index
    %swap3A_39 = arith.constant 0 : index
    %swap3A_40 = vector.load %arg9[%swap3A, %swap3A_39] : memref<1000x256xf32, #tpu.memory_space<vmem>>, vector<1000x256xf32>
    tpu.vector_store %arg9[%swap3A, %swap3A_39], %max3A_38 {strides = array<i32>} : memref<1000x256xf32, #tpu.memory_space<vmem>>, vector<1000x256xf32>,
    return
  }
  func.func @transform_0(%arg0: i32) -> (i32, i32) {
    %c0_i32 = arith.constant 0 : i32
    %c0_i32_0 = arith.constant 0 : i32
    return %arg0, %c0_i32 : i32, i32
  }
  func.func @transform_1(%arg0: i32) -> (i32, i32) {
    %c0_i32 = arith.constant 0 : i32
    %c0_i32_0 = arith.constant 0 : i32
    return %arg0, %c0_i32 : i32, i32
  }
  func.func @transform_2(%arg0: i32) -> (i32, i32) {
    %c0_i32 = arith.constant 0 : i32
    %c0_i32_0 = arith.constant 0 : i32
    return %arg0, %c0_i32 : i32, i32
  }
  func.func @transform_3(%arg0: i32) -> (i32, i32) {
    %c0_i32 = arith.constant 0 : i32
    %c0_i32_0 = arith.constant 0 : i32
    return %arg0, %c0_i32 : i32, i32
  }
  func.func @transform_4(%arg0: i32) -> (i32, i32) {
    %c0_i32 = arith.constant 0 : i32
    %c0_i32_0 = arith.constant 0 : i32
    %c0_i32_1 = arith.constant 0 : i32
    return %c0_i32, %c0_i32_0 : i32, i32
  }
  func.func @transform_5(%arg0: i32) -> (i32, i32) {
    %c0_i32 = arith.constant 0 : i32
    %c0_i32_0 = arith.constant 0 : i32
    %c0_i32_1 = arith.constant 0 : i32
    return %c0_i32, %c0_i32_0 : i32, i32
  }
  func.func @transform_6(%arg0: i32) -> (i32, i32) {
    %c0_i32 = arith.constant 0 : i32
    %c0_i32_0 = arith.constant 0 : i32
    %c0_i32_1 = arith.constant 0 : i32
    return %c0_i32, %c0_i32_0 : i32, i32
  }
  func.func @transform_7(%arg0: i32) -> (i32, i32) {
    %c0_i32 = arith.constant 0 : i32
    %c0_i32_0 = arith.constant 0 : i32
    %c0_i32_1 = arith.constant 0 : i32
    return %c0_i32, %c0_i32_0 : i32, i32
  }
  func.func @transform_8(%arg0: i32) -> (i32, i32) {
    %c0_i32 = arith.constant 0 : i32
    %c0_i32_0 = arith.constant 0 : i32
    return %arg0, %c0_i32 : i32, i32
  }
}

</mosaic_0001>

<sc_bundles>
// kernel: kernel.5.cloned.1.call-start
scs
__scs_entry_jumppad:
0x0: {  	(pc) =	sbr.rel $0x88, $3  }
0x1: {  	(tag) =	ssettag $0x0;
	lr =	simm.s32 $0x1  }
0x2: {  	[smem:$0x3F9C] =	sst lr;
	_ =	strace $0xD0000000  }
0x3: {  	_ = 	snop  }
0x4: {  	_ = 	snop  }
0x5: {  	_ = 	snop  }
0x6: {  	_ = 	snop  }
0x7: {  	_ = 	snop  }
__scs_overlays_trampoline_lowered:
0x8: {  	[smem:$0x3FAB] =	sst s0  }
0x9: {  	[smem:$0x3FAC] =	sst s1  }
0xa: {  	[smem:$0x3FAD] =	sst s2  }
0xb: {  	[smem:$0x3FAE] =	sst s3  }
0xc: {  	[smem:$0x3FAF] =	sst s4  }
0xd: {  	[smem:$0x3FB0] =	sst s5  }
0xe: {  	[smem:$0x3FB1] =	sst s6  }
0xf: {  	[smem:$0x3FB2] =	sst s7  }
0x10: {  	[smem:$0x3FB3] =	sst s8  }
0x11: {  	[smem:$0x3FB4] =	sst s9;
	s0 =	simm.s32 @!p0 $0x0  }
0x12: {  	s1 =	sld [smem:$0x3F9A];
	s0 =	simm.s32 @p0 $0x1  }
0x13: {  	[smem:$0x3FB5] =	sst s0;
	s0 =	simm.s32 @!p1 $0x0  }
0x14: {  	s2 =	sld [smem:$0x3F99];
	s0 =	simm.s32 @p1 $0x1  }
0x15: {  	[smem:$0x3FB6] =	sst s0;
	s0 =	simm.s32 @!p2 $0x0  }
0x16: {  	s3 =	sld [smem:$0x3FDB];
	s0 =	simm.s32 @p2 $0x1  }
0x17: {  	s4 =	simm.s32 $0x1BF5;
	[smem:$0x3FB8] =	sst s0  }
0x18: {  	s0 =	sld [smem:$0x3F9B];
	_ =	swait.ge [sflag:s4], $0x0  }
0x19: {  	s7 =	sld [smem:$0x3F9C]  }
0x1a: {  	s8 =	sadd.s32 $0xFFFFE003, lr  }
0x1b: {  	s9 =	sadd.s32 $0xFFFFFEF7, lr;
	s5 =	simm.s32 $0xFFFFFFFF;
	p2 =	slt.u32 s8, $0xFFFFF086  }
0x1c: {  	p1 =	slt.u32 s9, $0xF7A;
	s5 =	simm.s32 @!p2 $0x0  }
0x1d: {  	s5 =	simm.s32 @p1 $0x1;
	p0 =	seq.s32 s7, s2  }
0x1e: {  	s7 =	smul.u32 @!p0 $0xF7A, s2;
	p2 =	seq.s32 @!p0 s5, $0x0  }
0x1f: {  	s9 =	smul.u32 $0xF7A, s1;
	s8 =	simm.s32 @!p0 $0x1BF5;
	p2 =	por !p2, p0  }
0x20: {  	[sflag:s8] =	ssyncset.s32 @!p0 $0xFFFFF086;
	s6 =	sadd.s32 @!p0 s3, s7;
	s7 =	simm.s32 @!p0 $0x108  }
0x21: {  	s3 =	sadd.s32 s3, s9;
	s6 =	sadd.s32 @!p0 $0x88, s6;
	s7 =	simm.s32 @p2 $0x1082  }
0x22: {  	[simem:s7], [sflag:s8] =	dma.local @!p0 [hbm:s6], $0xF7A  }
0x23: {  	s9 =	sor.u32 $0xD0000000, s2;
	s6 =	simm.s32 $0x108;
	_ =	swait.ge @!p0 [sflag:s8], $0x0  }
0x24: {  	s3 =	sadd.s32 $0x88, s3;
	s6 =	simm.s32 @!p1 $0x1082;
	[sflag:s4] =	ssyncset.s32 $0xFFFFF086  }
0x25: {  	[simem:s6], [sflag:s4] =	dma.local [hbm:s3], $0xF7A  }
0x26: {  	[smem:$0x3F9C] =	sst s1;
	(tag) =	ssettag s2;
	_ =	strace s9  }
0x27: {  	s1 =	sld [smem:$0x3FAC]  }
0x28: {  	s2 =	sld [smem:$0x3FAD]  }
0x29: {  	s4 =	sld [smem:$0x3FAF]  }
0x2a: {  	p0 =	seq.s32 s5, $0x0;
	s5 =	sld [smem:$0x3FB0]  }
0x2b: {  	s6 =	sld [smem:$0x3FB1]  }
0x2c: {  	s7 =	sld [smem:$0x3FB2]  }
0x2d: {  	s3 =	simm.s32 $0x108;
	s8 =	sld [smem:$0x3FB3]  }
0x2e: {  	s3 =	simm.s32 @!p0 $0x1082;
	s9 =	sld [smem:$0x3FB4]  }
0x2f: {  	lr =	sadd.s32 s0, s3;
	s0 =	sld [smem:$0x3FAB]  }
0x30: {  	s3 =	sld [smem:$0x3FAE]  }
0x31: {  	[smem:$0x3FB7] =	sst s10  }
0x32: {  	s10 =	sld [smem:$0x3FB5];
	_ =	sdelay $0x3  }
0x33: {  	p0 =	seq.s32 s10, $0x1;
	s10 =	sld [smem:$0x3FB7];
	_ =	sdelay $0x3  }
0x34: {  	[smem:$0x3FB7] =	sst s10  }
0x35: {  	s10 =	sld [smem:$0x3FB6];
	_ =	sdelay $0x3  }
0x36: {  	p1 =	seq.s32 s10, $0x1;
	s10 =	sld [smem:$0x3FB7];
	_ =	sdelay $0x3  }
0x37: {  	[smem:$0x3FB7] =	sst s10  }
0x38: {  	s10 =	sld [smem:$0x3FB8]  }
0x39: {  	_ = 	snop;
	(pc) =	sbr.ind lr, $3  }
0x3a: {  	_ = 	snop  }
0x3b: {  	_ = 	snop  }
0x3c: {  	p2 =	seq.s32 s10, $0x1;
	s10 =	sld [smem:$0x3FB7]  }
0x3d: {  	_ =	shalt  }
0x3e: {  	_ =	shalt  }
0x3f: {  	_ =	shalt  }
0x40: {  	_ =	shalt  }
0x41: {  	_ =	shalt  }
0x42: {  	_ =	shalt  }
0x43: {  	_ =	shalt  }
0x44: {  	_ =	shalt  }
0x45: {  	_ =	shalt  }
0x46: {  	_ =	shalt  }
0x47: {  	_ =	shalt  }
0x48: {  	_ =	shalt  }
0x49: {  	_ =	shalt  }
0x4a: {  	_ =	shalt  }
0x4b: {  	_ =	shalt  }
0x4c: {  	_ =	shalt  }
0x4d: {  	_ =	shalt  }
0x4e: {  	_ =	shalt  }
0x4f: {  	_ =	shalt  }
0x50: {  	_ =	shalt  }
0x51: {  	_ =	shalt  }
0x52: {  	_ =	shalt  }
0x53: {  	_ =	shalt  }
0x54: {  	_ =	shalt  }
0x55: {  	_ =	shalt  }
0x56: {  	_ =	shalt  }
0x57: {  	_ =	shalt  }
0x58: {  	_ =	shalt  }
0x59: {  	_ =	shalt  }
0x5a: {  	_ =	shalt  }
0x5b: {  	_ =	shalt  }
0x5c: {  	_ =	shalt  }
0x5d: {  	_ =	shalt  }
0x5e: {  	_ =	shalt  }
0x5f: {  	_ =	shalt  }
0x60: {  	_ =	shalt  }
0x61: {  	_ =	shalt  }
0x62: {  	_ =	shalt  }
0x63: {  	_ =	shalt  }
0x64: {  	_ =	shalt  }
0x65: {  	_ =	shalt  }
0x66: {  	_ =	shalt  }
0x67: {  	_ =	shalt  }
0x68: {  	_ =	shalt  }
0x69: {  	_ =	shalt  }
0x6a: {  	_ =	shalt  }
0x6b: {  	_ =	shalt  }
0x6c: {  	_ =	shalt  }
0x6d: {  	_ =	shalt  }
0x6e: {  	_ =	shalt  }
0x6f: {  	_ =	shalt  }
0x70: {  	_ =	shalt  }
0x71: {  	_ =	shalt  }
0x72: {  	_ =	shalt  }
0x73: {  	_ =	shalt  }
0x74: {  	_ =	shalt  }
0x75: {  	_ =	shalt  }
0x76: {  	_ =	shalt  }
0x77: {  	_ =	shalt  }
0x78: {  	_ =	shalt  }
0x79: {  	_ =	shalt  }
0x7a: {  	_ =	shalt  }
0x7b: {  	_ =	shalt  }
0x7c: {  	_ =	shalt  }
0x7d: {  	_ =	shalt  }
0x7e: {  	_ =	shalt  }
0x7f: {  	_ =	shalt  }
0x80: {  	_ =	shalt  }
0x81: {  	_ =	shalt  }
0x82: {  	_ =	shalt  }
0x83: {  	_ =	shalt  }
0x84: {  	_ =	shalt  }
0x85: {  	_ =	shalt  }
0x86: {  	_ =	shalt  }
0x87: {  	_ =	shalt  }
.Lfunc_end0:
.L_simem_size_0:
called_computation_lowered:
.L_overlay_start_0:
0x88: {  	s2 =	sld [smem:$0x3FD9]  }
0x89: {  	s3 =	sld [smem:$0x3FFE];
	_ =	sdelay $0x1  }
0x8a: {  	s1 =	srdreg.scid  }
0x8b: {  	s0 =	sand.u32 $0x1, s1  }
0x8c: {  	s17 =	sshll.u32 s0, $0xA;
	s2 =	sadd.s32 s3, s2  }
0x8d: {  	s2 =	sadd.s32 s2, s17  }
0x8e: {  	[smem:$0x3FC3] =	sst s2  }
0x8f: {  	_ = 	snop  }
0x90: {  	s2 =	sld [smem:$0x3FD0];
	(tm) =	ssettm $0x1  }
0x91: {  	s18 =	sld [smem:$0x3FFB];
	_ =	sdelay $0x3  }
0x92: {  	_ =	strace s18  }
0x93: {  	s3 =	sld [smem:$0x3FFC];
	_ =	sdelay $0x3  }
0x94: {  	_ =	strace s3  }
0x95: {  	s3 =	sld [smem:$0x3FFD];
	_ =	sdelay $0x3  }
0x96: {  	_ =	strace s3  }
0x97: {  	_ =	strace $0x8FFFFFFF  }
0x98: {  	s19 =	sld [smem:$0x3FDB];
	_ =	sdelay $0x1  }
0x99: {  	s4 =	simm.s32 $_scs_section_size  }
0x9a: {  	s5 =	simm.s32 $_size__tile_overlayer_lowered;
	s6 =	simm.s32 $_tile_overlayer_lowered  }
0x9b: {  	s22 =	simm.s32 $0x1BFF;
	s21 =	sshll.u32 s6, $0x1;
	s3 =	sadd.s32 s4, s19  }
0x9c: {  	s7 =	simm.s32 $0x0;
	s20 =	sshll.u32 s5, $0x1;
	s5 =	sadd.s32 s21, s3  }
0x9d: {  	[timem:s7], [sflag:s22] =	dma.local [hbm:s5], s20  }
0x9e: {  	_ =	swait.ge [sflag:s22], s20  }
0x9f: {  	s4 =	ssub.s32 $0x0, s20;
	[sflag:s22] =	ssyncset.done $0x0  }
0xa0: {  	[sflag:s22] =	ssyncadd.s32 s4;
	_ =	sdelay $0x1  }
0xa1: {  	s23 =	simm.s32 $0x1B8B  }
0xa2: {  	_ =	swait.ge [sflag:s23], $0x1  }
0xa3: {  	[sflag:s23] =	ssyncset.done $0x0  }
0xa4: {  	s25 =	simm.s32 $0x1B8E;
	s24 =	sld [smem:$0x3FFE];
	[sflag:s23] =	ssyncadd.s32 $0xFFFFFFFF  }
0xa5: {  	s26 =	simm.s32 $execute0_lowered;
	[smem:$0x3FD2] =	sst s25  }
0xa6: {  	s5 =	sshll.u32 s26, $0x1;
	_ =	strace $0x80000046;
	[dreg:$0x1] =	wrdreg $0xFFFFFFFF  }
0xa7: {  	s28 =	simm.s32 $_size_execute0_lowered;
	s3 =	sadd.s32 s3, s5;
	[dreg:$0x0] =	wrdreg $0x0  }
0xa8: {  	s5 =	sshll.u32 s28, $0x1;
	[dreg:$0x2] =	wrdreg s3  }
0xa9: {  	[dreg:$0x3] =	wrdreg s5  }
0xaa: {  	[dreg:$0x4] =	wrdreg $0xC0  }
0xab: {  	_ =	task [dreg:s7], $0x5FFFF  }
0xac: {  	[dreg:$0x1] =	wrdreg $0xFFFFFFFF  }
0xad: {  	[dreg:$0x0] =	wrdreg $0x60  }
0xae: {  	[dreg:$0x2] =	wrdreg s2  }
0xaf: {  	[dreg:$0x3] =	wrdreg s24  }
0xb0: {  	[dreg:$0x4] =	wrdreg $0x25000  }
0xb1: {  	[dreg:$0x5] =	wrdreg $0x9  }
0xb2: {  	_ =	task.clear_ibuf [dreg:s7], $0x6FFFF;
	_ =	strace $0x90000046  }
0xb3: {  	s29 =	simm.s32 $0x9;
	_ =	strace $0x80000048  }
0xb4: {  	_ =	swait.ge [sflag:s29], $0x1  }
0xb5: {  	[sflag:s29] =	ssyncadd.s32 $0xFFFFFFFF  }
0xb6: {  	_ =	strace $0x90000048  }
0xb7: {  	_ =	sfence  }
0xb8: {  	s30 =	sld [smem:$0x0];
	_ =	sdelay $0x2  }
0xb9: {  	s31 =	sshll.u32 s1, $0xD;
	s1 =	sshrl.u32 s1, $0x2  }
0xba: {  	s3 =	sand.u32 $0x4000, s31;
	s1 =	sadd.s32 s1, s30  }
0xbb: {  	s0 =	sor.u32 s3, s0;
	s1 =	sshll.u32 s1, $0x11  }
0xbc: {  	s0 =	sor.u32 s1, s0  }
0xbd: {  	s0 =	sadd.s32 $0x8F2B, s0  }
0xbe: {  	[sflag:s0] =	ssyncadd.remote.s32 $0x1  }
0xbf: {  	_ =	sfence.sel $0xFFFF  }
0xc0: {  	[dreg:$0x0] =	wrdreg $0xFFFFFFFF;
	(pc) =	sbr.abs _section_cstart, $3  }
0xc1: {  	[dreg:$0x1] =	wrdreg $0xFFFFFFFF  }
0xc2: {  	_ =	task.clear_ibuf [dreg:s7], $0x2FFFF;
	_ =	strace $0x9FFFFFFF  }
0xc3: {  	(tm) =	ssettm $0x7FFFFFFF  }
tec
execute0_lowered:
.L_overlay_start_1:
0x0: {  	(tag) =	ssettag $0x1  }
0x1: {  	s1 =	rddreg [dreg:$0x0]  }
0x2: {  	s0 =	rddreg [dreg:$0x1]  }
0x3: {  	s2 =	srdreg.scid;
	s10 =	stileid.u32  }
0x4: {  	s4 =	rddreg [dreg:$0x2];
	s5 =	smul.u32 $0x2780, s10  }
0x5: {  	s3 =	simm.s32 $0x0;
	s2 =	sand.u32 $0x1, s2;
	s9 =	smul.u32 $0x2800, s10  }
0x6: {  	[smem:$0x7FF] =	sst s3;
	s6 =	smul.u32 $0x27800, s2  }
0x7: {  	s25 =	smul.u32 $0x4F000, s10;
	s7 =	sadd.s32 $0xA00, s0;
	s26 =	ssub.s32 $0x2, s2  }
0x8: {  	s8 =	sshrl.u32 s26, $0x1;
	s23 =	sshrl.u32 s9, $0x3;
	s5 =	sadd.s32 s5, s6  }
0x9: {  	s6 =	sshrl.u32 s25, $0x2;
	s0 =	sadd.s32 s5, s0;
	s5 =	ssub.s32 s26, s8  }
0xa: {  	s8 =	smul.u32 $0x2710, s2;
	s4 =	sadd.s32 s6, s4;
	s2 =	sadd.s32 s7, s23  }
0xb: {  	_ =	strace $0x80000047;
	s6 =	sadd.s32 $0x800, s4;
	[dreg:$0x13] =	wrdreg s2  }
0xc: {  	s11 =	sadd.s32 $0x1000, s4;
	[dreg:$0x4] =	wrdreg s6  }
0xd: {  	s12 =	sadd.s32 $0x1800, s4;
	[dreg:$0x5] =	wrdreg s11  }
0xe: {  	s13 =	sadd.s32 $0x2000, s4;
	[dreg:$0x6] =	wrdreg s12  }
0xf: {  	s14 =	sadd.s32 $0x2800, s4;
	[dreg:$0x7] =	wrdreg s13  }
0x10: {  	s15 =	sadd.s32 $0x3000, s4;
	[dreg:$0x8] =	wrdreg s14  }
0x11: {  	s16 =	sadd.s32 $0x3800, s4;
	[dreg:$0x9] =	wrdreg s15  }
0x12: {  	s17 =	sadd.s32 $0x4000, s4;
	[dreg:$0xa] =	wrdreg s16  }
0x13: {  	s18 =	sadd.s32 $0x4800, s4;
	[dreg:$0xb] =	wrdreg s17  }
0x14: {  	s19 =	sadd.s32 $0x5000, s4;
	[dreg:$0xc] =	wrdreg s18  }
0x15: {  	s20 =	sadd.s32 $0x5800, s4;
	[dreg:$0xd] =	wrdreg s19  }
0x16: {  	s21 =	sadd.s32 $0x6000, s4;
	[dreg:$0xe] =	wrdreg s20  }
0x17: {  	s22 =	sadd.s32 $0x6800, s4;
	[dreg:$0xf] =	wrdreg s21  }
0x18: {  	s25 =	sadd.s32 $0x7000, s4;
	[dreg:$0x10] =	wrdreg s22  }
0x19: {  	s26 =	sadd.s32 $0x7800, s4;
	[dreg:$0x11] =	wrdreg s25  }
0x1a: {  	s0 =	sadd.s32 $0x5A00, s0;
	[dreg:$0x12] =	wrdreg s26  }
0x1b: {  	s9 =	sadd.s32 $0x8800, s4;
	[dreg:$0x15] =	wrdreg s0  }
0x1c: {  	s24 =	smul.u32 $0x500, s10;
	s10 =	sadd.s32 $0x9000, s4;
	[dreg:$0x17] =	wrdreg s9  }
0x1d: {  	s23 =	sadd.s32 $0xF000, s4;
	[dreg:$0x18] =	wrdreg s10  }
0x1e: {  	s6 =	sadd.s32 $0x8000, s4;
	[smem:$0x7FA] =	sst s23  }
0x1f: {  	s21 =	sadd.s32 s24, s7;
	s7 =	smax.u32 s5, $0x1;
	[dreg:$0x14] =	wrdreg s6  }
0x20: {  	s11 =	sadd.s32 $0x9800, s4;
	[dreg:$0x16] =	wrdreg s7  }
0x21: {  	s12 =	sadd.s32 $0xA000, s4;
	[dreg:$0x19] =	wrdreg s11  }
0x22: {  	s13 =	sadd.s32 $0xA800, s4;
	[dreg:$0x1a] =	wrdreg s12  }
0x23: {  	s14 =	sadd.s32 $0xB000, s4;
	[dreg:$0x1b] =	wrdreg s13  }
0x24: {  	s28 =	simm.s32 $0x1400;
	s15 =	sadd.s32 $0xB800, s4;
	[dreg:$0x1c] =	wrdreg s14  }
0x25: {  	s29 =	simm.s32 $0x2;
	s16 =	sadd.s32 $0xC000, s4;
	[dreg:$0x1d] =	wrdreg s15  }
0x26: {  	s30 =	simm.s32 $0x1C00;
	s17 =	sadd.s32 $0xC800, s4;
	[dreg:$0x1e] =	wrdreg s16  }
0x27: {  	s31 =	simm.s32 $0x3;
	s18 =	sadd.s32 $0xD000, s4;
	[dreg:$0x1f] =	wrdreg s17  }
0x28: {  	s2 =	simm.s32 $0x5;
	s19 =	sadd.s32 $0xD800, s4;
	[smem:$0x7F6] =	sst s18  }
0x29: {  	s20 =	sadd.s32 $0xE000, s4;
	s22 =	sadd.s32 $0xE800, s4;
	[smem:$0x7F7] =	sst s19  }
0x2a: {  	s24 =	sadd.s32 $0xF800, s4;
	s25 =	sadd.s32 $0x10000, s4;
	[smem:$0x7F8] =	sst s20  }
0x2b: {  	s26 =	sadd.s32 $0x10800, s4;
	s23 =	simm.s32 $0x9;
	[smem:$0x7F9] =	sst s22  }
0x2c: {  	s0 =	simm.s32 $0x4;
	s5 =	simm.s32 $0x6;
	[smem:$0x7FB] =	sst s24  }
0x2d: {  	v0 =	vmov s8;
	s8 =	simm.s32 $0xA;
	s9 =	simm.s32 $0x0;
	[smem:$0x7FC] =	sst s25  }
.Ltmp0:
0x2e: {  	[smem:$0x7FD] =	sst s26;
	s14 =	sadd.s32 $0x11000, s4;
	(pc) =	sbr.rel .LBB2_1-.Ltmp0, $4  }
0x2f: {  	s15 =	sadd.s32 $0x11800, s4;
	s16 =	sadd.s32 $0x12000, s4;
	s17 =	sadd.s32 $0x12800, s4  }
0x30: {  	s18 =	sadd.s32 $0x13000, s4;
	s19 =	sadd.s32 $0x13800, s4;
	s20 =	simm.s32 $0x400  }
0x31: {  	s22 =	simm.s32 $0xB;
	s24 =	simm.s32 $0xC00;
	s25 =	simm.s32 $0x1  }
0x32: {  	v1 =	vimm.f32 $0.0e+00;
	s26 =	simm.s32 $0x2480;
	s6 =	simm.s32 $0x7;
	s7 =	simm.s32 $0x8  }
.LBB2_6:
0x33: {  	_ =	swait.ge [sflag:s0], $0x800  }
0x34: {  	[sflag:s0] =	ssyncset.done $0x0  }
0x35: {  	[sflag:s0] =	ssyncadd.s32 $0xFFFFF800  }
0x36: {  	[spmem:s4] =	stream.linear.scatter [tilespmem:s30], [sflag:$0x8], $0x800, $0x38;
	[tilespmem:$0x16100] =	vst v63  }
0x37: {  	_ =	swait.ge [sflag:s2], $0x800  }
0x38: {  	[sflag:s2] =	ssyncset.done $0x0  }
0x39: {  	[sflag:s2] =	ssyncadd.s32 $0xFFFFF800  }
0x3a: {  	_ =	swait.ge [sflag:s5], $0x800  }
0x3b: {  	[sflag:s5] =	ssyncset.done $0x0  }
0x3c: {  	[sflag:s5] =	ssyncadd.s32 $0xFFFFF800  }
0x3d: {  	_ =	swait.ge [sflag:s6], $0x800  }
0x3e: {  	[sflag:s6] =	ssyncset.done $0x0  }
0x3f: {  	[sflag:s6] =	ssyncadd.s32 $0xFFFFF800  }
0x40: {  	_ =	swait.ge [sflag:s7], $0x800  }
0x41: {  	[sflag:s7] =	ssyncset.done $0x0  }
0x42: {  	s10 =	stileid.u32;
	[sflag:s7] =	ssyncadd.s32 $0xFFFFF800  }
0x43: {  	s10 =	sshll.u32 s10, $0x6;
	[bflag:$0x0] =	sbarrier.arrive $0xFFFF  }
0x44: {  	s11 =	sshrl.u32 s4, $0x3;
	s10 =	sor.u32 $0x1C0B, s10;
	s12 =	rddreg [dreg:$0x15]  }
0x45: {  	[hbm:s12], [sflag:s10] =	dma.local [spmem:s11], $0x2780  }
0x46: {  	_ =	swait.ge [sflag:s22], $0x2780  }
0x47: {  	s9 =	sadd.s32 $0x1, s9;
	s13 =	rddreg [dreg:$0x16]  }
0x48: {  	p0 =	sne.s32 s9, s13  }
.Ltmp1:
0x49: {  	_ = 	snop;
	(pc) =	sbr.rel @!p0 .LBB2_7-.Ltmp1, $3  }
0x4a: {  	_ =	sdelay $0x1  }
0x4b: {  	[sflag:s22] =	ssyncset.done $0x0  }
0x4c: {  	[sflag:s22] =	ssyncadd.s32 $0xFFFFD880  }
.LBB2_1:
0x4d: {  	s10 =	simm.s32 $0x0;
	s11 =	simm.s32 $0x200  }
.LBB2_2:
0x4e: {  	p0 =	sne.s32 s11, $0x1E00;
	[tilespmem:s10+$0x470] =	vst v1  }
0x4f: {  	[tilespmem:s10+$0x400] =	vst v1  }
0x50: {  	[tilespmem:s10+$0x410] =	vst v1  }
.Ltmp2:
0x51: {  	[tilespmem:s10+$0x420] =	vst v1;
	(pc) =	sbr.rel @p0 .LBB2_2-.Ltmp2, $4  }
0x52: {  	[tilespmem:s10+$0x430] =	vst v1  }
0x53: {  	[tilespmem:s10+$0x440] =	vst v1  }
0x54: {  	[tilespmem:s10+$0x450] =	vst v1  }
0x55: {  	[tilespmem:s10+$0x460] =	vst v1;
	s10 =	sshra.s32 s11, $0x2;
	s11 =	sadd.s32 $0x200, s11  }
0x56: {  	[tilespmem:s10+$0x470] =	vst v1  }
0x57: {  	[tilespmem:s10+$0x400] =	vst v1  }
0x58: {  	[tilespmem:s10+$0x410] =	vst v1  }
0x59: {  	[tilespmem:s10+$0x420] =	vst v1  }
0x5a: {  	[tilespmem:s10+$0x430] =	vst v1  }
0x5b: {  	[tilespmem:s10+$0x440] =	vst v1  }
0x5c: {  	[tilespmem:s10+$0x450] =	vst v1  }
0x5d: {  	[tilespmem:s10+$0x460] =	vst v1  }
0x5e: {  	[spmem:s4] =	stream.linear.scatter [tilespmem:s20], [sflag:$0xB], $0x800, $0x38;
	[tilespmem:$0x16100] =	vst v63  }
0x5f: {  	_ =	swait.ge [sflag:s22], $0x800  }
0x60: {  	[sflag:s22] =	ssyncset.done $0x0  }
0x61: {  	s11 =	rddreg [dreg:$0x4];
	[sflag:s22] =	ssyncadd.s32 $0xFFFFF800  }
0x62: {  	[spmem:s11] =	stream.linear.scatter [tilespmem:s20], [sflag:$0xB], $0x800, $0x38;
	[tilespmem:$0x16100] =	vst v63  }
0x63: {  	_ =	swait.ge [sflag:s22], $0x800  }
0x64: {  	[sflag:s22] =	ssyncset.done $0x0  }
0x65: {  	s12 =	rddreg [dreg:$0x5];
	[sflag:s22] =	ssyncadd.s32 $0xFFFFF800  }
0x66: {  	[spmem:s12] =	stream.linear.scatter [tilespmem:s20], [sflag:$0xB], $0x800, $0x38;
	[tilespmem:$0x16100] =	vst v63  }
0x67: {  	_ =	swait.ge [sflag:s22], $0x800  }
0x68: {  	[sflag:s22] =	ssyncset.done $0x0  }
0x69: {  	s13 =	rddreg [dreg:$0x6];
	[sflag:s22] =	ssyncadd.s32 $0xFFFFF800  }
0x6a: {  	[spmem:s13] =	stream.linear.scatter [tilespmem:s20], [sflag:$0xB], $0x800, $0x38;
	[tilespmem:$0x16100] =	vst v63  }
0x6b: {  	_ =	swait.ge [sflag:s22], $0x800  }
0x6c: {  	[sflag:s22] =	ssyncset.done $0x0  }
0x6d: {  	s11 =	rddreg [dreg:$0x7];
	[sflag:s22] =	ssyncadd.s32 $0xFFFFF800  }
0x6e: {  	[spmem:s11] =	stream.linear.scatter [tilespmem:s20], [sflag:$0xB], $0x800, $0x38;
	[tilespmem:$0x16100] =	vst v63  }
0x6f: {  	_ =	swait.ge [sflag:s22], $0x800  }
0x70: {  	[sflag:s22] =	ssyncset.done $0x0  }
0x71: {  	s12 =	rddreg [dreg:$0x8];
	[sflag:s22] =	ssyncadd.s32 $0xFFFFF800  }
0x72: {  	[spmem:s12] =	stream.linear.scatter [tilespmem:s20], [sflag:$0xB], $0x800, $0x38;
	[tilespmem:$0x16100] =	vst v63  }
0x73: {  	_ =	swait.ge [sflag:s22], $0x800  }
0x74: {  	[sflag:s22] =	ssyncset.done $0x0  }
0x75: {  	s13 =	rddreg [dreg:$0x9];
	[sflag:s22] =	ssyncadd.s32 $0xFFFFF800  }
0x76: {  	[spmem:s13] =	stream.linear.scatter [tilespmem:s20], [sflag:$0xB], $0x800, $0x38;
	[tilespmem:$0x16100] =	vst v63  }
0x77: {  	_ =	swait.ge [sflag:s22], $0x800  }
0x78: {  	[sflag:s22] =	ssyncset.done $0x0  }
0x79: {  	s11 =	rddreg [dreg:$0xa];
	[sflag:s22] =	ssyncadd.s32 $0xFFFFF800  }
0x7a: {  	[spmem:s11] =	stream.linear.scatter [tilespmem:s20], [sflag:$0xB], $0x800, $0x38;
	[tilespmem:$0x16100] =	vst v63  }
0x7b: {  	_ =	swait.ge [sflag:s22], $0x800  }
0x7c: {  	[sflag:s22] =	ssyncset.done $0x0  }
0x7d: {  	s12 =	rddreg [dreg:$0xb];
	[sflag:s22] =	ssyncadd.s32 $0xFFFFF800  }
0x7e: {  	[spmem:s12] =	stream.linear.scatter [tilespmem:s20], [sflag:$0xB], $0x800, $0x38;
	[tilespmem:$0x16100] =	vst v63  }
0x7f: {  	_ =	swait.ge [sflag:s22], $0x800  }
0x80: {  	[sflag:s22] =	ssyncset.done $0x0  }
0x81: {  	s13 =	rddreg [dreg:$0xc];
	[sflag:s22] =	ssyncadd.s32 $0xFFFFF800  }
0x82: {  	[spmem:s13] =	stream.linear.scatter [tilespmem:s20], [sflag:$0xB], $0x800, $0x38;
	[tilespmem:$0x16100] =	vst v63  }
0x83: {  	_ =	swait.ge [sflag:s22], $0x800  }
0x84: {  	[sflag:s22] =	ssyncset.done $0x0  }
0x85: {  	s11 =	rddreg [dreg:$0xd];
	[sflag:s22] =	ssyncadd.s32 $0xFFFFF800  }
0x86: {  	[spmem:s11] =	stream.linear.scatter [tilespmem:s20], [sflag:$0xB], $0x800, $0x38;
	[tilespmem:$0x16100] =	vst v63  }
0x87: {  	_ =	swait.ge [sflag:s22], $0x800  }
0x88: {  	[sflag:s22] =	ssyncset.done $0x0  }
0x89: {  	s12 =	rddreg [dreg:$0xe];
	[sflag:s22] =	ssyncadd.s32 $0xFFFFF800  }
0x8a: {  	[spmem:s12] =	stream.linear.scatter [tilespmem:s20], [sflag:$0xB], $0x800, $0x38;
	[tilespmem:$0x16100] =	vst v63  }
0x8b: {  	_ =	swait.ge [sflag:s22], $0x800  }
0x8c: {  	[sflag:s22] =	ssyncset.done $0x0  }
0x8d: {  	s13 =	rddreg [dreg:$0xf];
	[sflag:s22] =	ssyncadd.s32 $0xFFFFF800  }
0x8e: {  	[spmem:s13] =	stream.linear.scatter [tilespmem:s20], [sflag:$0xB], $0x800, $0x38;
	[tilespmem:$0x16100] =	vst v63  }
0x8f: {  	_ =	swait.ge [sflag:s22], $0x800  }
0x90: {  	[sflag:s22] =	ssyncset.done $0x0  }
0x91: {  	s11 =	rddreg [dreg:$0x10];
	[sflag:s22] =	ssyncadd.s32 $0xFFFFF800  }
0x92: {  	[spmem:s11] =	stream.linear.scatter [tilespmem:s20], [sflag:$0xB], $0x800, $0x38;
	[tilespmem:$0x16100] =	vst v63  }
0x93: {  	_ =	swait.ge [sflag:s22], $0x800  }
0x94: {  	[sflag:s22] =	ssyncset.done $0x0  }
0x95: {  	s12 =	rddreg [dreg:$0x11];
	[sflag:s22] =	ssyncadd.s32 $0xFFFFF800  }
0x96: {  	[spmem:s12] =	stream.linear.scatter [tilespmem:s20], [sflag:$0xB], $0x800, $0x38;
	[tilespmem:$0x16100] =	vst v63  }
0x97: {  	_ =	swait.ge [sflag:s22], $0x800  }
0x98: {  	[sflag:s22] =	ssyncset.done $0x0  }
0x99: {  	s13 =	rddreg [dreg:$0x12];
	[sflag:s22] =	ssyncadd.s32 $0xFFFFF800  }
0x9a: {  	[spmem:s13] =	stream.linear.scatter [tilespmem:s20], [sflag:$0xB], $0x800, $0x38;
	[tilespmem:$0x16100] =	vst v63  }
0x9b: {  	_ =	swait.ge [sflag:s22], $0x800  }
0x9c: {  	[sflag:s22] =	ssyncset.done $0x0  }
0x9d: {  	s11 =	rddreg [dreg:$0x14];
	[sflag:s22] =	ssyncadd.s32 $0xFFFFF800  }
0x9e: {  	[spmem:s11] =	stream.linear.scatter [tilespmem:s20], [sflag:$0xB], $0x800, $0x38;
	[tilespmem:$0x16100] =	vst v63  }
0x9f: {  	_ =	swait.ge [sflag:s22], $0x800  }
0xa0: {  	[sflag:s22] =	ssyncset.done $0x0  }
0xa1: {  	s12 =	rddreg [dreg:$0x17];
	[sflag:s22] =	ssyncadd.s32 $0xFFFFF800  }
0xa2: {  	[spmem:s12] =	stream.linear.scatter [tilespmem:s20], [sflag:$0xB], $0x800, $0x38;
	[tilespmem:$0x16100] =	vst v63  }
0xa3: {  	_ =	swait.ge [sflag:s22], $0x800  }
0xa4: {  	[sflag:s22] =	ssyncset.done $0x0  }
0xa5: {  	s13 =	rddreg [dreg:$0x18];
	[sflag:s22] =	ssyncadd.s32 $0xFFFFF800  }
0xa6: {  	[spmem:s13] =	stream.linear.scatter [tilespmem:s20], [sflag:$0xB], $0x800, $0x38;
	[tilespmem:$0x16100] =	vst v63  }
0xa7: {  	_ =	swait.ge [sflag:s22], $0x800  }
0xa8: {  	[sflag:s22] =	ssyncset.done $0x0  }
0xa9: {  	s11 =	rddreg [dreg:$0x19];
	[sflag:s22] =	ssyncadd.s32 $0xFFFFF800  }
0xaa: {  	[spmem:s11] =	stream.linear.scatter [tilespmem:s20], [sflag:$0xB], $0x800, $0x38;
	[tilespmem:$0x16100] =	vst v63  }
0xab: {  	_ =	swait.ge [sflag:s22], $0x800  }
0xac: {  	[sflag:s22] =	ssyncset.done $0x0  }
0xad: {  	s12 =	rddreg [dreg:$0x1a];
	[sflag:s22] =	ssyncadd.s32 $0xFFFFF800  }
0xae: {  	[spmem:s12] =	stream.linear.scatter [tilespmem:s20], [sflag:$0xB], $0x800, $0x38;
	[tilespmem:$0x16100] =	vst v63  }
0xaf: {  	_ =	swait.ge [sflag:s22], $0x800  }
0xb0: {  	[sflag:s22] =	ssyncset.done $0x0  }
0xb1: {  	s13 =	rddreg [dreg:$0x1b];
	[sflag:s22] =	ssyncadd.s32 $0xFFFFF800  }
0xb2: {  	[spmem:s13] =	stream.linear.scatter [tilespmem:s20], [sflag:$0xB], $0x800, $0x38;
	[tilespmem:$0x16100] =	vst v63  }
0xb3: {  	_ =	swait.ge [sflag:s22], $0x800  }
0xb4: {  	[sflag:s22] =	ssyncset.done $0x0  }
0xb5: {  	s11 =	rddreg [dreg:$0x1c];
	[sflag:s22] =	ssyncadd.s32 $0xFFFFF800  }
0xb6: {  	[spmem:s11] =	stream.linear.scatter [tilespmem:s20], [sflag:$0xB], $0x800, $0x38;
	[tilespmem:$0x16100] =	vst v63  }
0xb7: {  	_ =	swait.ge [sflag:s22], $0x800  }
0xb8: {  	[sflag:s22] =	ssyncset.done $0x0  }
0xb9: {  	s12 =	rddreg [dreg:$0x1d];
	[sflag:s22] =	ssyncadd.s32 $0xFFFFF800  }
0xba: {  	[spmem:s12] =	stream.linear.scatter [tilespmem:s20], [sflag:$0xB], $0x800, $0x38;
	[tilespmem:$0x16100] =	vst v63  }
0xbb: {  	_ =	swait.ge [sflag:s22], $0x800  }
0xbc: {  	[sflag:s22] =	ssyncset.done $0x0  }
0xbd: {  	s13 =	rddreg [dreg:$0x1e];
	[sflag:s22] =	ssyncadd.s32 $0xFFFFF800  }
0xbe: {  	[spmem:s13] =	stream.linear.scatter [tilespmem:s20], [sflag:$0xB], $0x800, $0x38;
	[tilespmem:$0x16100] =	vst v63  }
0xbf: {  	_ =	swait.ge [sflag:s22], $0x800  }
0xc0: {  	[sflag:s22] =	ssyncset.done $0x0  }
0xc1: {  	s11 =	rddreg [dreg:$0x1f];
	[sflag:s22] =	ssyncadd.s32 $0xFFFFF800  }
0xc2: {  	[spmem:s11] =	stream.linear.scatter [tilespmem:s20], [sflag:$0xB], $0x800, $0x38;
	[tilespmem:$0x16100] =	vst v63  }
0xc3: {  	_ =	swait.ge [sflag:s22], $0x800  }
0xc4: {  	s12 =	sld [smem:$0x7F6]  }
0xc5: {  	[sflag:s22] =	ssyncset.done $0x0  }
0xc6: {  	[sflag:s22] =	ssyncadd.s32 $0xFFFFF800  }
0xc7: {  	[spmem:s12] =	stream.linear.scatter [tilespmem:s20], [sflag:$0xB], $0x800, $0x38;
	[tilespmem:$0x16100] =	vst v63  }
0xc8: {  	_ =	swait.ge [sflag:s22], $0x800  }
0xc9: {  	s13 =	sld [smem:$0x7F7]  }
0xca: {  	[sflag:s22] =	ssyncset.done $0x0  }
0xcb: {  	[sflag:s22] =	ssyncadd.s32 $0xFFFFF800  }
0xcc: {  	[spmem:s13] =	stream.linear.scatter [tilespmem:s20], [sflag:$0xB], $0x800, $0x38;
	[tilespmem:$0x16100] =	vst v63  }
0xcd: {  	_ =	swait.ge [sflag:s22], $0x800  }
0xce: {  	s11 =	sld [smem:$0x7F8]  }
0xcf: {  	[sflag:s22] =	ssyncset.done $0x0  }
0xd0: {  	[sflag:s22] =	ssyncadd.s32 $0xFFFFF800  }
0xd1: {  	[spmem:s11] =	stream.linear.scatter [tilespmem:s20], [sflag:$0xB], $0x800, $0x38;
	[tilespmem:$0x16100] =	vst v63  }
0xd2: {  	_ =	swait.ge [sflag:s22], $0x800  }
0xd3: {  	s12 =	sld [smem:$0x7F9]  }
0xd4: {  	[sflag:s22] =	ssyncset.done $0x0  }
0xd5: {  	[sflag:s22] =	ssyncadd.s32 $0xFFFFF800  }
0xd6: {  	[spmem:s12] =	stream.linear.scatter [tilespmem:s20], [sflag:$0xB], $0x800, $0x38;
	[tilespmem:$0x16100] =	vst v63  }
0xd7: {  	_ =	swait.ge [sflag:s22], $0x800  }
0xd8: {  	s13 =	sld [smem:$0x7FA]  }
0xd9: {  	[sflag:s22] =	ssyncset.done $0x0  }
0xda: {  	[sflag:s22] =	ssyncadd.s32 $0xFFFFF800  }
0xdb: {  	[spmem:s13] =	stream.linear.scatter [tilespmem:s20], [sflag:$0xB], $0x800, $0x38;
	[tilespmem:$0x16100] =	vst v63  }
0xdc: {  	_ =	swait.ge [sflag:s22], $0x800  }
0xdd: {  	s11 =	sld [smem:$0x7FB]  }
0xde: {  	[sflag:s22] =	ssyncset.done $0x0  }
0xdf: {  	[sflag:s22] =	ssyncadd.s32 $0xFFFFF800  }
0xe0: {  	[spmem:s11] =	stream.linear.scatter [tilespmem:s20], [sflag:$0xB], $0x800, $0x38;
	[tilespmem:$0x16100] =	vst v63  }
0xe1: {  	_ =	swait.ge [sflag:s22], $0x800  }
0xe2: {  	s12 =	sld [smem:$0x7FC]  }
0xe3: {  	[sflag:s22] =	ssyncset.done $0x0  }
0xe4: {  	[sflag:s22] =	ssyncadd.s32 $0xFFFFF800  }
0xe5: {  	[spmem:s12] =	stream.linear.scatter [tilespmem:s20], [sflag:$0xB], $0x800, $0x38;
	[tilespmem:$0x16100] =	vst v63  }
0xe6: {  	_ =	swait.ge [sflag:s22], $0x800  }
0xe7: {  	s13 =	sld [smem:$0x7FD]  }
0xe8: {  	[sflag:s22] =	ssyncset.done $0x0  }
0xe9: {  	[sflag:s22] =	ssyncadd.s32 $0xFFFFF800  }
0xea: {  	[spmem:s13] =	stream.linear.scatter [tilespmem:s20], [sflag:$0xB], $0x800, $0x38;
	[tilespmem:$0x16100] =	vst v63  }
0xeb: {  	_ =	swait.ge [sflag:s22], $0x800  }
0xec: {  	[sflag:s22] =	ssyncset.done $0x0  }
0xed: {  	[sflag:s22] =	ssyncadd.s32 $0xFFFFF800  }
0xee: {  	[spmem:s14] =	stream.linear.scatter [tilespmem:s20], [sflag:$0xB], $0x800, $0x38;
	[tilespmem:$0x16100] =	vst v63  }
0xef: {  	_ =	swait.ge [sflag:s22], $0x800  }
0xf0: {  	[sflag:s22] =	ssyncset.done $0x0  }
0xf1: {  	[sflag:s22] =	ssyncadd.s32 $0xFFFFF800  }
0xf2: {  	[spmem:s15] =	stream.linear.scatter [tilespmem:s20], [sflag:$0xB], $0x800, $0x38;
	[tilespmem:$0x16100] =	vst v63  }
0xf3: {  	_ =	swait.ge [sflag:s22], $0x800  }
0xf4: {  	[sflag:s22] =	ssyncset.done $0x0  }
0xf5: {  	[sflag:s22] =	ssyncadd.s32 $0xFFFFF800  }
0xf6: {  	[spmem:s16] =	stream.linear.scatter [tilespmem:s20], [sflag:$0xB], $0x800, $0x38;
	[tilespmem:$0x16100] =	vst v63  }
0xf7: {  	_ =	swait.ge [sflag:s22], $0x800  }
0xf8: {  	[sflag:s22] =	ssyncset.done $0x0  }
0xf9: {  	[sflag:s22] =	ssyncadd.s32 $0xFFFFF800  }
0xfa: {  	[spmem:s17] =	stream.linear.scatter [tilespmem:s20], [sflag:$0xB], $0x800, $0x38;
	[tilespmem:$0x16100] =	vst v63  }
0xfb: {  	_ =	swait.ge [sflag:s22], $0x800  }
0xfc: {  	[sflag:s22] =	ssyncset.done $0x0  }
0xfd: {  	[sflag:s22] =	ssyncadd.s32 $0xFFFFF800  }
0xfe: {  	[spmem:s18] =	stream.linear.scatter [tilespmem:s20], [sflag:$0xB], $0x800, $0x38;
	[tilespmem:$0x16100] =	vst v63  }
0xff: {  	_ =	swait.ge [sflag:s22], $0x800  }
0x100: {  	[sflag:s22] =	ssyncset.done $0x0  }
0x101: {  	[sflag:s22] =	ssyncadd.s32 $0xFFFFF800  }
0x102: {  	[spmem:s19] =	stream.linear.scatter [tilespmem:s20], [sflag:$0xB], $0x400, $0x38;
	[tilespmem:$0x16100] =	vst v63  }
0x103: {  	_ =	swait.ge [sflag:s22], $0x400  }
0x104: {  	[sflag:s22] =	ssyncset.done $0x0  }
0x105: {  	[sflag:s22] =	ssyncadd.s32 $0xFFFFFC00  }
0x106: {  	[bflag:$0x0] =	sbarrier.arrive $0xFFFF  }
0x107: {  	s10 =	simm.s32 $0x0;
	s12 =	simm.s32 $0x2400;
	s11 =	rddreg [dreg:$0x13]  }
0x108: {  	[tilespmem:s12], [sflag:$0x9] =	stream.linear.gather [hbm4b:s11+s10], $0x80, $0x38;
	[tilespmem:$0x16100] =	vst v63  }
0x109: {  	_ =	swait.ge [sflag:s23], $0x80  }
0x10a: {  	[sflag:s23] =	ssyncset.done $0x0  }
0x10b: {  	[sflag:s23] =	ssyncadd.s32 $0xFFFFFF80  }
0x10c: {  	v2 =	vld [tilespmem:$0x2400];
	_ =	sdelay $0x4  }
0x10d: {  	v3 =	vand.u32 $0xFFFF, v2;
	v2 =	vshrl.u32 v2, $0x10  }
0x10e: {  	v3 =	vadd.s32 v0, v3;
	[tilespmem:$0x80] =	vst v2  }
0x10f: {  	[tilespmem:$0x0] =	vst v3  }
0x110: {  	[tilespmem:s20], [sflag:$0x1] =	stream.linear.gather [hbm4b:s1+s10], $0x800, $0x38;
	[tilespmem:$0x16100] =	vst v63  }
0x111: {  	v2 =	vld [tilespmem:$0x2410];
	_ =	sdelay $0x4  }
0x112: {  	v3 =	vand.u32 $0xFFFF, v2;
	v2 =	vshrl.u32 v2, $0x10  }
0x113: {  	v3 =	vadd.s32 v0, v3;
	[tilespmem:$0x180] =	vst v2  }
0x114: {  	[tilespmem:$0x100] =	vst v3  }
0x115: {  	[tilespmem:s24], [sflag:$0x2] =	stream.linear.gather [hbm4b:s1+s10], $0x800, $0x38;
	[tilespmem:$0x16100] =	vst v63  }
.LBB2_4:
0x116: {  	_ =	swait.ge [sflag:s25], $0x800  }
0x117: {  	[sflag:s25] =	ssyncset.done $0x0  }
0x118: {  	s11 =	sadd.s32 s10, s21;
	[sflag:s25] =	ssyncadd.s32 $0xFFFFF800  }
0x119: {  	[spmem:s4] =	stream.linear.scatter [tilespmem:s20], [sflag:$0x5], $0x800, $0x38;
	[tilespmem:$0x16100] =	vst v63  }
0x11a: {  	p0 =	seq.s32 s10, $0x0;
	s11 =	sadd.s32 $0x10, s11  }
0x11b: {  	[tilespmem:s26], [sflag:$0xA] =	stream.linear.gather [hbm4b:s11+s3], $0x80, $0x38;
	[tilespmem:$0x16100] =	vst v63  }
0x11c: {  	s11 =	simm.s32 @!p0 $0x7  }
0x11d: {  	_ =	swait.ge @!p0 [sflag:s11], $0x800  }
0x11e: {  	[sflag:s11] =	ssyncset.done @!p0 $0x0  }
0x11f: {  	[sflag:s11] =	ssyncadd.s32 @!p0 $0xFFFFF800  }
0x120: {  	v2 =	vld [tilespmem:$0x2420];
	_ =	sdelay $0x4  }
0x121: {  	v3 =	vand.u32 $0xFFFF, v2;
	v2 =	vshrl.u32 v2, $0x10  }
0x122: {  	v3 =	vadd.s32 v0, v3;
	[tilespmem:$0x280] =	vst v2  }
0x123: {  	[tilespmem:$0x200] =	vst v3  }
0x124: {  	[tilespmem:s28], [sflag:$0x3] =	stream.linear.gather [hbm4b:s1+s3], $0x800, $0x38;
	[tilespmem:$0x16100] =	vst v63  }
0x125: {  	_ =	swait.ge [sflag:s29], $0x800  }
0x126: {  	[sflag:s29] =	ssyncset.done $0x0  }
0x127: {  	s11 =	simm.s32 @!p0 $0x8;
	[sflag:s29] =	ssyncadd.s32 $0xFFFFF800  }
0x128: {  	[spmem:s4] =	stream.linear.scatter [tilespmem:s24], [sflag:$0x6], $0x800, $0x38;
	[tilespmem:$0x16100] =	vst v63  }
0x129: {  	_ =	swait.ge @!p0 [sflag:s11], $0x800  }
0x12a: {  	[sflag:s11] =	ssyncset.done @!p0 $0x0  }
0x12b: {  	[sflag:s11] =	ssyncadd.s32 @!p0 $0xFFFFF800  }
0x12c: {  	v2 =	vld [tilespmem:$0x2430];
	_ =	sdelay $0x4  }
0x12d: {  	v3 =	vand.u32 $0xFFFF, v2;
	v2 =	vshrl.u32 v2, $0x10  }
0x12e: {  	v3 =	vadd.s32 v0, v3;
	[tilespmem:$0x380] =	vst v2  }
0x12f: {  	[tilespmem:$0x300] =	vst v3  }
0x130: {  	[tilespmem:s30], [sflag:$0x4] =	stream.linear.gather [hbm4b:s1+s3], $0x800, $0x38;
	[tilespmem:$0x16100] =	vst v63  }
0x131: {  	_ =	swait.ge [sflag:s31], $0x800  }
0x132: {  	[sflag:s31] =	ssyncset.done $0x0  }
0x133: {  	[sflag:s31] =	ssyncadd.s32 $0xFFFFF800  }
0x134: {  	[spmem:s4] =	stream.linear.scatter [tilespmem:s28], [sflag:$0x7], $0x800, $0x38;
	[tilespmem:$0x16100] =	vst v63  }
0x135: {  	_ =	swait.ge [sflag:s2], $0x800  }
0x136: {  	[sflag:s2] =	ssyncset.done $0x0  }
0x137: {  	[sflag:s2] =	ssyncadd.s32 $0xFFFFF800  }
0x138: {  	v2 =	vld [tilespmem:$0x2440];
	_ =	sdelay $0x4  }
0x139: {  	v3 =	vand.u32 $0xFFFF, v2;
	v2 =	vshrl.u32 v2, $0x10  }
0x13a: {  	v3 =	vadd.s32 v0, v3;
	[tilespmem:$0x80] =	vst v2  }
0x13b: {  	[tilespmem:$0x0] =	vst v3  }
0x13c: {  	[tilespmem:s20], [sflag:$0x1] =	stream.linear.gather [hbm4b:s1+s3], $0x800, $0x38;
	[tilespmem:$0x16100] =	vst v63  }
0x13d: {  	_ =	swait.ge [sflag:s0], $0x800  }
0x13e: {  	[sflag:s0] =	ssyncset.done $0x0  }
0x13f: {  	[sflag:s0] =	ssyncadd.s32 $0xFFFFF800  }
0x140: {  	[spmem:s4] =	stream.linear.scatter [tilespmem:s30], [sflag:$0x8], $0x800, $0x38;
	[tilespmem:$0x16100] =	vst v63  }
0x141: {  	_ =	swait.ge [sflag:s5], $0x800  }
0x142: {  	[sflag:s5] =	ssyncset.done $0x0  }
0x143: {  	[sflag:s5] =	ssyncadd.s32 $0xFFFFF800  }
0x144: {  	v2 =	vld [tilespmem:$0x2450];
	_ =	sdelay $0x4  }
0x145: {  	v3 =	vand.u32 $0xFFFF, v2;
	v2 =	vshrl.u32 v2, $0x10  }
0x146: {  	v3 =	vadd.s32 v0, v3;
	[tilespmem:$0x180] =	vst v2  }
0x147: {  	[tilespmem:$0x100] =	vst v3  }
0x148: {  	[tilespmem:s24], [sflag:$0x2] =	stream.linear.gather [hbm4b:s1+s3], $0x800, $0x38;
	[tilespmem:$0x16100] =	vst v63  }
0x149: {  	_ =	swait.ge [sflag:s25], $0x800  }
0x14a: {  	[sflag:s25] =	ssyncset.done $0x0  }
0x14b: {  	[sflag:s25] =	ssyncadd.s32 $0xFFFFF800  }
0x14c: {  	[spmem:s4] =	stream.linear.scatter [tilespmem:s20], [sflag:$0x5], $0x800, $0x38;
	[tilespmem:$0x16100] =	vst v63  }
0x14d: {  	_ =	swait.ge [sflag:s6], $0x800  }
0x14e: {  	[sflag:s6] =	ssyncset.done $0x0  }
0x14f: {  	[sflag:s6] =	ssyncadd.s32 $0xFFFFF800  }
0x150: {  	v2 =	vld [tilespmem:$0x2460];
	_ =	sdelay $0x4  }
0x151: {  	v3 =	vand.u32 $0xFFFF, v2;
	v2 =	vshrl.u32 v2, $0x10  }
0x152: {  	v3 =	vadd.s32 v0, v3;
	[tilespmem:$0x280] =	vst v2  }
0x153: {  	[tilespmem:$0x200] =	vst v3  }
0x154: {  	[tilespmem:s28], [sflag:$0x3] =	stream.linear.gather [hbm4b:s1+s3], $0x800, $0x38;
	[tilespmem:$0x16100] =	vst v63  }
0x155: {  	_ =	swait.ge [sflag:s29], $0x800  }
0x156: {  	[sflag:s29] =	ssyncset.done $0x0  }
0x157: {  	[sflag:s29] =	ssyncadd.s32 $0xFFFFF800  }
0x158: {  	[spmem:s4] =	stream.linear.scatter [tilespmem:s24], [sflag:$0x6], $0x800, $0x38;
	[tilespmem:$0x16100] =	vst v63  }
0x159: {  	_ =	swait.ge [sflag:s7], $0x800  }
0x15a: {  	[sflag:s7] =	ssyncset.done $0x0  }
0x15b: {  	[sflag:s7] =	ssyncadd.s32 $0xFFFFF800  }
0x15c: {  	v2 =	vld [tilespmem:$0x2470];
	_ =	sdelay $0x4  }
0x15d: {  	v3 =	vand.u32 $0xFFFF, v2;
	v2 =	vshrl.u32 v2, $0x10  }
0x15e: {  	v3 =	vadd.s32 v0, v3;
	[tilespmem:$0x380] =	vst v2  }
0x15f: {  	[tilespmem:$0x300] =	vst v3  }
0x160: {  	[tilespmem:s30], [sflag:$0x4] =	stream.linear.gather [hbm4b:s1+s3], $0x800, $0x38;
	[tilespmem:$0x16100] =	vst v63  }
0x161: {  	_ =	swait.ge [sflag:s31], $0x800  }
0x162: {  	[sflag:s31] =	ssyncset.done $0x0  }
0x163: {  	[sflag:s31] =	ssyncadd.s32 $0xFFFFF800  }
0x164: {  	[spmem:s4] =	stream.linear.scatter [tilespmem:s28], [sflag:$0x7], $0x800, $0x38;
	[tilespmem:$0x16100] =	vst v63  }
0x165: {  	_ =	swait.ge [sflag:s2], $0x800  }
0x166: {  	[sflag:s2] =	ssyncset.done $0x0  }
0x167: {  	[sflag:s2] =	ssyncadd.s32 $0xFFFFF800  }
0x168: {  	_ =	swait.ge [sflag:s8], $0x80  }
0x169: {  	[sflag:s8] =	ssyncset.done $0x0  }
0x16a: {  	[sflag:s8] =	ssyncadd.s32 $0xFFFFFF80  }
0x16b: {  	v2 =	vld [tilespmem:$0x2480];
	_ =	sdelay $0x4  }
0x16c: {  	v3 =	vand.u32 $0xFFFF, v2;
	v2 =	vshrl.u32 v2, $0x10  }
0x16d: {  	v3 =	vadd.s32 v0, v3;
	[tilespmem:$0x80] =	vst v2  }
0x16e: {  	[tilespmem:$0x0] =	vst v3  }
0x16f: {  	[tilespmem:s20], [sflag:$0x1] =	stream.linear.gather [hbm4b:s1+s3], $0x800, $0x38;
	[tilespmem:$0x16100] =	vst v63  }
0x170: {  	_ =	swait.ge [sflag:s0], $0x800  }
0x171: {  	[sflag:s0] =	ssyncset.done $0x0  }
0x172: {  	[sflag:s0] =	ssyncadd.s32 $0xFFFFF800  }
0x173: {  	[spmem:s4] =	stream.linear.scatter [tilespmem:s30], [sflag:$0x8], $0x800, $0x38;
	[tilespmem:$0x16100] =	vst v63  }
0x174: {  	_ =	swait.ge [sflag:s5], $0x800  }
0x175: {  	[sflag:s5] =	ssyncset.done $0x0  }
0x176: {  	[sflag:s5] =	ssyncadd.s32 $0xFFFFF800  }
0x177: {  	v2 =	vld [tilespmem:$0x2490];
	_ =	sdelay $0x4  }
0x178: {  	v3 =	vand.u32 $0xFFFF, v2;
	v2 =	vshrl.u32 v2, $0x10  }
0x179: {  	v3 =	vadd.s32 v0, v3;
	[tilespmem:$0x180] =	vst v2  }
0x17a: {  	[tilespmem:$0x100] =	vst v3  }
0x17b: {  	[tilespmem:s24], [sflag:$0x2] =	stream.linear.gather [hbm4b:s1+s3], $0x800, $0x38;
	[tilespmem:$0x16100] =	vst v63  }
0x17c: {  	_ =	swait.ge [sflag:s25], $0x800  }
0x17d: {  	p0 =	seq.s32 s10, $0x4E0;
	[sflag:s25] =	ssyncset.done $0x0  }
0x17e: {  	s11 =	sadd.s32 @!p0 s10, s21;
	[sflag:s25] =	ssyncadd.s32 $0xFFFFF800  }
0x17f: {  	[spmem:s4] =	stream.linear.scatter [tilespmem:s20], [sflag:$0x5], $0x800, $0x38;
	[tilespmem:$0x16100] =	vst v63  }
0x180: {  	s12 =	simm.s32 @!p0 $0x0;
	s13 =	simm.s32 @!p0 $0x2400;
	s11 =	sadd.s32 @!p0 $0x20, s11  }
0x181: {  	[tilespmem:s13], [sflag:$0x9] =	stream.linear.gather @!p0 [hbm4b:s11+s12], $0x80, $0x38;
	[tilespmem:$0x16100] =	vst v63  }
0x182: {  	_ =	swait.ge [sflag:s6], $0x800  }
0x183: {  	[sflag:s6] =	ssyncset.done $0x0  }
0x184: {  	[sflag:s6] =	ssyncadd.s32 $0xFFFFF800  }
0x185: {  	v2 =	vld [tilespmem:$0x24A0];
	_ =	sdelay $0x4  }
0x186: {  	v3 =	vand.u32 $0xFFFF, v2;
	v2 =	vshrl.u32 v2, $0x10  }
0x187: {  	v3 =	vadd.s32 v0, v3;
	[tilespmem:$0x280] =	vst v2  }
0x188: {  	[tilespmem:$0x200] =	vst v3  }
0x189: {  	[tilespmem:s28], [sflag:$0x3] =	stream.linear.gather [hbm4b:s1+s3], $0x800, $0x38;
	[tilespmem:$0x16100] =	vst v63  }
0x18a: {  	_ =	swait.ge [sflag:s29], $0x800  }
0x18b: {  	[sflag:s29] =	ssyncset.done $0x0  }
0x18c: {  	[sflag:s29] =	ssyncadd.s32 $0xFFFFF800  }
0x18d: {  	[spmem:s4] =	stream.linear.scatter [tilespmem:s24], [sflag:$0x6], $0x800, $0x38;
	[tilespmem:$0x16100] =	vst v63  }
0x18e: {  	_ =	swait.ge [sflag:s7], $0x800  }
0x18f: {  	[sflag:s7] =	ssyncset.done $0x0  }
0x190: {  	[sflag:s7] =	ssyncadd.s32 $0xFFFFF800  }
0x191: {  	v2 =	vld [tilespmem:$0x24B0];
	_ =	sdelay $0x4  }
0x192: {  	v3 =	vand.u32 $0xFFFF, v2;
	v2 =	vshrl.u32 v2, $0x10  }
0x193: {  	v3 =	vadd.s32 v0, v3;
	[tilespmem:$0x380] =	vst v2  }
0x194: {  	[tilespmem:$0x300] =	vst v3  }
0x195: {  	[tilespmem:s30], [sflag:$0x4] =	stream.linear.gather [hbm4b:s1+s3], $0x800, $0x38;
	[tilespmem:$0x16100] =	vst v63  }
0x196: {  	_ =	swait.ge [sflag:s31], $0x800  }
0x197: {  	[sflag:s31] =	ssyncset.done $0x0  }
0x198: {  	[sflag:s31] =	ssyncadd.s32 $0xFFFFF800  }
0x199: {  	[spmem:s4] =	stream.linear.scatter [tilespmem:s28], [sflag:$0x7], $0x800, $0x38;
	[tilespmem:$0x16100] =	vst v63  }
0x19a: {  	_ =	swait.ge [sflag:s2], $0x800  }
0x19b: {  	[sflag:s2] =	ssyncset.done $0x0  }
0x19c: {  	[sflag:s2] =	ssyncadd.s32 $0xFFFFF800  }
0x19d: {  	v2 =	vld [tilespmem:$0x24C0];
	_ =	sdelay $0x4  }
0x19e: {  	v3 =	vand.u32 $0xFFFF, v2;
	v2 =	vshrl.u32 v2, $0x10  }
0x19f: {  	v3 =	vadd.s32 v0, v3;
	[tilespmem:$0x80] =	vst v2  }
0x1a0: {  	[tilespmem:$0x0] =	vst v3  }
0x1a1: {  	[tilespmem:s20], [sflag:$0x1] =	stream.linear.gather [hbm4b:s1+s3], $0x800, $0x38;
	[tilespmem:$0x16100] =	vst v63  }
0x1a2: {  	_ =	swait.ge [sflag:s0], $0x800  }
0x1a3: {  	[sflag:s0] =	ssyncset.done $0x0  }
0x1a4: {  	[sflag:s0] =	ssyncadd.s32 $0xFFFFF800  }
0x1a5: {  	[spmem:s4] =	stream.linear.scatter [tilespmem:s30], [sflag:$0x8], $0x800, $0x38;
	[tilespmem:$0x16100] =	vst v63  }
0x1a6: {  	_ =	swait.ge [sflag:s5], $0x800  }
0x1a7: {  	[sflag:s5] =	ssyncset.done $0x0  }
0x1a8: {  	[sflag:s5] =	ssyncadd.s32 $0xFFFFF800  }
0x1a9: {  	v2 =	vld [tilespmem:$0x24D0];
	_ =	sdelay $0x4  }
0x1aa: {  	v3 =	vand.u32 $0xFFFF, v2;
	v2 =	vshrl.u32 v2, $0x10  }
0x1ab: {  	v3 =	vadd.s32 v0, v3;
	[tilespmem:$0x180] =	vst v2  }
0x1ac: {  	[tilespmem:$0x100] =	vst v3  }
0x1ad: {  	[tilespmem:s24], [sflag:$0x2] =	stream.linear.gather [hbm4b:s1+s3], $0x800, $0x38;
	[tilespmem:$0x16100] =	vst v63  }
0x1ae: {  	_ =	swait.ge [sflag:s25], $0x800  }
0x1af: {  	[sflag:s25] =	ssyncset.done $0x0  }
0x1b0: {  	[sflag:s25] =	ssyncadd.s32 $0xFFFFF800  }
0x1b1: {  	[spmem:s4] =	stream.linear.scatter [tilespmem:s20], [sflag:$0x5], $0x800, $0x38;
	[tilespmem:$0x16100] =	vst v63  }
0x1b2: {  	_ =	swait.ge [sflag:s6], $0x800  }
0x1b3: {  	[sflag:s6] =	ssyncset.done $0x0  }
0x1b4: {  	[sflag:s6] =	ssyncadd.s32 $0xFFFFF800  }
0x1b5: {  	v2 =	vld [tilespmem:$0x24E0];
	_ =	sdelay $0x4  }
0x1b6: {  	v3 =	vand.u32 $0xFFFF, v2;
	v2 =	vshrl.u32 v2, $0x10  }
0x1b7: {  	v3 =	vadd.s32 v0, v3;
	[tilespmem:$0x280] =	vst v2  }
0x1b8: {  	[tilespmem:$0x200] =	vst v3  }
0x1b9: {  	[tilespmem:s28], [sflag:$0x3] =	stream.linear.gather [hbm4b:s1+s3], $0x800, $0x38;
	[tilespmem:$0x16100] =	vst v63  }
0x1ba: {  	_ =	swait.ge [sflag:s29], $0x800  }
0x1bb: {  	[sflag:s29] =	ssyncset.done $0x0  }
0x1bc: {  	[sflag:s29] =	ssyncadd.s32 $0xFFFFF800  }
0x1bd: {  	[spmem:s4] =	stream.linear.scatter [tilespmem:s24], [sflag:$0x6], $0x800, $0x38;
	[tilespmem:$0x16100] =	vst v63  }
0x1be: {  	_ =	swait.ge [sflag:s7], $0x800  }
0x1bf: {  	[sflag:s7] =	ssyncset.done $0x0  }
0x1c0: {  	[sflag:s7] =	ssyncadd.s32 $0xFFFFF800  }
0x1c1: {  	v2 =	vld [tilespmem:$0x24F0];
	_ =	sdelay $0x4  }
0x1c2: {  	v3 =	vand.u32 $0xFFFF, v2;
	v2 =	vshrl.u32 v2, $0x10  }
0x1c3: {  	v3 =	vadd.s32 v0, v3;
	[tilespmem:$0x380] =	vst v2  }
0x1c4: {  	[tilespmem:$0x300] =	vst v3  }
0x1c5: {  	[tilespmem:s30], [sflag:$0x4] =	stream.linear.gather [hbm4b:s1+s3], $0x800, $0x38;
	[tilespmem:$0x16100] =	vst v63  }
.Ltmp3:
0x1c6: {  	_ = 	snop;
	(pc) =	sbr.rel @p0 .LBB2_6-.Ltmp3, $4  }
0x1c7: {  	_ =	swait.ge [sflag:s31], $0x800  }
0x1c8: {  	[sflag:s31] =	ssyncset.done $0x0  }
0x1c9: {  	[sflag:s31] =	ssyncadd.s32 $0xFFFFF800  }
0x1ca: {  	[spmem:s4] =	stream.linear.scatter [tilespmem:s28], [sflag:$0x7], $0x800, $0x38;
	[tilespmem:$0x16100] =	vst v63  }
0x1cb: {  	_ =	swait.ge [sflag:s2], $0x800  }
0x1cc: {  	[sflag:s2] =	ssyncset.done $0x0  }
0x1cd: {  	[sflag:s2] =	ssyncadd.s32 $0xFFFFF800  }
0x1ce: {  	_ =	swait.ge [sflag:s23], $0x80  }
0x1cf: {  	[sflag:s23] =	ssyncset.done $0x0  }
0x1d0: {  	[sflag:s23] =	ssyncadd.s32 $0xFFFFFF80  }
0x1d1: {  	v2 =	vld [tilespmem:$0x2400];
	_ =	sdelay $0x4  }
0x1d2: {  	v3 =	vand.u32 $0xFFFF, v2;
	v2 =	vshrl.u32 v2, $0x10  }
0x1d3: {  	v3 =	vadd.s32 v0, v3;
	[tilespmem:$0x80] =	vst v2  }
0x1d4: {  	[tilespmem:$0x0] =	vst v3  }
0x1d5: {  	[tilespmem:s20], [sflag:$0x1] =	stream.linear.gather [hbm4b:s1+s3], $0x800, $0x38;
	[tilespmem:$0x16100] =	vst v63  }
0x1d6: {  	_ =	swait.ge [sflag:s0], $0x800  }
0x1d7: {  	[sflag:s0] =	ssyncset.done $0x0  }
0x1d8: {  	[sflag:s0] =	ssyncadd.s32 $0xFFFFF800  }
0x1d9: {  	[spmem:s4] =	stream.linear.scatter [tilespmem:s30], [sflag:$0x8], $0x800, $0x38;
	[tilespmem:$0x16100] =	vst v63  }
0x1da: {  	_ =	swait.ge [sflag:s5], $0x800  }
0x1db: {  	[sflag:s5] =	ssyncset.done $0x0  }
0x1dc: {  	[sflag:s5] =	ssyncadd.s32 $0xFFFFF800  }
0x1dd: {  	v2 =	vld [tilespmem:$0x2410];
	_ =	sdelay $0x3  }
.Ltmp4:
0x1de: {  	_ = 	snop;
	(pc) =	sbr.rel .LBB2_4-.Ltmp4, $4  }
0x1df: {  	v3 =	vand.u32 $0xFFFF, v2;
	v2 =	vshrl.u32 v2, $0x10  }
0x1e0: {  	v3 =	vadd.s32 v0, v3;
	[tilespmem:$0x180] =	vst v2  }
0x1e1: {  	s10 =	sadd.s32 $0x20, s10;
	[tilespmem:$0x100] =	vst v3  }
0x1e2: {  	[tilespmem:s24], [sflag:$0x2] =	stream.linear.gather [hbm4b:s1+s3], $0x800, $0x38;
	[tilespmem:$0x16100] =	vst v63  }
.LBB2_7:
0x1e3: {  	_ =	sfence.sel $0x180000  }
0x1e4: {  	[bflag:$0x0] =	sbarrier.arrive $0xFFFF  }
0x1e5: {  	_ =	strace $0x90000047  }
0x1e6: {  	s0 =	stileid.u32;
	[bflag:$0x2] =	sbarrier.arrive $0xFFFF  }
0x1e7: {  	p0 =	sne.s32 s0, $0x0;
	s0 =	rddreg [dreg:$0x3]  }
0x1e8: {  	s0 =	sadd.s32 @!p0 $0x100000, s0  }
0x1e9: {  	[sflag:s0] =	ssyncadd.tile.s32 @!p0 $0x1;
	_ =	shalt  }
.Lfunc_end2:
_tile_overlayer_lowered:
.L_overlay_start_2:
0x1ea: {  	(tag) =	ssettag $0x2  }
0x1eb: {  	s0 =	rddreg [dreg:$0x0];
	s2 =	stileid.u32  }
0x1ec: {  	s1 =	rddreg [dreg:$0x1];
	p0 =	sne.s32 s2, $0x0  }
0x1ed: {  	s3 =	rddreg [dreg:$0x2];
	[bflag:$0x3] =	sbarrier.arrive $0xFFFF;
	s2 =	simm.s32 @!p0 $0x1C0B  }
0x1ee: {  	[timem:s3], [sflag:s2] =	dma.local @!p0 [hbm:s0], s1  }
0x1ef: {  	s0 =	simm.s32 @!p0 $0xB  }
0x1f0: {  	_ =	swait.ge @!p0 [sflag:s0], s1  }
0x1f1: {  	s1 =	ssub.s32 @!p0 $0x0, s1;
	[sflag:s0] =	ssyncset.done @!p0 $0x0  }
0x1f2: {  	[sflag:s0] =	ssyncadd.s32 @!p0 s1  }
0x1f3: {  	[bflag:$0x3] =	sbarrier.arrive $0xFFFF  }
0x1f4: {  	_ =	shalt  }

</sc_bundles>
